<compile_context>
chip_gen: v7x
topology: tpu7x:2x2x1
jax: 0.10.2.dev20260603
libtpu: 0.0.44.dev20260713+nightly
codegen_flags: <defaults>
</compile_context>

<pallas_src>
import jax
import jax.numpy as jnp
from jax import lax
from jax.experimental import pallas as pl
from jax.experimental.pallas import tpu as pltpu
from jax.experimental.pallas import tpu_sc as plsc

B, C, H, W = 8, 256, 56, 56
PH, PW = 7, 7
S = PH * PW
SP = S
N = 1000
NC, NS = 2, 16
NW = NC * NS
G = 8
SCALE = 0.25
OFFSET = 0.5

_mesh = plsc.VectorSubcoreMesh(
    core_axis_name="c", subcore_axis_name="s", num_cores=NC, num_subcores=NS
)

NPAD = 1024
_OUT_TYPE = jax.ShapeDtypeStruct((NPAD, C * S), jnp.float32)

_SCRATCH = (
    [pltpu.VMEM((32 * 8 + 16,), jnp.float32)]
    + [pltpu.VMEM((SP,), jnp.int32)] * 8
    + [pltpu.VMEM((4 * SP + 16,), jnp.float32)] * 2
    + [pltpu.VMEM((SP, C), jnp.float32)] * 8
    + [
        pltpu.VMEM((C * S,), jnp.float32),
        pltpu.SemaphoreType.DMA,
        pltpu.SemaphoreType.DMA,
    ]
)


def _sc_body(fm_hbm, rois_hbm, out_hbm, rois_v,
             ia0, ia1, ia2, ia3, ib0, ib1, ib2, ib3, wa, wb,
             ra0, ra1, ra2, ra3, rb0, rb1, rb2, rb3,
             out_t, sema, semb):
    bufs = (
        ((ia0, ia1, ia2, ia3), wa, (ra0, ra1, ra2, ra3), sema),
        ((ib0, ib1, ib2, ib3), wb, (rb0, rb1, rb2, rb3), semb),
    )
    wid = lax.axis_index("s") * NC + lax.axis_index("c")
    start = wid * (NPAD // NW)
    cnt = NPAD // NW
    pltpu.sync_copy(
        rois_hbm.at[pl.ds(start * 8, 32 * 8)], rois_v.at[pl.ds(0, 32 * 8)]
    )
    ci = lax.iota(jnp.int32, 16)
    zi = jnp.zeros((16,), jnp.int32)

    def splat(ref, i):
        return plsc.load_gather(ref, [zi + i])

    def compute(r, bi_):
        idxs, w_v, _, _ = bufs[bi_]
        off = r * 8
        b = splat(rois_v, off + 0).astype(jnp.int32)
        x1 = splat(rois_v, off + 1) * SCALE - OFFSET
        y1 = splat(rois_v, off + 2) * SCALE - OFFSET
        x2 = splat(rois_v, off + 3) * SCALE - OFFSET
        y2 = splat(rois_v, off + 4) * SCALE - OFFSET
        bin_h = (y2 - y1) / PH
        bin_w = (x2 - x1) / PW
        rowbase = b * (H * W)
        for kb in (0, 16, 32, 33):
            ii = ci + kb
            ph = ii // PW
            pw = ii % PW
            yy = y1 + (ph.astype(jnp.float32) + 0.5) * bin_h
            xx = x1 + (pw.astype(jnp.float32) + 0.5) * bin_w
            valid = (yy > -1.0) & (yy < float(H)) & (xx > -1.0) & (xx < float(W))
            y = jnp.clip(yy, 0.0, float(H - 1))
            x = jnp.clip(xx, 0.0, float(W - 1))
            y0 = y.astype(jnp.int32)
            x0 = x.astype(jnp.int32)
            y1i = jnp.minimum(y0 + 1, H - 1)
            x1i = jnp.minimum(x0 + 1, W - 1)
            ly = y - y0.astype(jnp.float32)
            lx = x - x0.astype(jnp.float32)
            hy = 1.0 - ly
            hx = 1.0 - lx
            vm = jnp.where(valid, 1.0, 0.0).astype(jnp.float32)
            rb_ = rowbase + y0 * W
            rt_ = rowbase + y1i * W
            sl = pl.ds(kb, 16)
            idxs[0][sl] = rb_ + x0
            idxs[1][sl] = rb_ + x1i
            idxs[2][sl] = rt_ + x0
            idxs[3][sl] = rt_ + x1i
            wi = ii * 4
            plsc.store_scatter(w_v, [wi + 0], hy * hx * vm)
            plsc.store_scatter(w_v, [wi + 1], hy * lx * vm)
            plsc.store_scatter(w_v, [wi + 2], ly * hx * vm)
            plsc.store_scatter(w_v, [wi + 3], ly * lx * vm)

    def fire(bi_):
        idxs, _, rows, sem = bufs[bi_]
        return [
            pltpu.async_copy(fm_hbm.at[idxs[j]], rows[j], sem) for j in range(4)
        ]

    def combine(bi_):
        _, w_v, rows, _ = bufs[bi_]

        def s_body(s, c2):
            w00 = splat(w_v, s * 4 + 0)
            w01 = splat(w_v, s * 4 + 1)
            w10 = splat(w_v, s * 4 + 2)
            w11 = splat(w_v, s * 4 + 3)
            for k in range(C // 16):
                sl = pl.ds(k * 16, 16)
                acc = (
                    w00 * rows[0][s, sl]
                    + w01 * rows[1][s, sl]
                    + w10 * rows[2][s, sl]
                    + w11 * rows[3][s, sl]
                )
                out_t[pl.ds(s * C + k * 16, 16)] = acc
            return c2

        lax.fori_loop(0, S, s_body, 0)

    def pair_body(t, carry):
        r = t * 2
        compute(r, 0)
        cps_a = fire(0)
        compute(r + 1, 1)
        cps_b = fire(1)
        for cp in cps_a:
            cp.wait()
        combine(0)
        pltpu.sync_copy(out_t, out_hbm.at[start + r])
        for cp in cps_b:
            cp.wait()
        combine(1)
        pltpu.sync_copy(out_t, out_hbm.at[start + r + 1])
        return carry

    lax.fori_loop(0, cnt // 2, pair_body, 0)


_roi_align_sc = pl.kernel(
    _sc_body,
    out_type=_OUT_TYPE,
    mesh=_mesh,
    scratch_types=_SCRATCH,
    compiler_params=pltpu.CompilerParams(needs_layout_passes=False),
)


def kernel(featuremaps, rois):
    fm_rows = jnp.transpose(featuremaps, (0, 2, 3, 1)).reshape(B * H * W, C)
    n = rois.shape[0]
    rois_p = jnp.zeros((NPAD, 8), jnp.float32).at[:n, :5].set(rois).reshape(-1)
    out = _roi_align_sc(fm_rows, rois_p)
    out = out[:n].reshape(n, S, C)
    return jnp.transpose(out, (0, 2, 1)).reshape(n, C, PH, PW)

# --- scband reference (transcript-rebuilt; emitter-appended) ---
"""Pipeline reference for scband-ro-ialign-15719580304193 (READ-ONLY COPY).

The authoritative reference and input builder live on the scoring server;
editing this copy changes nothing except your own understanding.
"""

import jax, jax.numpy as jnp
import numpy as np

OUTPUT_SIZE = (7, 7)
SPATIAL_SCALE = 0.25
ALIGNED = True


def _roi_align(featuremaps, rois):
    # featuremaps: [B, C, H, W], rois: [N, 5] = (batch_idx, x1, y1, x2, y2) in image coords
    B, C, H, W = featuremaps.shape
    ph_n, pw_n = OUTPUT_SIZE
    offset = 0.5 if ALIGNED else 0.0
    b = rois[:, 0].astype(jnp.int32)
    x1 = rois[:, 1] * SPATIAL_SCALE - offset
    y1 = rois[:, 2] * SPATIAL_SCALE - offset
    x2 = rois[:, 3] * SPATIAL_SCALE - offset
    y2 = rois[:, 4] * SPATIAL_SCALE - offset
    roi_w = x2 - x1
    roi_h = y2 - y1
    if not ALIGNED:
        roi_w = jnp.maximum(roi_w, 1.0)
        roi_h = jnp.maximum(roi_h, 1.0)
    bin_h = roi_h / ph_n
    bin_w = roi_w / pw_n
    # sampling_ratio = 1: one sample at the center of each bin
    ph = jnp.arange(ph_n, dtype=jnp.float32)
    pw = jnp.arange(pw_n, dtype=jnp.float32)
    ys = y1[:, None] + (ph[None, :] + 0.5) * bin_h[:, None]  # [N, ph]
    xs = x1[:, None] + (pw[None, :] + 0.5) * bin_w[:, None]  # [N, pw]
    yy = jnp.broadcast_to(ys[:, :, None], (ys.shape[0], ph_n, pw_n))
    xx = jnp.broadcast_to(xs[:, None, :], (xs.shape[0], ph_n, pw_n))
    valid = (yy > -1.0) & (yy < float(H)) & (xx > -1.0) & (xx < float(W))
    y = jnp.clip(yy, 0.0, float(H - 1))
    x = jnp.clip(xx, 0.0, float(W - 1))
    y0 = jnp.floor(y).astype(jnp.int32)
    x0 = jnp.floor(x).astype(jnp.int32)
    y1i = jnp.minimum(y0 + 1, H - 1)
    x1i = jnp.minimum(x0 + 1, W - 1)
    ly = y - y0.astype(jnp.float32)
    lx = x - x0.astype(jnp.float32)
    hy = 1.0 - ly
    hx = 1.0 - lx
    bi = jnp.broadcast_to(b[:, None, None], y0.shape)
    # advanced indexing: result [N, ph, pw, C]
    v00 = featuremaps[bi, :, y0, x0]
    v01 = featuremaps[bi, :, y0, x1i]
    v10 = featuremaps[bi, :, y1i, x0]
    v11 = featuremaps[bi, :, y1i, x1i]
    w00 = (hy * hx)[..., None]
    w01 = (hy * lx)[..., None]
    w10 = (ly * hx)[..., None]
    w11 = (ly * lx)[..., None]
    out = v00 * w00 + v01 * w01 + v10 * w10 + v11 * w11
    out = out * valid[..., None].astype(out.dtype)
    # [N, ph, pw, C] -> [N, C, ph, pw]
    return jnp.transpose(out, (0, 3, 1, 2))


def setup_inputs(seed: int = 0) -> dict:
    key = jax.random.key(seed)
    k1, k2, k3, k4, k5, k6 = jax.random.split(key, 6)
    B, C, H, W = 8, 256, 56, 56
    N = 1000
    featuremaps = jax.random.normal(k1, (B, C, H, W), dtype=jnp.float32)
    batch_idx = jax.random.randint(k2, (N,), 0, B).astype(jnp.float32)
    # boxes in image coordinates (224x224 image, spatial_scale=0.25)
    x1 = jax.random.uniform(k3, (N,)) * 180.0
    y1 = jax.random.uniform(k4, (N,)) * 180.0
    bw = jax.random.uniform(k5, (N,)) * 40.0 + 8.0
    bh = jax.random.uniform(k6, (N,)) * 40.0 + 8.0
    x2 = jnp.minimum(x1 + bw, 223.0)
    y2 = jnp.minimum(y1 + bh, 223.0)
    rois = jnp.stack([batch_idx, x1, y1, x2, y2], axis=1).astype(jnp.float32)
    return {"featuremaps": featuremaps, "rois": rois}


def reference(featuremaps, rois):
    return _roi_align(featuremaps, rois)

if __name__ == "__main__":
    import jax
    _d = setup_inputs()
    print(jax.jit(kernel)(*tuple(_d.values())))

</pallas_src>

<mosaic_0001>
#map = affine_map<(d0, d1) -> (0, 0)>
#map1 = affine_map<(d0, d1) -> (0)>
module attributes {stable_mosaic.version = 14 : i64} {
  func.func @_sc_body(%arg0: i32, %arg1: i32, %arg2: memref<25088x256xf32, #tpu.memory_space<hbm>>, %arg3: memref<8192xf32, #tpu.memory_space<hbm>>, %arg4: memref<1024x12544xf32, #tpu.memory_space<hbm>>, %arg5: memref<272xf32, #tpu.memory_space<vmem>>, %arg6: memref<49xi32, #tpu.memory_space<vmem>>, %arg7: memref<49xi32, #tpu.memory_space<vmem>>, %arg8: memref<49xi32, #tpu.memory_space<vmem>>, %arg9: memref<49xi32, #tpu.memory_space<vmem>>, %arg10: memref<49xi32, #tpu.memory_space<vmem>>, %arg11: memref<49xi32, #tpu.memory_space<vmem>>, %arg12: memref<49xi32, #tpu.memory_space<vmem>>, %arg13: memref<49xi32, #tpu.memory_space<vmem>>, %arg14: memref<212xf32, #tpu.memory_space<vmem>>, %arg15: memref<212xf32, #tpu.memory_space<vmem>>, %arg16: memref<49x256xf32, #tpu.memory_space<vmem>>, %arg17: memref<49x256xf32, #tpu.memory_space<vmem>>, %arg18: memref<49x256xf32, #tpu.memory_space<vmem>>, %arg19: memref<49x256xf32, #tpu.memory_space<vmem>>, %arg20: memref<49x256xf32, #tpu.memory_space<vmem>>, %arg21: memref<49x256xf32, #tpu.memory_space<vmem>>, %arg22: memref<49x256xf32, #tpu.memory_space<vmem>>, %arg23: memref<49x256xf32, #tpu.memory_space<vmem>>, %arg24: memref<12544xf32, #tpu.memory_space<vmem>>, %arg25: memref<!tpu.dma_semaphore, #tpu.memory_space<semaphore_mem>>, %arg26: memref<!tpu.dma_semaphore, #tpu.memory_space<semaphore_mem>>) attributes {dimension_semantics = [#tpu.dimension_semantics<core_parallel>, #tpu.dimension_semantics<subcore_parallel>], iteration_bounds = array<i64: 2, 16>, scalar_prefetch = 0 : i64, scratch_operands = 22 : i64, tpu.core_type = #tpu.core_type<sc_vector_subcore>, window_params = [{transform_indices = #map}, {transform_indices = #map1}, {transform_indices = #map}]} {
    %mul3A = arith.constant 2 : i32
    %mul3A_0 = arith.muli %arg1, %mul3A : i32
    %add3A = arith.addi %mul3A_0, %arg0 : i32
    %mul3A_1 = arith.constant 32 : i32
    %mul3A_2 = arith.muli %add3A, %mul3A_1 : i32
    %mul3A_3 = arith.constant 8 : i32
    %mul3A_4 = arith.muli %mul3A_2, %mul3A_3 : i32
    "tpu.region"() ({
      %run_scoped3A = tpu.sem_alloc : memref<!tpu.dma_semaphore, #tpu.memory_space<semaphore_mem>>
      %dma_start3A = arith.constant 0 : i32
      %dma_start3A_11 = tpu.memref_slice %arg5[%dma_start3A] : memref<272xf32, #tpu.memory_space<vmem>> -> memref<256xf32, #tpu.memory_space<vmem>>
      %dma_start3A_12 = tpu.memref_slice %arg3[%mul3A_4] : memref<8192xf32, #tpu.memory_space<hbm>> -> memref<256xf32, #tpu.memory_space<hbm>>
      %dma_start3A_13 = arith.constant 0 : i32
      %dma_start3A_14 = tpu.memref_slice %arg5[%dma_start3A_13] : memref<272xf32, #tpu.memory_space<vmem>> -> memref<256xf32, #tpu.memory_space<vmem>>
      %dma_start3A_15 = tpu.memref_slice %arg3[%mul3A_4] : memref<8192xf32, #tpu.memory_space<hbm>> -> memref<256xf32, #tpu.memory_space<hbm>>
      tpu.enqueue_dma source(%dma_start3A_15 : memref<256xf32, #tpu.memory_space<hbm>>) target(%dma_start3A_14 : memref<256xf32, #tpu.memory_space<vmem>>) target_semaphore(%run_scoped3A : memref<!tpu.dma_semaphore, #tpu.memory_space<semaphore_mem>>)
      %dma_wait3A = arith.constant 0 : i32
      %dma_wait3A_16 = tpu.memref_slice %arg5[%dma_wait3A] : memref<272xf32, #tpu.memory_space<vmem>> -> memref<256xf32, #tpu.memory_space<vmem>>
      %dma_wait3A_17 = tpu.memref_slice %arg3[%mul3A_4] : memref<8192xf32, #tpu.memory_space<hbm>> -> memref<256xf32, #tpu.memory_space<hbm>>
      %dma_wait3A_18 = arith.constant 0 : i32
      %dma_wait3A_19 = tpu.memref_slice %arg5[%dma_wait3A_18] : memref<272xf32, #tpu.memory_space<vmem>> -> memref<256xf32, #tpu.memory_space<vmem>>
      %dma_wait3A_20 = tpu.memref_slice %arg3[%mul3A_4] : memref<8192xf32, #tpu.memory_space<hbm>> -> memref<256xf32, #tpu.memory_space<hbm>>
      tpu.wait_dma2 semaphore(%run_scoped3A : memref<!tpu.dma_semaphore, #tpu.memory_space<semaphore_mem>>) src(%dma_wait3A_20 : memref<256xf32, #tpu.memory_space<hbm>>) dst(%dma_wait3A_19 : memref<256xf32, #tpu.memory_space<vmem>>)
      tpu.yield
    }) : () -> ()
    %iota3A = tpu.iota {dimensions = array<i32: 0>} : vector<16xi32>
    %broadcast_in_dim3A = arith.constant 0 : i32
    %broadcast_in_dim3A_5 = vector.broadcast %broadcast_in_dim3A : i32 to vector<16xi32>
    %scan3A = arith.constant 0 : i32
    %scan3A_6 = arith.constant 0 : i32
    %scan3A_7 = arith.constant 16 : i32
    %scan3A_8 = arith.addi %scan3A_6, %scan3A_7 : i32
    %scan3A_9 = arith.constant 1 : i32
    scf.for %scan3A_11 = %scan3A_6 to %scan3A_8 step %scan3A_9  : i32 {
      %mul3A_12 = arith.constant 2 : i32
      %mul3A_13 = arith.muli %scan3A_11, %mul3A_12 : i32
      %mul3A_14 = arith.constant 8 : i32
      %mul3A_15 = arith.muli %mul3A_13, %mul3A_14 : i32
      %add3A_16 = arith.constant 0 : i32
      %add3A_17 = arith.addi %mul3A_15, %add3A_16 : i32
      %add3A_18 = vector.broadcast %add3A_17 : i32 to vector<16xi32>
      %add3A_19 = arith.addi %broadcast_in_dim3A_5, %add3A_18 : vector<16xi32>
      %gather3A = tpu.vector_load_idx %arg5[%add3A_19] : memref<272xf32, #tpu.memory_space<vmem>>[vector<16xi32>], vector<16xf32>,
      %convert_element_type3A = arith.fptosi %gather3A : vector<16xf32> to vector<16xi32>
      %add3A_20 = arith.constant 1 : i32
      %add3A_21 = arith.addi %mul3A_15, %add3A_20 : i32
      %add3A_22 = vector.broadcast %add3A_21 : i32 to vector<16xi32>
      %add3A_23 = arith.addi %broadcast_in_dim3A_5, %add3A_22 : vector<16xi32>
      %gather3A_24 = tpu.vector_load_idx %arg5[%add3A_23] : memref<272xf32, #tpu.memory_space<vmem>>[vector<16xi32>], vector<16xf32>,
      %mul3A_25 = arith.constant 2.500000e-01 : f32
      %mul3A_26 = vector.broadcast %mul3A_25 : f32 to vector<16xf32>
      %mul3A_27 = arith.mulf %gather3A_24, %mul3A_26 : vector<16xf32>
      %sub3A = arith.constant 5.000000e-01 : f32
      %sub3A_28 = vector.broadcast %sub3A : f32 to vector<16xf32>
      %sub3A_29 = arith.subf %mul3A_27, %sub3A_28 : vector<16xf32>
      %add3A_30 = arith.constant 2 : i32
      %add3A_31 = arith.addi %mul3A_15, %add3A_30 : i32
      %add3A_32 = vector.broadcast %add3A_31 : i32 to vector<16xi32>
      %add3A_33 = arith.addi %broadcast_in_dim3A_5, %add3A_32 : vector<16xi32>
      %gather3A_34 = tpu.vector_load_idx %arg5[%add3A_33] : memref<272xf32, #tpu.memory_space<vmem>>[vector<16xi32>], vector<16xf32>,
      %mul3A_35 = arith.constant 2.500000e-01 : f32
      %mul3A_36 = vector.broadcast %mul3A_35 : f32 to vector<16xf32>
      %mul3A_37 = arith.mulf %gather3A_34, %mul3A_36 : vector<16xf32>
      %sub3A_38 = arith.constant 5.000000e-01 : f32
      %sub3A_39 = vector.broadcast %sub3A_38 : f32 to vector<16xf32>
      %sub3A_40 = arith.subf %mul3A_37, %sub3A_39 : vector<16xf32>
      %add3A_41 = arith.constant 3 : i32
      %add3A_42 = arith.addi %mul3A_15, %add3A_41 : i32
      %add3A_43 = vector.broadcast %add3A_42 : i32 to vector<16xi32>
      %add3A_44 = arith.addi %broadcast_in_dim3A_5, %add3A_43 : vector<16xi32>
      %gather3A_45 = tpu.vector_load_idx %arg5[%add3A_44] : memref<272xf32, #tpu.memory_space<vmem>>[vector<16xi32>], vector<16xf32>,
      %mul3A_46 = arith.constant 2.500000e-01 : f32
      %mul3A_47 = vector.broadcast %mul3A_46 : f32 to vector<16xf32>
      %mul3A_48 = arith.mulf %gather3A_45, %mul3A_47 : vector<16xf32>
      %sub3A_49 = arith.constant 5.000000e-01 : f32
      %sub3A_50 = vector.broadcast %sub3A_49 : f32 to vector<16xf32>
      %sub3A_51 = arith.subf %mul3A_48, %sub3A_50 : vector<16xf32>
      %add3A_52 = arith.constant 4 : i32
      %add3A_53 = arith.addi %mul3A_15, %add3A_52 : i32
      %add3A_54 = vector.broadcast %add3A_53 : i32 to vector<16xi32>
      %add3A_55 = arith.addi %broadcast_in_dim3A_5, %add3A_54 : vector<16xi32>
      %gather3A_56 = tpu.vector_load_idx %arg5[%add3A_55] : memref<272xf32, #tpu.memory_space<vmem>>[vector<16xi32>], vector<16xf32>,
      %mul3A_57 = arith.constant 2.500000e-01 : f32
      %mul3A_58 = vector.broadcast %mul3A_57 : f32 to vector<16xf32>
      %mul3A_59 = arith.mulf %gather3A_56, %mul3A_58 : vector<16xf32>
      %sub3A_60 = arith.constant 5.000000e-01 : f32
      %sub3A_61 = vector.broadcast %sub3A_60 : f32 to vector<16xf32>
      %sub3A_62 = arith.subf %mul3A_59, %sub3A_61 : vector<16xf32>
      %sub3A_63 = arith.subf %sub3A_62, %sub3A_40 : vector<16xf32>
      %div3A = arith.constant 7.000000e+00 : f32
      %div3A_64 = vector.broadcast %div3A : f32 to vector<16xf32>
      %div3A_65 = arith.divf %sub3A_63, %div3A_64 : vector<16xf32>
      %sub3A_66 = arith.subf %sub3A_51, %sub3A_29 : vector<16xf32>
      %div3A_67 = arith.constant 7.000000e+00 : f32
      %div3A_68 = vector.broadcast %div3A_67 : f32 to vector<16xf32>
      %div3A_69 = arith.divf %sub3A_66, %div3A_68 : vector<16xf32>
      %mul3A_70 = arith.constant 3136 : i32
      %mul3A_71 = vector.broadcast %mul3A_70 : i32 to vector<16xi32>
      %mul3A_72 = arith.muli %convert_element_type3A, %mul3A_71 : vector<16xi32>
      %add3A_73 = arith.constant 0 : i32
      %add3A_74 = vector.broadcast %add3A_73 : i32 to vector<16xi32>
      %add3A_75 = arith.addi %iota3A, %add3A_74 : vector<16xi32>
      %jit3A = arith.constant 7 : i32
      %div3A_76 = vector.broadcast %jit3A : i32 to vector<16xi32>
      %div3A_77 = arith.divsi %add3A_75, %div3A_76 : vector<16xi32>
      %sign3A = arith.constant 0 : i32
      %sign3A_78 = vector.broadcast %sign3A : i32 to vector<16xi32>
      %sign3A_79 = arith.cmpi sgt, %add3A_75, %sign3A_78 : vector<16xi32>
      %sign3A_80 = arith.extui %sign3A_79 : vector<16xi1> to vector<16xi32>
      %sign3A_81 = arith.constant 0 : i32
      %sign3A_82 = vector.broadcast %sign3A_81 : i32 to vector<16xi32>
      %sign3A_83 = arith.cmpi slt, %add3A_75, %sign3A_82 : vector<16xi32>
      %sign3A_84 = arith.extui %sign3A_83 : vector<16xi1> to vector<16xi32>
      %sign3A_85 = arith.subi %sign3A_80, %sign3A_84 : vector<16xi32>
      %sign3A_86 = arith.constant 0 : i32
      %sign3A_87 = arith.cmpi sgt, %jit3A, %sign3A_86 : i32
      %sign3A_88 = arith.extui %sign3A_87 : i1 to i32
      %sign3A_89 = arith.constant 0 : i32
      %sign3A_90 = arith.cmpi slt, %jit3A, %sign3A_89 : i32
      %sign3A_91 = arith.extui %sign3A_90 : i1 to i32
      %sign3A_92 = arith.subi %sign3A_88, %sign3A_91 : i32
      %ne3A = vector.broadcast %sign3A_92 : i32 to vector<16xi32>
      %ne3A_93 = arith.cmpi ne, %sign3A_85, %ne3A : vector<16xi32>
      %rem3A = vector.broadcast %jit3A : i32 to vector<16xi32>
      %rem3A_94 = arith.remsi %add3A_75, %rem3A : vector<16xi32>
      %ne3A_95 = arith.constant 0 : i32
      %ne3A_96 = vector.broadcast %ne3A_95 : i32 to vector<16xi32>
      %ne3A_97 = arith.cmpi ne, %rem3A_94, %ne3A_96 : vector<16xi32>
      %and3A = arith.andi %ne3A_93, %ne3A_97 : vector<16xi1>
      %sub3A_98 = arith.constant 1 : i32
      %sub3A_99 = vector.broadcast %sub3A_98 : i32 to vector<16xi32>
      %sub3A_100 = arith.subi %div3A_77, %sub3A_99 : vector<16xi32>
      %select_n3A = arith.select %and3A, %sub3A_100, %div3A_77 : vector<16xi1>, vector<16xi32>
      %jit3A_101 = arith.constant 7 : i32
      %eq3A = arith.constant 0 : i32
      %eq3A_102 = arith.cmpi eq, %jit3A_101, %eq3A : i32
      %jit3A_103 = arith.constant 1 : i32
      %select_n3A_104 = arith.select %eq3A_102, %jit3A_103, %jit3A_101 : i32
      %rem3A_105 = vector.broadcast %select_n3A_104 : i32 to vector<16xi32>
      %rem3A_106 = arith.remsi %add3A_75, %rem3A_105 : vector<16xi32>
      %ne3A_107 = arith.constant 0 : i32
      %ne3A_108 = vector.broadcast %ne3A_107 : i32 to vector<16xi32>
      %ne3A_109 = arith.cmpi ne, %rem3A_106, %ne3A_108 : vector<16xi32>
      %lt3A = arith.constant 0 : i32
      %lt3A_110 = vector.broadcast %lt3A : i32 to vector<16xi32>
      %lt3A_111 = arith.cmpi slt, %rem3A_106, %lt3A_110 : vector<16xi32>
      %lt3A_112 = arith.constant 0 : i32
      %lt3A_113 = arith.cmpi slt, %select_n3A_104, %lt3A_112 : i32
      %ne3A_114 = vector.broadcast %lt3A_113 : i1 to vector<16xi1>
      %ne3A_115 = vector.broadcast %ne3A_114 : vector<16xi1> to vector<16xi1>
      %ne3A_116 = arith.xori %lt3A_111, %ne3A_115 : vector<16xi1>
      %and3A_117 = arith.andi %ne3A_116, %ne3A_109 : vector<16xi1>
      %add3A_118 = vector.broadcast %select_n3A_104 : i32 to vector<16xi32>
      %add3A_119 = arith.addi %rem3A_106, %add3A_118 : vector<16xi32>
      %select_n3A_120 = arith.select %and3A_117, %add3A_119, %rem3A_106 : vector<16xi1>, vector<16xi32>
      %convert_element_type3A_121 = arith.sitofp %select_n3A : vector<16xi32> to vector<16xf32>
      %add3A_122 = arith.constant 5.000000e-01 : f32
      %add3A_123 = vector.broadcast %add3A_122 : f32 to vector<16xf32>
      %add3A_124 = arith.addf %convert_element_type3A_121, %add3A_123 : vector<16xf32>
      %mul3A_125 = arith.mulf %add3A_124, %div3A_65 : vector<16xf32>
      %add3A_126 = arith.addf %sub3A_40, %mul3A_125 : vector<16xf32>
      %convert_element_type3A_127 = arith.sitofp %select_n3A_120 : vector<16xi32> to vector<16xf32>
      %add3A_128 = arith.constant 5.000000e-01 : f32
      %add3A_129 = vector.broadcast %add3A_128 : f32 to vector<16xf32>
      %add3A_130 = arith.addf %convert_element_type3A_127, %add3A_129 : vector<16xf32>
      %mul3A_131 = arith.mulf %add3A_130, %div3A_69 : vector<16xf32>
      %add3A_132 = arith.addf %sub3A_29, %mul3A_131 : vector<16xf32>
      %gt3A = arith.constant -1.000000e+00 : f32
      %gt3A_133 = vector.broadcast %gt3A : f32 to vector<16xf32>
      %gt3A_134 = arith.cmpf ogt, %add3A_126, %gt3A_133 : vector<16xf32>
      %lt3A_135 = arith.constant 5.600000e+01 : f32
      %lt3A_136 = vector.broadcast %lt3A_135 : f32 to vector<16xf32>
      %lt3A_137 = arith.cmpf olt, %add3A_126, %lt3A_136 : vector<16xf32>
      %and3A_138 = arith.andi %gt3A_134, %lt3A_137 : vector<16xi1>
      %gt3A_139 = arith.constant -1.000000e+00 : f32
      %gt3A_140 = vector.broadcast %gt3A_139 : f32 to vector<16xf32>
      %gt3A_141 = arith.cmpf ogt, %add3A_132, %gt3A_140 : vector<16xf32>
      %and3A_142 = arith.andi %and3A_138, %gt3A_141 : vector<16xi1>
      %lt3A_143 = arith.constant 5.600000e+01 : f32
      %lt3A_144 = vector.broadcast %lt3A_143 : f32 to vector<16xf32>
      %lt3A_145 = arith.cmpf olt, %add3A_132, %lt3A_144 : vector<16xf32>
      %and3A_146 = arith.andi %and3A_142, %lt3A_145 : vector<16xi1>
      %jit3A_147 = arith.constant 0.000000e+00 : f32
      %jit3A_148 = arith.constant 5.500000e+01 : f32
      %max3A = vector.broadcast %jit3A_147 : f32 to vector<16xf32>
      %max3A_149 = arith.maximumf %max3A, %add3A_126 : vector<16xf32>
      %min3A = vector.broadcast %jit3A_148 : f32 to vector<16xf32>
      %min3A_150 = arith.minimumf %min3A, %max3A_149 : vector<16xf32>
      %jit3A_151 = arith.constant 0.000000e+00 : f32
      %jit3A_152 = arith.constant 5.500000e+01 : f32
      %max3A_153 = vector.broadcast %jit3A_151 : f32 to vector<16xf32>
      %max3A_154 = arith.maximumf %max3A_153, %add3A_132 : vector<16xf32>
      %min3A_155 = vector.broadcast %jit3A_152 : f32 to vector<16xf32>
      %min3A_156 = arith.minimumf %min3A_155, %max3A_154 : vector<16xf32>
      %convert_element_type3A_157 = arith.fptosi %min3A_150 : vector<16xf32> to vector<16xi32>
      %convert_element_type3A_158 = arith.fptosi %min3A_156 : vector<16xf32> to vector<16xi32>
      %add3A_159 = arith.constant 1 : i32
      %add3A_160 = vector.broadcast %add3A_159 : i32 to vector<16xi32>
      %add3A_161 = arith.addi %convert_element_type3A_157, %add3A_160 : vector<16xi32>
      %min3A_162 = arith.constant 55 : i32
      %min3A_163 = vector.broadcast %min3A_162 : i32 to vector<16xi32>
      %min3A_164 = arith.minsi %add3A_161, %min3A_163 : vector<16xi32>
      %add3A_165 = arith.constant 1 : i32
      %add3A_166 = vector.broadcast %add3A_165 : i32 to vector<16xi32>
      %add3A_167 = arith.addi %convert_element_type3A_158, %add3A_166 : vector<16xi32>
      %min3A_168 = arith.constant 55 : i32
      %min3A_169 = vector.broadcast %min3A_168 : i32 to vector<16xi32>
      %min3A_170 = arith.minsi %add3A_167, %min3A_169 : vector<16xi32>
      %convert_element_type3A_171 = arith.sitofp %convert_element_type3A_157 : vector<16xi32> to vector<16xf32>
      %sub3A_172 = arith.subf %min3A_150, %convert_element_type3A_171 : vector<16xf32>
      %convert_element_type3A_173 = arith.sitofp %convert_element_type3A_158 : vector<16xi32> to vector<16xf32>
      %sub3A_174 = arith.subf %min3A_156, %convert_element_type3A_173 : vector<16xf32>
      %sub3A_175 = arith.constant 1.000000e+00 : f32
      %sub3A_176 = vector.broadcast %sub3A_175 : f32 to vector<16xf32>
      %sub3A_177 = arith.subf %sub3A_176, %sub3A_172 : vector<16xf32>
      %sub3A_178 = arith.constant 1.000000e+00 : f32
      %sub3A_179 = vector.broadcast %sub3A_178 : f32 to vector<16xf32>
      %sub3A_180 = arith.subf %sub3A_179, %sub3A_174 : vector<16xf32>
      %jit3A_181 = arith.constant 1.000000e+00 : f32
      %jit3A_182 = arith.constant 0.000000e+00 : f32
      %broadcast_in_dim3A_183 = vector.broadcast %jit3A_181 : f32 to vector<16xf32>
      %broadcast_in_dim3A_184 = vector.broadcast %jit3A_182 : f32 to vector<16xf32>
      %select_n3A_185 = arith.select %and3A_146, %broadcast_in_dim3A_183, %broadcast_in_dim3A_184 : vector<16xi1>, vector<16xf32>
      %mul3A_186 = arith.constant 56 : i32
      %mul3A_187 = vector.broadcast %mul3A_186 : i32 to vector<16xi32>
      %mul3A_188 = arith.muli %convert_element_type3A_157, %mul3A_187 : vector<16xi32>
      %add3A_189 = arith.addi %mul3A_72, %mul3A_188 : vector<16xi32>
      %mul3A_190 = arith.constant 56 : i32
      %mul3A_191 = vector.broadcast %mul3A_190 : i32 to vector<16xi32>
      %mul3A_192 = arith.muli %min3A_164, %mul3A_191 : vector<16xi32>
      %add3A_193 = arith.addi %mul3A_72, %mul3A_192 : vector<16xi32>
      %add3A_194 = arith.addi %add3A_189, %convert_element_type3A_158 : vector<16xi32>
      %swap3A = arith.constant 0 : index
      %swap3A_195 = tpu.vector_load %arg6[%swap3A] {strides = array<i32>} : memref<49xi32, #tpu.memory_space<vmem>>, vector<16xi32>,
      tpu.vector_store %arg6[%swap3A], %add3A_194 {strides = array<i32>} : memref<49xi32, #tpu.memory_space<vmem>>, vector<16xi32>,
      %add3A_196 = arith.addi %add3A_189, %min3A_170 : vector<16xi32>
      %swap3A_197 = arith.constant 0 : index
      %swap3A_198 = tpu.vector_load %arg7[%swap3A_197] {strides = array<i32>} : memref<49xi32, #tpu.memory_space<vmem>>, vector<16xi32>,
      tpu.vector_store %arg7[%swap3A_197], %add3A_196 {strides = array<i32>} : memref<49xi32, #tpu.memory_space<vmem>>, vector<16xi32>,
      %add3A_199 = arith.addi %add3A_193, %convert_element_type3A_158 : vector<16xi32>
      %swap3A_200 = arith.constant 0 : index
      %swap3A_201 = tpu.vector_load %arg8[%swap3A_200] {strides = array<i32>} : memref<49xi32, #tpu.memory_space<vmem>>, vector<16xi32>,
      tpu.vector_store %arg8[%swap3A_200], %add3A_199 {strides = array<i32>} : memref<49xi32, #tpu.memory_space<vmem>>, vector<16xi32>,
      %add3A_202 = arith.addi %add3A_193, %min3A_170 : vector<16xi32>
      %swap3A_203 = arith.constant 0 : index
      %swap3A_204 = tpu.vector_load %arg9[%swap3A_203] {strides = array<i32>} : memref<49xi32, #tpu.memory_space<vmem>>, vector<16xi32>,
      tpu.vector_store %arg9[%swap3A_203], %add3A_202 {strides = array<i32>} : memref<49xi32, #tpu.memory_space<vmem>>, vector<16xi32>,
      %mul3A_205 = arith.constant 4 : i32
      %mul3A_206 = vector.broadcast %mul3A_205 : i32 to vector<16xi32>
      %mul3A_207 = arith.muli %add3A_75, %mul3A_206 : vector<16xi32>
      %add3A_208 = arith.constant 0 : i32
      %add3A_209 = vector.broadcast %add3A_208 : i32 to vector<16xi32>
      %add3A_210 = arith.addi %mul3A_207, %add3A_209 : vector<16xi32>
      %mul3A_211 = arith.mulf %sub3A_177, %sub3A_180 : vector<16xf32>
      %mul3A_212 = arith.mulf %mul3A_211, %select_n3A_185 : vector<16xf32>
      tpu.vector_store_idx %arg14[%add3A_210], %mul3A_212 : memref<212xf32, #tpu.memory_space<vmem>>[vector<16xi32>], vector<16xf32>,
      %add3A_213 = arith.constant 1 : i32
      %add3A_214 = vector.broadcast %add3A_213 : i32 to vector<16xi32>
      %add3A_215 = arith.addi %mul3A_207, %add3A_214 : vector<16xi32>
      %mul3A_216 = arith.mulf %sub3A_177, %sub3A_174 : vector<16xf32>
      %mul3A_217 = arith.mulf %mul3A_216, %select_n3A_185 : vector<16xf32>
      tpu.vector_store_idx %arg14[%add3A_215], %mul3A_217 : memref<212xf32, #tpu.memory_space<vmem>>[vector<16xi32>], vector<16xf32>,
      %add3A_218 = arith.constant 2 : i32
      %add3A_219 = vector.broadcast %add3A_218 : i32 to vector<16xi32>
      %add3A_220 = arith.addi %mul3A_207, %add3A_219 : vector<16xi32>
      %mul3A_221 = arith.mulf %sub3A_172, %sub3A_180 : vector<16xf32>
      %mul3A_222 = arith.mulf %mul3A_221, %select_n3A_185 : vector<16xf32>
      tpu.vector_store_idx %arg14[%add3A_220], %mul3A_222 : memref<212xf32, #tpu.memory_space<vmem>>[vector<16xi32>], vector<16xf32>,
      %add3A_223 = arith.constant 3 : i32
      %add3A_224 = vector.broadcast %add3A_223 : i32 to vector<16xi32>
      %add3A_225 = arith.addi %mul3A_207, %add3A_224 : vector<16xi32>
      %mul3A_226 = arith.mulf %sub3A_172, %sub3A_174 : vector<16xf32>
      %mul3A_227 = arith.mulf %mul3A_226, %select_n3A_185 : vector<16xf32>
      tpu.vector_store_idx %arg14[%add3A_225], %mul3A_227 : memref<212xf32, #tpu.memory_space<vmem>>[vector<16xi32>], vector<16xf32>,
      %add3A_228 = arith.constant 16 : i32
      %add3A_229 = vector.broadcast %add3A_228 : i32 to vector<16xi32>
      %add3A_230 = arith.addi %iota3A, %add3A_229 : vector<16xi32>
      %jit3A_231 = arith.constant 7 : i32
      %div3A_232 = vector.broadcast %jit3A_231 : i32 to vector<16xi32>
      %div3A_233 = arith.divsi %add3A_230, %div3A_232 : vector<16xi32>
      %sign3A_234 = arith.constant 0 : i32
      %sign3A_235 = vector.broadcast %sign3A_234 : i32 to vector<16xi32>
      %sign3A_236 = arith.cmpi sgt, %add3A_230, %sign3A_235 : vector<16xi32>
      %sign3A_237 = arith.extui %sign3A_236 : vector<16xi1> to vector<16xi32>
      %sign3A_238 = arith.constant 0 : i32
      %sign3A_239 = vector.broadcast %sign3A_238 : i32 to vector<16xi32>
      %sign3A_240 = arith.cmpi slt, %add3A_230, %sign3A_239 : vector<16xi32>
      %sign3A_241 = arith.extui %sign3A_240 : vector<16xi1> to vector<16xi32>
      %sign3A_242 = arith.subi %sign3A_237, %sign3A_241 : vector<16xi32>
      %sign3A_243 = arith.constant 0 : i32
      %sign3A_244 = arith.cmpi sgt, %jit3A_231, %sign3A_243 : i32
      %sign3A_245 = arith.extui %sign3A_244 : i1 to i32
      %sign3A_246 = arith.constant 0 : i32
      %sign3A_247 = arith.cmpi slt, %jit3A_231, %sign3A_246 : i32
      %sign3A_248 = arith.extui %sign3A_247 : i1 to i32
      %sign3A_249 = arith.subi %sign3A_245, %sign3A_248 : i32
      %ne3A_250 = vector.broadcast %sign3A_249 : i32 to vector<16xi32>
      %ne3A_251 = arith.cmpi ne, %sign3A_242, %ne3A_250 : vector<16xi32>
      %rem3A_252 = vector.broadcast %jit3A_231 : i32 to vector<16xi32>
      %rem3A_253 = arith.remsi %add3A_230, %rem3A_252 : vector<16xi32>
      %ne3A_254 = arith.constant 0 : i32
      %ne3A_255 = vector.broadcast %ne3A_254 : i32 to vector<16xi32>
      %ne3A_256 = arith.cmpi ne, %rem3A_253, %ne3A_255 : vector<16xi32>
      %and3A_257 = arith.andi %ne3A_251, %ne3A_256 : vector<16xi1>
      %sub3A_258 = arith.constant 1 : i32
      %sub3A_259 = vector.broadcast %sub3A_258 : i32 to vector<16xi32>
      %sub3A_260 = arith.subi %div3A_233, %sub3A_259 : vector<16xi32>
      %select_n3A_261 = arith.select %and3A_257, %sub3A_260, %div3A_233 : vector<16xi1>, vector<16xi32>
      %jit3A_262 = arith.constant 7 : i32
      %eq3A_263 = arith.constant 0 : i32
      %eq3A_264 = arith.cmpi eq, %jit3A_262, %eq3A_263 : i32
      %jit3A_265 = arith.constant 1 : i32
      %select_n3A_266 = arith.select %eq3A_264, %jit3A_265, %jit3A_262 : i32
      %rem3A_267 = vector.broadcast %select_n3A_266 : i32 to vector<16xi32>
      %rem3A_268 = arith.remsi %add3A_230, %rem3A_267 : vector<16xi32>
      %ne3A_269 = arith.constant 0 : i32
      %ne3A_270 = vector.broadcast %ne3A_269 : i32 to vector<16xi32>
      %ne3A_271 = arith.cmpi ne, %rem3A_268, %ne3A_270 : vector<16xi32>
      %lt3A_272 = arith.constant 0 : i32
      %lt3A_273 = vector.broadcast %lt3A_272 : i32 to vector<16xi32>
      %lt3A_274 = arith.cmpi slt, %rem3A_268, %lt3A_273 : vector<16xi32>
      %lt3A_275 = arith.constant 0 : i32
      %lt3A_276 = arith.cmpi slt, %select_n3A_266, %lt3A_275 : i32
      %ne3A_277 = vector.broadcast %lt3A_276 : i1 to vector<16xi1>
      %ne3A_278 = vector.broadcast %ne3A_277 : vector<16xi1> to vector<16xi1>
      %ne3A_279 = arith.xori %lt3A_274, %ne3A_278 : vector<16xi1>
      %and3A_280 = arith.andi %ne3A_279, %ne3A_271 : vector<16xi1>
      %add3A_281 = vector.broadcast %select_n3A_266 : i32 to vector<16xi32>
      %add3A_282 = arith.addi %rem3A_268, %add3A_281 : vector<16xi32>
      %select_n3A_283 = arith.select %and3A_280, %add3A_282, %rem3A_268 : vector<16xi1>, vector<16xi32>
      %convert_element_type3A_284 = arith.sitofp %select_n3A_261 : vector<16xi32> to vector<16xf32>
      %add3A_285 = arith.constant 5.000000e-01 : f32
      %add3A_286 = vector.broadcast %add3A_285 : f32 to vector<16xf32>
      %add3A_287 = arith.addf %convert_element_type3A_284, %add3A_286 : vector<16xf32>
      %mul3A_288 = arith.mulf %add3A_287, %div3A_65 : vector<16xf32>
      %add3A_289 = arith.addf %sub3A_40, %mul3A_288 : vector<16xf32>
      %convert_element_type3A_290 = arith.sitofp %select_n3A_283 : vector<16xi32> to vector<16xf32>
      %add3A_291 = arith.constant 5.000000e-01 : f32
      %add3A_292 = vector.broadcast %add3A_291 : f32 to vector<16xf32>
      %add3A_293 = arith.addf %convert_element_type3A_290, %add3A_292 : vector<16xf32>
      %mul3A_294 = arith.mulf %add3A_293, %div3A_69 : vector<16xf32>
      %add3A_295 = arith.addf %sub3A_29, %mul3A_294 : vector<16xf32>
      %gt3A_296 = arith.constant -1.000000e+00 : f32
      %gt3A_297 = vector.broadcast %gt3A_296 : f32 to vector<16xf32>
      %gt3A_298 = arith.cmpf ogt, %add3A_289, %gt3A_297 : vector<16xf32>
      %lt3A_299 = arith.constant 5.600000e+01 : f32
      %lt3A_300 = vector.broadcast %lt3A_299 : f32 to vector<16xf32>
      %lt3A_301 = arith.cmpf olt, %add3A_289, %lt3A_300 : vector<16xf32>
      %and3A_302 = arith.andi %gt3A_298, %lt3A_301 : vector<16xi1>
      %gt3A_303 = arith.constant -1.000000e+00 : f32
      %gt3A_304 = vector.broadcast %gt3A_303 : f32 to vector<16xf32>
      %gt3A_305 = arith.cmpf ogt, %add3A_295, %gt3A_304 : vector<16xf32>
      %and3A_306 = arith.andi %and3A_302, %gt3A_305 : vector<16xi1>
      %lt3A_307 = arith.constant 5.600000e+01 : f32
      %lt3A_308 = vector.broadcast %lt3A_307 : f32 to vector<16xf32>
      %lt3A_309 = arith.cmpf olt, %add3A_295, %lt3A_308 : vector<16xf32>
      %and3A_310 = arith.andi %and3A_306, %lt3A_309 : vector<16xi1>
      %jit3A_311 = arith.constant 0.000000e+00 : f32
      %jit3A_312 = arith.constant 5.500000e+01 : f32
      %max3A_313 = vector.broadcast %jit3A_311 : f32 to vector<16xf32>
      %max3A_314 = arith.maximumf %max3A_313, %add3A_289 : vector<16xf32>
      %min3A_315 = vector.broadcast %jit3A_312 : f32 to vector<16xf32>
      %min3A_316 = arith.minimumf %min3A_315, %max3A_314 : vector<16xf32>
      %jit3A_317 = arith.constant 0.000000e+00 : f32
      %jit3A_318 = arith.constant 5.500000e+01 : f32
      %max3A_319 = vector.broadcast %jit3A_317 : f32 to vector<16xf32>
      %max3A_320 = arith.maximumf %max3A_319, %add3A_295 : vector<16xf32>
      %min3A_321 = vector.broadcast %jit3A_318 : f32 to vector<16xf32>
      %min3A_322 = arith.minimumf %min3A_321, %max3A_320 : vector<16xf32>
      %convert_element_type3A_323 = arith.fptosi %min3A_316 : vector<16xf32> to vector<16xi32>
      %convert_element_type3A_324 = arith.fptosi %min3A_322 : vector<16xf32> to vector<16xi32>
      %add3A_325 = arith.constant 1 : i32
      %add3A_326 = vector.broadcast %add3A_325 : i32 to vector<16xi32>
      %add3A_327 = arith.addi %convert_element_type3A_323, %add3A_326 : vector<16xi32>
      %min3A_328 = arith.constant 55 : i32
      %min3A_329 = vector.broadcast %min3A_328 : i32 to vector<16xi32>
      %min3A_330 = arith.minsi %add3A_327, %min3A_329 : vector<16xi32>
      %add3A_331 = arith.constant 1 : i32
      %add3A_332 = vector.broadcast %add3A_331 : i32 to vector<16xi32>
      %add3A_333 = arith.addi %convert_element_type3A_324, %add3A_332 : vector<16xi32>
      %min3A_334 = arith.constant 55 : i32
      %min3A_335 = vector.broadcast %min3A_334 : i32 to vector<16xi32>
      %min3A_336 = arith.minsi %add3A_333, %min3A_335 : vector<16xi32>
      %convert_element_type3A_337 = arith.sitofp %convert_element_type3A_323 : vector<16xi32> to vector<16xf32>
      %sub3A_338 = arith.subf %min3A_316, %convert_element_type3A_337 : vector<16xf32>
      %convert_element_type3A_339 = arith.sitofp %convert_element_type3A_324 : vector<16xi32> to vector<16xf32>
      %sub3A_340 = arith.subf %min3A_322, %convert_element_type3A_339 : vector<16xf32>
      %sub3A_341 = arith.constant 1.000000e+00 : f32
      %sub3A_342 = vector.broadcast %sub3A_341 : f32 to vector<16xf32>
      %sub3A_343 = arith.subf %sub3A_342, %sub3A_338 : vector<16xf32>
      %sub3A_344 = arith.constant 1.000000e+00 : f32
      %sub3A_345 = vector.broadcast %sub3A_344 : f32 to vector<16xf32>
      %sub3A_346 = arith.subf %sub3A_345, %sub3A_340 : vector<16xf32>
      %jit3A_347 = arith.constant 1.000000e+00 : f32
      %jit3A_348 = arith.constant 0.000000e+00 : f32
      %broadcast_in_dim3A_349 = vector.broadcast %jit3A_347 : f32 to vector<16xf32>
      %broadcast_in_dim3A_350 = vector.broadcast %jit3A_348 : f32 to vector<16xf32>
      %select_n3A_351 = arith.select %and3A_310, %broadcast_in_dim3A_349, %broadcast_in_dim3A_350 : vector<16xi1>, vector<16xf32>
      %mul3A_352 = arith.constant 56 : i32
      %mul3A_353 = vector.broadcast %mul3A_352 : i32 to vector<16xi32>
      %mul3A_354 = arith.muli %convert_element_type3A_323, %mul3A_353 : vector<16xi32>
      %add3A_355 = arith.addi %mul3A_72, %mul3A_354 : vector<16xi32>
      %mul3A_356 = arith.constant 56 : i32
      %mul3A_357 = vector.broadcast %mul3A_356 : i32 to vector<16xi32>
      %mul3A_358 = arith.muli %min3A_330, %mul3A_357 : vector<16xi32>
      %add3A_359 = arith.addi %mul3A_72, %mul3A_358 : vector<16xi32>
      %add3A_360 = arith.addi %add3A_355, %convert_element_type3A_324 : vector<16xi32>
      %swap3A_361 = arith.constant 16 : index
      %swap3A_362 = tpu.vector_load %arg6[%swap3A_361] {strides = array<i32>} : memref<49xi32, #tpu.memory_space<vmem>>, vector<16xi32>,
      tpu.vector_store %arg6[%swap3A_361], %add3A_360 {strides = array<i32>} : memref<49xi32, #tpu.memory_space<vmem>>, vector<16xi32>,
      %add3A_363 = arith.addi %add3A_355, %min3A_336 : vector<16xi32>
      %swap3A_364 = arith.constant 16 : index
      %swap3A_365 = tpu.vector_load %arg7[%swap3A_364] {strides = array<i32>} : memref<49xi32, #tpu.memory_space<vmem>>, vector<16xi32>,
      tpu.vector_store %arg7[%swap3A_364], %add3A_363 {strides = array<i32>} : memref<49xi32, #tpu.memory_space<vmem>>, vector<16xi32>,
      %add3A_366 = arith.addi %add3A_359, %convert_element_type3A_324 : vector<16xi32>
      %swap3A_367 = arith.constant 16 : index
      %swap3A_368 = tpu.vector_load %arg8[%swap3A_367] {strides = array<i32>} : memref<49xi32, #tpu.memory_space<vmem>>, vector<16xi32>,
      tpu.vector_store %arg8[%swap3A_367], %add3A_366 {strides = array<i32>} : memref<49xi32, #tpu.memory_space<vmem>>, vector<16xi32>,
      %add3A_369 = arith.addi %add3A_359, %min3A_336 : vector<16xi32>
      %swap3A_370 = arith.constant 16 : index
      %swap3A_371 = tpu.vector_load %arg9[%swap3A_370] {strides = array<i32>} : memref<49xi32, #tpu.memory_space<vmem>>, vector<16xi32>,
      tpu.vector_store %arg9[%swap3A_370], %add3A_369 {strides = array<i32>} : memref<49xi32, #tpu.memory_space<vmem>>, vector<16xi32>,
      %mul3A_372 = arith.constant 4 : i32
      %mul3A_373 = vector.broadcast %mul3A_372 : i32 to vector<16xi32>
      %mul3A_374 = arith.muli %add3A_230, %mul3A_373 : vector<16xi32>
      %add3A_375 = arith.constant 0 : i32
      %add3A_376 = vector.broadcast %add3A_375 : i32 to vector<16xi32>
      %add3A_377 = arith.addi %mul3A_374, %add3A_376 : vector<16xi32>
      %mul3A_378 = arith.mulf %sub3A_343, %sub3A_346 : vector<16xf32>
      %mul3A_379 = arith.mulf %mul3A_378, %select_n3A_351 : vector<16xf32>
      tpu.vector_store_idx %arg14[%add3A_377], %mul3A_379 : memref<212xf32, #tpu.memory_space<vmem>>[vector<16xi32>], vector<16xf32>,
      %add3A_380 = arith.constant 1 : i32
      %add3A_381 = vector.broadcast %add3A_380 : i32 to vector<16xi32>
      %add3A_382 = arith.addi %mul3A_374, %add3A_381 : vector<16xi32>
      %mul3A_383 = arith.mulf %sub3A_343, %sub3A_340 : vector<16xf32>
      %mul3A_384 = arith.mulf %mul3A_383, %select_n3A_351 : vector<16xf32>
      tpu.vector_store_idx %arg14[%add3A_382], %mul3A_384 : memref<212xf32, #tpu.memory_space<vmem>>[vector<16xi32>], vector<16xf32>,
      %add3A_385 = arith.constant 2 : i32
      %add3A_386 = vector.broadcast %add3A_385 : i32 to vector<16xi32>
      %add3A_387 = arith.addi %mul3A_374, %add3A_386 : vector<16xi32>
      %mul3A_388 = arith.mulf %sub3A_338, %sub3A_346 : vector<16xf32>
      %mul3A_389 = arith.mulf %mul3A_388, %select_n3A_351 : vector<16xf32>
      tpu.vector_store_idx %arg14[%add3A_387], %mul3A_389 : memref<212xf32, #tpu.memory_space<vmem>>[vector<16xi32>], vector<16xf32>,
      %add3A_390 = arith.constant 3 : i32
      %add3A_391 = vector.broadcast %add3A_390 : i32 to vector<16xi32>
      %add3A_392 = arith.addi %mul3A_374, %add3A_391 : vector<16xi32>
      %mul3A_393 = arith.mulf %sub3A_338, %sub3A_340 : vector<16xf32>
      %mul3A_394 = arith.mulf %mul3A_393, %select_n3A_351 : vector<16xf32>
      tpu.vector_store_idx %arg14[%add3A_392], %mul3A_394 : memref<212xf32, #tpu.memory_space<vmem>>[vector<16xi32>], vector<16xf32>,
      %add3A_395 = arith.constant 32 : i32
      %add3A_396 = vector.broadcast %add3A_395 : i32 to vector<16xi32>
      %add3A_397 = arith.addi %iota3A, %add3A_396 : vector<16xi32>
      %jit3A_398 = arith.constant 7 : i32
      %div3A_399 = vector.broadcast %jit3A_398 : i32 to vector<16xi32>
      %div3A_400 = arith.divsi %add3A_397, %div3A_399 : vector<16xi32>
      %sign3A_401 = arith.constant 0 : i32
      %sign3A_402 = vector.broadcast %sign3A_401 : i32 to vector<16xi32>
      %sign3A_403 = arith.cmpi sgt, %add3A_397, %sign3A_402 : vector<16xi32>
      %sign3A_404 = arith.extui %sign3A_403 : vector<16xi1> to vector<16xi32>
      %sign3A_405 = arith.constant 0 : i32
      %sign3A_406 = vector.broadcast %sign3A_405 : i32 to vector<16xi32>
      %sign3A_407 = arith.cmpi slt, %add3A_397, %sign3A_406 : vector<16xi32>
      %sign3A_408 = arith.extui %sign3A_407 : vector<16xi1> to vector<16xi32>
      %sign3A_409 = arith.subi %sign3A_404, %sign3A_408 : vector<16xi32>
      %sign3A_410 = arith.constant 0 : i32
      %sign3A_411 = arith.cmpi sgt, %jit3A_398, %sign3A_410 : i32
      %sign3A_412 = arith.extui %sign3A_411 : i1 to i32
      %sign3A_413 = arith.constant 0 : i32
      %sign3A_414 = arith.cmpi slt, %jit3A_398, %sign3A_413 : i32
      %sign3A_415 = arith.extui %sign3A_414 : i1 to i32
      %sign3A_416 = arith.subi %sign3A_412, %sign3A_415 : i32
      %ne3A_417 = vector.broadcast %sign3A_416 : i32 to vector<16xi32>
      %ne3A_418 = arith.cmpi ne, %sign3A_409, %ne3A_417 : vector<16xi32>
      %rem3A_419 = vector.broadcast %jit3A_398 : i32 to vector<16xi32>
      %rem3A_420 = arith.remsi %add3A_397, %rem3A_419 : vector<16xi32>
      %ne3A_421 = arith.constant 0 : i32
      %ne3A_422 = vector.broadcast %ne3A_421 : i32 to vector<16xi32>
      %ne3A_423 = arith.cmpi ne, %rem3A_420, %ne3A_422 : vector<16xi32>
      %and3A_424 = arith.andi %ne3A_418, %ne3A_423 : vector<16xi1>
      %sub3A_425 = arith.constant 1 : i32
      %sub3A_426 = vector.broadcast %sub3A_425 : i32 to vector<16xi32>
      %sub3A_427 = arith.subi %div3A_400, %sub3A_426 : vector<16xi32>
      %select_n3A_428 = arith.select %and3A_424, %sub3A_427, %div3A_400 : vector<16xi1>, vector<16xi32>
      %jit3A_429 = arith.constant 7 : i32
      %eq3A_430 = arith.constant 0 : i32
      %eq3A_431 = arith.cmpi eq, %jit3A_429, %eq3A_430 : i32
      %jit3A_432 = arith.constant 1 : i32
      %select_n3A_433 = arith.select %eq3A_431, %jit3A_432, %jit3A_429 : i32
      %rem3A_434 = vector.broadcast %select_n3A_433 : i32 to vector<16xi32>
      %rem3A_435 = arith.remsi %add3A_397, %rem3A_434 : vector<16xi32>
      %ne3A_436 = arith.constant 0 : i32
      %ne3A_437 = vector.broadcast %ne3A_436 : i32 to vector<16xi32>
      %ne3A_438 = arith.cmpi ne, %rem3A_435, %ne3A_437 : vector<16xi32>
      %lt3A_439 = arith.constant 0 : i32
      %lt3A_440 = vector.broadcast %lt3A_439 : i32 to vector<16xi32>
      %lt3A_441 = arith.cmpi slt, %rem3A_435, %lt3A_440 : vector<16xi32>
      %lt3A_442 = arith.constant 0 : i32
      %lt3A_443 = arith.cmpi slt, %select_n3A_433, %lt3A_442 : i32
      %ne3A_444 = vector.broadcast %lt3A_443 : i1 to vector<16xi1>
      %ne3A_445 = vector.broadcast %ne3A_444 : vector<16xi1> to vector<16xi1>
      %ne3A_446 = arith.xori %lt3A_441, %ne3A_445 : vector<16xi1>
      %and3A_447 = arith.andi %ne3A_446, %ne3A_438 : vector<16xi1>
      %add3A_448 = vector.broadcast %select_n3A_433 : i32 to vector<16xi32>
      %add3A_449 = arith.addi %rem3A_435, %add3A_448 : vector<16xi32>
      %select_n3A_450 = arith.select %and3A_447, %add3A_449, %rem3A_435 : vector<16xi1>, vector<16xi32>
      %convert_element_type3A_451 = arith.sitofp %select_n3A_428 : vector<16xi32> to vector<16xf32>
      %add3A_452 = arith.constant 5.000000e-01 : f32
      %add3A_453 = vector.broadcast %add3A_452 : f32 to vector<16xf32>
      %add3A_454 = arith.addf %convert_element_type3A_451, %add3A_453 : vector<16xf32>
      %mul3A_455 = arith.mulf %add3A_454, %div3A_65 : vector<16xf32>
      %add3A_456 = arith.addf %sub3A_40, %mul3A_455 : vector<16xf32>
      %convert_element_type3A_457 = arith.sitofp %select_n3A_450 : vector<16xi32> to vector<16xf32>
      %add3A_458 = arith.constant 5.000000e-01 : f32
      %add3A_459 = vector.broadcast %add3A_458 : f32 to vector<16xf32>
      %add3A_460 = arith.addf %convert_element_type3A_457, %add3A_459 : vector<16xf32>
      %mul3A_461 = arith.mulf %add3A_460, %div3A_69 : vector<16xf32>
      %add3A_462 = arith.addf %sub3A_29, %mul3A_461 : vector<16xf32>
      %gt3A_463 = arith.constant -1.000000e+00 : f32
      %gt3A_464 = vector.broadcast %gt3A_463 : f32 to vector<16xf32>
      %gt3A_465 = arith.cmpf ogt, %add3A_456, %gt3A_464 : vector<16xf32>
      %lt3A_466 = arith.constant 5.600000e+01 : f32
      %lt3A_467 = vector.broadcast %lt3A_466 : f32 to vector<16xf32>
      %lt3A_468 = arith.cmpf olt, %add3A_456, %lt3A_467 : vector<16xf32>
      %and3A_469 = arith.andi %gt3A_465, %lt3A_468 : vector<16xi1>
      %gt3A_470 = arith.constant -1.000000e+00 : f32
      %gt3A_471 = vector.broadcast %gt3A_470 : f32 to vector<16xf32>
      %gt3A_472 = arith.cmpf ogt, %add3A_462, %gt3A_471 : vector<16xf32>
      %and3A_473 = arith.andi %and3A_469, %gt3A_472 : vector<16xi1>
      %lt3A_474 = arith.constant 5.600000e+01 : f32
      %lt3A_475 = vector.broadcast %lt3A_474 : f32 to vector<16xf32>
      %lt3A_476 = arith.cmpf olt, %add3A_462, %lt3A_475 : vector<16xf32>
      %and3A_477 = arith.andi %and3A_473, %lt3A_476 : vector<16xi1>
      %jit3A_478 = arith.constant 0.000000e+00 : f32
      %jit3A_479 = arith.constant 5.500000e+01 : f32
      %max3A_480 = vector.broadcast %jit3A_478 : f32 to vector<16xf32>
      %max3A_481 = arith.maximumf %max3A_480, %add3A_456 : vector<16xf32>
      %min3A_482 = vector.broadcast %jit3A_479 : f32 to vector<16xf32>
      %min3A_483 = arith.minimumf %min3A_482, %max3A_481 : vector<16xf32>
      %jit3A_484 = arith.constant 0.000000e+00 : f32
      %jit3A_485 = arith.constant 5.500000e+01 : f32
      %max3A_486 = vector.broadcast %jit3A_484 : f32 to vector<16xf32>
      %max3A_487 = arith.maximumf %max3A_486, %add3A_462 : vector<16xf32>
      %min3A_488 = vector.broadcast %jit3A_485 : f32 to vector<16xf32>
      %min3A_489 = arith.minimumf %min3A_488, %max3A_487 : vector<16xf32>
      %convert_element_type3A_490 = arith.fptosi %min3A_483 : vector<16xf32> to vector<16xi32>
      %convert_element_type3A_491 = arith.fptosi %min3A_489 : vector<16xf32> to vector<16xi32>
      %add3A_492 = arith.constant 1 : i32
      %add3A_493 = vector.broadcast %add3A_492 : i32 to vector<16xi32>
      %add3A_494 = arith.addi %convert_element_type3A_490, %add3A_493 : vector<16xi32>
      %min3A_495 = arith.constant 55 : i32
      %min3A_496 = vector.broadcast %min3A_495 : i32 to vector<16xi32>
      %min3A_497 = arith.minsi %add3A_494, %min3A_496 : vector<16xi32>
      %add3A_498 = arith.constant 1 : i32
      %add3A_499 = vector.broadcast %add3A_498 : i32 to vector<16xi32>
      %add3A_500 = arith.addi %convert_element_type3A_491, %add3A_499 : vector<16xi32>
      %min3A_501 = arith.constant 55 : i32
      %min3A_502 = vector.broadcast %min3A_501 : i32 to vector<16xi32>
      %min3A_503 = arith.minsi %add3A_500, %min3A_502 : vector<16xi32>
      %convert_element_type3A_504 = arith.sitofp %convert_element_type3A_490 : vector<16xi32> to vector<16xf32>
      %sub3A_505 = arith.subf %min3A_483, %convert_element_type3A_504 : vector<16xf32>
      %convert_element_type3A_506 = arith.sitofp %convert_element_type3A_491 : vector<16xi32> to vector<16xf32>
      %sub3A_507 = arith.subf %min3A_489, %convert_element_type3A_506 : vector<16xf32>
      %sub3A_508 = arith.constant 1.000000e+00 : f32
      %sub3A_509 = vector.broadcast %sub3A_508 : f32 to vector<16xf32>
      %sub3A_510 = arith.subf %sub3A_509, %sub3A_505 : vector<16xf32>
      %sub3A_511 = arith.constant 1.000000e+00 : f32
      %sub3A_512 = vector.broadcast %sub3A_511 : f32 to vector<16xf32>
      %sub3A_513 = arith.subf %sub3A_512, %sub3A_507 : vector<16xf32>
      %jit3A_514 = arith.constant 1.000000e+00 : f32
      %jit3A_515 = arith.constant 0.000000e+00 : f32
      %broadcast_in_dim3A_516 = vector.broadcast %jit3A_514 : f32 to vector<16xf32>
      %broadcast_in_dim3A_517 = vector.broadcast %jit3A_515 : f32 to vector<16xf32>
      %select_n3A_518 = arith.select %and3A_477, %broadcast_in_dim3A_516, %broadcast_in_dim3A_517 : vector<16xi1>, vector<16xf32>
      %mul3A_519 = arith.constant 56 : i32
      %mul3A_520 = vector.broadcast %mul3A_519 : i32 to vector<16xi32>
      %mul3A_521 = arith.muli %convert_element_type3A_490, %mul3A_520 : vector<16xi32>
      %add3A_522 = arith.addi %mul3A_72, %mul3A_521 : vector<16xi32>
      %mul3A_523 = arith.constant 56 : i32
      %mul3A_524 = vector.broadcast %mul3A_523 : i32 to vector<16xi32>
      %mul3A_525 = arith.muli %min3A_497, %mul3A_524 : vector<16xi32>
      %add3A_526 = arith.addi %mul3A_72, %mul3A_525 : vector<16xi32>
      %add3A_527 = arith.addi %add3A_522, %convert_element_type3A_491 : vector<16xi32>
      %swap3A_528 = arith.constant 32 : index
      %swap3A_529 = tpu.vector_load %arg6[%swap3A_528] {strides = array<i32>} : memref<49xi32, #tpu.memory_space<vmem>>, vector<16xi32>,
      tpu.vector_store %arg6[%swap3A_528], %add3A_527 {strides = array<i32>} : memref<49xi32, #tpu.memory_space<vmem>>, vector<16xi32>,
      %add3A_530 = arith.addi %add3A_522, %min3A_503 : vector<16xi32>
      %swap3A_531 = arith.constant 32 : index
      %swap3A_532 = tpu.vector_load %arg7[%swap3A_531] {strides = array<i32>} : memref<49xi32, #tpu.memory_space<vmem>>, vector<16xi32>,
      tpu.vector_store %arg7[%swap3A_531], %add3A_530 {strides = array<i32>} : memref<49xi32, #tpu.memory_space<vmem>>, vector<16xi32>,
      %add3A_533 = arith.addi %add3A_526, %convert_element_type3A_491 : vector<16xi32>
      %swap3A_534 = arith.constant 32 : index
      %swap3A_535 = tpu.vector_load %arg8[%swap3A_534] {strides = array<i32>} : memref<49xi32, #tpu.memory_space<vmem>>, vector<16xi32>,
      tpu.vector_store %arg8[%swap3A_534], %add3A_533 {strides = array<i32>} : memref<49xi32, #tpu.memory_space<vmem>>, vector<16xi32>,
      %add3A_536 = arith.addi %add3A_526, %min3A_503 : vector<16xi32>
      %swap3A_537 = arith.constant 32 : index
      %swap3A_538 = tpu.vector_load %arg9[%swap3A_537] {strides = array<i32>} : memref<49xi32, #tpu.memory_space<vmem>>, vector<16xi32>,
      tpu.vector_store %arg9[%swap3A_537], %add3A_536 {strides = array<i32>} : memref<49xi32, #tpu.memory_space<vmem>>, vector<16xi32>,
      %mul3A_539 = arith.constant 4 : i32
      %mul3A_540 = vector.broadcast %mul3A_539 : i32 to vector<16xi32>
      %mul3A_541 = arith.muli %add3A_397, %mul3A_540 : vector<16xi32>
      %add3A_542 = arith.constant 0 : i32
      %add3A_543 = vector.broadcast %add3A_542 : i32 to vector<16xi32>
      %add3A_544 = arith.addi %mul3A_541, %add3A_543 : vector<16xi32>
      %mul3A_545 = arith.mulf %sub3A_510, %sub3A_513 : vector<16xf32>
      %mul3A_546 = arith.mulf %mul3A_545, %select_n3A_518 : vector<16xf32>
      tpu.vector_store_idx %arg14[%add3A_544], %mul3A_546 : memref<212xf32, #tpu.memory_space<vmem>>[vector<16xi32>], vector<16xf32>,
      %add3A_547 = arith.constant 1 : i32
      %add3A_548 = vector.broadcast %add3A_547 : i32 to vector<16xi32>
      %add3A_549 = arith.addi %mul3A_541, %add3A_548 : vector<16xi32>
      %mul3A_550 = arith.mulf %sub3A_510, %sub3A_507 : vector<16xf32>
      %mul3A_551 = arith.mulf %mul3A_550, %select_n3A_518 : vector<16xf32>
      tpu.vector_store_idx %arg14[%add3A_549], %mul3A_551 : memref<212xf32, #tpu.memory_space<vmem>>[vector<16xi32>], vector<16xf32>,
      %add3A_552 = arith.constant 2 : i32
      %add3A_553 = vector.broadcast %add3A_552 : i32 to vector<16xi32>
      %add3A_554 = arith.addi %mul3A_541, %add3A_553 : vector<16xi32>
      %mul3A_555 = arith.mulf %sub3A_505, %sub3A_513 : vector<16xf32>
      %mul3A_556 = arith.mulf %mul3A_555, %select_n3A_518 : vector<16xf32>
      tpu.vector_store_idx %arg14[%add3A_554], %mul3A_556 : memref<212xf32, #tpu.memory_space<vmem>>[vector<16xi32>], vector<16xf32>,
      %add3A_557 = arith.constant 3 : i32
      %add3A_558 = vector.broadcast %add3A_557 : i32 to vector<16xi32>
      %add3A_559 = arith.addi %mul3A_541, %add3A_558 : vector<16xi32>
      %mul3A_560 = arith.mulf %sub3A_505, %sub3A_507 : vector<16xf32>
      %mul3A_561 = arith.mulf %mul3A_560, %select_n3A_518 : vector<16xf32>
      tpu.vector_store_idx %arg14[%add3A_559], %mul3A_561 : memref<212xf32, #tpu.memory_space<vmem>>[vector<16xi32>], vector<16xf32>,
      %add3A_562 = arith.constant 33 : i32
      %add3A_563 = vector.broadcast %add3A_562 : i32 to vector<16xi32>
      %add3A_564 = arith.addi %iota3A, %add3A_563 : vector<16xi32>
      %jit3A_565 = arith.constant 7 : i32
      %div3A_566 = vector.broadcast %jit3A_565 : i32 to vector<16xi32>
      %div3A_567 = arith.divsi %add3A_564, %div3A_566 : vector<16xi32>
      %sign3A_568 = arith.constant 0 : i32
      %sign3A_569 = vector.broadcast %sign3A_568 : i32 to vector<16xi32>
      %sign3A_570 = arith.cmpi sgt, %add3A_564, %sign3A_569 : vector<16xi32>
      %sign3A_571 = arith.extui %sign3A_570 : vector<16xi1> to vector<16xi32>
      %sign3A_572 = arith.constant 0 : i32
      %sign3A_573 = vector.broadcast %sign3A_572 : i32 to vector<16xi32>
      %sign3A_574 = arith.cmpi slt, %add3A_564, %sign3A_573 : vector<16xi32>
      %sign3A_575 = arith.extui %sign3A_574 : vector<16xi1> to vector<16xi32>
      %sign3A_576 = arith.subi %sign3A_571, %sign3A_575 : vector<16xi32>
      %sign3A_577 = arith.constant 0 : i32
      %sign3A_578 = arith.cmpi sgt, %jit3A_565, %sign3A_577 : i32
      %sign3A_579 = arith.extui %sign3A_578 : i1 to i32
      %sign3A_580 = arith.constant 0 : i32
      %sign3A_581 = arith.cmpi slt, %jit3A_565, %sign3A_580 : i32
      %sign3A_582 = arith.extui %sign3A_581 : i1 to i32
      %sign3A_583 = arith.subi %sign3A_579, %sign3A_582 : i32
      %ne3A_584 = vector.broadcast %sign3A_583 : i32 to vector<16xi32>
      %ne3A_585 = arith.cmpi ne, %sign3A_576, %ne3A_584 : vector<16xi32>
      %rem3A_586 = vector.broadcast %jit3A_565 : i32 to vector<16xi32>
      %rem3A_587 = arith.remsi %add3A_564, %rem3A_586 : vector<16xi32>
      %ne3A_588 = arith.constant 0 : i32
      %ne3A_589 = vector.broadcast %ne3A_588 : i32 to vector<16xi32>
      %ne3A_590 = arith.cmpi ne, %rem3A_587, %ne3A_589 : vector<16xi32>
      %and3A_591 = arith.andi %ne3A_585, %ne3A_590 : vector<16xi1>
      %sub3A_592 = arith.constant 1 : i32
      %sub3A_593 = vector.broadcast %sub3A_592 : i32 to vector<16xi32>
      %sub3A_594 = arith.subi %div3A_567, %sub3A_593 : vector<16xi32>
      %select_n3A_595 = arith.select %and3A_591, %sub3A_594, %div3A_567 : vector<16xi1>, vector<16xi32>
      %jit3A_596 = arith.constant 7 : i32
      %eq3A_597 = arith.constant 0 : i32
      %eq3A_598 = arith.cmpi eq, %jit3A_596, %eq3A_597 : i32
      %jit3A_599 = arith.constant 1 : i32
      %select_n3A_600 = arith.select %eq3A_598, %jit3A_599, %jit3A_596 : i32
      %rem3A_601 = vector.broadcast %select_n3A_600 : i32 to vector<16xi32>
      %rem3A_602 = arith.remsi %add3A_564, %rem3A_601 : vector<16xi32>
      %ne3A_603 = arith.constant 0 : i32
      %ne3A_604 = vector.broadcast %ne3A_603 : i32 to vector<16xi32>
      %ne3A_605 = arith.cmpi ne, %rem3A_602, %ne3A_604 : vector<16xi32>
      %lt3A_606 = arith.constant 0 : i32
      %lt3A_607 = vector.broadcast %lt3A_606 : i32 to vector<16xi32>
      %lt3A_608 = arith.cmpi slt, %rem3A_602, %lt3A_607 : vector<16xi32>
      %lt3A_609 = arith.constant 0 : i32
      %lt3A_610 = arith.cmpi slt, %select_n3A_600, %lt3A_609 : i32
      %ne3A_611 = vector.broadcast %lt3A_610 : i1 to vector<16xi1>
      %ne3A_612 = vector.broadcast %ne3A_611 : vector<16xi1> to vector<16xi1>
      %ne3A_613 = arith.xori %lt3A_608, %ne3A_612 : vector<16xi1>
      %and3A_614 = arith.andi %ne3A_613, %ne3A_605 : vector<16xi1>
      %add3A_615 = vector.broadcast %select_n3A_600 : i32 to vector<16xi32>
      %add3A_616 = arith.addi %rem3A_602, %add3A_615 : vector<16xi32>
      %select_n3A_617 = arith.select %and3A_614, %add3A_616, %rem3A_602 : vector<16xi1>, vector<16xi32>
      %convert_element_type3A_618 = arith.sitofp %select_n3A_595 : vector<16xi32> to vector<16xf32>
      %add3A_619 = arith.constant 5.000000e-01 : f32
      %add3A_620 = vector.broadcast %add3A_619 : f32 to vector<16xf32>
      %add3A_621 = arith.addf %convert_element_type3A_618, %add3A_620 : vector<16xf32>
      %mul3A_622 = arith.mulf %add3A_621, %div3A_65 : vector<16xf32>
      %add3A_623 = arith.addf %sub3A_40, %mul3A_622 : vector<16xf32>
      %convert_element_type3A_624 = arith.sitofp %select_n3A_617 : vector<16xi32> to vector<16xf32>
      %add3A_625 = arith.constant 5.000000e-01 : f32
      %add3A_626 = vector.broadcast %add3A_625 : f32 to vector<16xf32>
      %add3A_627 = arith.addf %convert_element_type3A_624, %add3A_626 : vector<16xf32>
      %mul3A_628 = arith.mulf %add3A_627, %div3A_69 : vector<16xf32>
      %add3A_629 = arith.addf %sub3A_29, %mul3A_628 : vector<16xf32>
      %gt3A_630 = arith.constant -1.000000e+00 : f32
      %gt3A_631 = vector.broadcast %gt3A_630 : f32 to vector<16xf32>
      %gt3A_632 = arith.cmpf ogt, %add3A_623, %gt3A_631 : vector<16xf32>
      %lt3A_633 = arith.constant 5.600000e+01 : f32
      %lt3A_634 = vector.broadcast %lt3A_633 : f32 to vector<16xf32>
      %lt3A_635 = arith.cmpf olt, %add3A_623, %lt3A_634 : vector<16xf32>
      %and3A_636 = arith.andi %gt3A_632, %lt3A_635 : vector<16xi1>
      %gt3A_637 = arith.constant -1.000000e+00 : f32
      %gt3A_638 = vector.broadcast %gt3A_637 : f32 to vector<16xf32>
      %gt3A_639 = arith.cmpf ogt, %add3A_629, %gt3A_638 : vector<16xf32>
      %and3A_640 = arith.andi %and3A_636, %gt3A_639 : vector<16xi1>
      %lt3A_641 = arith.constant 5.600000e+01 : f32
      %lt3A_642 = vector.broadcast %lt3A_641 : f32 to vector<16xf32>
      %lt3A_643 = arith.cmpf olt, %add3A_629, %lt3A_642 : vector<16xf32>
      %and3A_644 = arith.andi %and3A_640, %lt3A_643 : vector<16xi1>
      %jit3A_645 = arith.constant 0.000000e+00 : f32
      %jit3A_646 = arith.constant 5.500000e+01 : f32
      %max3A_647 = vector.broadcast %jit3A_645 : f32 to vector<16xf32>
      %max3A_648 = arith.maximumf %max3A_647, %add3A_623 : vector<16xf32>
      %min3A_649 = vector.broadcast %jit3A_646 : f32 to vector<16xf32>
      %min3A_650 = arith.minimumf %min3A_649, %max3A_648 : vector<16xf32>
      %jit3A_651 = arith.constant 0.000000e+00 : f32
      %jit3A_652 = arith.constant 5.500000e+01 : f32
      %max3A_653 = vector.broadcast %jit3A_651 : f32 to vector<16xf32>
      %max3A_654 = arith.maximumf %max3A_653, %add3A_629 : vector<16xf32>
      %min3A_655 = vector.broadcast %jit3A_652 : f32 to vector<16xf32>
      %min3A_656 = arith.minimumf %min3A_655, %max3A_654 : vector<16xf32>
      %convert_element_type3A_657 = arith.fptosi %min3A_650 : vector<16xf32> to vector<16xi32>
      %convert_element_type3A_658 = arith.fptosi %min3A_656 : vector<16xf32> to vector<16xi32>
      %add3A_659 = arith.constant 1 : i32
      %add3A_660 = vector.broadcast %add3A_659 : i32 to vector<16xi32>
      %add3A_661 = arith.addi %convert_element_type3A_657, %add3A_660 : vector<16xi32>
      %min3A_662 = arith.constant 55 : i32
      %min3A_663 = vector.broadcast %min3A_662 : i32 to vector<16xi32>
      %min3A_664 = arith.minsi %add3A_661, %min3A_663 : vector<16xi32>
      %add3A_665 = arith.constant 1 : i32
      %add3A_666 = vector.broadcast %add3A_665 : i32 to vector<16xi32>
      %add3A_667 = arith.addi %convert_element_type3A_658, %add3A_666 : vector<16xi32>
      %min3A_668 = arith.constant 55 : i32
      %min3A_669 = vector.broadcast %min3A_668 : i32 to vector<16xi32>
      %min3A_670 = arith.minsi %add3A_667, %min3A_669 : vector<16xi32>
      %convert_element_type3A_671 = arith.sitofp %convert_element_type3A_657 : vector<16xi32> to vector<16xf32>
      %sub3A_672 = arith.subf %min3A_650, %convert_element_type3A_671 : vector<16xf32>
      %convert_element_type3A_673 = arith.sitofp %convert_element_type3A_658 : vector<16xi32> to vector<16xf32>
      %sub3A_674 = arith.subf %min3A_656, %convert_element_type3A_673 : vector<16xf32>
      %sub3A_675 = arith.constant 1.000000e+00 : f32
      %sub3A_676 = vector.broadcast %sub3A_675 : f32 to vector<16xf32>
      %sub3A_677 = arith.subf %sub3A_676, %sub3A_672 : vector<16xf32>
      %sub3A_678 = arith.constant 1.000000e+00 : f32
      %sub3A_679 = vector.broadcast %sub3A_678 : f32 to vector<16xf32>
      %sub3A_680 = arith.subf %sub3A_679, %sub3A_674 : vector<16xf32>
      %jit3A_681 = arith.constant 1.000000e+00 : f32
      %jit3A_682 = arith.constant 0.000000e+00 : f32
      %broadcast_in_dim3A_683 = vector.broadcast %jit3A_681 : f32 to vector<16xf32>
      %broadcast_in_dim3A_684 = vector.broadcast %jit3A_682 : f32 to vector<16xf32>
      %select_n3A_685 = arith.select %and3A_644, %broadcast_in_dim3A_683, %broadcast_in_dim3A_684 : vector<16xi1>, vector<16xf32>
      %mul3A_686 = arith.constant 56 : i32
      %mul3A_687 = vector.broadcast %mul3A_686 : i32 to vector<16xi32>
      %mul3A_688 = arith.muli %convert_element_type3A_657, %mul3A_687 : vector<16xi32>
      %add3A_689 = arith.addi %mul3A_72, %mul3A_688 : vector<16xi32>
      %mul3A_690 = arith.constant 56 : i32
      %mul3A_691 = vector.broadcast %mul3A_690 : i32 to vector<16xi32>
      %mul3A_692 = arith.muli %min3A_664, %mul3A_691 : vector<16xi32>
      %add3A_693 = arith.addi %mul3A_72, %mul3A_692 : vector<16xi32>
      %add3A_694 = arith.addi %add3A_689, %convert_element_type3A_658 : vector<16xi32>
      %swap3A_695 = arith.constant 33 : index
      %swap3A_696 = tpu.vector_load %arg6[%swap3A_695] {strides = array<i32>} : memref<49xi32, #tpu.memory_space<vmem>>, vector<16xi32>,
      tpu.vector_store %arg6[%swap3A_695], %add3A_694 {strides = array<i32>} : memref<49xi32, #tpu.memory_space<vmem>>, vector<16xi32>,
      %add3A_697 = arith.addi %add3A_689, %min3A_670 : vector<16xi32>
      %swap3A_698 = arith.constant 33 : index
      %swap3A_699 = tpu.vector_load %arg7[%swap3A_698] {strides = array<i32>} : memref<49xi32, #tpu.memory_space<vmem>>, vector<16xi32>,
      tpu.vector_store %arg7[%swap3A_698], %add3A_697 {strides = array<i32>} : memref<49xi32, #tpu.memory_space<vmem>>, vector<16xi32>,
      %add3A_700 = arith.addi %add3A_693, %convert_element_type3A_658 : vector<16xi32>
      %swap3A_701 = arith.constant 33 : index
      %swap3A_702 = tpu.vector_load %arg8[%swap3A_701] {strides = array<i32>} : memref<49xi32, #tpu.memory_space<vmem>>, vector<16xi32>,
      tpu.vector_store %arg8[%swap3A_701], %add3A_700 {strides = array<i32>} : memref<49xi32, #tpu.memory_space<vmem>>, vector<16xi32>,
      %add3A_703 = arith.addi %add3A_693, %min3A_670 : vector<16xi32>
      %swap3A_704 = arith.constant 33 : index
      %swap3A_705 = tpu.vector_load %arg9[%swap3A_704] {strides = array<i32>} : memref<49xi32, #tpu.memory_space<vmem>>, vector<16xi32>,
      tpu.vector_store %arg9[%swap3A_704], %add3A_703 {strides = array<i32>} : memref<49xi32, #tpu.memory_space<vmem>>, vector<16xi32>,
      %mul3A_706 = arith.constant 4 : i32
      %mul3A_707 = vector.broadcast %mul3A_706 : i32 to vector<16xi32>
      %mul3A_708 = arith.muli %add3A_564, %mul3A_707 : vector<16xi32>
      %add3A_709 = arith.constant 0 : i32
      %add3A_710 = vector.broadcast %add3A_709 : i32 to vector<16xi32>
      %add3A_711 = arith.addi %mul3A_708, %add3A_710 : vector<16xi32>
      %mul3A_712 = arith.mulf %sub3A_677, %sub3A_680 : vector<16xf32>
      %mul3A_713 = arith.mulf %mul3A_712, %select_n3A_685 : vector<16xf32>
      tpu.vector_store_idx %arg14[%add3A_711], %mul3A_713 : memref<212xf32, #tpu.memory_space<vmem>>[vector<16xi32>], vector<16xf32>,
      %add3A_714 = arith.constant 1 : i32
      %add3A_715 = vector.broadcast %add3A_714 : i32 to vector<16xi32>
      %add3A_716 = arith.addi %mul3A_708, %add3A_715 : vector<16xi32>
      %mul3A_717 = arith.mulf %sub3A_677, %sub3A_674 : vector<16xf32>
      %mul3A_718 = arith.mulf %mul3A_717, %select_n3A_685 : vector<16xf32>
      tpu.vector_store_idx %arg14[%add3A_716], %mul3A_718 : memref<212xf32, #tpu.memory_space<vmem>>[vector<16xi32>], vector<16xf32>,
      %add3A_719 = arith.constant 2 : i32
      %add3A_720 = vector.broadcast %add3A_719 : i32 to vector<16xi32>
      %add3A_721 = arith.addi %mul3A_708, %add3A_720 : vector<16xi32>
      %mul3A_722 = arith.mulf %sub3A_672, %sub3A_680 : vector<16xf32>
      %mul3A_723 = arith.mulf %mul3A_722, %select_n3A_685 : vector<16xf32>
      tpu.vector_store_idx %arg14[%add3A_721], %mul3A_723 : memref<212xf32, #tpu.memory_space<vmem>>[vector<16xi32>], vector<16xf32>,
      %add3A_724 = arith.constant 3 : i32
      %add3A_725 = vector.broadcast %add3A_724 : i32 to vector<16xi32>
      %add3A_726 = arith.addi %mul3A_708, %add3A_725 : vector<16xi32>
      %mul3A_727 = arith.mulf %sub3A_672, %sub3A_674 : vector<16xf32>
      %mul3A_728 = arith.mulf %mul3A_727, %select_n3A_685 : vector<16xf32>
      tpu.vector_store_idx %arg14[%add3A_726], %mul3A_728 : memref<212xf32, #tpu.memory_space<vmem>>[vector<16xi32>], vector<16xf32>,
      %dma_start3A = arith.constant 0 : i32
      %dma_start3A_729 = arith.constant 0 : i32
      %dma_start3A_730 = tpu.memref_slice %arg2[%dma_start3A, %dma_start3A_729] : memref<25088x256xf32, #tpu.memory_space<hbm>> -> memref<25088x256xf32, #tpu.memory_space<hbm>>
      tpu.enqueue_indirect_dma source(%dma_start3A_730 : memref<25088x256xf32, #tpu.memory_space<hbm>>) target(%arg16 : memref<49x256xf32, #tpu.memory_space<vmem>>) offsets(%arg6 : memref<49xi32, #tpu.memory_space<vmem>>) semaphore(%arg25 : memref<!tpu.dma_semaphore, #tpu.memory_space<semaphore_mem>>)
      %dma_start3A_731 = arith.constant 0 : i32
      %dma_start3A_732 = arith.constant 0 : i32
      %dma_start3A_733 = tpu.memref_slice %arg2[%dma_start3A_731, %dma_start3A_732] : memref<25088x256xf32, #tpu.memory_space<hbm>> -> memref<25088x256xf32, #tpu.memory_space<hbm>>
      tpu.enqueue_indirect_dma source(%dma_start3A_733 : memref<25088x256xf32, #tpu.memory_space<hbm>>) target(%arg17 : memref<49x256xf32, #tpu.memory_space<vmem>>) offsets(%arg7 : memref<49xi32, #tpu.memory_space<vmem>>) semaphore(%arg25 : memref<!tpu.dma_semaphore, #tpu.memory_space<semaphore_mem>>)
      %dma_start3A_734 = arith.constant 0 : i32
      %dma_start3A_735 = arith.constant 0 : i32
      %dma_start3A_736 = tpu.memref_slice %arg2[%dma_start3A_734, %dma_start3A_735] : memref<25088x256xf32, #tpu.memory_space<hbm>> -> memref<25088x256xf32, #tpu.memory_space<hbm>>
      tpu.enqueue_indirect_dma source(%dma_start3A_736 : memref<25088x256xf32, #tpu.memory_space<hbm>>) target(%arg18 : memref<49x256xf32, #tpu.memory_space<vmem>>) offsets(%arg8 : memref<49xi32, #tpu.memory_space<vmem>>) semaphore(%arg25 : memref<!tpu.dma_semaphore, #tpu.memory_space<semaphore_mem>>)
      %dma_start3A_737 = arith.constant 0 : i32
      %dma_start3A_738 = arith.constant 0 : i32
      %dma_start3A_739 = tpu.memref_slice %arg2[%dma_start3A_737, %dma_start3A_738] : memref<25088x256xf32, #tpu.memory_space<hbm>> -> memref<25088x256xf32, #tpu.memory_space<hbm>>
      tpu.enqueue_indirect_dma source(%dma_start3A_739 : memref<25088x256xf32, #tpu.memory_space<hbm>>) target(%arg19 : memref<49x256xf32, #tpu.memory_space<vmem>>) offsets(%arg9 : memref<49xi32, #tpu.memory_space<vmem>>) semaphore(%arg25 : memref<!tpu.dma_semaphore, #tpu.memory_space<semaphore_mem>>)
      %add3A_740 = arith.constant 1 : i32
      %add3A_741 = arith.addi %mul3A_13, %add3A_740 : i32
      %mul3A_742 = arith.constant 8 : i32
      %mul3A_743 = arith.muli %add3A_741, %mul3A_742 : i32
      %add3A_744 = arith.constant 0 : i32
      %add3A_745 = arith.addi %mul3A_743, %add3A_744 : i32
      %add3A_746 = vector.broadcast %add3A_745 : i32 to vector<16xi32>
      %add3A_747 = arith.addi %broadcast_in_dim3A_5, %add3A_746 : vector<16xi32>
      %gather3A_748 = tpu.vector_load_idx %arg5[%add3A_747] : memref<272xf32, #tpu.memory_space<vmem>>[vector<16xi32>], vector<16xf32>,
      %convert_element_type3A_749 = arith.fptosi %gather3A_748 : vector<16xf32> to vector<16xi32>
      %add3A_750 = arith.constant 1 : i32
      %add3A_751 = arith.addi %mul3A_743, %add3A_750 : i32
      %add3A_752 = vector.broadcast %add3A_751 : i32 to vector<16xi32>
      %add3A_753 = arith.addi %broadcast_in_dim3A_5, %add3A_752 : vector<16xi32>
      %gather3A_754 = tpu.vector_load_idx %arg5[%add3A_753] : memref<272xf32, #tpu.memory_space<vmem>>[vector<16xi32>], vector<16xf32>,
      %mul3A_755 = arith.constant 2.500000e-01 : f32
      %mul3A_756 = vector.broadcast %mul3A_755 : f32 to vector<16xf32>
      %mul3A_757 = arith.mulf %gather3A_754, %mul3A_756 : vector<16xf32>
      %sub3A_758 = arith.constant 5.000000e-01 : f32
      %sub3A_759 = vector.broadcast %sub3A_758 : f32 to vector<16xf32>
      %sub3A_760 = arith.subf %mul3A_757, %sub3A_759 : vector<16xf32>
      %add3A_761 = arith.constant 2 : i32
      %add3A_762 = arith.addi %mul3A_743, %add3A_761 : i32
      %add3A_763 = vector.broadcast %add3A_762 : i32 to vector<16xi32>
      %add3A_764 = arith.addi %broadcast_in_dim3A_5, %add3A_763 : vector<16xi32>
      %gather3A_765 = tpu.vector_load_idx %arg5[%add3A_764] : memref<272xf32, #tpu.memory_space<vmem>>[vector<16xi32>], vector<16xf32>,
      %mul3A_766 = arith.constant 2.500000e-01 : f32
      %mul3A_767 = vector.broadcast %mul3A_766 : f32 to vector<16xf32>
      %mul3A_768 = arith.mulf %gather3A_765, %mul3A_767 : vector<16xf32>
      %sub3A_769 = arith.constant 5.000000e-01 : f32
      %sub3A_770 = vector.broadcast %sub3A_769 : f32 to vector<16xf32>
      %sub3A_771 = arith.subf %mul3A_768, %sub3A_770 : vector<16xf32>
      %add3A_772 = arith.constant 3 : i32
      %add3A_773 = arith.addi %mul3A_743, %add3A_772 : i32
      %add3A_774 = vector.broadcast %add3A_773 : i32 to vector<16xi32>
      %add3A_775 = arith.addi %broadcast_in_dim3A_5, %add3A_774 : vector<16xi32>
      %gather3A_776 = tpu.vector_load_idx %arg5[%add3A_775] : memref<272xf32, #tpu.memory_space<vmem>>[vector<16xi32>], vector<16xf32>,
      %mul3A_777 = arith.constant 2.500000e-01 : f32
      %mul3A_778 = vector.broadcast %mul3A_777 : f32 to vector<16xf32>
      %mul3A_779 = arith.mulf %gather3A_776, %mul3A_778 : vector<16xf32>
      %sub3A_780 = arith.constant 5.000000e-01 : f32
      %sub3A_781 = vector.broadcast %sub3A_780 : f32 to vector<16xf32>
      %sub3A_782 = arith.subf %mul3A_779, %sub3A_781 : vector<16xf32>
      %add3A_783 = arith.constant 4 : i32
      %add3A_784 = arith.addi %mul3A_743, %add3A_783 : i32
      %add3A_785 = vector.broadcast %add3A_784 : i32 to vector<16xi32>
      %add3A_786 = arith.addi %broadcast_in_dim3A_5, %add3A_785 : vector<16xi32>
      %gather3A_787 = tpu.vector_load_idx %arg5[%add3A_786] : memref<272xf32, #tpu.memory_space<vmem>>[vector<16xi32>], vector<16xf32>,
      %mul3A_788 = arith.constant 2.500000e-01 : f32
      %mul3A_789 = vector.broadcast %mul3A_788 : f32 to vector<16xf32>
      %mul3A_790 = arith.mulf %gather3A_787, %mul3A_789 : vector<16xf32>
      %sub3A_791 = arith.constant 5.000000e-01 : f32
      %sub3A_792 = vector.broadcast %sub3A_791 : f32 to vector<16xf32>
      %sub3A_793 = arith.subf %mul3A_790, %sub3A_792 : vector<16xf32>
      %sub3A_794 = arith.subf %sub3A_793, %sub3A_771 : vector<16xf32>
      %div3A_795 = arith.constant 7.000000e+00 : f32
      %div3A_796 = vector.broadcast %div3A_795 : f32 to vector<16xf32>
      %div3A_797 = arith.divf %sub3A_794, %div3A_796 : vector<16xf32>
      %sub3A_798 = arith.subf %sub3A_782, %sub3A_760 : vector<16xf32>
      %div3A_799 = arith.constant 7.000000e+00 : f32
      %div3A_800 = vector.broadcast %div3A_799 : f32 to vector<16xf32>
      %div3A_801 = arith.divf %sub3A_798, %div3A_800 : vector<16xf32>
      %mul3A_802 = arith.constant 3136 : i32
      %mul3A_803 = vector.broadcast %mul3A_802 : i32 to vector<16xi32>
      %mul3A_804 = arith.muli %convert_element_type3A_749, %mul3A_803 : vector<16xi32>
      %add3A_805 = arith.constant 0 : i32
      %add3A_806 = vector.broadcast %add3A_805 : i32 to vector<16xi32>
      %add3A_807 = arith.addi %iota3A, %add3A_806 : vector<16xi32>
      %jit3A_808 = arith.constant 7 : i32
      %div3A_809 = vector.broadcast %jit3A_808 : i32 to vector<16xi32>
      %div3A_810 = arith.divsi %add3A_807, %div3A_809 : vector<16xi32>
      %sign3A_811 = arith.constant 0 : i32
      %sign3A_812 = vector.broadcast %sign3A_811 : i32 to vector<16xi32>
      %sign3A_813 = arith.cmpi sgt, %add3A_807, %sign3A_812 : vector<16xi32>
      %sign3A_814 = arith.extui %sign3A_813 : vector<16xi1> to vector<16xi32>
      %sign3A_815 = arith.constant 0 : i32
      %sign3A_816 = vector.broadcast %sign3A_815 : i32 to vector<16xi32>
      %sign3A_817 = arith.cmpi slt, %add3A_807, %sign3A_816 : vector<16xi32>
      %sign3A_818 = arith.extui %sign3A_817 : vector<16xi1> to vector<16xi32>
      %sign3A_819 = arith.subi %sign3A_814, %sign3A_818 : vector<16xi32>
      %sign3A_820 = arith.constant 0 : i32
      %sign3A_821 = arith.cmpi sgt, %jit3A_808, %sign3A_820 : i32
      %sign3A_822 = arith.extui %sign3A_821 : i1 to i32
      %sign3A_823 = arith.constant 0 : i32
      %sign3A_824 = arith.cmpi slt, %jit3A_808, %sign3A_823 : i32
      %sign3A_825 = arith.extui %sign3A_824 : i1 to i32
      %sign3A_826 = arith.subi %sign3A_822, %sign3A_825 : i32
      %ne3A_827 = vector.broadcast %sign3A_826 : i32 to vector<16xi32>
      %ne3A_828 = arith.cmpi ne, %sign3A_819, %ne3A_827 : vector<16xi32>
      %rem3A_829 = vector.broadcast %jit3A_808 : i32 to vector<16xi32>
      %rem3A_830 = arith.remsi %add3A_807, %rem3A_829 : vector<16xi32>
      %ne3A_831 = arith.constant 0 : i32
      %ne3A_832 = vector.broadcast %ne3A_831 : i32 to vector<16xi32>
      %ne3A_833 = arith.cmpi ne, %rem3A_830, %ne3A_832 : vector<16xi32>
      %and3A_834 = arith.andi %ne3A_828, %ne3A_833 : vector<16xi1>
      %sub3A_835 = arith.constant 1 : i32
      %sub3A_836 = vector.broadcast %sub3A_835 : i32 to vector<16xi32>
      %sub3A_837 = arith.subi %div3A_810, %sub3A_836 : vector<16xi32>
      %select_n3A_838 = arith.select %and3A_834, %sub3A_837, %div3A_810 : vector<16xi1>, vector<16xi32>
      %jit3A_839 = arith.constant 7 : i32
      %eq3A_840 = arith.constant 0 : i32
      %eq3A_841 = arith.cmpi eq, %jit3A_839, %eq3A_840 : i32
      %jit3A_842 = arith.constant 1 : i32
      %select_n3A_843 = arith.select %eq3A_841, %jit3A_842, %jit3A_839 : i32
      %rem3A_844 = vector.broadcast %select_n3A_843 : i32 to vector<16xi32>
      %rem3A_845 = arith.remsi %add3A_807, %rem3A_844 : vector<16xi32>
      %ne3A_846 = arith.constant 0 : i32
      %ne3A_847 = vector.broadcast %ne3A_846 : i32 to vector<16xi32>
      %ne3A_848 = arith.cmpi ne, %rem3A_845, %ne3A_847 : vector<16xi32>
      %lt3A_849 = arith.constant 0 : i32
      %lt3A_850 = vector.broadcast %lt3A_849 : i32 to vector<16xi32>
      %lt3A_851 = arith.cmpi slt, %rem3A_845, %lt3A_850 : vector<16xi32>
      %lt3A_852 = arith.constant 0 : i32
      %lt3A_853 = arith.cmpi slt, %select_n3A_843, %lt3A_852 : i32
      %ne3A_854 = vector.broadcast %lt3A_853 : i1 to vector<16xi1>
      %ne3A_855 = vector.broadcast %ne3A_854 : vector<16xi1> to vector<16xi1>
      %ne3A_856 = arith.xori %lt3A_851, %ne3A_855 : vector<16xi1>
      %and3A_857 = arith.andi %ne3A_856, %ne3A_848 : vector<16xi1>
      %add3A_858 = vector.broadcast %select_n3A_843 : i32 to vector<16xi32>
      %add3A_859 = arith.addi %rem3A_845, %add3A_858 : vector<16xi32>
      %select_n3A_860 = arith.select %and3A_857, %add3A_859, %rem3A_845 : vector<16xi1>, vector<16xi32>
      %convert_element_type3A_861 = arith.sitofp %select_n3A_838 : vector<16xi32> to vector<16xf32>
      %add3A_862 = arith.constant 5.000000e-01 : f32
      %add3A_863 = vector.broadcast %add3A_862 : f32 to vector<16xf32>
      %add3A_864 = arith.addf %convert_element_type3A_861, %add3A_863 : vector<16xf32>
      %mul3A_865 = arith.mulf %add3A_864, %div3A_797 : vector<16xf32>
      %add3A_866 = arith.addf %sub3A_771, %mul3A_865 : vector<16xf32>
      %convert_element_type3A_867 = arith.sitofp %select_n3A_860 : vector<16xi32> to vector<16xf32>
      %add3A_868 = arith.constant 5.000000e-01 : f32
      %add3A_869 = vector.broadcast %add3A_868 : f32 to vector<16xf32>
      %add3A_870 = arith.addf %convert_element_type3A_867, %add3A_869 : vector<16xf32>
      %mul3A_871 = arith.mulf %add3A_870, %div3A_801 : vector<16xf32>
      %add3A_872 = arith.addf %sub3A_760, %mul3A_871 : vector<16xf32>
      %gt3A_873 = arith.constant -1.000000e+00 : f32
      %gt3A_874 = vector.broadcast %gt3A_873 : f32 to vector<16xf32>
      %gt3A_875 = arith.cmpf ogt, %add3A_866, %gt3A_874 : vector<16xf32>
      %lt3A_876 = arith.constant 5.600000e+01 : f32
      %lt3A_877 = vector.broadcast %lt3A_876 : f32 to vector<16xf32>
      %lt3A_878 = arith.cmpf olt, %add3A_866, %lt3A_877 : vector<16xf32>
      %and3A_879 = arith.andi %gt3A_875, %lt3A_878 : vector<16xi1>
      %gt3A_880 = arith.constant -1.000000e+00 : f32
      %gt3A_881 = vector.broadcast %gt3A_880 : f32 to vector<16xf32>
      %gt3A_882 = arith.cmpf ogt, %add3A_872, %gt3A_881 : vector<16xf32>
      %and3A_883 = arith.andi %and3A_879, %gt3A_882 : vector<16xi1>
      %lt3A_884 = arith.constant 5.600000e+01 : f32
      %lt3A_885 = vector.broadcast %lt3A_884 : f32 to vector<16xf32>
      %lt3A_886 = arith.cmpf olt, %add3A_872, %lt3A_885 : vector<16xf32>
      %and3A_887 = arith.andi %and3A_883, %lt3A_886 : vector<16xi1>
      %jit3A_888 = arith.constant 0.000000e+00 : f32
      %jit3A_889 = arith.constant 5.500000e+01 : f32
      %max3A_890 = vector.broadcast %jit3A_888 : f32 to vector<16xf32>
      %max3A_891 = arith.maximumf %max3A_890, %add3A_866 : vector<16xf32>
      %min3A_892 = vector.broadcast %jit3A_889 : f32 to vector<16xf32>
      %min3A_893 = arith.minimumf %min3A_892, %max3A_891 : vector<16xf32>
      %jit3A_894 = arith.constant 0.000000e+00 : f32
      %jit3A_895 = arith.constant 5.500000e+01 : f32
      %max3A_896 = vector.broadcast %jit3A_894 : f32 to vector<16xf32>
      %max3A_897 = arith.maximumf %max3A_896, %add3A_872 : vector<16xf32>
      %min3A_898 = vector.broadcast %jit3A_895 : f32 to vector<16xf32>
      %min3A_899 = arith.minimumf %min3A_898, %max3A_897 : vector<16xf32>
      %convert_element_type3A_900 = arith.fptosi %min3A_893 : vector<16xf32> to vector<16xi32>
      %convert_element_type3A_901 = arith.fptosi %min3A_899 : vector<16xf32> to vector<16xi32>
      %add3A_902 = arith.constant 1 : i32
      %add3A_903 = vector.broadcast %add3A_902 : i32 to vector<16xi32>
      %add3A_904 = arith.addi %convert_element_type3A_900, %add3A_903 : vector<16xi32>
      %min3A_905 = arith.constant 55 : i32
      %min3A_906 = vector.broadcast %min3A_905 : i32 to vector<16xi32>
      %min3A_907 = arith.minsi %add3A_904, %min3A_906 : vector<16xi32>
      %add3A_908 = arith.constant 1 : i32
      %add3A_909 = vector.broadcast %add3A_908 : i32 to vector<16xi32>
      %add3A_910 = arith.addi %convert_element_type3A_901, %add3A_909 : vector<16xi32>
      %min3A_911 = arith.constant 55 : i32
      %min3A_912 = vector.broadcast %min3A_911 : i32 to vector<16xi32>
      %min3A_913 = arith.minsi %add3A_910, %min3A_912 : vector<16xi32>
      %convert_element_type3A_914 = arith.sitofp %convert_element_type3A_900 : vector<16xi32> to vector<16xf32>
      %sub3A_915 = arith.subf %min3A_893, %convert_element_type3A_914 : vector<16xf32>
      %convert_element_type3A_916 = arith.sitofp %convert_element_type3A_901 : vector<16xi32> to vector<16xf32>
      %sub3A_917 = arith.subf %min3A_899, %convert_element_type3A_916 : vector<16xf32>
      %sub3A_918 = arith.constant 1.000000e+00 : f32
      %sub3A_919 = vector.broadcast %sub3A_918 : f32 to vector<16xf32>
      %sub3A_920 = arith.subf %sub3A_919, %sub3A_915 : vector<16xf32>
      %sub3A_921 = arith.constant 1.000000e+00 : f32
      %sub3A_922 = vector.broadcast %sub3A_921 : f32 to vector<16xf32>
      %sub3A_923 = arith.subf %sub3A_922, %sub3A_917 : vector<16xf32>
      %jit3A_924 = arith.constant 1.000000e+00 : f32
      %jit3A_925 = arith.constant 0.000000e+00 : f32
      %broadcast_in_dim3A_926 = vector.broadcast %jit3A_924 : f32 to vector<16xf32>
      %broadcast_in_dim3A_927 = vector.broadcast %jit3A_925 : f32 to vector<16xf32>
      %select_n3A_928 = arith.select %and3A_887, %broadcast_in_dim3A_926, %broadcast_in_dim3A_927 : vector<16xi1>, vector<16xf32>
      %mul3A_929 = arith.constant 56 : i32
      %mul3A_930 = vector.broadcast %mul3A_929 : i32 to vector<16xi32>
      %mul3A_931 = arith.muli %convert_element_type3A_900, %mul3A_930 : vector<16xi32>
      %add3A_932 = arith.addi %mul3A_804, %mul3A_931 : vector<16xi32>
      %mul3A_933 = arith.constant 56 : i32
      %mul3A_934 = vector.broadcast %mul3A_933 : i32 to vector<16xi32>
      %mul3A_935 = arith.muli %min3A_907, %mul3A_934 : vector<16xi32>
      %add3A_936 = arith.addi %mul3A_804, %mul3A_935 : vector<16xi32>
      %add3A_937 = arith.addi %add3A_932, %convert_element_type3A_901 : vector<16xi32>
      %swap3A_938 = arith.constant 0 : index
      %swap3A_939 = tpu.vector_load %arg10[%swap3A_938] {strides = array<i32>} : memref<49xi32, #tpu.memory_space<vmem>>, vector<16xi32>,
      tpu.vector_store %arg10[%swap3A_938], %add3A_937 {strides = array<i32>} : memref<49xi32, #tpu.memory_space<vmem>>, vector<16xi32>,
      %add3A_940 = arith.addi %add3A_932, %min3A_913 : vector<16xi32>
      %swap3A_941 = arith.constant 0 : index
      %swap3A_942 = tpu.vector_load %arg11[%swap3A_941] {strides = array<i32>} : memref<49xi32, #tpu.memory_space<vmem>>, vector<16xi32>,
      tpu.vector_store %arg11[%swap3A_941], %add3A_940 {strides = array<i32>} : memref<49xi32, #tpu.memory_space<vmem>>, vector<16xi32>,
      %add3A_943 = arith.addi %add3A_936, %convert_element_type3A_901 : vector<16xi32>
      %swap3A_944 = arith.constant 0 : index
      %swap3A_945 = tpu.vector_load %arg12[%swap3A_944] {strides = array<i32>} : memref<49xi32, #tpu.memory_space<vmem>>, vector<16xi32>,
      tpu.vector_store %arg12[%swap3A_944], %add3A_943 {strides = array<i32>} : memref<49xi32, #tpu.memory_space<vmem>>, vector<16xi32>,
      %add3A_946 = arith.addi %add3A_936, %min3A_913 : vector<16xi32>
      %swap3A_947 = arith.constant 0 : index
      %swap3A_948 = tpu.vector_load %arg13[%swap3A_947] {strides = array<i32>} : memref<49xi32, #tpu.memory_space<vmem>>, vector<16xi32>,
      tpu.vector_store %arg13[%swap3A_947], %add3A_946 {strides = array<i32>} : memref<49xi32, #tpu.memory_space<vmem>>, vector<16xi32>,
      %mul3A_949 = arith.constant 4 : i32
      %mul3A_950 = vector.broadcast %mul3A_949 : i32 to vector<16xi32>
      %mul3A_951 = arith.muli %add3A_807, %mul3A_950 : vector<16xi32>
      %add3A_952 = arith.constant 0 : i32
      %add3A_953 = vector.broadcast %add3A_952 : i32 to vector<16xi32>
      %add3A_954 = arith.addi %mul3A_951, %add3A_953 : vector<16xi32>
      %mul3A_955 = arith.mulf %sub3A_920, %sub3A_923 : vector<16xf32>
      %mul3A_956 = arith.mulf %mul3A_955, %select_n3A_928 : vector<16xf32>
      tpu.vector_store_idx %arg15[%add3A_954], %mul3A_956 : memref<212xf32, #tpu.memory_space<vmem>>[vector<16xi32>], vector<16xf32>,
      %add3A_957 = arith.constant 1 : i32
      %add3A_958 = vector.broadcast %add3A_957 : i32 to vector<16xi32>
      %add3A_959 = arith.addi %mul3A_951, %add3A_958 : vector<16xi32>
      %mul3A_960 = arith.mulf %sub3A_920, %sub3A_917 : vector<16xf32>
      %mul3A_961 = arith.mulf %mul3A_960, %select_n3A_928 : vector<16xf32>
      tpu.vector_store_idx %arg15[%add3A_959], %mul3A_961 : memref<212xf32, #tpu.memory_space<vmem>>[vector<16xi32>], vector<16xf32>,
      %add3A_962 = arith.constant 2 : i32
      %add3A_963 = vector.broadcast %add3A_962 : i32 to vector<16xi32>
      %add3A_964 = arith.addi %mul3A_951, %add3A_963 : vector<16xi32>
      %mul3A_965 = arith.mulf %sub3A_915, %sub3A_923 : vector<16xf32>
      %mul3A_966 = arith.mulf %mul3A_965, %select_n3A_928 : vector<16xf32>
      tpu.vector_store_idx %arg15[%add3A_964], %mul3A_966 : memref<212xf32, #tpu.memory_space<vmem>>[vector<16xi32>], vector<16xf32>,
      %add3A_967 = arith.constant 3 : i32
      %add3A_968 = vector.broadcast %add3A_967 : i32 to vector<16xi32>
      %add3A_969 = arith.addi %mul3A_951, %add3A_968 : vector<16xi32>
      %mul3A_970 = arith.mulf %sub3A_915, %sub3A_917 : vector<16xf32>
      %mul3A_971 = arith.mulf %mul3A_970, %select_n3A_928 : vector<16xf32>
      tpu.vector_store_idx %arg15[%add3A_969], %mul3A_971 : memref<212xf32, #tpu.memory_space<vmem>>[vector<16xi32>], vector<16xf32>,
      %add3A_972 = arith.constant 16 : i32
      %add3A_973 = vector.broadcast %add3A_972 : i32 to vector<16xi32>
      %add3A_974 = arith.addi %iota3A, %add3A_973 : vector<16xi32>
      %jit3A_975 = arith.constant 7 : i32
      %div3A_976 = vector.broadcast %jit3A_975 : i32 to vector<16xi32>
      %div3A_977 = arith.divsi %add3A_974, %div3A_976 : vector<16xi32>
      %sign3A_978 = arith.constant 0 : i32
      %sign3A_979 = vector.broadcast %sign3A_978 : i32 to vector<16xi32>
      %sign3A_980 = arith.cmpi sgt, %add3A_974, %sign3A_979 : vector<16xi32>
      %sign3A_981 = arith.extui %sign3A_980 : vector<16xi1> to vector<16xi32>
      %sign3A_982 = arith.constant 0 : i32
      %sign3A_983 = vector.broadcast %sign3A_982 : i32 to vector<16xi32>
      %sign3A_984 = arith.cmpi slt, %add3A_974, %sign3A_983 : vector<16xi32>
      %sign3A_985 = arith.extui %sign3A_984 : vector<16xi1> to vector<16xi32>
      %sign3A_986 = arith.subi %sign3A_981, %sign3A_985 : vector<16xi32>
      %sign3A_987 = arith.constant 0 : i32
      %sign3A_988 = arith.cmpi sgt, %jit3A_975, %sign3A_987 : i32
      %sign3A_989 = arith.extui %sign3A_988 : i1 to i32
      %sign3A_990 = arith.constant 0 : i32
      %sign3A_991 = arith.cmpi slt, %jit3A_975, %sign3A_990 : i32
      %sign3A_992 = arith.extui %sign3A_991 : i1 to i32
      %sign3A_993 = arith.subi %sign3A_989, %sign3A_992 : i32
      %ne3A_994 = vector.broadcast %sign3A_993 : i32 to vector<16xi32>
      %ne3A_995 = arith.cmpi ne, %sign3A_986, %ne3A_994 : vector<16xi32>
      %rem3A_996 = vector.broadcast %jit3A_975 : i32 to vector<16xi32>
      %rem3A_997 = arith.remsi %add3A_974, %rem3A_996 : vector<16xi32>
      %ne3A_998 = arith.constant 0 : i32
      %ne3A_999 = vector.broadcast %ne3A_998 : i32 to vector<16xi32>
      %ne3A_1000 = arith.cmpi ne, %rem3A_997, %ne3A_999 : vector<16xi32>
      %and3A_1001 = arith.andi %ne3A_995, %ne3A_1000 : vector<16xi1>
      %sub3A_1002 = arith.constant 1 : i32
      %sub3A_1003 = vector.broadcast %sub3A_1002 : i32 to vector<16xi32>
      %sub3A_1004 = arith.subi %div3A_977, %sub3A_1003 : vector<16xi32>
      %select_n3A_1005 = arith.select %and3A_1001, %sub3A_1004, %div3A_977 : vector<16xi1>, vector<16xi32>
      %jit3A_1006 = arith.constant 7 : i32
      %eq3A_1007 = arith.constant 0 : i32
      %eq3A_1008 = arith.cmpi eq, %jit3A_1006, %eq3A_1007 : i32
      %jit3A_1009 = arith.constant 1 : i32
      %select_n3A_1010 = arith.select %eq3A_1008, %jit3A_1009, %jit3A_1006 : i32
      %rem3A_1011 = vector.broadcast %select_n3A_1010 : i32 to vector<16xi32>
      %rem3A_1012 = arith.remsi %add3A_974, %rem3A_1011 : vector<16xi32>
      %ne3A_1013 = arith.constant 0 : i32
      %ne3A_1014 = vector.broadcast %ne3A_1013 : i32 to vector<16xi32>
      %ne3A_1015 = arith.cmpi ne, %rem3A_1012, %ne3A_1014 : vector<16xi32>
      %lt3A_1016 = arith.constant 0 : i32
      %lt3A_1017 = vector.broadcast %lt3A_1016 : i32 to vector<16xi32>
      %lt3A_1018 = arith.cmpi slt, %rem3A_1012, %lt3A_1017 : vector<16xi32>
      %lt3A_1019 = arith.constant 0 : i32
      %lt3A_1020 = arith.cmpi slt, %select_n3A_1010, %lt3A_1019 : i32
      %ne3A_1021 = vector.broadcast %lt3A_1020 : i1 to vector<16xi1>
      %ne3A_1022 = vector.broadcast %ne3A_1021 : vector<16xi1> to vector<16xi1>
      %ne3A_1023 = arith.xori %lt3A_1018, %ne3A_1022 : vector<16xi1>
      %and3A_1024 = arith.andi %ne3A_1023, %ne3A_1015 : vector<16xi1>
      %add3A_1025 = vector.broadcast %select_n3A_1010 : i32 to vector<16xi32>
      %add3A_1026 = arith.addi %rem3A_1012, %add3A_1025 : vector<16xi32>
      %select_n3A_1027 = arith.select %and3A_1024, %add3A_1026, %rem3A_1012 : vector<16xi1>, vector<16xi32>
      %convert_element_type3A_1028 = arith.sitofp %select_n3A_1005 : vector<16xi32> to vector<16xf32>
      %add3A_1029 = arith.constant 5.000000e-01 : f32
      %add3A_1030 = vector.broadcast %add3A_1029 : f32 to vector<16xf32>
      %add3A_1031 = arith.addf %convert_element_type3A_1028, %add3A_1030 : vector<16xf32>
      %mul3A_1032 = arith.mulf %add3A_1031, %div3A_797 : vector<16xf32>
      %add3A_1033 = arith.addf %sub3A_771, %mul3A_1032 : vector<16xf32>
      %convert_element_type3A_1034 = arith.sitofp %select_n3A_1027 : vector<16xi32> to vector<16xf32>
      %add3A_1035 = arith.constant 5.000000e-01 : f32
      %add3A_1036 = vector.broadcast %add3A_1035 : f32 to vector<16xf32>
      %add3A_1037 = arith.addf %convert_element_type3A_1034, %add3A_1036 : vector<16xf32>
      %mul3A_1038 = arith.mulf %add3A_1037, %div3A_801 : vector<16xf32>
      %add3A_1039 = arith.addf %sub3A_760, %mul3A_1038 : vector<16xf32>
      %gt3A_1040 = arith.constant -1.000000e+00 : f32
      %gt3A_1041 = vector.broadcast %gt3A_1040 : f32 to vector<16xf32>
      %gt3A_1042 = arith.cmpf ogt, %add3A_1033, %gt3A_1041 : vector<16xf32>
      %lt3A_1043 = arith.constant 5.600000e+01 : f32
      %lt3A_1044 = vector.broadcast %lt3A_1043 : f32 to vector<16xf32>
      %lt3A_1045 = arith.cmpf olt, %add3A_1033, %lt3A_1044 : vector<16xf32>
      %and3A_1046 = arith.andi %gt3A_1042, %lt3A_1045 : vector<16xi1>
      %gt3A_1047 = arith.constant -1.000000e+00 : f32
      %gt3A_1048 = vector.broadcast %gt3A_1047 : f32 to vector<16xf32>
      %gt3A_1049 = arith.cmpf ogt, %add3A_1039, %gt3A_1048 : vector<16xf32>
      %and3A_1050 = arith.andi %and3A_1046, %gt3A_1049 : vector<16xi1>
      %lt3A_1051 = arith.constant 5.600000e+01 : f32
      %lt3A_1052 = vector.broadcast %lt3A_1051 : f32 to vector<16xf32>
      %lt3A_1053 = arith.cmpf olt, %add3A_1039, %lt3A_1052 : vector<16xf32>
      %and3A_1054 = arith.andi %and3A_1050, %lt3A_1053 : vector<16xi1>
      %jit3A_1055 = arith.constant 0.000000e+00 : f32
      %jit3A_1056 = arith.constant 5.500000e+01 : f32
      %max3A_1057 = vector.broadcast %jit3A_1055 : f32 to vector<16xf32>
      %max3A_1058 = arith.maximumf %max3A_1057, %add3A_1033 : vector<16xf32>
      %min3A_1059 = vector.broadcast %jit3A_1056 : f32 to vector<16xf32>
      %min3A_1060 = arith.minimumf %min3A_1059, %max3A_1058 : vector<16xf32>
      %jit3A_1061 = arith.constant 0.000000e+00 : f32
      %jit3A_1062 = arith.constant 5.500000e+01 : f32
      %max3A_1063 = vector.broadcast %jit3A_1061 : f32 to vector<16xf32>
      %max3A_1064 = arith.maximumf %max3A_1063, %add3A_1039 : vector<16xf32>
      %min3A_1065 = vector.broadcast %jit3A_1062 : f32 to vector<16xf32>
      %min3A_1066 = arith.minimumf %min3A_1065, %max3A_1064 : vector<16xf32>
      %convert_element_type3A_1067 = arith.fptosi %min3A_1060 : vector<16xf32> to vector<16xi32>
      %convert_element_type3A_1068 = arith.fptosi %min3A_1066 : vector<16xf32> to vector<16xi32>
      %add3A_1069 = arith.constant 1 : i32
      %add3A_1070 = vector.broadcast %add3A_1069 : i32 to vector<16xi32>
      %add3A_1071 = arith.addi %convert_element_type3A_1067, %add3A_1070 : vector<16xi32>
      %min3A_1072 = arith.constant 55 : i32
      %min3A_1073 = vector.broadcast %min3A_1072 : i32 to vector<16xi32>
      %min3A_1074 = arith.minsi %add3A_1071, %min3A_1073 : vector<16xi32>
      %add3A_1075 = arith.constant 1 : i32
      %add3A_1076 = vector.broadcast %add3A_1075 : i32 to vector<16xi32>
      %add3A_1077 = arith.addi %convert_element_type3A_1068, %add3A_1076 : vector<16xi32>
      %min3A_1078 = arith.constant 55 : i32
      %min3A_1079 = vector.broadcast %min3A_1078 : i32 to vector<16xi32>
      %min3A_1080 = arith.minsi %add3A_1077, %min3A_1079 : vector<16xi32>
      %convert_element_type3A_1081 = arith.sitofp %convert_element_type3A_1067 : vector<16xi32> to vector<16xf32>
      %sub3A_1082 = arith.subf %min3A_1060, %convert_element_type3A_1081 : vector<16xf32>
      %convert_element_type3A_1083 = arith.sitofp %convert_element_type3A_1068 : vector<16xi32> to vector<16xf32>
      %sub3A_1084 = arith.subf %min3A_1066, %convert_element_type3A_1083 : vector<16xf32>
      %sub3A_1085 = arith.constant 1.000000e+00 : f32
      %sub3A_1086 = vector.broadcast %sub3A_1085 : f32 to vector<16xf32>
      %sub3A_1087 = arith.subf %sub3A_1086, %sub3A_1082 : vector<16xf32>
      %sub3A_1088 = arith.constant 1.000000e+00 : f32
      %sub3A_1089 = vector.broadcast %sub3A_1088 : f32 to vector<16xf32>
      %sub3A_1090 = arith.subf %sub3A_1089, %sub3A_1084 : vector<16xf32>
      %jit3A_1091 = arith.constant 1.000000e+00 : f32
      %jit3A_1092 = arith.constant 0.000000e+00 : f32
      %broadcast_in_dim3A_1093 = vector.broadcast %jit3A_1091 : f32 to vector<16xf32>
      %broadcast_in_dim3A_1094 = vector.broadcast %jit3A_1092 : f32 to vector<16xf32>
      %select_n3A_1095 = arith.select %and3A_1054, %broadcast_in_dim3A_1093, %broadcast_in_dim3A_1094 : vector<16xi1>, vector<16xf32>
      %mul3A_1096 = arith.constant 56 : i32
      %mul3A_1097 = vector.broadcast %mul3A_1096 : i32 to vector<16xi32>
      %mul3A_1098 = arith.muli %convert_element_type3A_1067, %mul3A_1097 : vector<16xi32>
      %add3A_1099 = arith.addi %mul3A_804, %mul3A_1098 : vector<16xi32>
      %mul3A_1100 = arith.constant 56 : i32
      %mul3A_1101 = vector.broadcast %mul3A_1100 : i32 to vector<16xi32>
      %mul3A_1102 = arith.muli %min3A_1074, %mul3A_1101 : vector<16xi32>
      %add3A_1103 = arith.addi %mul3A_804, %mul3A_1102 : vector<16xi32>
      %add3A_1104 = arith.addi %add3A_1099, %convert_element_type3A_1068 : vector<16xi32>
      %swap3A_1105 = arith.constant 16 : index
      %swap3A_1106 = tpu.vector_load %arg10[%swap3A_1105] {strides = array<i32>} : memref<49xi32, #tpu.memory_space<vmem>>, vector<16xi32>,
      tpu.vector_store %arg10[%swap3A_1105], %add3A_1104 {strides = array<i32>} : memref<49xi32, #tpu.memory_space<vmem>>, vector<16xi32>,
      %add3A_1107 = arith.addi %add3A_1099, %min3A_1080 : vector<16xi32>
      %swap3A_1108 = arith.constant 16 : index
      %swap3A_1109 = tpu.vector_load %arg11[%swap3A_1108] {strides = array<i32>} : memref<49xi32, #tpu.memory_space<vmem>>, vector<16xi32>,
      tpu.vector_store %arg11[%swap3A_1108], %add3A_1107 {strides = array<i32>} : memref<49xi32, #tpu.memory_space<vmem>>, vector<16xi32>,
      %add3A_1110 = arith.addi %add3A_1103, %convert_element_type3A_1068 : vector<16xi32>
      %swap3A_1111 = arith.constant 16 : index
      %swap3A_1112 = tpu.vector_load %arg12[%swap3A_1111] {strides = array<i32>} : memref<49xi32, #tpu.memory_space<vmem>>, vector<16xi32>,
      tpu.vector_store %arg12[%swap3A_1111], %add3A_1110 {strides = array<i32>} : memref<49xi32, #tpu.memory_space<vmem>>, vector<16xi32>,
      %add3A_1113 = arith.addi %add3A_1103, %min3A_1080 : vector<16xi32>
      %swap3A_1114 = arith.constant 16 : index
      %swap3A_1115 = tpu.vector_load %arg13[%swap3A_1114] {strides = array<i32>} : memref<49xi32, #tpu.memory_space<vmem>>, vector<16xi32>,
      tpu.vector_store %arg13[%swap3A_1114], %add3A_1113 {strides = array<i32>} : memref<49xi32, #tpu.memory_space<vmem>>, vector<16xi32>,
      %mul3A_1116 = arith.constant 4 : i32
      %mul3A_1117 = vector.broadcast %mul3A_1116 : i32 to vector<16xi32>
      %mul3A_1118 = arith.muli %add3A_974, %mul3A_1117 : vector<16xi32>
      %add3A_1119 = arith.constant 0 : i32
      %add3A_1120 = vector.broadcast %add3A_1119 : i32 to vector<16xi32>
      %add3A_1121 = arith.addi %mul3A_1118, %add3A_1120 : vector<16xi32>
      %mul3A_1122 = arith.mulf %sub3A_1087, %sub3A_1090 : vector<16xf32>
      %mul3A_1123 = arith.mulf %mul3A_1122, %select_n3A_1095 : vector<16xf32>
      tpu.vector_store_idx %arg15[%add3A_1121], %mul3A_1123 : memref<212xf32, #tpu.memory_space<vmem>>[vector<16xi32>], vector<16xf32>,
      %add3A_1124 = arith.constant 1 : i32
      %add3A_1125 = vector.broadcast %add3A_1124 : i32 to vector<16xi32>
      %add3A_1126 = arith.addi %mul3A_1118, %add3A_1125 : vector<16xi32>
      %mul3A_1127 = arith.mulf %sub3A_1087, %sub3A_1084 : vector<16xf32>
      %mul3A_1128 = arith.mulf %mul3A_1127, %select_n3A_1095 : vector<16xf32>
      tpu.vector_store_idx %arg15[%add3A_1126], %mul3A_1128 : memref<212xf32, #tpu.memory_space<vmem>>[vector<16xi32>], vector<16xf32>,
      %add3A_1129 = arith.constant 2 : i32
      %add3A_1130 = vector.broadcast %add3A_1129 : i32 to vector<16xi32>
      %add3A_1131 = arith.addi %mul3A_1118, %add3A_1130 : vector<16xi32>
      %mul3A_1132 = arith.mulf %sub3A_1082, %sub3A_1090 : vector<16xf32>
      %mul3A_1133 = arith.mulf %mul3A_1132, %select_n3A_1095 : vector<16xf32>
      tpu.vector_store_idx %arg15[%add3A_1131], %mul3A_1133 : memref<212xf32, #tpu.memory_space<vmem>>[vector<16xi32>], vector<16xf32>,
      %add3A_1134 = arith.constant 3 : i32
      %add3A_1135 = vector.broadcast %add3A_1134 : i32 to vector<16xi32>
      %add3A_1136 = arith.addi %mul3A_1118, %add3A_1135 : vector<16xi32>
      %mul3A_1137 = arith.mulf %sub3A_1082, %sub3A_1084 : vector<16xf32>
      %mul3A_1138 = arith.mulf %mul3A_1137, %select_n3A_1095 : vector<16xf32>
      tpu.vector_store_idx %arg15[%add3A_1136], %mul3A_1138 : memref<212xf32, #tpu.memory_space<vmem>>[vector<16xi32>], vector<16xf32>,
      %add3A_1139 = arith.constant 32 : i32
      %add3A_1140 = vector.broadcast %add3A_1139 : i32 to vector<16xi32>
      %add3A_1141 = arith.addi %iota3A, %add3A_1140 : vector<16xi32>
      %jit3A_1142 = arith.constant 7 : i32
      %div3A_1143 = vector.broadcast %jit3A_1142 : i32 to vector<16xi32>
      %div3A_1144 = arith.divsi %add3A_1141, %div3A_1143 : vector<16xi32>
      %sign3A_1145 = arith.constant 0 : i32
      %sign3A_1146 = vector.broadcast %sign3A_1145 : i32 to vector<16xi32>
      %sign3A_1147 = arith.cmpi sgt, %add3A_1141, %sign3A_1146 : vector<16xi32>
      %sign3A_1148 = arith.extui %sign3A_1147 : vector<16xi1> to vector<16xi32>
      %sign3A_1149 = arith.constant 0 : i32
      %sign3A_1150 = vector.broadcast %sign3A_1149 : i32 to vector<16xi32>
      %sign3A_1151 = arith.cmpi slt, %add3A_1141, %sign3A_1150 : vector<16xi32>
      %sign3A_1152 = arith.extui %sign3A_1151 : vector<16xi1> to vector<16xi32>
      %sign3A_1153 = arith.subi %sign3A_1148, %sign3A_1152 : vector<16xi32>
      %sign3A_1154 = arith.constant 0 : i32
      %sign3A_1155 = arith.cmpi sgt, %jit3A_1142, %sign3A_1154 : i32
      %sign3A_1156 = arith.extui %sign3A_1155 : i1 to i32
      %sign3A_1157 = arith.constant 0 : i32
      %sign3A_1158 = arith.cmpi slt, %jit3A_1142, %sign3A_1157 : i32
      %sign3A_1159 = arith.extui %sign3A_1158 : i1 to i32
      %sign3A_1160 = arith.subi %sign3A_1156, %sign3A_1159 : i32
      %ne3A_1161 = vector.broadcast %sign3A_1160 : i32 to vector<16xi32>
      %ne3A_1162 = arith.cmpi ne, %sign3A_1153, %ne3A_1161 : vector<16xi32>
      %rem3A_1163 = vector.broadcast %jit3A_1142 : i32 to vector<16xi32>
      %rem3A_1164 = arith.remsi %add3A_1141, %rem3A_1163 : vector<16xi32>
      %ne3A_1165 = arith.constant 0 : i32
      %ne3A_1166 = vector.broadcast %ne3A_1165 : i32 to vector<16xi32>
      %ne3A_1167 = arith.cmpi ne, %rem3A_1164, %ne3A_1166 : vector<16xi32>
      %and3A_1168 = arith.andi %ne3A_1162, %ne3A_1167 : vector<16xi1>
      %sub3A_1169 = arith.constant 1 : i32
      %sub3A_1170 = vector.broadcast %sub3A_1169 : i32 to vector<16xi32>
      %sub3A_1171 = arith.subi %div3A_1144, %sub3A_1170 : vector<16xi32>
      %select_n3A_1172 = arith.select %and3A_1168, %sub3A_1171, %div3A_1144 : vector<16xi1>, vector<16xi32>
      %jit3A_1173 = arith.constant 7 : i32
      %eq3A_1174 = arith.constant 0 : i32
      %eq3A_1175 = arith.cmpi eq, %jit3A_1173, %eq3A_1174 : i32
      %jit3A_1176 = arith.constant 1 : i32
      %select_n3A_1177 = arith.select %eq3A_1175, %jit3A_1176, %jit3A_1173 : i32
      %rem3A_1178 = vector.broadcast %select_n3A_1177 : i32 to vector<16xi32>
      %rem3A_1179 = arith.remsi %add3A_1141, %rem3A_1178 : vector<16xi32>
      %ne3A_1180 = arith.constant 0 : i32
      %ne3A_1181 = vector.broadcast %ne3A_1180 : i32 to vector<16xi32>
      %ne3A_1182 = arith.cmpi ne, %rem3A_1179, %ne3A_1181 : vector<16xi32>
      %lt3A_1183 = arith.constant 0 : i32
      %lt3A_1184 = vector.broadcast %lt3A_1183 : i32 to vector<16xi32>
      %lt3A_1185 = arith.cmpi slt, %rem3A_1179, %lt3A_1184 : vector<16xi32>
      %lt3A_1186 = arith.constant 0 : i32
      %lt3A_1187 = arith.cmpi slt, %select_n3A_1177, %lt3A_1186 : i32
      %ne3A_1188 = vector.broadcast %lt3A_1187 : i1 to vector<16xi1>
      %ne3A_1189 = vector.broadcast %ne3A_1188 : vector<16xi1> to vector<16xi1>
      %ne3A_1190 = arith.xori %lt3A_1185, %ne3A_1189 : vector<16xi1>
      %and3A_1191 = arith.andi %ne3A_1190, %ne3A_1182 : vector<16xi1>
      %add3A_1192 = vector.broadcast %select_n3A_1177 : i32 to vector<16xi32>
      %add3A_1193 = arith.addi %rem3A_1179, %add3A_1192 : vector<16xi32>
      %select_n3A_1194 = arith.select %and3A_1191, %add3A_1193, %rem3A_1179 : vector<16xi1>, vector<16xi32>
      %convert_element_type3A_1195 = arith.sitofp %select_n3A_1172 : vector<16xi32> to vector<16xf32>
      %add3A_1196 = arith.constant 5.000000e-01 : f32
      %add3A_1197 = vector.broadcast %add3A_1196 : f32 to vector<16xf32>
      %add3A_1198 = arith.addf %convert_element_type3A_1195, %add3A_1197 : vector<16xf32>
      %mul3A_1199 = arith.mulf %add3A_1198, %div3A_797 : vector<16xf32>
      %add3A_1200 = arith.addf %sub3A_771, %mul3A_1199 : vector<16xf32>
      %convert_element_type3A_1201 = arith.sitofp %select_n3A_1194 : vector<16xi32> to vector<16xf32>
      %add3A_1202 = arith.constant 5.000000e-01 : f32
      %add3A_1203 = vector.broadcast %add3A_1202 : f32 to vector<16xf32>
      %add3A_1204 = arith.addf %convert_element_type3A_1201, %add3A_1203 : vector<16xf32>
      %mul3A_1205 = arith.mulf %add3A_1204, %div3A_801 : vector<16xf32>
      %add3A_1206 = arith.addf %sub3A_760, %mul3A_1205 : vector<16xf32>
      %gt3A_1207 = arith.constant -1.000000e+00 : f32
      %gt3A_1208 = vector.broadcast %gt3A_1207 : f32 to vector<16xf32>
      %gt3A_1209 = arith.cmpf ogt, %add3A_1200, %gt3A_1208 : vector<16xf32>
      %lt3A_1210 = arith.constant 5.600000e+01 : f32
      %lt3A_1211 = vector.broadcast %lt3A_1210 : f32 to vector<16xf32>
      %lt3A_1212 = arith.cmpf olt, %add3A_1200, %lt3A_1211 : vector<16xf32>
      %and3A_1213 = arith.andi %gt3A_1209, %lt3A_1212 : vector<16xi1>
      %gt3A_1214 = arith.constant -1.000000e+00 : f32
      %gt3A_1215 = vector.broadcast %gt3A_1214 : f32 to vector<16xf32>
      %gt3A_1216 = arith.cmpf ogt, %add3A_1206, %gt3A_1215 : vector<16xf32>
      %and3A_1217 = arith.andi %and3A_1213, %gt3A_1216 : vector<16xi1>
      %lt3A_1218 = arith.constant 5.600000e+01 : f32
      %lt3A_1219 = vector.broadcast %lt3A_1218 : f32 to vector<16xf32>
      %lt3A_1220 = arith.cmpf olt, %add3A_1206, %lt3A_1219 : vector<16xf32>
      %and3A_1221 = arith.andi %and3A_1217, %lt3A_1220 : vector<16xi1>
      %jit3A_1222 = arith.constant 0.000000e+00 : f32
      %jit3A_1223 = arith.constant 5.500000e+01 : f32
      %max3A_1224 = vector.broadcast %jit3A_1222 : f32 to vector<16xf32>
      %max3A_1225 = arith.maximumf %max3A_1224, %add3A_1200 : vector<16xf32>
      %min3A_1226 = vector.broadcast %jit3A_1223 : f32 to vector<16xf32>
      %min3A_1227 = arith.minimumf %min3A_1226, %max3A_1225 : vector<16xf32>
      %jit3A_1228 = arith.constant 0.000000e+00 : f32
      %jit3A_1229 = arith.constant 5.500000e+01 : f32
      %max3A_1230 = vector.broadcast %jit3A_1228 : f32 to vector<16xf32>
      %max3A_1231 = arith.maximumf %max3A_1230, %add3A_1206 : vector<16xf32>
      %min3A_1232 = vector.broadcast %jit3A_1229 : f32 to vector<16xf32>
      %min3A_1233 = arith.minimumf %min3A_1232, %max3A_1231 : vector<16xf32>
      %convert_element_type3A_1234 = arith.fptosi %min3A_1227 : vector<16xf32> to vector<16xi32>
      %convert_element_type3A_1235 = arith.fptosi %min3A_1233 : vector<16xf32> to vector<16xi32>
      %add3A_1236 = arith.constant 1 : i32
      %add3A_1237 = vector.broadcast %add3A_1236 : i32 to vector<16xi32>
      %add3A_1238 = arith.addi %convert_element_type3A_1234, %add3A_1237 : vector<16xi32>
      %min3A_1239 = arith.constant 55 : i32
      %min3A_1240 = vector.broadcast %min3A_1239 : i32 to vector<16xi32>
      %min3A_1241 = arith.minsi %add3A_1238, %min3A_1240 : vector<16xi32>
      %add3A_1242 = arith.constant 1 : i32
      %add3A_1243 = vector.broadcast %add3A_1242 : i32 to vector<16xi32>
      %add3A_1244 = arith.addi %convert_element_type3A_1235, %add3A_1243 : vector<16xi32>
      %min3A_1245 = arith.constant 55 : i32
      %min3A_1246 = vector.broadcast %min3A_1245 : i32 to vector<16xi32>
      %min3A_1247 = arith.minsi %add3A_1244, %min3A_1246 : vector<16xi32>
      %convert_element_type3A_1248 = arith.sitofp %convert_element_type3A_1234 : vector<16xi32> to vector<16xf32>
      %sub3A_1249 = arith.subf %min3A_1227, %convert_element_type3A_1248 : vector<16xf32>
      %convert_element_type3A_1250 = arith.sitofp %convert_element_type3A_1235 : vector<16xi32> to vector<16xf32>
      %sub3A_1251 = arith.subf %min3A_1233, %convert_element_type3A_1250 : vector<16xf32>
      %sub3A_1252 = arith.constant 1.000000e+00 : f32
      %sub3A_1253 = vector.broadcast %sub3A_1252 : f32 to vector<16xf32>
      %sub3A_1254 = arith.subf %sub3A_1253, %sub3A_1249 : vector<16xf32>
      %sub3A_1255 = arith.constant 1.000000e+00 : f32
      %sub3A_1256 = vector.broadcast %sub3A_1255 : f32 to vector<16xf32>
      %sub3A_1257 = arith.subf %sub3A_1256, %sub3A_1251 : vector<16xf32>
      %jit3A_1258 = arith.constant 1.000000e+00 : f32
      %jit3A_1259 = arith.constant 0.000000e+00 : f32
      %broadcast_in_dim3A_1260 = vector.broadcast %jit3A_1258 : f32 to vector<16xf32>
      %broadcast_in_dim3A_1261 = vector.broadcast %jit3A_1259 : f32 to vector<16xf32>
      %select_n3A_1262 = arith.select %and3A_1221, %broadcast_in_dim3A_1260, %broadcast_in_dim3A_1261 : vector<16xi1>, vector<16xf32>
      %mul3A_1263 = arith.constant 56 : i32
      %mul3A_1264 = vector.broadcast %mul3A_1263 : i32 to vector<16xi32>
      %mul3A_1265 = arith.muli %convert_element_type3A_1234, %mul3A_1264 : vector<16xi32>
      %add3A_1266 = arith.addi %mul3A_804, %mul3A_1265 : vector<16xi32>
      %mul3A_1267 = arith.constant 56 : i32
      %mul3A_1268 = vector.broadcast %mul3A_1267 : i32 to vector<16xi32>
      %mul3A_1269 = arith.muli %min3A_1241, %mul3A_1268 : vector<16xi32>
      %add3A_1270 = arith.addi %mul3A_804, %mul3A_1269 : vector<16xi32>
      %add3A_1271 = arith.addi %add3A_1266, %convert_element_type3A_1235 : vector<16xi32>
      %swap3A_1272 = arith.constant 32 : index
      %swap3A_1273 = tpu.vector_load %arg10[%swap3A_1272] {strides = array<i32>} : memref<49xi32, #tpu.memory_space<vmem>>, vector<16xi32>,
      tpu.vector_store %arg10[%swap3A_1272], %add3A_1271 {strides = array<i32>} : memref<49xi32, #tpu.memory_space<vmem>>, vector<16xi32>,
      %add3A_1274 = arith.addi %add3A_1266, %min3A_1247 : vector<16xi32>
      %swap3A_1275 = arith.constant 32 : index
      %swap3A_1276 = tpu.vector_load %arg11[%swap3A_1275] {strides = array<i32>} : memref<49xi32, #tpu.memory_space<vmem>>, vector<16xi32>,
      tpu.vector_store %arg11[%swap3A_1275], %add3A_1274 {strides = array<i32>} : memref<49xi32, #tpu.memory_space<vmem>>, vector<16xi32>,
      %add3A_1277 = arith.addi %add3A_1270, %convert_element_type3A_1235 : vector<16xi32>
      %swap3A_1278 = arith.constant 32 : index
      %swap3A_1279 = tpu.vector_load %arg12[%swap3A_1278] {strides = array<i32>} : memref<49xi32, #tpu.memory_space<vmem>>, vector<16xi32>,
      tpu.vector_store %arg12[%swap3A_1278], %add3A_1277 {strides = array<i32>} : memref<49xi32, #tpu.memory_space<vmem>>, vector<16xi32>,
      %add3A_1280 = arith.addi %add3A_1270, %min3A_1247 : vector<16xi32>
      %swap3A_1281 = arith.constant 32 : index
      %swap3A_1282 = tpu.vector_load %arg13[%swap3A_1281] {strides = array<i32>} : memref<49xi32, #tpu.memory_space<vmem>>, vector<16xi32>,
      tpu.vector_store %arg13[%swap3A_1281], %add3A_1280 {strides = array<i32>} : memref<49xi32, #tpu.memory_space<vmem>>, vector<16xi32>,
      %mul3A_1283 = arith.constant 4 : i32
      %mul3A_1284 = vector.broadcast %mul3A_1283 : i32 to vector<16xi32>
      %mul3A_1285 = arith.muli %add3A_1141, %mul3A_1284 : vector<16xi32>
      %add3A_1286 = arith.constant 0 : i32
      %add3A_1287 = vector.broadcast %add3A_1286 : i32 to vector<16xi32>
      %add3A_1288 = arith.addi %mul3A_1285, %add3A_1287 : vector<16xi32>
      %mul3A_1289 = arith.mulf %sub3A_1254, %sub3A_1257 : vector<16xf32>
      %mul3A_1290 = arith.mulf %mul3A_1289, %select_n3A_1262 : vector<16xf32>
      tpu.vector_store_idx %arg15[%add3A_1288], %mul3A_1290 : memref<212xf32, #tpu.memory_space<vmem>>[vector<16xi32>], vector<16xf32>,
      %add3A_1291 = arith.constant 1 : i32
      %add3A_1292 = vector.broadcast %add3A_1291 : i32 to vector<16xi32>
      %add3A_1293 = arith.addi %mul3A_1285, %add3A_1292 : vector<16xi32>
      %mul3A_1294 = arith.mulf %sub3A_1254, %sub3A_1251 : vector<16xf32>
      %mul3A_1295 = arith.mulf %mul3A_1294, %select_n3A_1262 : vector<16xf32>
      tpu.vector_store_idx %arg15[%add3A_1293], %mul3A_1295 : memref<212xf32, #tpu.memory_space<vmem>>[vector<16xi32>], vector<16xf32>,
      %add3A_1296 = arith.constant 2 : i32
      %add3A_1297 = vector.broadcast %add3A_1296 : i32 to vector<16xi32>
      %add3A_1298 = arith.addi %mul3A_1285, %add3A_1297 : vector<16xi32>
      %mul3A_1299 = arith.mulf %sub3A_1249, %sub3A_1257 : vector<16xf32>
      %mul3A_1300 = arith.mulf %mul3A_1299, %select_n3A_1262 : vector<16xf32>
      tpu.vector_store_idx %arg15[%add3A_1298], %mul3A_1300 : memref<212xf32, #tpu.memory_space<vmem>>[vector<16xi32>], vector<16xf32>,
      %add3A_1301 = arith.constant 3 : i32
      %add3A_1302 = vector.broadcast %add3A_1301 : i32 to vector<16xi32>
      %add3A_1303 = arith.addi %mul3A_1285, %add3A_1302 : vector<16xi32>
      %mul3A_1304 = arith.mulf %sub3A_1249, %sub3A_1251 : vector<16xf32>
      %mul3A_1305 = arith.mulf %mul3A_1304, %select_n3A_1262 : vector<16xf32>
      tpu.vector_store_idx %arg15[%add3A_1303], %mul3A_1305 : memref<212xf32, #tpu.memory_space<vmem>>[vector<16xi32>], vector<16xf32>,
      %add3A_1306 = arith.constant 33 : i32
      %add3A_1307 = vector.broadcast %add3A_1306 : i32 to vector<16xi32>
      %add3A_1308 = arith.addi %iota3A, %add3A_1307 : vector<16xi32>
      %jit3A_1309 = arith.constant 7 : i32
      %div3A_1310 = vector.broadcast %jit3A_1309 : i32 to vector<16xi32>
      %div3A_1311 = arith.divsi %add3A_1308, %div3A_1310 : vector<16xi32>
      %sign3A_1312 = arith.constant 0 : i32
      %sign3A_1313 = vector.broadcast %sign3A_1312 : i32 to vector<16xi32>
      %sign3A_1314 = arith.cmpi sgt, %add3A_1308, %sign3A_1313 : vector<16xi32>
      %sign3A_1315 = arith.extui %sign3A_1314 : vector<16xi1> to vector<16xi32>
      %sign3A_1316 = arith.constant 0 : i32
      %sign3A_1317 = vector.broadcast %sign3A_1316 : i32 to vector<16xi32>
      %sign3A_1318 = arith.cmpi slt, %add3A_1308, %sign3A_1317 : vector<16xi32>
      %sign3A_1319 = arith.extui %sign3A_1318 : vector<16xi1> to vector<16xi32>
      %sign3A_1320 = arith.subi %sign3A_1315, %sign3A_1319 : vector<16xi32>
      %sign3A_1321 = arith.constant 0 : i32
      %sign3A_1322 = arith.cmpi sgt, %jit3A_1309, %sign3A_1321 : i32
      %sign3A_1323 = arith.extui %sign3A_1322 : i1 to i32
      %sign3A_1324 = arith.constant 0 : i32
      %sign3A_1325 = arith.cmpi slt, %jit3A_1309, %sign3A_1324 : i32
      %sign3A_1326 = arith.extui %sign3A_1325 : i1 to i32
      %sign3A_1327 = arith.subi %sign3A_1323, %sign3A_1326 : i32
      %ne3A_1328 = vector.broadcast %sign3A_1327 : i32 to vector<16xi32>
      %ne3A_1329 = arith.cmpi ne, %sign3A_1320, %ne3A_1328 : vector<16xi32>
      %rem3A_1330 = vector.broadcast %jit3A_1309 : i32 to vector<16xi32>
      %rem3A_1331 = arith.remsi %add3A_1308, %rem3A_1330 : vector<16xi32>
      %ne3A_1332 = arith.constant 0 : i32
      %ne3A_1333 = vector.broadcast %ne3A_1332 : i32 to vector<16xi32>
      %ne3A_1334 = arith.cmpi ne, %rem3A_1331, %ne3A_1333 : vector<16xi32>
      %and3A_1335 = arith.andi %ne3A_1329, %ne3A_1334 : vector<16xi1>
      %sub3A_1336 = arith.constant 1 : i32
      %sub3A_1337 = vector.broadcast %sub3A_1336 : i32 to vector<16xi32>
      %sub3A_1338 = arith.subi %div3A_1311, %sub3A_1337 : vector<16xi32>
      %select_n3A_1339 = arith.select %and3A_1335, %sub3A_1338, %div3A_1311 : vector<16xi1>, vector<16xi32>
      %jit3A_1340 = arith.constant 7 : i32
      %eq3A_1341 = arith.constant 0 : i32
      %eq3A_1342 = arith.cmpi eq, %jit3A_1340, %eq3A_1341 : i32
      %jit3A_1343 = arith.constant 1 : i32
      %select_n3A_1344 = arith.select %eq3A_1342, %jit3A_1343, %jit3A_1340 : i32
      %rem3A_1345 = vector.broadcast %select_n3A_1344 : i32 to vector<16xi32>
      %rem3A_1346 = arith.remsi %add3A_1308, %rem3A_1345 : vector<16xi32>
      %ne3A_1347 = arith.constant 0 : i32
      %ne3A_1348 = vector.broadcast %ne3A_1347 : i32 to vector<16xi32>
      %ne3A_1349 = arith.cmpi ne, %rem3A_1346, %ne3A_1348 : vector<16xi32>
      %lt3A_1350 = arith.constant 0 : i32
      %lt3A_1351 = vector.broadcast %lt3A_1350 : i32 to vector<16xi32>
      %lt3A_1352 = arith.cmpi slt, %rem3A_1346, %lt3A_1351 : vector<16xi32>
      %lt3A_1353 = arith.constant 0 : i32
      %lt3A_1354 = arith.cmpi slt, %select_n3A_1344, %lt3A_1353 : i32
      %ne3A_1355 = vector.broadcast %lt3A_1354 : i1 to vector<16xi1>
      %ne3A_1356 = vector.broadcast %ne3A_1355 : vector<16xi1> to vector<16xi1>
      %ne3A_1357 = arith.xori %lt3A_1352, %ne3A_1356 : vector<16xi1>
      %and3A_1358 = arith.andi %ne3A_1357, %ne3A_1349 : vector<16xi1>
      %add3A_1359 = vector.broadcast %select_n3A_1344 : i32 to vector<16xi32>
      %add3A_1360 = arith.addi %rem3A_1346, %add3A_1359 : vector<16xi32>
      %select_n3A_1361 = arith.select %and3A_1358, %add3A_1360, %rem3A_1346 : vector<16xi1>, vector<16xi32>
      %convert_element_type3A_1362 = arith.sitofp %select_n3A_1339 : vector<16xi32> to vector<16xf32>
      %add3A_1363 = arith.constant 5.000000e-01 : f32
      %add3A_1364 = vector.broadcast %add3A_1363 : f32 to vector<16xf32>
      %add3A_1365 = arith.addf %convert_element_type3A_1362, %add3A_1364 : vector<16xf32>
      %mul3A_1366 = arith.mulf %add3A_1365, %div3A_797 : vector<16xf32>
      %add3A_1367 = arith.addf %sub3A_771, %mul3A_1366 : vector<16xf32>
      %convert_element_type3A_1368 = arith.sitofp %select_n3A_1361 : vector<16xi32> to vector<16xf32>
      %add3A_1369 = arith.constant 5.000000e-01 : f32
      %add3A_1370 = vector.broadcast %add3A_1369 : f32 to vector<16xf32>
      %add3A_1371 = arith.addf %convert_element_type3A_1368, %add3A_1370 : vector<16xf32>
      %mul3A_1372 = arith.mulf %add3A_1371, %div3A_801 : vector<16xf32>
      %add3A_1373 = arith.addf %sub3A_760, %mul3A_1372 : vector<16xf32>
      %gt3A_1374 = arith.constant -1.000000e+00 : f32
      %gt3A_1375 = vector.broadcast %gt3A_1374 : f32 to vector<16xf32>
      %gt3A_1376 = arith.cmpf ogt, %add3A_1367, %gt3A_1375 : vector<16xf32>
      %lt3A_1377 = arith.constant 5.600000e+01 : f32
      %lt3A_1378 = vector.broadcast %lt3A_1377 : f32 to vector<16xf32>
      %lt3A_1379 = arith.cmpf olt, %add3A_1367, %lt3A_1378 : vector<16xf32>
      %and3A_1380 = arith.andi %gt3A_1376, %lt3A_1379 : vector<16xi1>
      %gt3A_1381 = arith.constant -1.000000e+00 : f32
      %gt3A_1382 = vector.broadcast %gt3A_1381 : f32 to vector<16xf32>
      %gt3A_1383 = arith.cmpf ogt, %add3A_1373, %gt3A_1382 : vector<16xf32>
      %and3A_1384 = arith.andi %and3A_1380, %gt3A_1383 : vector<16xi1>
      %lt3A_1385 = arith.constant 5.600000e+01 : f32
      %lt3A_1386 = vector.broadcast %lt3A_1385 : f32 to vector<16xf32>
      %lt3A_1387 = arith.cmpf olt, %add3A_1373, %lt3A_1386 : vector<16xf32>
      %and3A_1388 = arith.andi %and3A_1384, %lt3A_1387 : vector<16xi1>
      %jit3A_1389 = arith.constant 0.000000e+00 : f32
      %jit3A_1390 = arith.constant 5.500000e+01 : f32
      %max3A_1391 = vector.broadcast %jit3A_1389 : f32 to vector<16xf32>
      %max3A_1392 = arith.maximumf %max3A_1391, %add3A_1367 : vector<16xf32>
      %min3A_1393 = vector.broadcast %jit3A_1390 : f32 to vector<16xf32>
      %min3A_1394 = arith.minimumf %min3A_1393, %max3A_1392 : vector<16xf32>
      %jit3A_1395 = arith.constant 0.000000e+00 : f32
      %jit3A_1396 = arith.constant 5.500000e+01 : f32
      %max3A_1397 = vector.broadcast %jit3A_1395 : f32 to vector<16xf32>
      %max3A_1398 = arith.maximumf %max3A_1397, %add3A_1373 : vector<16xf32>
      %min3A_1399 = vector.broadcast %jit3A_1396 : f32 to vector<16xf32>
      %min3A_1400 = arith.minimumf %min3A_1399, %max3A_1398 : vector<16xf32>
      %convert_element_type3A_1401 = arith.fptosi %min3A_1394 : vector<16xf32> to vector<16xi32>
      %convert_element_type3A_1402 = arith.fptosi %min3A_1400 : vector<16xf32> to vector<16xi32>
      %add3A_1403 = arith.constant 1 : i32
      %add3A_1404 = vector.broadcast %add3A_1403 : i32 to vector<16xi32>
      %add3A_1405 = arith.addi %convert_element_type3A_1401, %add3A_1404 : vector<16xi32>
      %min3A_1406 = arith.constant 55 : i32
      %min3A_1407 = vector.broadcast %min3A_1406 : i32 to vector<16xi32>
      %min3A_1408 = arith.minsi %add3A_1405, %min3A_1407 : vector<16xi32>
      %add3A_1409 = arith.constant 1 : i32
      %add3A_1410 = vector.broadcast %add3A_1409 : i32 to vector<16xi32>
      %add3A_1411 = arith.addi %convert_element_type3A_1402, %add3A_1410 : vector<16xi32>
      %min3A_1412 = arith.constant 55 : i32
      %min3A_1413 = vector.broadcast %min3A_1412 : i32 to vector<16xi32>
      %min3A_1414 = arith.minsi %add3A_1411, %min3A_1413 : vector<16xi32>
      %convert_element_type3A_1415 = arith.sitofp %convert_element_type3A_1401 : vector<16xi32> to vector<16xf32>
      %sub3A_1416 = arith.subf %min3A_1394, %convert_element_type3A_1415 : vector<16xf32>
      %convert_element_type3A_1417 = arith.sitofp %convert_element_type3A_1402 : vector<16xi32> to vector<16xf32>
      %sub3A_1418 = arith.subf %min3A_1400, %convert_element_type3A_1417 : vector<16xf32>
      %sub3A_1419 = arith.constant 1.000000e+00 : f32
      %sub3A_1420 = vector.broadcast %sub3A_1419 : f32 to vector<16xf32>
      %sub3A_1421 = arith.subf %sub3A_1420, %sub3A_1416 : vector<16xf32>
      %sub3A_1422 = arith.constant 1.000000e+00 : f32
      %sub3A_1423 = vector.broadcast %sub3A_1422 : f32 to vector<16xf32>
      %sub3A_1424 = arith.subf %sub3A_1423, %sub3A_1418 : vector<16xf32>
      %jit3A_1425 = arith.constant 1.000000e+00 : f32
      %jit3A_1426 = arith.constant 0.000000e+00 : f32
      %broadcast_in_dim3A_1427 = vector.broadcast %jit3A_1425 : f32 to vector<16xf32>
      %broadcast_in_dim3A_1428 = vector.broadcast %jit3A_1426 : f32 to vector<16xf32>
      %select_n3A_1429 = arith.select %and3A_1388, %broadcast_in_dim3A_1427, %broadcast_in_dim3A_1428 : vector<16xi1>, vector<16xf32>
      %mul3A_1430 = arith.constant 56 : i32
      %mul3A_1431 = vector.broadcast %mul3A_1430 : i32 to vector<16xi32>
      %mul3A_1432 = arith.muli %convert_element_type3A_1401, %mul3A_1431 : vector<16xi32>
      %add3A_1433 = arith.addi %mul3A_804, %mul3A_1432 : vector<16xi32>
      %mul3A_1434 = arith.constant 56 : i32
      %mul3A_1435 = vector.broadcast %mul3A_1434 : i32 to vector<16xi32>
      %mul3A_1436 = arith.muli %min3A_1408, %mul3A_1435 : vector<16xi32>
      %add3A_1437 = arith.addi %mul3A_804, %mul3A_1436 : vector<16xi32>
      %add3A_1438 = arith.addi %add3A_1433, %convert_element_type3A_1402 : vector<16xi32>
      %swap3A_1439 = arith.constant 33 : index
      %swap3A_1440 = tpu.vector_load %arg10[%swap3A_1439] {strides = array<i32>} : memref<49xi32, #tpu.memory_space<vmem>>, vector<16xi32>,
      tpu.vector_store %arg10[%swap3A_1439], %add3A_1438 {strides = array<i32>} : memref<49xi32, #tpu.memory_space<vmem>>, vector<16xi32>,
      %add3A_1441 = arith.addi %add3A_1433, %min3A_1414 : vector<16xi32>
      %swap3A_1442 = arith.constant 33 : index
      %swap3A_1443 = tpu.vector_load %arg11[%swap3A_1442] {strides = array<i32>} : memref<49xi32, #tpu.memory_space<vmem>>, vector<16xi32>,
      tpu.vector_store %arg11[%swap3A_1442], %add3A_1441 {strides = array<i32>} : memref<49xi32, #tpu.memory_space<vmem>>, vector<16xi32>,
      %add3A_1444 = arith.addi %add3A_1437, %convert_element_type3A_1402 : vector<16xi32>
      %swap3A_1445 = arith.constant 33 : index
      %swap3A_1446 = tpu.vector_load %arg12[%swap3A_1445] {strides = array<i32>} : memref<49xi32, #tpu.memory_space<vmem>>, vector<16xi32>,
      tpu.vector_store %arg12[%swap3A_1445], %add3A_1444 {strides = array<i32>} : memref<49xi32, #tpu.memory_space<vmem>>, vector<16xi32>,
      %add3A_1447 = arith.addi %add3A_1437, %min3A_1414 : vector<16xi32>
      %swap3A_1448 = arith.constant 33 : index
      %swap3A_1449 = tpu.vector_load %arg13[%swap3A_1448] {strides = array<i32>} : memref<49xi32, #tpu.memory_space<vmem>>, vector<16xi32>,
      tpu.vector_store %arg13[%swap3A_1448], %add3A_1447 {strides = array<i32>} : memref<49xi32, #tpu.memory_space<vmem>>, vector<16xi32>,
      %mul3A_1450 = arith.constant 4 : i32
      %mul3A_1451 = vector.broadcast %mul3A_1450 : i32 to vector<16xi32>
      %mul3A_1452 = arith.muli %add3A_1308, %mul3A_1451 : vector<16xi32>
      %add3A_1453 = arith.constant 0 : i32
      %add3A_1454 = vector.broadcast %add3A_1453 : i32 to vector<16xi32>
      %add3A_1455 = arith.addi %mul3A_1452, %add3A_1454 : vector<16xi32>
      %mul3A_1456 = arith.mulf %sub3A_1421, %sub3A_1424 : vector<16xf32>
      %mul3A_1457 = arith.mulf %mul3A_1456, %select_n3A_1429 : vector<16xf32>
      tpu.vector_store_idx %arg15[%add3A_1455], %mul3A_1457 : memref<212xf32, #tpu.memory_space<vmem>>[vector<16xi32>], vector<16xf32>,
      %add3A_1458 = arith.constant 1 : i32
      %add3A_1459 = vector.broadcast %add3A_1458 : i32 to vector<16xi32>
      %add3A_1460 = arith.addi %mul3A_1452, %add3A_1459 : vector<16xi32>
      %mul3A_1461 = arith.mulf %sub3A_1421, %sub3A_1418 : vector<16xf32>
      %mul3A_1462 = arith.mulf %mul3A_1461, %select_n3A_1429 : vector<16xf32>
      tpu.vector_store_idx %arg15[%add3A_1460], %mul3A_1462 : memref<212xf32, #tpu.memory_space<vmem>>[vector<16xi32>], vector<16xf32>,
      %add3A_1463 = arith.constant 2 : i32
      %add3A_1464 = vector.broadcast %add3A_1463 : i32 to vector<16xi32>
      %add3A_1465 = arith.addi %mul3A_1452, %add3A_1464 : vector<16xi32>
      %mul3A_1466 = arith.mulf %sub3A_1416, %sub3A_1424 : vector<16xf32>
      %mul3A_1467 = arith.mulf %mul3A_1466, %select_n3A_1429 : vector<16xf32>
      tpu.vector_store_idx %arg15[%add3A_1465], %mul3A_1467 : memref<212xf32, #tpu.memory_space<vmem>>[vector<16xi32>], vector<16xf32>,
      %add3A_1468 = arith.constant 3 : i32
      %add3A_1469 = vector.broadcast %add3A_1468 : i32 to vector<16xi32>
      %add3A_1470 = arith.addi %mul3A_1452, %add3A_1469 : vector<16xi32>
      %mul3A_1471 = arith.mulf %sub3A_1416, %sub3A_1418 : vector<16xf32>
      %mul3A_1472 = arith.mulf %mul3A_1471, %select_n3A_1429 : vector<16xf32>
      tpu.vector_store_idx %arg15[%add3A_1470], %mul3A_1472 : memref<212xf32, #tpu.memory_space<vmem>>[vector<16xi32>], vector<16xf32>,
      %dma_start3A_1473 = arith.constant 0 : i32
      %dma_start3A_1474 = arith.constant 0 : i32
      %dma_start3A_1475 = tpu.memref_slice %arg2[%dma_start3A_1473, %dma_start3A_1474] : memref<25088x256xf32, #tpu.memory_space<hbm>> -> memref<25088x256xf32, #tpu.memory_space<hbm>>
      tpu.enqueue_indirect_dma source(%dma_start3A_1475 : memref<25088x256xf32, #tpu.memory_space<hbm>>) target(%arg20 : memref<49x256xf32, #tpu.memory_space<vmem>>) offsets(%arg10 : memref<49xi32, #tpu.memory_space<vmem>>) semaphore(%arg26 : memref<!tpu.dma_semaphore, #tpu.memory_space<semaphore_mem>>)
      %dma_start3A_1476 = arith.constant 0 : i32
      %dma_start3A_1477 = arith.constant 0 : i32
      %dma_start3A_1478 = tpu.memref_slice %arg2[%dma_start3A_1476, %dma_start3A_1477] : memref<25088x256xf32, #tpu.memory_space<hbm>> -> memref<25088x256xf32, #tpu.memory_space<hbm>>
      tpu.enqueue_indirect_dma source(%dma_start3A_1478 : memref<25088x256xf32, #tpu.memory_space<hbm>>) target(%arg21 : memref<49x256xf32, #tpu.memory_space<vmem>>) offsets(%arg11 : memref<49xi32, #tpu.memory_space<vmem>>) semaphore(%arg26 : memref<!tpu.dma_semaphore, #tpu.memory_space<semaphore_mem>>)
      %dma_start3A_1479 = arith.constant 0 : i32
      %dma_start3A_1480 = arith.constant 0 : i32
      %dma_start3A_1481 = tpu.memref_slice %arg2[%dma_start3A_1479, %dma_start3A_1480] : memref<25088x256xf32, #tpu.memory_space<hbm>> -> memref<25088x256xf32, #tpu.memory_space<hbm>>
      tpu.enqueue_indirect_dma source(%dma_start3A_1481 : memref<25088x256xf32, #tpu.memory_space<hbm>>) target(%arg22 : memref<49x256xf32, #tpu.memory_space<vmem>>) offsets(%arg12 : memref<49xi32, #tpu.memory_space<vmem>>) semaphore(%arg26 : memref<!tpu.dma_semaphore, #tpu.memory_space<semaphore_mem>>)
      %dma_start3A_1482 = arith.constant 0 : i32
      %dma_start3A_1483 = arith.constant 0 : i32
      %dma_start3A_1484 = tpu.memref_slice %arg2[%dma_start3A_1482, %dma_start3A_1483] : memref<25088x256xf32, #tpu.memory_space<hbm>> -> memref<25088x256xf32, #tpu.memory_space<hbm>>
      tpu.enqueue_indirect_dma source(%dma_start3A_1484 : memref<25088x256xf32, #tpu.memory_space<hbm>>) target(%arg23 : memref<49x256xf32, #tpu.memory_space<vmem>>) offsets(%arg13 : memref<49xi32, #tpu.memory_space<vmem>>) semaphore(%arg26 : memref<!tpu.dma_semaphore, #tpu.memory_space<semaphore_mem>>)
      %dma_wait3A = arith.constant 0 : i32
      %dma_wait3A_1485 = arith.constant 0 : i32
      %dma_wait3A_1486 = tpu.memref_slice %arg2[%dma_wait3A, %dma_wait3A_1485] : memref<25088x256xf32, #tpu.memory_space<hbm>> -> memref<25088x256xf32, #tpu.memory_space<hbm>>
      tpu.wait_indirect_dma semaphore(%arg25 : memref<!tpu.dma_semaphore, #tpu.memory_space<semaphore_mem>>) src(%dma_wait3A_1486 : memref<25088x256xf32, #tpu.memory_space<hbm>>) dst(%arg16 : memref<49x256xf32, #tpu.memory_space<vmem>>)
      %dma_wait3A_1487 = arith.constant 0 : i32
      %dma_wait3A_1488 = arith.constant 0 : i32
      %dma_wait3A_1489 = tpu.memref_slice %arg2[%dma_wait3A_1487, %dma_wait3A_1488] : memref<25088x256xf32, #tpu.memory_space<hbm>> -> memref<25088x256xf32, #tpu.memory_space<hbm>>
      tpu.wait_indirect_dma semaphore(%arg25 : memref<!tpu.dma_semaphore, #tpu.memory_space<semaphore_mem>>) src(%dma_wait3A_1489 : memref<25088x256xf32, #tpu.memory_space<hbm>>) dst(%arg17 : memref<49x256xf32, #tpu.memory_space<vmem>>)
      %dma_wait3A_1490 = arith.constant 0 : i32
      %dma_wait3A_1491 = arith.constant 0 : i32
      %dma_wait3A_1492 = tpu.memref_slice %arg2[%dma_wait3A_1490, %dma_wait3A_1491] : memref<25088x256xf32, #tpu.memory_space<hbm>> -> memref<25088x256xf32, #tpu.memory_space<hbm>>
      tpu.wait_indirect_dma semaphore(%arg25 : memref<!tpu.dma_semaphore, #tpu.memory_space<semaphore_mem>>) src(%dma_wait3A_1492 : memref<25088x256xf32, #tpu.memory_space<hbm>>) dst(%arg18 : memref<49x256xf32, #tpu.memory_space<vmem>>)
      %dma_wait3A_1493 = arith.constant 0 : i32
      %dma_wait3A_1494 = arith.constant 0 : i32
      %dma_wait3A_1495 = tpu.memref_slice %arg2[%dma_wait3A_1493, %dma_wait3A_1494] : memref<25088x256xf32, #tpu.memory_space<hbm>> -> memref<25088x256xf32, #tpu.memory_space<hbm>>
      tpu.wait_indirect_dma semaphore(%arg25 : memref<!tpu.dma_semaphore, #tpu.memory_space<semaphore_mem>>) src(%dma_wait3A_1495 : memref<25088x256xf32, #tpu.memory_space<hbm>>) dst(%arg19 : memref<49x256xf32, #tpu.memory_space<vmem>>)
      %scan3A_1496 = arith.constant 0 : i32
      %scan3A_1497 = arith.constant 0 : i32
      %scan3A_1498 = arith.constant 49 : i32
      %scan3A_1499 = arith.addi %scan3A_1497, %scan3A_1498 : i32
      %scan3A_1500 = arith.constant 1 : i32
      scf.for %scan3A_1524 = %scan3A_1497 to %scan3A_1499 step %scan3A_1500  : i32 {
        %mul3A_1525 = arith.constant 4 : i32
        %mul3A_1526 = arith.muli %scan3A_1524, %mul3A_1525 : i32
        %add3A_1527 = arith.constant 0 : i32
        %add3A_1528 = arith.addi %mul3A_1526, %add3A_1527 : i32
        %add3A_1529 = vector.broadcast %add3A_1528 : i32 to vector<16xi32>
        %add3A_1530 = arith.addi %broadcast_in_dim3A_5, %add3A_1529 : vector<16xi32>
        %gather3A_1531 = tpu.vector_load_idx %arg14[%add3A_1530] : memref<212xf32, #tpu.memory_space<vmem>>[vector<16xi32>], vector<16xf32>,
        %mul3A_1532 = arith.constant 4 : i32
        %mul3A_1533 = arith.muli %scan3A_1524, %mul3A_1532 : i32
        %add3A_1534 = arith.constant 1 : i32
        %add3A_1535 = arith.addi %mul3A_1533, %add3A_1534 : i32
        %add3A_1536 = vector.broadcast %add3A_1535 : i32 to vector<16xi32>
        %add3A_1537 = arith.addi %broadcast_in_dim3A_5, %add3A_1536 : vector<16xi32>
        %gather3A_1538 = tpu.vector_load_idx %arg14[%add3A_1537] : memref<212xf32, #tpu.memory_space<vmem>>[vector<16xi32>], vector<16xf32>,
        %mul3A_1539 = arith.constant 4 : i32
        %mul3A_1540 = arith.muli %scan3A_1524, %mul3A_1539 : i32
        %add3A_1541 = arith.constant 2 : i32
        %add3A_1542 = arith.addi %mul3A_1540, %add3A_1541 : i32
        %add3A_1543 = vector.broadcast %add3A_1542 : i32 to vector<16xi32>
        %add3A_1544 = arith.addi %broadcast_in_dim3A_5, %add3A_1543 : vector<16xi32>
        %gather3A_1545 = tpu.vector_load_idx %arg14[%add3A_1544] : memref<212xf32, #tpu.memory_space<vmem>>[vector<16xi32>], vector<16xf32>,
        %mul3A_1546 = arith.constant 4 : i32
        %mul3A_1547 = arith.muli %scan3A_1524, %mul3A_1546 : i32
        %add3A_1548 = arith.constant 3 : i32
        %add3A_1549 = arith.addi %mul3A_1547, %add3A_1548 : i32
        %add3A_1550 = vector.broadcast %add3A_1549 : i32 to vector<16xi32>
        %add3A_1551 = arith.addi %broadcast_in_dim3A_5, %add3A_1550 : vector<16xi32>
        %gather3A_1552 = tpu.vector_load_idx %arg14[%add3A_1551] : memref<212xf32, #tpu.memory_space<vmem>>[vector<16xi32>], vector<16xf32>,
        %get3A = arith.index_cast %scan3A_1524 : i32 to index
        %get3A_1553 = arith.constant 0 : index
        %get3A_1554 = tpu.vector_load %arg16[%get3A, %get3A_1553] {strides = array<i32>} : memref<49x256xf32, #tpu.memory_space<vmem>>, vector<16xf32>,
        %mul3A_1555 = arith.mulf %gather3A_1531, %get3A_1554 : vector<16xf32>
        %get3A_1556 = arith.index_cast %scan3A_1524 : i32 to index
        %get3A_1557 = arith.constant 0 : index
        %get3A_1558 = tpu.vector_load %arg17[%get3A_1556, %get3A_1557] {strides = array<i32>} : memref<49x256xf32, #tpu.memory_space<vmem>>, vector<16xf32>,
        %mul3A_1559 = arith.mulf %gather3A_1538, %get3A_1558 : vector<16xf32>
        %add3A_1560 = arith.addf %mul3A_1555, %mul3A_1559 : vector<16xf32>
        %get3A_1561 = arith.index_cast %scan3A_1524 : i32 to index
        %get3A_1562 = arith.constant 0 : index
        %get3A_1563 = tpu.vector_load %arg18[%get3A_1561, %get3A_1562] {strides = array<i32>} : memref<49x256xf32, #tpu.memory_space<vmem>>, vector<16xf32>,
        %mul3A_1564 = arith.mulf %gather3A_1545, %get3A_1563 : vector<16xf32>
        %add3A_1565 = arith.addf %add3A_1560, %mul3A_1564 : vector<16xf32>
        %get3A_1566 = arith.index_cast %scan3A_1524 : i32 to index
        %get3A_1567 = arith.constant 0 : index
        %get3A_1568 = tpu.vector_load %arg19[%get3A_1566, %get3A_1567] {strides = array<i32>} : memref<49x256xf32, #tpu.memory_space<vmem>>, vector<16xf32>,
        %mul3A_1569 = arith.mulf %gather3A_1552, %get3A_1568 : vector<16xf32>
        %add3A_1570 = arith.addf %add3A_1565, %mul3A_1569 : vector<16xf32>
        %mul3A_1571 = arith.constant 256 : i32
        %mul3A_1572 = arith.muli %scan3A_1524, %mul3A_1571 : i32
        %add3A_1573 = arith.constant 0 : i32
        %add3A_1574 = arith.addi %mul3A_1572, %add3A_1573 : i32
        %swap3A_1575 = arith.index_cast %add3A_1574 : i32 to index
        %swap3A_1576 = tpu.vector_load %arg24[%swap3A_1575] {strides = array<i32>} : memref<12544xf32, #tpu.memory_space<vmem>>, vector<16xf32>,
        tpu.vector_store %arg24[%swap3A_1575], %add3A_1570 {strides = array<i32>} : memref<12544xf32, #tpu.memory_space<vmem>>, vector<16xf32>,
        %get3A_1577 = arith.index_cast %scan3A_1524 : i32 to index
        %get3A_1578 = arith.constant 16 : index
        %get3A_1579 = tpu.vector_load %arg16[%get3A_1577, %get3A_1578] {strides = array<i32>} : memref<49x256xf32, #tpu.memory_space<vmem>>, vector<16xf32>,
        %mul3A_1580 = arith.mulf %gather3A_1531, %get3A_1579 : vector<16xf32>
        %get3A_1581 = arith.index_cast %scan3A_1524 : i32 to index
        %get3A_1582 = arith.constant 16 : index
        %get3A_1583 = tpu.vector_load %arg17[%get3A_1581, %get3A_1582] {strides = array<i32>} : memref<49x256xf32, #tpu.memory_space<vmem>>, vector<16xf32>,
        %mul3A_1584 = arith.mulf %gather3A_1538, %get3A_1583 : vector<16xf32>
        %add3A_1585 = arith.addf %mul3A_1580, %mul3A_1584 : vector<16xf32>
        %get3A_1586 = arith.index_cast %scan3A_1524 : i32 to index
        %get3A_1587 = arith.constant 16 : index
        %get3A_1588 = tpu.vector_load %arg18[%get3A_1586, %get3A_1587] {strides = array<i32>} : memref<49x256xf32, #tpu.memory_space<vmem>>, vector<16xf32>,
        %mul3A_1589 = arith.mulf %gather3A_1545, %get3A_1588 : vector<16xf32>
        %add3A_1590 = arith.addf %add3A_1585, %mul3A_1589 : vector<16xf32>
        %get3A_1591 = arith.index_cast %scan3A_1524 : i32 to index
        %get3A_1592 = arith.constant 16 : index
        %get3A_1593 = tpu.vector_load %arg19[%get3A_1591, %get3A_1592] {strides = array<i32>} : memref<49x256xf32, #tpu.memory_space<vmem>>, vector<16xf32>,
        %mul3A_1594 = arith.mulf %gather3A_1552, %get3A_1593 : vector<16xf32>
        %add3A_1595 = arith.addf %add3A_1590, %mul3A_1594 : vector<16xf32>
        %mul3A_1596 = arith.constant 256 : i32
        %mul3A_1597 = arith.muli %scan3A_1524, %mul3A_1596 : i32
        %add3A_1598 = arith.constant 16 : i32
        %add3A_1599 = arith.addi %mul3A_1597, %add3A_1598 : i32
        %swap3A_1600 = arith.index_cast %add3A_1599 : i32 to index
        %swap3A_1601 = tpu.vector_load %arg24[%swap3A_1600] {strides = array<i32>} : memref<12544xf32, #tpu.memory_space<vmem>>, vector<16xf32>,
        tpu.vector_store %arg24[%swap3A_1600], %add3A_1595 {strides = array<i32>} : memref<12544xf32, #tpu.memory_space<vmem>>, vector<16xf32>,
        %get3A_1602 = arith.index_cast %scan3A_1524 : i32 to index
        %get3A_1603 = arith.constant 32 : index
        %get3A_1604 = tpu.vector_load %arg16[%get3A_1602, %get3A_1603] {strides = array<i32>} : memref<49x256xf32, #tpu.memory_space<vmem>>, vector<16xf32>,
        %mul3A_1605 = arith.mulf %gather3A_1531, %get3A_1604 : vector<16xf32>
        %get3A_1606 = arith.index_cast %scan3A_1524 : i32 to index
        %get3A_1607 = arith.constant 32 : index
        %get3A_1608 = tpu.vector_load %arg17[%get3A_1606, %get3A_1607] {strides = array<i32>} : memref<49x256xf32, #tpu.memory_space<vmem>>, vector<16xf32>,
        %mul3A_1609 = arith.mulf %gather3A_1538, %get3A_1608 : vector<16xf32>
        %add3A_1610 = arith.addf %mul3A_1605, %mul3A_1609 : vector<16xf32>
        %get3A_1611 = arith.index_cast %scan3A_1524 : i32 to index
        %get3A_1612 = arith.constant 32 : index
        %get3A_1613 = tpu.vector_load %arg18[%get3A_1611, %get3A_1612] {strides = array<i32>} : memref<49x256xf32, #tpu.memory_space<vmem>>, vector<16xf32>,
        %mul3A_1614 = arith.mulf %gather3A_1545, %get3A_1613 : vector<16xf32>
        %add3A_1615 = arith.addf %add3A_1610, %mul3A_1614 : vector<16xf32>
        %get3A_1616 = arith.index_cast %scan3A_1524 : i32 to index
        %get3A_1617 = arith.constant 32 : index
        %get3A_1618 = tpu.vector_load %arg19[%get3A_1616, %get3A_1617] {strides = array<i32>} : memref<49x256xf32, #tpu.memory_space<vmem>>, vector<16xf32>,
        %mul3A_1619 = arith.mulf %gather3A_1552, %get3A_1618 : vector<16xf32>
        %add3A_1620 = arith.addf %add3A_1615, %mul3A_1619 : vector<16xf32>
        %mul3A_1621 = arith.constant 256 : i32
        %mul3A_1622 = arith.muli %scan3A_1524, %mul3A_1621 : i32
        %add3A_1623 = arith.constant 32 : i32
        %add3A_1624 = arith.addi %mul3A_1622, %add3A_1623 : i32
        %swap3A_1625 = arith.index_cast %add3A_1624 : i32 to index
        %swap3A_1626 = tpu.vector_load %arg24[%swap3A_1625] {strides = array<i32>} : memref<12544xf32, #tpu.memory_space<vmem>>, vector<16xf32>,
        tpu.vector_store %arg24[%swap3A_1625], %add3A_1620 {strides = array<i32>} : memref<12544xf32, #tpu.memory_space<vmem>>, vector<16xf32>,
        %get3A_1627 = arith.index_cast %scan3A_1524 : i32 to index
        %get3A_1628 = arith.constant 48 : index
        %get3A_1629 = tpu.vector_load %arg16[%get3A_1627, %get3A_1628] {strides = array<i32>} : memref<49x256xf32, #tpu.memory_space<vmem>>, vector<16xf32>,
        %mul3A_1630 = arith.mulf %gather3A_1531, %get3A_1629 : vector<16xf32>
        %get3A_1631 = arith.index_cast %scan3A_1524 : i32 to index
        %get3A_1632 = arith.constant 48 : index
        %get3A_1633 = tpu.vector_load %arg17[%get3A_1631, %get3A_1632] {strides = array<i32>} : memref<49x256xf32, #tpu.memory_space<vmem>>, vector<16xf32>,
        %mul3A_1634 = arith.mulf %gather3A_1538, %get3A_1633 : vector<16xf32>
        %add3A_1635 = arith.addf %mul3A_1630, %mul3A_1634 : vector<16xf32>
        %get3A_1636 = arith.index_cast %scan3A_1524 : i32 to index
        %get3A_1637 = arith.constant 48 : index
        %get3A_1638 = tpu.vector_load %arg18[%get3A_1636, %get3A_1637] {strides = array<i32>} : memref<49x256xf32, #tpu.memory_space<vmem>>, vector<16xf32>,
        %mul3A_1639 = arith.mulf %gather3A_1545, %get3A_1638 : vector<16xf32>
        %add3A_1640 = arith.addf %add3A_1635, %mul3A_1639 : vector<16xf32>
        %get3A_1641 = arith.index_cast %scan3A_1524 : i32 to index
        %get3A_1642 = arith.constant 48 : index
        %get3A_1643 = tpu.vector_load %arg19[%get3A_1641, %get3A_1642] {strides = array<i32>} : memref<49x256xf32, #tpu.memory_space<vmem>>, vector<16xf32>,
        %mul3A_1644 = arith.mulf %gather3A_1552, %get3A_1643 : vector<16xf32>
        %add3A_1645 = arith.addf %add3A_1640, %mul3A_1644 : vector<16xf32>
        %mul3A_1646 = arith.constant 256 : i32
        %mul3A_1647 = arith.muli %scan3A_1524, %mul3A_1646 : i32
        %add3A_1648 = arith.constant 48 : i32
        %add3A_1649 = arith.addi %mul3A_1647, %add3A_1648 : i32
        %swap3A_1650 = arith.index_cast %add3A_1649 : i32 to index
        %swap3A_1651 = tpu.vector_load %arg24[%swap3A_1650] {strides = array<i32>} : memref<12544xf32, #tpu.memory_space<vmem>>, vector<16xf32>,
        tpu.vector_store %arg24[%swap3A_1650], %add3A_1645 {strides = array<i32>} : memref<12544xf32, #tpu.memory_space<vmem>>, vector<16xf32>,
        %get3A_1652 = arith.index_cast %scan3A_1524 : i32 to index
        %get3A_1653 = arith.constant 64 : index
        %get3A_1654 = tpu.vector_load %arg16[%get3A_1652, %get3A_1653] {strides = array<i32>} : memref<49x256xf32, #tpu.memory_space<vmem>>, vector<16xf32>,
        %mul3A_1655 = arith.mulf %gather3A_1531, %get3A_1654 : vector<16xf32>
        %get3A_1656 = arith.index_cast %scan3A_1524 : i32 to index
        %get3A_1657 = arith.constant 64 : index
        %get3A_1658 = tpu.vector_load %arg17[%get3A_1656, %get3A_1657] {strides = array<i32>} : memref<49x256xf32, #tpu.memory_space<vmem>>, vector<16xf32>,
        %mul3A_1659 = arith.mulf %gather3A_1538, %get3A_1658 : vector<16xf32>
        %add3A_1660 = arith.addf %mul3A_1655, %mul3A_1659 : vector<16xf32>
        %get3A_1661 = arith.index_cast %scan3A_1524 : i32 to index
        %get3A_1662 = arith.constant 64 : index
        %get3A_1663 = tpu.vector_load %arg18[%get3A_1661, %get3A_1662] {strides = array<i32>} : memref<49x256xf32, #tpu.memory_space<vmem>>, vector<16xf32>,
        %mul3A_1664 = arith.mulf %gather3A_1545, %get3A_1663 : vector<16xf32>
        %add3A_1665 = arith.addf %add3A_1660, %mul3A_1664 : vector<16xf32>
        %get3A_1666 = arith.index_cast %scan3A_1524 : i32 to index
        %get3A_1667 = arith.constant 64 : index
        %get3A_1668 = tpu.vector_load %arg19[%get3A_1666, %get3A_1667] {strides = array<i32>} : memref<49x256xf32, #tpu.memory_space<vmem>>, vector<16xf32>,
        %mul3A_1669 = arith.mulf %gather3A_1552, %get3A_1668 : vector<16xf32>
        %add3A_1670 = arith.addf %add3A_1665, %mul3A_1669 : vector<16xf32>
        %mul3A_1671 = arith.constant 256 : i32
        %mul3A_1672 = arith.muli %scan3A_1524, %mul3A_1671 : i32
        %add3A_1673 = arith.constant 64 : i32
        %add3A_1674 = arith.addi %mul3A_1672, %add3A_1673 : i32
        %swap3A_1675 = arith.index_cast %add3A_1674 : i32 to index
        %swap3A_1676 = tpu.vector_load %arg24[%swap3A_1675] {strides = array<i32>} : memref<12544xf32, #tpu.memory_space<vmem>>, vector<16xf32>,
        tpu.vector_store %arg24[%swap3A_1675], %add3A_1670 {strides = array<i32>} : memref<12544xf32, #tpu.memory_space<vmem>>, vector<16xf32>,
        %get3A_1677 = arith.index_cast %scan3A_1524 : i32 to index
        %get3A_1678 = arith.constant 80 : index
        %get3A_1679 = tpu.vector_load %arg16[%get3A_1677, %get3A_1678] {strides = array<i32>} : memref<49x256xf32, #tpu.memory_space<vmem>>, vector<16xf32>,
        %mul3A_1680 = arith.mulf %gather3A_1531, %get3A_1679 : vector<16xf32>
        %get3A_1681 = arith.index_cast %scan3A_1524 : i32 to index
        %get3A_1682 = arith.constant 80 : index
        %get3A_1683 = tpu.vector_load %arg17[%get3A_1681, %get3A_1682] {strides = array<i32>} : memref<49x256xf32, #tpu.memory_space<vmem>>, vector<16xf32>,
        %mul3A_1684 = arith.mulf %gather3A_1538, %get3A_1683 : vector<16xf32>
        %add3A_1685 = arith.addf %mul3A_1680, %mul3A_1684 : vector<16xf32>
        %get3A_1686 = arith.index_cast %scan3A_1524 : i32 to index
        %get3A_1687 = arith.constant 80 : index
        %get3A_1688 = tpu.vector_load %arg18[%get3A_1686, %get3A_1687] {strides = array<i32>} : memref<49x256xf32, #tpu.memory_space<vmem>>, vector<16xf32>,
        %mul3A_1689 = arith.mulf %gather3A_1545, %get3A_1688 : vector<16xf32>
        %add3A_1690 = arith.addf %add3A_1685, %mul3A_1689 : vector<16xf32>
        %get3A_1691 = arith.index_cast %scan3A_1524 : i32 to index
        %get3A_1692 = arith.constant 80 : index
        %get3A_1693 = tpu.vector_load %arg19[%get3A_1691, %get3A_1692] {strides = array<i32>} : memref<49x256xf32, #tpu.memory_space<vmem>>, vector<16xf32>,
        %mul3A_1694 = arith.mulf %gather3A_1552, %get3A_1693 : vector<16xf32>
        %add3A_1695 = arith.addf %add3A_1690, %mul3A_1694 : vector<16xf32>
        %mul3A_1696 = arith.constant 256 : i32
        %mul3A_1697 = arith.muli %scan3A_1524, %mul3A_1696 : i32
        %add3A_1698 = arith.constant 80 : i32
        %add3A_1699 = arith.addi %mul3A_1697, %add3A_1698 : i32
        %swap3A_1700 = arith.index_cast %add3A_1699 : i32 to index
        %swap3A_1701 = tpu.vector_load %arg24[%swap3A_1700] {strides = array<i32>} : memref<12544xf32, #tpu.memory_space<vmem>>, vector<16xf32>,
        tpu.vector_store %arg24[%swap3A_1700], %add3A_1695 {strides = array<i32>} : memref<12544xf32, #tpu.memory_space<vmem>>, vector<16xf32>,
        %get3A_1702 = arith.index_cast %scan3A_1524 : i32 to index
        %get3A_1703 = arith.constant 96 : index
        %get3A_1704 = tpu.vector_load %arg16[%get3A_1702, %get3A_1703] {strides = array<i32>} : memref<49x256xf32, #tpu.memory_space<vmem>>, vector<16xf32>,
        %mul3A_1705 = arith.mulf %gather3A_1531, %get3A_1704 : vector<16xf32>
        %get3A_1706 = arith.index_cast %scan3A_1524 : i32 to index
        %get3A_1707 = arith.constant 96 : index
        %get3A_1708 = tpu.vector_load %arg17[%get3A_1706, %get3A_1707] {strides = array<i32>} : memref<49x256xf32, #tpu.memory_space<vmem>>, vector<16xf32>,
        %mul3A_1709 = arith.mulf %gather3A_1538, %get3A_1708 : vector<16xf32>
        %add3A_1710 = arith.addf %mul3A_1705, %mul3A_1709 : vector<16xf32>
        %get3A_1711 = arith.index_cast %scan3A_1524 : i32 to index
        %get3A_1712 = arith.constant 96 : index
        %get3A_1713 = tpu.vector_load %arg18[%get3A_1711, %get3A_1712] {strides = array<i32>} : memref<49x256xf32, #tpu.memory_space<vmem>>, vector<16xf32>,
        %mul3A_1714 = arith.mulf %gather3A_1545, %get3A_1713 : vector<16xf32>
        %add3A_1715 = arith.addf %add3A_1710, %mul3A_1714 : vector<16xf32>
        %get3A_1716 = arith.index_cast %scan3A_1524 : i32 to index
        %get3A_1717 = arith.constant 96 : index
        %get3A_1718 = tpu.vector_load %arg19[%get3A_1716, %get3A_1717] {strides = array<i32>} : memref<49x256xf32, #tpu.memory_space<vmem>>, vector<16xf32>,
        %mul3A_1719 = arith.mulf %gather3A_1552, %get3A_1718 : vector<16xf32>
        %add3A_1720 = arith.addf %add3A_1715, %mul3A_1719 : vector<16xf32>
        %mul3A_1721 = arith.constant 256 : i32
        %mul3A_1722 = arith.muli %scan3A_1524, %mul3A_1721 : i32
        %add3A_1723 = arith.constant 96 : i32
        %add3A_1724 = arith.addi %mul3A_1722, %add3A_1723 : i32
        %swap3A_1725 = arith.index_cast %add3A_1724 : i32 to index
        %swap3A_1726 = tpu.vector_load %arg24[%swap3A_1725] {strides = array<i32>} : memref<12544xf32, #tpu.memory_space<vmem>>, vector<16xf32>,
        tpu.vector_store %arg24[%swap3A_1725], %add3A_1720 {strides = array<i32>} : memref<12544xf32, #tpu.memory_space<vmem>>, vector<16xf32>,
        %get3A_1727 = arith.index_cast %scan3A_1524 : i32 to index
        %get3A_1728 = arith.constant 112 : index
        %get3A_1729 = tpu.vector_load %arg16[%get3A_1727, %get3A_1728] {strides = array<i32>} : memref<49x256xf32, #tpu.memory_space<vmem>>, vector<16xf32>,
        %mul3A_1730 = arith.mulf %gather3A_1531, %get3A_1729 : vector<16xf32>
        %get3A_1731 = arith.index_cast %scan3A_1524 : i32 to index
        %get3A_1732 = arith.constant 112 : index
        %get3A_1733 = tpu.vector_load %arg17[%get3A_1731, %get3A_1732] {strides = array<i32>} : memref<49x256xf32, #tpu.memory_space<vmem>>, vector<16xf32>,
        %mul3A_1734 = arith.mulf %gather3A_1538, %get3A_1733 : vector<16xf32>
        %add3A_1735 = arith.addf %mul3A_1730, %mul3A_1734 : vector<16xf32>
        %get3A_1736 = arith.index_cast %scan3A_1524 : i32 to index
        %get3A_1737 = arith.constant 112 : index
        %get3A_1738 = tpu.vector_load %arg18[%get3A_1736, %get3A_1737] {strides = array<i32>} : memref<49x256xf32, #tpu.memory_space<vmem>>, vector<16xf32>,
        %mul3A_1739 = arith.mulf %gather3A_1545, %get3A_1738 : vector<16xf32>
        %add3A_1740 = arith.addf %add3A_1735, %mul3A_1739 : vector<16xf32>
        %get3A_1741 = arith.index_cast %scan3A_1524 : i32 to index
        %get3A_1742 = arith.constant 112 : index
        %get3A_1743 = tpu.vector_load %arg19[%get3A_1741, %get3A_1742] {strides = array<i32>} : memref<49x256xf32, #tpu.memory_space<vmem>>, vector<16xf32>,
        %mul3A_1744 = arith.mulf %gather3A_1552, %get3A_1743 : vector<16xf32>
        %add3A_1745 = arith.addf %add3A_1740, %mul3A_1744 : vector<16xf32>
        %mul3A_1746 = arith.constant 256 : i32
        %mul3A_1747 = arith.muli %scan3A_1524, %mul3A_1746 : i32
        %add3A_1748 = arith.constant 112 : i32
        %add3A_1749 = arith.addi %mul3A_1747, %add3A_1748 : i32
        %swap3A_1750 = arith.index_cast %add3A_1749 : i32 to index
        %swap3A_1751 = tpu.vector_load %arg24[%swap3A_1750] {strides = array<i32>} : memref<12544xf32, #tpu.memory_space<vmem>>, vector<16xf32>,
        tpu.vector_store %arg24[%swap3A_1750], %add3A_1745 {strides = array<i32>} : memref<12544xf32, #tpu.memory_space<vmem>>, vector<16xf32>,
        %get3A_1752 = arith.index_cast %scan3A_1524 : i32 to index
        %get3A_1753 = arith.constant 128 : index
        %get3A_1754 = tpu.vector_load %arg16[%get3A_1752, %get3A_1753] {strides = array<i32>} : memref<49x256xf32, #tpu.memory_space<vmem>>, vector<16xf32>,
        %mul3A_1755 = arith.mulf %gather3A_1531, %get3A_1754 : vector<16xf32>
        %get3A_1756 = arith.index_cast %scan3A_1524 : i32 to index
        %get3A_1757 = arith.constant 128 : index
        %get3A_1758 = tpu.vector_load %arg17[%get3A_1756, %get3A_1757] {strides = array<i32>} : memref<49x256xf32, #tpu.memory_space<vmem>>, vector<16xf32>,
        %mul3A_1759 = arith.mulf %gather3A_1538, %get3A_1758 : vector<16xf32>
        %add3A_1760 = arith.addf %mul3A_1755, %mul3A_1759 : vector<16xf32>
        %get3A_1761 = arith.index_cast %scan3A_1524 : i32 to index
        %get3A_1762 = arith.constant 128 : index
        %get3A_1763 = tpu.vector_load %arg18[%get3A_1761, %get3A_1762] {strides = array<i32>} : memref<49x256xf32, #tpu.memory_space<vmem>>, vector<16xf32>,
        %mul3A_1764 = arith.mulf %gather3A_1545, %get3A_1763 : vector<16xf32>
        %add3A_1765 = arith.addf %add3A_1760, %mul3A_1764 : vector<16xf32>
        %get3A_1766 = arith.index_cast %scan3A_1524 : i32 to index
        %get3A_1767 = arith.constant 128 : index
        %get3A_1768 = tpu.vector_load %arg19[%get3A_1766, %get3A_1767] {strides = array<i32>} : memref<49x256xf32, #tpu.memory_space<vmem>>, vector<16xf32>,
        %mul3A_1769 = arith.mulf %gather3A_1552, %get3A_1768 : vector<16xf32>
        %add3A_1770 = arith.addf %add3A_1765, %mul3A_1769 : vector<16xf32>
        %mul3A_1771 = arith.constant 256 : i32
        %mul3A_1772 = arith.muli %scan3A_1524, %mul3A_1771 : i32
        %add3A_1773 = arith.constant 128 : i32
        %add3A_1774 = arith.addi %mul3A_1772, %add3A_1773 : i32
        %swap3A_1775 = arith.index_cast %add3A_1774 : i32 to index
        %swap3A_1776 = tpu.vector_load %arg24[%swap3A_1775] {strides = array<i32>} : memref<12544xf32, #tpu.memory_space<vmem>>, vector<16xf32>,
        tpu.vector_store %arg24[%swap3A_1775], %add3A_1770 {strides = array<i32>} : memref<12544xf32, #tpu.memory_space<vmem>>, vector<16xf32>,
        %get3A_1777 = arith.index_cast %scan3A_1524 : i32 to index
        %get3A_1778 = arith.constant 144 : index
        %get3A_1779 = tpu.vector_load %arg16[%get3A_1777, %get3A_1778] {strides = array<i32>} : memref<49x256xf32, #tpu.memory_space<vmem>>, vector<16xf32>,
        %mul3A_1780 = arith.mulf %gather3A_1531, %get3A_1779 : vector<16xf32>
        %get3A_1781 = arith.index_cast %scan3A_1524 : i32 to index
        %get3A_1782 = arith.constant 144 : index
        %get3A_1783 = tpu.vector_load %arg17[%get3A_1781, %get3A_1782] {strides = array<i32>} : memref<49x256xf32, #tpu.memory_space<vmem>>, vector<16xf32>,
        %mul3A_1784 = arith.mulf %gather3A_1538, %get3A_1783 : vector<16xf32>
        %add3A_1785 = arith.addf %mul3A_1780, %mul3A_1784 : vector<16xf32>
        %get3A_1786 = arith.index_cast %scan3A_1524 : i32 to index
        %get3A_1787 = arith.constant 144 : index
        %get3A_1788 = tpu.vector_load %arg18[%get3A_1786, %get3A_1787] {strides = array<i32>} : memref<49x256xf32, #tpu.memory_space<vmem>>, vector<16xf32>,
        %mul3A_1789 = arith.mulf %gather3A_1545, %get3A_1788 : vector<16xf32>
        %add3A_1790 = arith.addf %add3A_1785, %mul3A_1789 : vector<16xf32>
        %get3A_1791 = arith.index_cast %scan3A_1524 : i32 to index
        %get3A_1792 = arith.constant 144 : index
        %get3A_1793 = tpu.vector_load %arg19[%get3A_1791, %get3A_1792] {strides = array<i32>} : memref<49x256xf32, #tpu.memory_space<vmem>>, vector<16xf32>,
        %mul3A_1794 = arith.mulf %gather3A_1552, %get3A_1793 : vector<16xf32>
        %add3A_1795 = arith.addf %add3A_1790, %mul3A_1794 : vector<16xf32>
        %mul3A_1796 = arith.constant 256 : i32
        %mul3A_1797 = arith.muli %scan3A_1524, %mul3A_1796 : i32
        %add3A_1798 = arith.constant 144 : i32
        %add3A_1799 = arith.addi %mul3A_1797, %add3A_1798 : i32
        %swap3A_1800 = arith.index_cast %add3A_1799 : i32 to index
        %swap3A_1801 = tpu.vector_load %arg24[%swap3A_1800] {strides = array<i32>} : memref<12544xf32, #tpu.memory_space<vmem>>, vector<16xf32>,
        tpu.vector_store %arg24[%swap3A_1800], %add3A_1795 {strides = array<i32>} : memref<12544xf32, #tpu.memory_space<vmem>>, vector<16xf32>,
        %get3A_1802 = arith.index_cast %scan3A_1524 : i32 to index
        %get3A_1803 = arith.constant 160 : index
        %get3A_1804 = tpu.vector_load %arg16[%get3A_1802, %get3A_1803] {strides = array<i32>} : memref<49x256xf32, #tpu.memory_space<vmem>>, vector<16xf32>,
        %mul3A_1805 = arith.mulf %gather3A_1531, %get3A_1804 : vector<16xf32>
        %get3A_1806 = arith.index_cast %scan3A_1524 : i32 to index
        %get3A_1807 = arith.constant 160 : index
        %get3A_1808 = tpu.vector_load %arg17[%get3A_1806, %get3A_1807] {strides = array<i32>} : memref<49x256xf32, #tpu.memory_space<vmem>>, vector<16xf32>,
        %mul3A_1809 = arith.mulf %gather3A_1538, %get3A_1808 : vector<16xf32>
        %add3A_1810 = arith.addf %mul3A_1805, %mul3A_1809 : vector<16xf32>
        %get3A_1811 = arith.index_cast %scan3A_1524 : i32 to index
        %get3A_1812 = arith.constant 160 : index
        %get3A_1813 = tpu.vector_load %arg18[%get3A_1811, %get3A_1812] {strides = array<i32>} : memref<49x256xf32, #tpu.memory_space<vmem>>, vector<16xf32>,
        %mul3A_1814 = arith.mulf %gather3A_1545, %get3A_1813 : vector<16xf32>
        %add3A_1815 = arith.addf %add3A_1810, %mul3A_1814 : vector<16xf32>
        %get3A_1816 = arith.index_cast %scan3A_1524 : i32 to index
        %get3A_1817 = arith.constant 160 : index
        %get3A_1818 = tpu.vector_load %arg19[%get3A_1816, %get3A_1817] {strides = array<i32>} : memref<49x256xf32, #tpu.memory_space<vmem>>, vector<16xf32>,
        %mul3A_1819 = arith.mulf %gather3A_1552, %get3A_1818 : vector<16xf32>
        %add3A_1820 = arith.addf %add3A_1815, %mul3A_1819 : vector<16xf32>
        %mul3A_1821 = arith.constant 256 : i32
        %mul3A_1822 = arith.muli %scan3A_1524, %mul3A_1821 : i32
        %add3A_1823 = arith.constant 160 : i32
        %add3A_1824 = arith.addi %mul3A_1822, %add3A_1823 : i32
        %swap3A_1825 = arith.index_cast %add3A_1824 : i32 to index
        %swap3A_1826 = tpu.vector_load %arg24[%swap3A_1825] {strides = array<i32>} : memref<12544xf32, #tpu.memory_space<vmem>>, vector<16xf32>,
        tpu.vector_store %arg24[%swap3A_1825], %add3A_1820 {strides = array<i32>} : memref<12544xf32, #tpu.memory_space<vmem>>, vector<16xf32>,
        %get3A_1827 = arith.index_cast %scan3A_1524 : i32 to index
        %get3A_1828 = arith.constant 176 : index
        %get3A_1829 = tpu.vector_load %arg16[%get3A_1827, %get3A_1828] {strides = array<i32>} : memref<49x256xf32, #tpu.memory_space<vmem>>, vector<16xf32>,
        %mul3A_1830 = arith.mulf %gather3A_1531, %get3A_1829 : vector<16xf32>
        %get3A_1831 = arith.index_cast %scan3A_1524 : i32 to index
        %get3A_1832 = arith.constant 176 : index
        %get3A_1833 = tpu.vector_load %arg17[%get3A_1831, %get3A_1832] {strides = array<i32>} : memref<49x256xf32, #tpu.memory_space<vmem>>, vector<16xf32>,
        %mul3A_1834 = arith.mulf %gather3A_1538, %get3A_1833 : vector<16xf32>
        %add3A_1835 = arith.addf %mul3A_1830, %mul3A_1834 : vector<16xf32>
        %get3A_1836 = arith.index_cast %scan3A_1524 : i32 to index
        %get3A_1837 = arith.constant 176 : index
        %get3A_1838 = tpu.vector_load %arg18[%get3A_1836, %get3A_1837] {strides = array<i32>} : memref<49x256xf32, #tpu.memory_space<vmem>>, vector<16xf32>,
        %mul3A_1839 = arith.mulf %gather3A_1545, %get3A_1838 : vector<16xf32>
        %add3A_1840 = arith.addf %add3A_1835, %mul3A_1839 : vector<16xf32>
        %get3A_1841 = arith.index_cast %scan3A_1524 : i32 to index
        %get3A_1842 = arith.constant 176 : index
        %get3A_1843 = tpu.vector_load %arg19[%get3A_1841, %get3A_1842] {strides = array<i32>} : memref<49x256xf32, #tpu.memory_space<vmem>>, vector<16xf32>,
        %mul3A_1844 = arith.mulf %gather3A_1552, %get3A_1843 : vector<16xf32>
        %add3A_1845 = arith.addf %add3A_1840, %mul3A_1844 : vector<16xf32>
        %mul3A_1846 = arith.constant 256 : i32
        %mul3A_1847 = arith.muli %scan3A_1524, %mul3A_1846 : i32
        %add3A_1848 = arith.constant 176 : i32
        %add3A_1849 = arith.addi %mul3A_1847, %add3A_1848 : i32
        %swap3A_1850 = arith.index_cast %add3A_1849 : i32 to index
        %swap3A_1851 = tpu.vector_load %arg24[%swap3A_1850] {strides = array<i32>} : memref<12544xf32, #tpu.memory_space<vmem>>, vector<16xf32>,
        tpu.vector_store %arg24[%swap3A_1850], %add3A_1845 {strides = array<i32>} : memref<12544xf32, #tpu.memory_space<vmem>>, vector<16xf32>,
        %get3A_1852 = arith.index_cast %scan3A_1524 : i32 to index
        %get3A_1853 = arith.constant 192 : index
        %get3A_1854 = tpu.vector_load %arg16[%get3A_1852, %get3A_1853] {strides = array<i32>} : memref<49x256xf32, #tpu.memory_space<vmem>>, vector<16xf32>,
        %mul3A_1855 = arith.mulf %gather3A_1531, %get3A_1854 : vector<16xf32>
        %get3A_1856 = arith.index_cast %scan3A_1524 : i32 to index
        %get3A_1857 = arith.constant 192 : index
        %get3A_1858 = tpu.vector_load %arg17[%get3A_1856, %get3A_1857] {strides = array<i32>} : memref<49x256xf32, #tpu.memory_space<vmem>>, vector<16xf32>,
        %mul3A_1859 = arith.mulf %gather3A_1538, %get3A_1858 : vector<16xf32>
        %add3A_1860 = arith.addf %mul3A_1855, %mul3A_1859 : vector<16xf32>
        %get3A_1861 = arith.index_cast %scan3A_1524 : i32 to index
        %get3A_1862 = arith.constant 192 : index
        %get3A_1863 = tpu.vector_load %arg18[%get3A_1861, %get3A_1862] {strides = array<i32>} : memref<49x256xf32, #tpu.memory_space<vmem>>, vector<16xf32>,
        %mul3A_1864 = arith.mulf %gather3A_1545, %get3A_1863 : vector<16xf32>
        %add3A_1865 = arith.addf %add3A_1860, %mul3A_1864 : vector<16xf32>
        %get3A_1866 = arith.index_cast %scan3A_1524 : i32 to index
        %get3A_1867 = arith.constant 192 : index
        %get3A_1868 = tpu.vector_load %arg19[%get3A_1866, %get3A_1867] {strides = array<i32>} : memref<49x256xf32, #tpu.memory_space<vmem>>, vector<16xf32>,
        %mul3A_1869 = arith.mulf %gather3A_1552, %get3A_1868 : vector<16xf32>
        %add3A_1870 = arith.addf %add3A_1865, %mul3A_1869 : vector<16xf32>
        %mul3A_1871 = arith.constant 256 : i32
        %mul3A_1872 = arith.muli %scan3A_1524, %mul3A_1871 : i32
        %add3A_1873 = arith.constant 192 : i32
        %add3A_1874 = arith.addi %mul3A_1872, %add3A_1873 : i32
        %swap3A_1875 = arith.index_cast %add3A_1874 : i32 to index
        %swap3A_1876 = tpu.vector_load %arg24[%swap3A_1875] {strides = array<i32>} : memref<12544xf32, #tpu.memory_space<vmem>>, vector<16xf32>,
        tpu.vector_store %arg24[%swap3A_1875], %add3A_1870 {strides = array<i32>} : memref<12544xf32, #tpu.memory_space<vmem>>, vector<16xf32>,
        %get3A_1877 = arith.index_cast %scan3A_1524 : i32 to index
        %get3A_1878 = arith.constant 208 : index
        %get3A_1879 = tpu.vector_load %arg16[%get3A_1877, %get3A_1878] {strides = array<i32>} : memref<49x256xf32, #tpu.memory_space<vmem>>, vector<16xf32>,
        %mul3A_1880 = arith.mulf %gather3A_1531, %get3A_1879 : vector<16xf32>
        %get3A_1881 = arith.index_cast %scan3A_1524 : i32 to index
        %get3A_1882 = arith.constant 208 : index
        %get3A_1883 = tpu.vector_load %arg17[%get3A_1881, %get3A_1882] {strides = array<i32>} : memref<49x256xf32, #tpu.memory_space<vmem>>, vector<16xf32>,
        %mul3A_1884 = arith.mulf %gather3A_1538, %get3A_1883 : vector<16xf32>
        %add3A_1885 = arith.addf %mul3A_1880, %mul3A_1884 : vector<16xf32>
        %get3A_1886 = arith.index_cast %scan3A_1524 : i32 to index
        %get3A_1887 = arith.constant 208 : index
        %get3A_1888 = tpu.vector_load %arg18[%get3A_1886, %get3A_1887] {strides = array<i32>} : memref<49x256xf32, #tpu.memory_space<vmem>>, vector<16xf32>,
        %mul3A_1889 = arith.mulf %gather3A_1545, %get3A_1888 : vector<16xf32>
        %add3A_1890 = arith.addf %add3A_1885, %mul3A_1889 : vector<16xf32>
        %get3A_1891 = arith.index_cast %scan3A_1524 : i32 to index
        %get3A_1892 = arith.constant 208 : index
        %get3A_1893 = tpu.vector_load %arg19[%get3A_1891, %get3A_1892] {strides = array<i32>} : memref<49x256xf32, #tpu.memory_space<vmem>>, vector<16xf32>,
        %mul3A_1894 = arith.mulf %gather3A_1552, %get3A_1893 : vector<16xf32>
        %add3A_1895 = arith.addf %add3A_1890, %mul3A_1894 : vector<16xf32>
        %mul3A_1896 = arith.constant 256 : i32
        %mul3A_1897 = arith.muli %scan3A_1524, %mul3A_1896 : i32
        %add3A_1898 = arith.constant 208 : i32
        %add3A_1899 = arith.addi %mul3A_1897, %add3A_1898 : i32
        %swap3A_1900 = arith.index_cast %add3A_1899 : i32 to index
        %swap3A_1901 = tpu.vector_load %arg24[%swap3A_1900] {strides = array<i32>} : memref<12544xf32, #tpu.memory_space<vmem>>, vector<16xf32>,
        tpu.vector_store %arg24[%swap3A_1900], %add3A_1895 {strides = array<i32>} : memref<12544xf32, #tpu.memory_space<vmem>>, vector<16xf32>,
        %get3A_1902 = arith.index_cast %scan3A_1524 : i32 to index
        %get3A_1903 = arith.constant 224 : index
        %get3A_1904 = tpu.vector_load %arg16[%get3A_1902, %get3A_1903] {strides = array<i32>} : memref<49x256xf32, #tpu.memory_space<vmem>>, vector<16xf32>,
        %mul3A_1905 = arith.mulf %gather3A_1531, %get3A_1904 : vector<16xf32>
        %get3A_1906 = arith.index_cast %scan3A_1524 : i32 to index
        %get3A_1907 = arith.constant 224 : index
        %get3A_1908 = tpu.vector_load %arg17[%get3A_1906, %get3A_1907] {strides = array<i32>} : memref<49x256xf32, #tpu.memory_space<vmem>>, vector<16xf32>,
        %mul3A_1909 = arith.mulf %gather3A_1538, %get3A_1908 : vector<16xf32>
        %add3A_1910 = arith.addf %mul3A_1905, %mul3A_1909 : vector<16xf32>
        %get3A_1911 = arith.index_cast %scan3A_1524 : i32 to index
        %get3A_1912 = arith.constant 224 : index
        %get3A_1913 = tpu.vector_load %arg18[%get3A_1911, %get3A_1912] {strides = array<i32>} : memref<49x256xf32, #tpu.memory_space<vmem>>, vector<16xf32>,
        %mul3A_1914 = arith.mulf %gather3A_1545, %get3A_1913 : vector<16xf32>
        %add3A_1915 = arith.addf %add3A_1910, %mul3A_1914 : vector<16xf32>
        %get3A_1916 = arith.index_cast %scan3A_1524 : i32 to index
        %get3A_1917 = arith.constant 224 : index
        %get3A_1918 = tpu.vector_load %arg19[%get3A_1916, %get3A_1917] {strides = array<i32>} : memref<49x256xf32, #tpu.memory_space<vmem>>, vector<16xf32>,
        %mul3A_1919 = arith.mulf %gather3A_1552, %get3A_1918 : vector<16xf32>
        %add3A_1920 = arith.addf %add3A_1915, %mul3A_1919 : vector<16xf32>
        %mul3A_1921 = arith.constant 256 : i32
        %mul3A_1922 = arith.muli %scan3A_1524, %mul3A_1921 : i32
        %add3A_1923 = arith.constant 224 : i32
        %add3A_1924 = arith.addi %mul3A_1922, %add3A_1923 : i32
        %swap3A_1925 = arith.index_cast %add3A_1924 : i32 to index
        %swap3A_1926 = tpu.vector_load %arg24[%swap3A_1925] {strides = array<i32>} : memref<12544xf32, #tpu.memory_space<vmem>>, vector<16xf32>,
        tpu.vector_store %arg24[%swap3A_1925], %add3A_1920 {strides = array<i32>} : memref<12544xf32, #tpu.memory_space<vmem>>, vector<16xf32>,
        %get3A_1927 = arith.index_cast %scan3A_1524 : i32 to index
        %get3A_1928 = arith.constant 240 : index
        %get3A_1929 = tpu.vector_load %arg16[%get3A_1927, %get3A_1928] {strides = array<i32>} : memref<49x256xf32, #tpu.memory_space<vmem>>, vector<16xf32>,
        %mul3A_1930 = arith.mulf %gather3A_1531, %get3A_1929 : vector<16xf32>
        %get3A_1931 = arith.index_cast %scan3A_1524 : i32 to index
        %get3A_1932 = arith.constant 240 : index
        %get3A_1933 = tpu.vector_load %arg17[%get3A_1931, %get3A_1932] {strides = array<i32>} : memref<49x256xf32, #tpu.memory_space<vmem>>, vector<16xf32>,
        %mul3A_1934 = arith.mulf %gather3A_1538, %get3A_1933 : vector<16xf32>
        %add3A_1935 = arith.addf %mul3A_1930, %mul3A_1934 : vector<16xf32>
        %get3A_1936 = arith.index_cast %scan3A_1524 : i32 to index
        %get3A_1937 = arith.constant 240 : index
        %get3A_1938 = tpu.vector_load %arg18[%get3A_1936, %get3A_1937] {strides = array<i32>} : memref<49x256xf32, #tpu.memory_space<vmem>>, vector<16xf32>,
        %mul3A_1939 = arith.mulf %gather3A_1545, %get3A_1938 : vector<16xf32>
        %add3A_1940 = arith.addf %add3A_1935, %mul3A_1939 : vector<16xf32>
        %get3A_1941 = arith.index_cast %scan3A_1524 : i32 to index
        %get3A_1942 = arith.constant 240 : index
        %get3A_1943 = tpu.vector_load %arg19[%get3A_1941, %get3A_1942] {strides = array<i32>} : memref<49x256xf32, #tpu.memory_space<vmem>>, vector<16xf32>,
        %mul3A_1944 = arith.mulf %gather3A_1552, %get3A_1943 : vector<16xf32>
        %add3A_1945 = arith.addf %add3A_1940, %mul3A_1944 : vector<16xf32>
        %mul3A_1946 = arith.constant 256 : i32
        %mul3A_1947 = arith.muli %scan3A_1524, %mul3A_1946 : i32
        %add3A_1948 = arith.constant 240 : i32
        %add3A_1949 = arith.addi %mul3A_1947, %add3A_1948 : i32
        %swap3A_1950 = arith.index_cast %add3A_1949 : i32 to index
        %swap3A_1951 = tpu.vector_load %arg24[%swap3A_1950] {strides = array<i32>} : memref<12544xf32, #tpu.memory_space<vmem>>, vector<16xf32>,
        tpu.vector_store %arg24[%swap3A_1950], %add3A_1945 {strides = array<i32>} : memref<12544xf32, #tpu.memory_space<vmem>>, vector<16xf32>,
      }
      %scan3A_1501 = arith.constant 49 : i32
      %add3A_1502 = arith.addi %mul3A_2, %mul3A_13 : i32
      "tpu.region"() ({
        %run_scoped3A = tpu.sem_alloc : memref<!tpu.dma_semaphore, #tpu.memory_space<semaphore_mem>>
        %dma_start3A_1524 = arith.constant 0 : i32
        %dma_start3A_1525 = tpu.memref_slice %arg4[%add3A_1502, %dma_start3A_1524] : memref<1024x12544xf32, #tpu.memory_space<hbm>> -> memref<1x12544xf32, #tpu.memory_space<hbm>>
        %dma_start3A_1526 = tpu.memref_squeeze %dma_start3A_1525 : memref<1x12544xf32, #tpu.memory_space<hbm>> -> memref<12544xf32, #tpu.memory_space<hbm>>
        %dma_start3A_1527 = arith.constant 0 : i32
        %dma_start3A_1528 = tpu.memref_slice %arg4[%add3A_1502, %dma_start3A_1527] : memref<1024x12544xf32, #tpu.memory_space<hbm>> -> memref<1x12544xf32, #tpu.memory_space<hbm>>
        %dma_start3A_1529 = tpu.memref_squeeze %dma_start3A_1528 : memref<1x12544xf32, #tpu.memory_space<hbm>> -> memref<12544xf32, #tpu.memory_space<hbm>>
        tpu.enqueue_dma source(%arg24 : memref<12544xf32, #tpu.memory_space<vmem>>) target(%dma_start3A_1529 : memref<12544xf32, #tpu.memory_space<hbm>>) target_semaphore(%run_scoped3A : memref<!tpu.dma_semaphore, #tpu.memory_space<semaphore_mem>>)
        %dma_wait3A_1530 = arith.constant 0 : i32
        %dma_wait3A_1531 = tpu.memref_slice %arg4[%add3A_1502, %dma_wait3A_1530] : memref<1024x12544xf32, #tpu.memory_space<hbm>> -> memref<1x12544xf32, #tpu.memory_space<hbm>>
        %dma_wait3A_1532 = tpu.memref_squeeze %dma_wait3A_1531 : memref<1x12544xf32, #tpu.memory_space<hbm>> -> memref<12544xf32, #tpu.memory_space<hbm>>
        %dma_wait3A_1533 = arith.constant 0 : i32
        %dma_wait3A_1534 = tpu.memref_slice %arg4[%add3A_1502, %dma_wait3A_1533] : memref<1024x12544xf32, #tpu.memory_space<hbm>> -> memref<1x12544xf32, #tpu.memory_space<hbm>>
        %dma_wait3A_1535 = tpu.memref_squeeze %dma_wait3A_1534 : memref<1x12544xf32, #tpu.memory_space<hbm>> -> memref<12544xf32, #tpu.memory_space<hbm>>
        tpu.wait_dma2 semaphore(%run_scoped3A : memref<!tpu.dma_semaphore, #tpu.memory_space<semaphore_mem>>) src(%arg24 : memref<12544xf32, #tpu.memory_space<vmem>>) dst(%dma_wait3A_1535 : memref<12544xf32, #tpu.memory_space<hbm>>)
        tpu.yield
      }) : () -> ()
      %dma_wait3A_1503 = arith.constant 0 : i32
      %dma_wait3A_1504 = arith.constant 0 : i32
      %dma_wait3A_1505 = tpu.memref_slice %arg2[%dma_wait3A_1503, %dma_wait3A_1504] : memref<25088x256xf32, #tpu.memory_space<hbm>> -> memref<25088x256xf32, #tpu.memory_space<hbm>>
      tpu.wait_indirect_dma semaphore(%arg26 : memref<!tpu.dma_semaphore, #tpu.memory_space<semaphore_mem>>) src(%dma_wait3A_1505 : memref<25088x256xf32, #tpu.memory_space<hbm>>) dst(%arg20 : memref<49x256xf32, #tpu.memory_space<vmem>>)
      %dma_wait3A_1506 = arith.constant 0 : i32
      %dma_wait3A_1507 = arith.constant 0 : i32
      %dma_wait3A_1508 = tpu.memref_slice %arg2[%dma_wait3A_1506, %dma_wait3A_1507] : memref<25088x256xf32, #tpu.memory_space<hbm>> -> memref<25088x256xf32, #tpu.memory_space<hbm>>
      tpu.wait_indirect_dma semaphore(%arg26 : memref<!tpu.dma_semaphore, #tpu.memory_space<semaphore_mem>>) src(%dma_wait3A_1508 : memref<25088x256xf32, #tpu.memory_space<hbm>>) dst(%arg21 : memref<49x256xf32, #tpu.memory_space<vmem>>)
      %dma_wait3A_1509 = arith.constant 0 : i32
      %dma_wait3A_1510 = arith.constant 0 : i32
      %dma_wait3A_1511 = tpu.memref_slice %arg2[%dma_wait3A_1509, %dma_wait3A_1510] : memref<25088x256xf32, #tpu.memory_space<hbm>> -> memref<25088x256xf32, #tpu.memory_space<hbm>>
      tpu.wait_indirect_dma semaphore(%arg26 : memref<!tpu.dma_semaphore, #tpu.memory_space<semaphore_mem>>) src(%dma_wait3A_1511 : memref<25088x256xf32, #tpu.memory_space<hbm>>) dst(%arg22 : memref<49x256xf32, #tpu.memory_space<vmem>>)
      %dma_wait3A_1512 = arith.constant 0 : i32
      %dma_wait3A_1513 = arith.constant 0 : i32
      %dma_wait3A_1514 = tpu.memref_slice %arg2[%dma_wait3A_1512, %dma_wait3A_1513] : memref<25088x256xf32, #tpu.memory_space<hbm>> -> memref<25088x256xf32, #tpu.memory_space<hbm>>
      tpu.wait_indirect_dma semaphore(%arg26 : memref<!tpu.dma_semaphore, #tpu.memory_space<semaphore_mem>>) src(%dma_wait3A_1514 : memref<25088x256xf32, #tpu.memory_space<hbm>>) dst(%arg23 : memref<49x256xf32, #tpu.memory_space<vmem>>)
      %scan3A_1515 = arith.constant 0 : i32
      %scan3A_1516 = arith.constant 0 : i32
      %scan3A_1517 = arith.constant 49 : i32
      %scan3A_1518 = arith.addi %scan3A_1516, %scan3A_1517 : i32
      %scan3A_1519 = arith.constant 1 : i32
      scf.for %scan3A_1524 = %scan3A_1516 to %scan3A_1518 step %scan3A_1519  : i32 {
        %mul3A_1525 = arith.constant 4 : i32
        %mul3A_1526 = arith.muli %scan3A_1524, %mul3A_1525 : i32
        %add3A_1527 = arith.constant 0 : i32
        %add3A_1528 = arith.addi %mul3A_1526, %add3A_1527 : i32
        %add3A_1529 = vector.broadcast %add3A_1528 : i32 to vector<16xi32>
        %add3A_1530 = arith.addi %broadcast_in_dim3A_5, %add3A_1529 : vector<16xi32>
        %gather3A_1531 = tpu.vector_load_idx %arg15[%add3A_1530] : memref<212xf32, #tpu.memory_space<vmem>>[vector<16xi32>], vector<16xf32>,
        %mul3A_1532 = arith.constant 4 : i32
        %mul3A_1533 = arith.muli %scan3A_1524, %mul3A_1532 : i32
        %add3A_1534 = arith.constant 1 : i32
        %add3A_1535 = arith.addi %mul3A_1533, %add3A_1534 : i32
        %add3A_1536 = vector.broadcast %add3A_1535 : i32 to vector<16xi32>
        %add3A_1537 = arith.addi %broadcast_in_dim3A_5, %add3A_1536 : vector<16xi32>
        %gather3A_1538 = tpu.vector_load_idx %arg15[%add3A_1537] : memref<212xf32, #tpu.memory_space<vmem>>[vector<16xi32>], vector<16xf32>,
        %mul3A_1539 = arith.constant 4 : i32
        %mul3A_1540 = arith.muli %scan3A_1524, %mul3A_1539 : i32
        %add3A_1541 = arith.constant 2 : i32
        %add3A_1542 = arith.addi %mul3A_1540, %add3A_1541 : i32
        %add3A_1543 = vector.broadcast %add3A_1542 : i32 to vector<16xi32>
        %add3A_1544 = arith.addi %broadcast_in_dim3A_5, %add3A_1543 : vector<16xi32>
        %gather3A_1545 = tpu.vector_load_idx %arg15[%add3A_1544] : memref<212xf32, #tpu.memory_space<vmem>>[vector<16xi32>], vector<16xf32>,
        %mul3A_1546 = arith.constant 4 : i32
        %mul3A_1547 = arith.muli %scan3A_1524, %mul3A_1546 : i32
        %add3A_1548 = arith.constant 3 : i32
        %add3A_1549 = arith.addi %mul3A_1547, %add3A_1548 : i32
        %add3A_1550 = vector.broadcast %add3A_1549 : i32 to vector<16xi32>
        %add3A_1551 = arith.addi %broadcast_in_dim3A_5, %add3A_1550 : vector<16xi32>
        %gather3A_1552 = tpu.vector_load_idx %arg15[%add3A_1551] : memref<212xf32, #tpu.memory_space<vmem>>[vector<16xi32>], vector<16xf32>,
        %get3A = arith.index_cast %scan3A_1524 : i32 to index
        %get3A_1553 = arith.constant 0 : index
        %get3A_1554 = tpu.vector_load %arg20[%get3A, %get3A_1553] {strides = array<i32>} : memref<49x256xf32, #tpu.memory_space<vmem>>, vector<16xf32>,
        %mul3A_1555 = arith.mulf %gather3A_1531, %get3A_1554 : vector<16xf32>
        %get3A_1556 = arith.index_cast %scan3A_1524 : i32 to index
        %get3A_1557 = arith.constant 0 : index
        %get3A_1558 = tpu.vector_load %arg21[%get3A_1556, %get3A_1557] {strides = array<i32>} : memref<49x256xf32, #tpu.memory_space<vmem>>, vector<16xf32>,
        %mul3A_1559 = arith.mulf %gather3A_1538, %get3A_1558 : vector<16xf32>
        %add3A_1560 = arith.addf %mul3A_1555, %mul3A_1559 : vector<16xf32>
        %get3A_1561 = arith.index_cast %scan3A_1524 : i32 to index
        %get3A_1562 = arith.constant 0 : index
        %get3A_1563 = tpu.vector_load %arg22[%get3A_1561, %get3A_1562] {strides = array<i32>} : memref<49x256xf32, #tpu.memory_space<vmem>>, vector<16xf32>,
        %mul3A_1564 = arith.mulf %gather3A_1545, %get3A_1563 : vector<16xf32>
        %add3A_1565 = arith.addf %add3A_1560, %mul3A_1564 : vector<16xf32>
        %get3A_1566 = arith.index_cast %scan3A_1524 : i32 to index
        %get3A_1567 = arith.constant 0 : index
        %get3A_1568 = tpu.vector_load %arg23[%get3A_1566, %get3A_1567] {strides = array<i32>} : memref<49x256xf32, #tpu.memory_space<vmem>>, vector<16xf32>,
        %mul3A_1569 = arith.mulf %gather3A_1552, %get3A_1568 : vector<16xf32>
        %add3A_1570 = arith.addf %add3A_1565, %mul3A_1569 : vector<16xf32>
        %mul3A_1571 = arith.constant 256 : i32
        %mul3A_1572 = arith.muli %scan3A_1524, %mul3A_1571 : i32
        %add3A_1573 = arith.constant 0 : i32
        %add3A_1574 = arith.addi %mul3A_1572, %add3A_1573 : i32
        %swap3A_1575 = arith.index_cast %add3A_1574 : i32 to index
        %swap3A_1576 = tpu.vector_load %arg24[%swap3A_1575] {strides = array<i32>} : memref<12544xf32, #tpu.memory_space<vmem>>, vector<16xf32>,
        tpu.vector_store %arg24[%swap3A_1575], %add3A_1570 {strides = array<i32>} : memref<12544xf32, #tpu.memory_space<vmem>>, vector<16xf32>,
        %get3A_1577 = arith.index_cast %scan3A_1524 : i32 to index
        %get3A_1578 = arith.constant 16 : index
        %get3A_1579 = tpu.vector_load %arg20[%get3A_1577, %get3A_1578] {strides = array<i32>} : memref<49x256xf32, #tpu.memory_space<vmem>>, vector<16xf32>,
        %mul3A_1580 = arith.mulf %gather3A_1531, %get3A_1579 : vector<16xf32>
        %get3A_1581 = arith.index_cast %scan3A_1524 : i32 to index
        %get3A_1582 = arith.constant 16 : index
        %get3A_1583 = tpu.vector_load %arg21[%get3A_1581, %get3A_1582] {strides = array<i32>} : memref<49x256xf32, #tpu.memory_space<vmem>>, vector<16xf32>,
        %mul3A_1584 = arith.mulf %gather3A_1538, %get3A_1583 : vector<16xf32>
        %add3A_1585 = arith.addf %mul3A_1580, %mul3A_1584 : vector<16xf32>
        %get3A_1586 = arith.index_cast %scan3A_1524 : i32 to index
        %get3A_1587 = arith.constant 16 : index
        %get3A_1588 = tpu.vector_load %arg22[%get3A_1586, %get3A_1587] {strides = array<i32>} : memref<49x256xf32, #tpu.memory_space<vmem>>, vector<16xf32>,
        %mul3A_1589 = arith.mulf %gather3A_1545, %get3A_1588 : vector<16xf32>
        %add3A_1590 = arith.addf %add3A_1585, %mul3A_1589 : vector<16xf32>
        %get3A_1591 = arith.index_cast %scan3A_1524 : i32 to index
        %get3A_1592 = arith.constant 16 : index
        %get3A_1593 = tpu.vector_load %arg23[%get3A_1591, %get3A_1592] {strides = array<i32>} : memref<49x256xf32, #tpu.memory_space<vmem>>, vector<16xf32>,
        %mul3A_1594 = arith.mulf %gather3A_1552, %get3A_1593 : vector<16xf32>
        %add3A_1595 = arith.addf %add3A_1590, %mul3A_1594 : vector<16xf32>
        %mul3A_1596 = arith.constant 256 : i32
        %mul3A_1597 = arith.muli %scan3A_1524, %mul3A_1596 : i32
        %add3A_1598 = arith.constant 16 : i32
        %add3A_1599 = arith.addi %mul3A_1597, %add3A_1598 : i32
        %swap3A_1600 = arith.index_cast %add3A_1599 : i32 to index
        %swap3A_1601 = tpu.vector_load %arg24[%swap3A_1600] {strides = array<i32>} : memref<12544xf32, #tpu.memory_space<vmem>>, vector<16xf32>,
        tpu.vector_store %arg24[%swap3A_1600], %add3A_1595 {strides = array<i32>} : memref<12544xf32, #tpu.memory_space<vmem>>, vector<16xf32>,
        %get3A_1602 = arith.index_cast %scan3A_1524 : i32 to index
        %get3A_1603 = arith.constant 32 : index
        %get3A_1604 = tpu.vector_load %arg20[%get3A_1602, %get3A_1603] {strides = array<i32>} : memref<49x256xf32, #tpu.memory_space<vmem>>, vector<16xf32>,
        %mul3A_1605 = arith.mulf %gather3A_1531, %get3A_1604 : vector<16xf32>
        %get3A_1606 = arith.index_cast %scan3A_1524 : i32 to index
        %get3A_1607 = arith.constant 32 : index
        %get3A_1608 = tpu.vector_load %arg21[%get3A_1606, %get3A_1607] {strides = array<i32>} : memref<49x256xf32, #tpu.memory_space<vmem>>, vector<16xf32>,
        %mul3A_1609 = arith.mulf %gather3A_1538, %get3A_1608 : vector<16xf32>
        %add3A_1610 = arith.addf %mul3A_1605, %mul3A_1609 : vector<16xf32>
        %get3A_1611 = arith.index_cast %scan3A_1524 : i32 to index
        %get3A_1612 = arith.constant 32 : index
        %get3A_1613 = tpu.vector_load %arg22[%get3A_1611, %get3A_1612] {strides = array<i32>} : memref<49x256xf32, #tpu.memory_space<vmem>>, vector<16xf32>,
        %mul3A_1614 = arith.mulf %gather3A_1545, %get3A_1613 : vector<16xf32>
        %add3A_1615 = arith.addf %add3A_1610, %mul3A_1614 : vector<16xf32>
        %get3A_1616 = arith.index_cast %scan3A_1524 : i32 to index
        %get3A_1617 = arith.constant 32 : index
        %get3A_1618 = tpu.vector_load %arg23[%get3A_1616, %get3A_1617] {strides = array<i32>} : memref<49x256xf32, #tpu.memory_space<vmem>>, vector<16xf32>,
        %mul3A_1619 = arith.mulf %gather3A_1552, %get3A_1618 : vector<16xf32>
        %add3A_1620 = arith.addf %add3A_1615, %mul3A_1619 : vector<16xf32>
        %mul3A_1621 = arith.constant 256 : i32
        %mul3A_1622 = arith.muli %scan3A_1524, %mul3A_1621 : i32
        %add3A_1623 = arith.constant 32 : i32
        %add3A_1624 = arith.addi %mul3A_1622, %add3A_1623 : i32
        %swap3A_1625 = arith.index_cast %add3A_1624 : i32 to index
        %swap3A_1626 = tpu.vector_load %arg24[%swap3A_1625] {strides = array<i32>} : memref<12544xf32, #tpu.memory_space<vmem>>, vector<16xf32>,
        tpu.vector_store %arg24[%swap3A_1625], %add3A_1620 {strides = array<i32>} : memref<12544xf32, #tpu.memory_space<vmem>>, vector<16xf32>,
        %get3A_1627 = arith.index_cast %scan3A_1524 : i32 to index
        %get3A_1628 = arith.constant 48 : index
        %get3A_1629 = tpu.vector_load %arg20[%get3A_1627, %get3A_1628] {strides = array<i32>} : memref<49x256xf32, #tpu.memory_space<vmem>>, vector<16xf32>,
        %mul3A_1630 = arith.mulf %gather3A_1531, %get3A_1629 : vector<16xf32>
        %get3A_1631 = arith.index_cast %scan3A_1524 : i32 to index
        %get3A_1632 = arith.constant 48 : index
        %get3A_1633 = tpu.vector_load %arg21[%get3A_1631, %get3A_1632] {strides = array<i32>} : memref<49x256xf32, #tpu.memory_space<vmem>>, vector<16xf32>,
        %mul3A_1634 = arith.mulf %gather3A_1538, %get3A_1633 : vector<16xf32>
        %add3A_1635 = arith.addf %mul3A_1630, %mul3A_1634 : vector<16xf32>
        %get3A_1636 = arith.index_cast %scan3A_1524 : i32 to index
        %get3A_1637 = arith.constant 48 : index
        %get3A_1638 = tpu.vector_load %arg22[%get3A_1636, %get3A_1637] {strides = array<i32>} : memref<49x256xf32, #tpu.memory_space<vmem>>, vector<16xf32>,
        %mul3A_1639 = arith.mulf %gather3A_1545, %get3A_1638 : vector<16xf32>
        %add3A_1640 = arith.addf %add3A_1635, %mul3A_1639 : vector<16xf32>
        %get3A_1641 = arith.index_cast %scan3A_1524 : i32 to index
        %get3A_1642 = arith.constant 48 : index
        %get3A_1643 = tpu.vector_load %arg23[%get3A_1641, %get3A_1642] {strides = array<i32>} : memref<49x256xf32, #tpu.memory_space<vmem>>, vector<16xf32>,
        %mul3A_1644 = arith.mulf %gather3A_1552, %get3A_1643 : vector<16xf32>
        %add3A_1645 = arith.addf %add3A_1640, %mul3A_1644 : vector<16xf32>
        %mul3A_1646 = arith.constant 256 : i32
        %mul3A_1647 = arith.muli %scan3A_1524, %mul3A_1646 : i32
        %add3A_1648 = arith.constant 48 : i32
        %add3A_1649 = arith.addi %mul3A_1647, %add3A_1648 : i32
        %swap3A_1650 = arith.index_cast %add3A_1649 : i32 to index
        %swap3A_1651 = tpu.vector_load %arg24[%swap3A_1650] {strides = array<i32>} : memref<12544xf32, #tpu.memory_space<vmem>>, vector<16xf32>,
        tpu.vector_store %arg24[%swap3A_1650], %add3A_1645 {strides = array<i32>} : memref<12544xf32, #tpu.memory_space<vmem>>, vector<16xf32>,
        %get3A_1652 = arith.index_cast %scan3A_1524 : i32 to index
        %get3A_1653 = arith.constant 64 : index
        %get3A_1654 = tpu.vector_load %arg20[%get3A_1652, %get3A_1653] {strides = array<i32>} : memref<49x256xf32, #tpu.memory_space<vmem>>, vector<16xf32>,
        %mul3A_1655 = arith.mulf %gather3A_1531, %get3A_1654 : vector<16xf32>
        %get3A_1656 = arith.index_cast %scan3A_1524 : i32 to index
        %get3A_1657 = arith.constant 64 : index
        %get3A_1658 = tpu.vector_load %arg21[%get3A_1656, %get3A_1657] {strides = array<i32>} : memref<49x256xf32, #tpu.memory_space<vmem>>, vector<16xf32>,
        %mul3A_1659 = arith.mulf %gather3A_1538, %get3A_1658 : vector<16xf32>
        %add3A_1660 = arith.addf %mul3A_1655, %mul3A_1659 : vector<16xf32>
        %get3A_1661 = arith.index_cast %scan3A_1524 : i32 to index
        %get3A_1662 = arith.constant 64 : index
        %get3A_1663 = tpu.vector_load %arg22[%get3A_1661, %get3A_1662] {strides = array<i32>} : memref<49x256xf32, #tpu.memory_space<vmem>>, vector<16xf32>,
        %mul3A_1664 = arith.mulf %gather3A_1545, %get3A_1663 : vector<16xf32>
        %add3A_1665 = arith.addf %add3A_1660, %mul3A_1664 : vector<16xf32>
        %get3A_1666 = arith.index_cast %scan3A_1524 : i32 to index
        %get3A_1667 = arith.constant 64 : index
        %get3A_1668 = tpu.vector_load %arg23[%get3A_1666, %get3A_1667] {strides = array<i32>} : memref<49x256xf32, #tpu.memory_space<vmem>>, vector<16xf32>,
        %mul3A_1669 = arith.mulf %gather3A_1552, %get3A_1668 : vector<16xf32>
        %add3A_1670 = arith.addf %add3A_1665, %mul3A_1669 : vector<16xf32>
        %mul3A_1671 = arith.constant 256 : i32
        %mul3A_1672 = arith.muli %scan3A_1524, %mul3A_1671 : i32
        %add3A_1673 = arith.constant 64 : i32
        %add3A_1674 = arith.addi %mul3A_1672, %add3A_1673 : i32
        %swap3A_1675 = arith.index_cast %add3A_1674 : i32 to index
        %swap3A_1676 = tpu.vector_load %arg24[%swap3A_1675] {strides = array<i32>} : memref<12544xf32, #tpu.memory_space<vmem>>, vector<16xf32>,
        tpu.vector_store %arg24[%swap3A_1675], %add3A_1670 {strides = array<i32>} : memref<12544xf32, #tpu.memory_space<vmem>>, vector<16xf32>,
        %get3A_1677 = arith.index_cast %scan3A_1524 : i32 to index
        %get3A_1678 = arith.constant 80 : index
        %get3A_1679 = tpu.vector_load %arg20[%get3A_1677, %get3A_1678] {strides = array<i32>} : memref<49x256xf32, #tpu.memory_space<vmem>>, vector<16xf32>,
        %mul3A_1680 = arith.mulf %gather3A_1531, %get3A_1679 : vector<16xf32>
        %get3A_1681 = arith.index_cast %scan3A_1524 : i32 to index
        %get3A_1682 = arith.constant 80 : index
        %get3A_1683 = tpu.vector_load %arg21[%get3A_1681, %get3A_1682] {strides = array<i32>} : memref<49x256xf32, #tpu.memory_space<vmem>>, vector<16xf32>,
        %mul3A_1684 = arith.mulf %gather3A_1538, %get3A_1683 : vector<16xf32>
        %add3A_1685 = arith.addf %mul3A_1680, %mul3A_1684 : vector<16xf32>
        %get3A_1686 = arith.index_cast %scan3A_1524 : i32 to index
        %get3A_1687 = arith.constant 80 : index
        %get3A_1688 = tpu.vector_load %arg22[%get3A_1686, %get3A_1687] {strides = array<i32>} : memref<49x256xf32, #tpu.memory_space<vmem>>, vector<16xf32>,
        %mul3A_1689 = arith.mulf %gather3A_1545, %get3A_1688 : vector<16xf32>
        %add3A_1690 = arith.addf %add3A_1685, %mul3A_1689 : vector<16xf32>
        %get3A_1691 = arith.index_cast %scan3A_1524 : i32 to index
        %get3A_1692 = arith.constant 80 : index
        %get3A_1693 = tpu.vector_load %arg23[%get3A_1691, %get3A_1692] {strides = array<i32>} : memref<49x256xf32, #tpu.memory_space<vmem>>, vector<16xf32>,
        %mul3A_1694 = arith.mulf %gather3A_1552, %get3A_1693 : vector<16xf32>
        %add3A_1695 = arith.addf %add3A_1690, %mul3A_1694 : vector<16xf32>
        %mul3A_1696 = arith.constant 256 : i32
        %mul3A_1697 = arith.muli %scan3A_1524, %mul3A_1696 : i32
        %add3A_1698 = arith.constant 80 : i32
        %add3A_1699 = arith.addi %mul3A_1697, %add3A_1698 : i32
        %swap3A_1700 = arith.index_cast %add3A_1699 : i32 to index
        %swap3A_1701 = tpu.vector_load %arg24[%swap3A_1700] {strides = array<i32>} : memref<12544xf32, #tpu.memory_space<vmem>>, vector<16xf32>,
        tpu.vector_store %arg24[%swap3A_1700], %add3A_1695 {strides = array<i32>} : memref<12544xf32, #tpu.memory_space<vmem>>, vector<16xf32>,
        %get3A_1702 = arith.index_cast %scan3A_1524 : i32 to index
        %get3A_1703 = arith.constant 96 : index
        %get3A_1704 = tpu.vector_load %arg20[%get3A_1702, %get3A_1703] {strides = array<i32>} : memref<49x256xf32, #tpu.memory_space<vmem>>, vector<16xf32>,
        %mul3A_1705 = arith.mulf %gather3A_1531, %get3A_1704 : vector<16xf32>
        %get3A_1706 = arith.index_cast %scan3A_1524 : i32 to index
        %get3A_1707 = arith.constant 96 : index
        %get3A_1708 = tpu.vector_load %arg21[%get3A_1706, %get3A_1707] {strides = array<i32>} : memref<49x256xf32, #tpu.memory_space<vmem>>, vector<16xf32>,
        %mul3A_1709 = arith.mulf %gather3A_1538, %get3A_1708 : vector<16xf32>
        %add3A_1710 = arith.addf %mul3A_1705, %mul3A_1709 : vector<16xf32>
        %get3A_1711 = arith.index_cast %scan3A_1524 : i32 to index
        %get3A_1712 = arith.constant 96 : index
        %get3A_1713 = tpu.vector_load %arg22[%get3A_1711, %get3A_1712] {strides = array<i32>} : memref<49x256xf32, #tpu.memory_space<vmem>>, vector<16xf32>,
        %mul3A_1714 = arith.mulf %gather3A_1545, %get3A_1713 : vector<16xf32>
        %add3A_1715 = arith.addf %add3A_1710, %mul3A_1714 : vector<16xf32>
        %get3A_1716 = arith.index_cast %scan3A_1524 : i32 to index
        %get3A_1717 = arith.constant 96 : index
        %get3A_1718 = tpu.vector_load %arg23[%get3A_1716, %get3A_1717] {strides = array<i32>} : memref<49x256xf32, #tpu.memory_space<vmem>>, vector<16xf32>,
        %mul3A_1719 = arith.mulf %gather3A_1552, %get3A_1718 : vector<16xf32>
        %add3A_1720 = arith.addf %add3A_1715, %mul3A_1719 : vector<16xf32>
        %mul3A_1721 = arith.constant 256 : i32
        %mul3A_1722 = arith.muli %scan3A_1524, %mul3A_1721 : i32
        %add3A_1723 = arith.constant 96 : i32
        %add3A_1724 = arith.addi %mul3A_1722, %add3A_1723 : i32
        %swap3A_1725 = arith.index_cast %add3A_1724 : i32 to index
        %swap3A_1726 = tpu.vector_load %arg24[%swap3A_1725] {strides = array<i32>} : memref<12544xf32, #tpu.memory_space<vmem>>, vector<16xf32>,
        tpu.vector_store %arg24[%swap3A_1725], %add3A_1720 {strides = array<i32>} : memref<12544xf32, #tpu.memory_space<vmem>>, vector<16xf32>,
        %get3A_1727 = arith.index_cast %scan3A_1524 : i32 to index
        %get3A_1728 = arith.constant 112 : index
        %get3A_1729 = tpu.vector_load %arg20[%get3A_1727, %get3A_1728] {strides = array<i32>} : memref<49x256xf32, #tpu.memory_space<vmem>>, vector<16xf32>,
        %mul3A_1730 = arith.mulf %gather3A_1531, %get3A_1729 : vector<16xf32>
        %get3A_1731 = arith.index_cast %scan3A_1524 : i32 to index
        %get3A_1732 = arith.constant 112 : index
        %get3A_1733 = tpu.vector_load %arg21[%get3A_1731, %get3A_1732] {strides = array<i32>} : memref<49x256xf32, #tpu.memory_space<vmem>>, vector<16xf32>,
        %mul3A_1734 = arith.mulf %gather3A_1538, %get3A_1733 : vector<16xf32>
        %add3A_1735 = arith.addf %mul3A_1730, %mul3A_1734 : vector<16xf32>
        %get3A_1736 = arith.index_cast %scan3A_1524 : i32 to index
        %get3A_1737 = arith.constant 112 : index
        %get3A_1738 = tpu.vector_load %arg22[%get3A_1736, %get3A_1737] {strides = array<i32>} : memref<49x256xf32, #tpu.memory_space<vmem>>, vector<16xf32>,
        %mul3A_1739 = arith.mulf %gather3A_1545, %get3A_1738 : vector<16xf32>
        %add3A_1740 = arith.addf %add3A_1735, %mul3A_1739 : vector<16xf32>
        %get3A_1741 = arith.index_cast %scan3A_1524 : i32 to index
        %get3A_1742 = arith.constant 112 : index
        %get3A_1743 = tpu.vector_load %arg23[%get3A_1741, %get3A_1742] {strides = array<i32>} : memref<49x256xf32, #tpu.memory_space<vmem>>, vector<16xf32>,
        %mul3A_1744 = arith.mulf %gather3A_1552, %get3A_1743 : vector<16xf32>
        %add3A_1745 = arith.addf %add3A_1740, %mul3A_1744 : vector<16xf32>
        %mul3A_1746 = arith.constant 256 : i32
        %mul3A_1747 = arith.muli %scan3A_1524, %mul3A_1746 : i32
        %add3A_1748 = arith.constant 112 : i32
        %add3A_1749 = arith.addi %mul3A_1747, %add3A_1748 : i32
        %swap3A_1750 = arith.index_cast %add3A_1749 : i32 to index
        %swap3A_1751 = tpu.vector_load %arg24[%swap3A_1750] {strides = array<i32>} : memref<12544xf32, #tpu.memory_space<vmem>>, vector<16xf32>,
        tpu.vector_store %arg24[%swap3A_1750], %add3A_1745 {strides = array<i32>} : memref<12544xf32, #tpu.memory_space<vmem>>, vector<16xf32>,
        %get3A_1752 = arith.index_cast %scan3A_1524 : i32 to index
        %get3A_1753 = arith.constant 128 : index
        %get3A_1754 = tpu.vector_load %arg20[%get3A_1752, %get3A_1753] {strides = array<i32>} : memref<49x256xf32, #tpu.memory_space<vmem>>, vector<16xf32>,
        %mul3A_1755 = arith.mulf %gather3A_1531, %get3A_1754 : vector<16xf32>
        %get3A_1756 = arith.index_cast %scan3A_1524 : i32 to index
        %get3A_1757 = arith.constant 128 : index
        %get3A_1758 = tpu.vector_load %arg21[%get3A_1756, %get3A_1757] {strides = array<i32>} : memref<49x256xf32, #tpu.memory_space<vmem>>, vector<16xf32>,
        %mul3A_1759 = arith.mulf %gather3A_1538, %get3A_1758 : vector<16xf32>
        %add3A_1760 = arith.addf %mul3A_1755, %mul3A_1759 : vector<16xf32>
        %get3A_1761 = arith.index_cast %scan3A_1524 : i32 to index
        %get3A_1762 = arith.constant 128 : index
        %get3A_1763 = tpu.vector_load %arg22[%get3A_1761, %get3A_1762] {strides = array<i32>} : memref<49x256xf32, #tpu.memory_space<vmem>>, vector<16xf32>,
        %mul3A_1764 = arith.mulf %gather3A_1545, %get3A_1763 : vector<16xf32>
        %add3A_1765 = arith.addf %add3A_1760, %mul3A_1764 : vector<16xf32>
        %get3A_1766 = arith.index_cast %scan3A_1524 : i32 to index
        %get3A_1767 = arith.constant 128 : index
        %get3A_1768 = tpu.vector_load %arg23[%get3A_1766, %get3A_1767] {strides = array<i32>} : memref<49x256xf32, #tpu.memory_space<vmem>>, vector<16xf32>,
        %mul3A_1769 = arith.mulf %gather3A_1552, %get3A_1768 : vector<16xf32>
        %add3A_1770 = arith.addf %add3A_1765, %mul3A_1769 : vector<16xf32>
        %mul3A_1771 = arith.constant 256 : i32
        %mul3A_1772 = arith.muli %scan3A_1524, %mul3A_1771 : i32
        %add3A_1773 = arith.constant 128 : i32
        %add3A_1774 = arith.addi %mul3A_1772, %add3A_1773 : i32
        %swap3A_1775 = arith.index_cast %add3A_1774 : i32 to index
        %swap3A_1776 = tpu.vector_load %arg24[%swap3A_1775] {strides = array<i32>} : memref<12544xf32, #tpu.memory_space<vmem>>, vector<16xf32>,
        tpu.vector_store %arg24[%swap3A_1775], %add3A_1770 {strides = array<i32>} : memref<12544xf32, #tpu.memory_space<vmem>>, vector<16xf32>,
        %get3A_1777 = arith.index_cast %scan3A_1524 : i32 to index
        %get3A_1778 = arith.constant 144 : index
        %get3A_1779 = tpu.vector_load %arg20[%get3A_1777, %get3A_1778] {strides = array<i32>} : memref<49x256xf32, #tpu.memory_space<vmem>>, vector<16xf32>,
        %mul3A_1780 = arith.mulf %gather3A_1531, %get3A_1779 : vector<16xf32>
        %get3A_1781 = arith.index_cast %scan3A_1524 : i32 to index
        %get3A_1782 = arith.constant 144 : index
        %get3A_1783 = tpu.vector_load %arg21[%get3A_1781, %get3A_1782] {strides = array<i32>} : memref<49x256xf32, #tpu.memory_space<vmem>>, vector<16xf32>,
        %mul3A_1784 = arith.mulf %gather3A_1538, %get3A_1783 : vector<16xf32>
        %add3A_1785 = arith.addf %mul3A_1780, %mul3A_1784 : vector<16xf32>
        %get3A_1786 = arith.index_cast %scan3A_1524 : i32 to index
        %get3A_1787 = arith.constant 144 : index
        %get3A_1788 = tpu.vector_load %arg22[%get3A_1786, %get3A_1787] {strides = array<i32>} : memref<49x256xf32, #tpu.memory_space<vmem>>, vector<16xf32>,
        %mul3A_1789 = arith.mulf %gather3A_1545, %get3A_1788 : vector<16xf32>
        %add3A_1790 = arith.addf %add3A_1785, %mul3A_1789 : vector<16xf32>
        %get3A_1791 = arith.index_cast %scan3A_1524 : i32 to index
        %get3A_1792 = arith.constant 144 : index
        %get3A_1793 = tpu.vector_load %arg23[%get3A_1791, %get3A_1792] {strides = array<i32>} : memref<49x256xf32, #tpu.memory_space<vmem>>, vector<16xf32>,
        %mul3A_1794 = arith.mulf %gather3A_1552, %get3A_1793 : vector<16xf32>
        %add3A_1795 = arith.addf %add3A_1790, %mul3A_1794 : vector<16xf32>
        %mul3A_1796 = arith.constant 256 : i32
        %mul3A_1797 = arith.muli %scan3A_1524, %mul3A_1796 : i32
        %add3A_1798 = arith.constant 144 : i32
        %add3A_1799 = arith.addi %mul3A_1797, %add3A_1798 : i32
        %swap3A_1800 = arith.index_cast %add3A_1799 : i32 to index
        %swap3A_1801 = tpu.vector_load %arg24[%swap3A_1800] {strides = array<i32>} : memref<12544xf32, #tpu.memory_space<vmem>>, vector<16xf32>,
        tpu.vector_store %arg24[%swap3A_1800], %add3A_1795 {strides = array<i32>} : memref<12544xf32, #tpu.memory_space<vmem>>, vector<16xf32>,
        %get3A_1802 = arith.index_cast %scan3A_1524 : i32 to index
        %get3A_1803 = arith.constant 160 : index
        %get3A_1804 = tpu.vector_load %arg20[%get3A_1802, %get3A_1803] {strides = array<i32>} : memref<49x256xf32, #tpu.memory_space<vmem>>, vector<16xf32>,
        %mul3A_1805 = arith.mulf %gather3A_1531, %get3A_1804 : vector<16xf32>
        %get3A_1806 = arith.index_cast %scan3A_1524 : i32 to index
        %get3A_1807 = arith.constant 160 : index
        %get3A_1808 = tpu.vector_load %arg21[%get3A_1806, %get3A_1807] {strides = array<i32>} : memref<49x256xf32, #tpu.memory_space<vmem>>, vector<16xf32>,
        %mul3A_1809 = arith.mulf %gather3A_1538, %get3A_1808 : vector<16xf32>
        %add3A_1810 = arith.addf %mul3A_1805, %mul3A_1809 : vector<16xf32>
        %get3A_1811 = arith.index_cast %scan3A_1524 : i32 to index
        %get3A_1812 = arith.constant 160 : index
        %get3A_1813 = tpu.vector_load %arg22[%get3A_1811, %get3A_1812] {strides = array<i32>} : memref<49x256xf32, #tpu.memory_space<vmem>>, vector<16xf32>,
        %mul3A_1814 = arith.mulf %gather3A_1545, %get3A_1813 : vector<16xf32>
        %add3A_1815 = arith.addf %add3A_1810, %mul3A_1814 : vector<16xf32>
        %get3A_1816 = arith.index_cast %scan3A_1524 : i32 to index
        %get3A_1817 = arith.constant 160 : index
        %get3A_1818 = tpu.vector_load %arg23[%get3A_1816, %get3A_1817] {strides = array<i32>} : memref<49x256xf32, #tpu.memory_space<vmem>>, vector<16xf32>,
        %mul3A_1819 = arith.mulf %gather3A_1552, %get3A_1818 : vector<16xf32>
        %add3A_1820 = arith.addf %add3A_1815, %mul3A_1819 : vector<16xf32>
        %mul3A_1821 = arith.constant 256 : i32
        %mul3A_1822 = arith.muli %scan3A_1524, %mul3A_1821 : i32
        %add3A_1823 = arith.constant 160 : i32
        %add3A_1824 = arith.addi %mul3A_1822, %add3A_1823 : i32
        %swap3A_1825 = arith.index_cast %add3A_1824 : i32 to index
        %swap3A_1826 = tpu.vector_load %arg24[%swap3A_1825] {strides = array<i32>} : memref<12544xf32, #tpu.memory_space<vmem>>, vector<16xf32>,
        tpu.vector_store %arg24[%swap3A_1825], %add3A_1820 {strides = array<i32>} : memref<12544xf32, #tpu.memory_space<vmem>>, vector<16xf32>,
        %get3A_1827 = arith.index_cast %scan3A_1524 : i32 to index
        %get3A_1828 = arith.constant 176 : index
        %get3A_1829 = tpu.vector_load %arg20[%get3A_1827, %get3A_1828] {strides = array<i32>} : memref<49x256xf32, #tpu.memory_space<vmem>>, vector<16xf32>,
        %mul3A_1830 = arith.mulf %gather3A_1531, %get3A_1829 : vector<16xf32>
        %get3A_1831 = arith.index_cast %scan3A_1524 : i32 to index
        %get3A_1832 = arith.constant 176 : index
        %get3A_1833 = tpu.vector_load %arg21[%get3A_1831, %get3A_1832] {strides = array<i32>} : memref<49x256xf32, #tpu.memory_space<vmem>>, vector<16xf32>,
        %mul3A_1834 = arith.mulf %gather3A_1538, %get3A_1833 : vector<16xf32>
        %add3A_1835 = arith.addf %mul3A_1830, %mul3A_1834 : vector<16xf32>
        %get3A_1836 = arith.index_cast %scan3A_1524 : i32 to index
        %get3A_1837 = arith.constant 176 : index
        %get3A_1838 = tpu.vector_load %arg22[%get3A_1836, %get3A_1837] {strides = array<i32>} : memref<49x256xf32, #tpu.memory_space<vmem>>, vector<16xf32>,
        %mul3A_1839 = arith.mulf %gather3A_1545, %get3A_1838 : vector<16xf32>
        %add3A_1840 = arith.addf %add3A_1835, %mul3A_1839 : vector<16xf32>
        %get3A_1841 = arith.index_cast %scan3A_1524 : i32 to index
        %get3A_1842 = arith.constant 176 : index
        %get3A_1843 = tpu.vector_load %arg23[%get3A_1841, %get3A_1842] {strides = array<i32>} : memref<49x256xf32, #tpu.memory_space<vmem>>, vector<16xf32>,
        %mul3A_1844 = arith.mulf %gather3A_1552, %get3A_1843 : vector<16xf32>
        %add3A_1845 = arith.addf %add3A_1840, %mul3A_1844 : vector<16xf32>
        %mul3A_1846 = arith.constant 256 : i32
        %mul3A_1847 = arith.muli %scan3A_1524, %mul3A_1846 : i32
        %add3A_1848 = arith.constant 176 : i32
        %add3A_1849 = arith.addi %mul3A_1847, %add3A_1848 : i32
        %swap3A_1850 = arith.index_cast %add3A_1849 : i32 to index
        %swap3A_1851 = tpu.vector_load %arg24[%swap3A_1850] {strides = array<i32>} : memref<12544xf32, #tpu.memory_space<vmem>>, vector<16xf32>,
        tpu.vector_store %arg24[%swap3A_1850], %add3A_1845 {strides = array<i32>} : memref<12544xf32, #tpu.memory_space<vmem>>, vector<16xf32>,
        %get3A_1852 = arith.index_cast %scan3A_1524 : i32 to index
        %get3A_1853 = arith.constant 192 : index
        %get3A_1854 = tpu.vector_load %arg20[%get3A_1852, %get3A_1853] {strides = array<i32>} : memref<49x256xf32, #tpu.memory_space<vmem>>, vector<16xf32>,
        %mul3A_1855 = arith.mulf %gather3A_1531, %get3A_1854 : vector<16xf32>
        %get3A_1856 = arith.index_cast %scan3A_1524 : i32 to index
        %get3A_1857 = arith.constant 192 : index
        %get3A_1858 = tpu.vector_load %arg21[%get3A_1856, %get3A_1857] {strides = array<i32>} : memref<49x256xf32, #tpu.memory_space<vmem>>, vector<16xf32>,
        %mul3A_1859 = arith.mulf %gather3A_1538, %get3A_1858 : vector<16xf32>
        %add3A_1860 = arith.addf %mul3A_1855, %mul3A_1859 : vector<16xf32>
        %get3A_1861 = arith.index_cast %scan3A_1524 : i32 to index
        %get3A_1862 = arith.constant 192 : index
        %get3A_1863 = tpu.vector_load %arg22[%get3A_1861, %get3A_1862] {strides = array<i32>} : memref<49x256xf32, #tpu.memory_space<vmem>>, vector<16xf32>,
        %mul3A_1864 = arith.mulf %gather3A_1545, %get3A_1863 : vector<16xf32>
        %add3A_1865 = arith.addf %add3A_1860, %mul3A_1864 : vector<16xf32>
        %get3A_1866 = arith.index_cast %scan3A_1524 : i32 to index
        %get3A_1867 = arith.constant 192 : index
        %get3A_1868 = tpu.vector_load %arg23[%get3A_1866, %get3A_1867] {strides = array<i32>} : memref<49x256xf32, #tpu.memory_space<vmem>>, vector<16xf32>,
        %mul3A_1869 = arith.mulf %gather3A_1552, %get3A_1868 : vector<16xf32>
        %add3A_1870 = arith.addf %add3A_1865, %mul3A_1869 : vector<16xf32>
        %mul3A_1871 = arith.constant 256 : i32
        %mul3A_1872 = arith.muli %scan3A_1524, %mul3A_1871 : i32
        %add3A_1873 = arith.constant 192 : i32
        %add3A_1874 = arith.addi %mul3A_1872, %add3A_1873 : i32
        %swap3A_1875 = arith.index_cast %add3A_1874 : i32 to index
        %swap3A_1876 = tpu.vector_load %arg24[%swap3A_1875] {strides = array<i32>} : memref<12544xf32, #tpu.memory_space<vmem>>, vector<16xf32>,
        tpu.vector_store %arg24[%swap3A_1875], %add3A_1870 {strides = array<i32>} : memref<12544xf32, #tpu.memory_space<vmem>>, vector<16xf32>,
        %get3A_1877 = arith.index_cast %scan3A_1524 : i32 to index
        %get3A_1878 = arith.constant 208 : index
        %get3A_1879 = tpu.vector_load %arg20[%get3A_1877, %get3A_1878] {strides = array<i32>} : memref<49x256xf32, #tpu.memory_space<vmem>>, vector<16xf32>,
        %mul3A_1880 = arith.mulf %gather3A_1531, %get3A_1879 : vector<16xf32>
        %get3A_1881 = arith.index_cast %scan3A_1524 : i32 to index
        %get3A_1882 = arith.constant 208 : index
        %get3A_1883 = tpu.vector_load %arg21[%get3A_1881, %get3A_1882] {strides = array<i32>} : memref<49x256xf32, #tpu.memory_space<vmem>>, vector<16xf32>,
        %mul3A_1884 = arith.mulf %gather3A_1538, %get3A_1883 : vector<16xf32>
        %add3A_1885 = arith.addf %mul3A_1880, %mul3A_1884 : vector<16xf32>
        %get3A_1886 = arith.index_cast %scan3A_1524 : i32 to index
        %get3A_1887 = arith.constant 208 : index
        %get3A_1888 = tpu.vector_load %arg22[%get3A_1886, %get3A_1887] {strides = array<i32>} : memref<49x256xf32, #tpu.memory_space<vmem>>, vector<16xf32>,
        %mul3A_1889 = arith.mulf %gather3A_1545, %get3A_1888 : vector<16xf32>
        %add3A_1890 = arith.addf %add3A_1885, %mul3A_1889 : vector<16xf32>
        %get3A_1891 = arith.index_cast %scan3A_1524 : i32 to index
        %get3A_1892 = arith.constant 208 : index
        %get3A_1893 = tpu.vector_load %arg23[%get3A_1891, %get3A_1892] {strides = array<i32>} : memref<49x256xf32, #tpu.memory_space<vmem>>, vector<16xf32>,
        %mul3A_1894 = arith.mulf %gather3A_1552, %get3A_1893 : vector<16xf32>
        %add3A_1895 = arith.addf %add3A_1890, %mul3A_1894 : vector<16xf32>
        %mul3A_1896 = arith.constant 256 : i32
        %mul3A_1897 = arith.muli %scan3A_1524, %mul3A_1896 : i32
        %add3A_1898 = arith.constant 208 : i32
        %add3A_1899 = arith.addi %mul3A_1897, %add3A_1898 : i32
        %swap3A_1900 = arith.index_cast %add3A_1899 : i32 to index
        %swap3A_1901 = tpu.vector_load %arg24[%swap3A_1900] {strides = array<i32>} : memref<12544xf32, #tpu.memory_space<vmem>>, vector<16xf32>,
        tpu.vector_store %arg24[%swap3A_1900], %add3A_1895 {strides = array<i32>} : memref<12544xf32, #tpu.memory_space<vmem>>, vector<16xf32>,
        %get3A_1902 = arith.index_cast %scan3A_1524 : i32 to index
        %get3A_1903 = arith.constant 224 : index
        %get3A_1904 = tpu.vector_load %arg20[%get3A_1902, %get3A_1903] {strides = array<i32>} : memref<49x256xf32, #tpu.memory_space<vmem>>, vector<16xf32>,
        %mul3A_1905 = arith.mulf %gather3A_1531, %get3A_1904 : vector<16xf32>
        %get3A_1906 = arith.index_cast %scan3A_1524 : i32 to index
        %get3A_1907 = arith.constant 224 : index
        %get3A_1908 = tpu.vector_load %arg21[%get3A_1906, %get3A_1907] {strides = array<i32>} : memref<49x256xf32, #tpu.memory_space<vmem>>, vector<16xf32>,
        %mul3A_1909 = arith.mulf %gather3A_1538, %get3A_1908 : vector<16xf32>
        %add3A_1910 = arith.addf %mul3A_1905, %mul3A_1909 : vector<16xf32>
        %get3A_1911 = arith.index_cast %scan3A_1524 : i32 to index
        %get3A_1912 = arith.constant 224 : index
        %get3A_1913 = tpu.vector_load %arg22[%get3A_1911, %get3A_1912] {strides = array<i32>} : memref<49x256xf32, #tpu.memory_space<vmem>>, vector<16xf32>,
        %mul3A_1914 = arith.mulf %gather3A_1545, %get3A_1913 : vector<16xf32>
        %add3A_1915 = arith.addf %add3A_1910, %mul3A_1914 : vector<16xf32>
        %get3A_1916 = arith.index_cast %scan3A_1524 : i32 to index
        %get3A_1917 = arith.constant 224 : index
        %get3A_1918 = tpu.vector_load %arg23[%get3A_1916, %get3A_1917] {strides = array<i32>} : memref<49x256xf32, #tpu.memory_space<vmem>>, vector<16xf32>,
        %mul3A_1919 = arith.mulf %gather3A_1552, %get3A_1918 : vector<16xf32>
        %add3A_1920 = arith.addf %add3A_1915, %mul3A_1919 : vector<16xf32>
        %mul3A_1921 = arith.constant 256 : i32
        %mul3A_1922 = arith.muli %scan3A_1524, %mul3A_1921 : i32
        %add3A_1923 = arith.constant 224 : i32
        %add3A_1924 = arith.addi %mul3A_1922, %add3A_1923 : i32
        %swap3A_1925 = arith.index_cast %add3A_1924 : i32 to index
        %swap3A_1926 = tpu.vector_load %arg24[%swap3A_1925] {strides = array<i32>} : memref<12544xf32, #tpu.memory_space<vmem>>, vector<16xf32>,
        tpu.vector_store %arg24[%swap3A_1925], %add3A_1920 {strides = array<i32>} : memref<12544xf32, #tpu.memory_space<vmem>>, vector<16xf32>,
        %get3A_1927 = arith.index_cast %scan3A_1524 : i32 to index
        %get3A_1928 = arith.constant 240 : index
        %get3A_1929 = tpu.vector_load %arg20[%get3A_1927, %get3A_1928] {strides = array<i32>} : memref<49x256xf32, #tpu.memory_space<vmem>>, vector<16xf32>,
        %mul3A_1930 = arith.mulf %gather3A_1531, %get3A_1929 : vector<16xf32>
        %get3A_1931 = arith.index_cast %scan3A_1524 : i32 to index
        %get3A_1932 = arith.constant 240 : index
        %get3A_1933 = tpu.vector_load %arg21[%get3A_1931, %get3A_1932] {strides = array<i32>} : memref<49x256xf32, #tpu.memory_space<vmem>>, vector<16xf32>,
        %mul3A_1934 = arith.mulf %gather3A_1538, %get3A_1933 : vector<16xf32>
        %add3A_1935 = arith.addf %mul3A_1930, %mul3A_1934 : vector<16xf32>
        %get3A_1936 = arith.index_cast %scan3A_1524 : i32 to index
        %get3A_1937 = arith.constant 240 : index
        %get3A_1938 = tpu.vector_load %arg22[%get3A_1936, %get3A_1937] {strides = array<i32>} : memref<49x256xf32, #tpu.memory_space<vmem>>, vector<16xf32>,
        %mul3A_1939 = arith.mulf %gather3A_1545, %get3A_1938 : vector<16xf32>
        %add3A_1940 = arith.addf %add3A_1935, %mul3A_1939 : vector<16xf32>
        %get3A_1941 = arith.index_cast %scan3A_1524 : i32 to index
        %get3A_1942 = arith.constant 240 : index
        %get3A_1943 = tpu.vector_load %arg23[%get3A_1941, %get3A_1942] {strides = array<i32>} : memref<49x256xf32, #tpu.memory_space<vmem>>, vector<16xf32>,
        %mul3A_1944 = arith.mulf %gather3A_1552, %get3A_1943 : vector<16xf32>
        %add3A_1945 = arith.addf %add3A_1940, %mul3A_1944 : vector<16xf32>
        %mul3A_1946 = arith.constant 256 : i32
        %mul3A_1947 = arith.muli %scan3A_1524, %mul3A_1946 : i32
        %add3A_1948 = arith.constant 240 : i32
        %add3A_1949 = arith.addi %mul3A_1947, %add3A_1948 : i32
        %swap3A_1950 = arith.index_cast %add3A_1949 : i32 to index
        %swap3A_1951 = tpu.vector_load %arg24[%swap3A_1950] {strides = array<i32>} : memref<12544xf32, #tpu.memory_space<vmem>>, vector<16xf32>,
        tpu.vector_store %arg24[%swap3A_1950], %add3A_1945 {strides = array<i32>} : memref<12544xf32, #tpu.memory_space<vmem>>, vector<16xf32>,
      }
      %scan3A_1520 = arith.constant 49 : i32
      %add3A_1521 = arith.addi %mul3A_2, %mul3A_13 : i32
      %add3A_1522 = arith.constant 1 : i32
      %add3A_1523 = arith.addi %add3A_1521, %add3A_1522 : i32
      "tpu.region"() ({
        %run_scoped3A = tpu.sem_alloc : memref<!tpu.dma_semaphore, #tpu.memory_space<semaphore_mem>>
        %dma_start3A_1524 = arith.constant 0 : i32
        %dma_start3A_1525 = tpu.memref_slice %arg4[%add3A_1523, %dma_start3A_1524] : memref<1024x12544xf32, #tpu.memory_space<hbm>> -> memref<1x12544xf32, #tpu.memory_space<hbm>>
        %dma_start3A_1526 = tpu.memref_squeeze %dma_start3A_1525 : memref<1x12544xf32, #tpu.memory_space<hbm>> -> memref<12544xf32, #tpu.memory_space<hbm>>
        %dma_start3A_1527 = arith.constant 0 : i32
        %dma_start3A_1528 = tpu.memref_slice %arg4[%add3A_1523, %dma_start3A_1527] : memref<1024x12544xf32, #tpu.memory_space<hbm>> -> memref<1x12544xf32, #tpu.memory_space<hbm>>
        %dma_start3A_1529 = tpu.memref_squeeze %dma_start3A_1528 : memref<1x12544xf32, #tpu.memory_space<hbm>> -> memref<12544xf32, #tpu.memory_space<hbm>>
        tpu.enqueue_dma source(%arg24 : memref<12544xf32, #tpu.memory_space<vmem>>) target(%dma_start3A_1529 : memref<12544xf32, #tpu.memory_space<hbm>>) target_semaphore(%run_scoped3A : memref<!tpu.dma_semaphore, #tpu.memory_space<semaphore_mem>>)
        %dma_wait3A_1530 = arith.constant 0 : i32
        %dma_wait3A_1531 = tpu.memref_slice %arg4[%add3A_1523, %dma_wait3A_1530] : memref<1024x12544xf32, #tpu.memory_space<hbm>> -> memref<1x12544xf32, #tpu.memory_space<hbm>>
        %dma_wait3A_1532 = tpu.memref_squeeze %dma_wait3A_1531 : memref<1x12544xf32, #tpu.memory_space<hbm>> -> memref<12544xf32, #tpu.memory_space<hbm>>
        %dma_wait3A_1533 = arith.constant 0 : i32
        %dma_wait3A_1534 = tpu.memref_slice %arg4[%add3A_1523, %dma_wait3A_1533] : memref<1024x12544xf32, #tpu.memory_space<hbm>> -> memref<1x12544xf32, #tpu.memory_space<hbm>>
        %dma_wait3A_1535 = tpu.memref_squeeze %dma_wait3A_1534 : memref<1x12544xf32, #tpu.memory_space<hbm>> -> memref<12544xf32, #tpu.memory_space<hbm>>
        tpu.wait_dma2 semaphore(%run_scoped3A : memref<!tpu.dma_semaphore, #tpu.memory_space<semaphore_mem>>) src(%arg24 : memref<12544xf32, #tpu.memory_space<vmem>>) dst(%dma_wait3A_1535 : memref<12544xf32, #tpu.memory_space<hbm>>)
        tpu.yield
      }) : () -> ()
    }
    %scan3A_10 = arith.constant 16 : i32
    return
  }
}

</mosaic_0001>

<sc_bundles>
// kernel: kernel.3.cloned.1.call-start
scs
__scs_entry_jumppad:
0x0: {  	(pc) =	sbr.rel $0x88, $3  }
0x1: {  	(tag) =	ssettag $0x0;
	lr =	simm.s32 $0x1  }
0x2: {  	[smem:$0x3F9F] =	sst lr;
	_ =	strace $0xD0000000  }
0x3: {  	_ = 	snop  }
0x4: {  	_ = 	snop  }
0x5: {  	_ = 	snop  }
0x6: {  	_ = 	snop  }
0x7: {  	_ = 	snop  }
__scs_overlays_trampoline_lowered:
0x8: {  	[smem:$0x3FAE] =	sst s0  }
0x9: {  	[smem:$0x3FAF] =	sst s1  }
0xa: {  	[smem:$0x3FB0] =	sst s2  }
0xb: {  	[smem:$0x3FB1] =	sst s3  }
0xc: {  	[smem:$0x3FB2] =	sst s4  }
0xd: {  	[smem:$0x3FB3] =	sst s5  }
0xe: {  	[smem:$0x3FB4] =	sst s6  }
0xf: {  	[smem:$0x3FB5] =	sst s7  }
0x10: {  	[smem:$0x3FB6] =	sst s8  }
0x11: {  	[smem:$0x3FB7] =	sst s9;
	s0 =	simm.s32 @!p0 $0x0  }
0x12: {  	s1 =	sld [smem:$0x3F9D];
	s0 =	simm.s32 @p0 $0x1  }
0x13: {  	[smem:$0x3FB8] =	sst s0;
	s0 =	simm.s32 @!p1 $0x0  }
0x14: {  	s2 =	sld [smem:$0x3F9C];
	s0 =	simm.s32 @p1 $0x1  }
0x15: {  	[smem:$0x3FB9] =	sst s0;
	s0 =	simm.s32 @!p2 $0x0  }
0x16: {  	s3 =	sld [smem:$0x3FDB];
	s0 =	simm.s32 @p2 $0x1  }
0x17: {  	s4 =	simm.s32 $0x1BF5;
	[smem:$0x3FBB] =	sst s0  }
0x18: {  	s0 =	sld [smem:$0x3F9E];
	_ =	swait.ge [sflag:s4], $0x0  }
0x19: {  	s7 =	sld [smem:$0x3F9F]  }
0x1a: {  	s8 =	sadd.s32 $0xFFFFE003, lr  }
0x1b: {  	s9 =	sadd.s32 $0xFFFFFEF7, lr;
	s5 =	simm.s32 $0xFFFFFFFF;
	p2 =	slt.u32 s8, $0xFFFFF086  }
0x1c: {  	p1 =	slt.u32 s9, $0xF7A;
	s5 =	simm.s32 @!p2 $0x0  }
0x1d: {  	s5 =	simm.s32 @p1 $0x1;
	p0 =	seq.s32 s7, s2  }
0x1e: {  	s7 =	smul.u32 @!p0 $0xF7A, s2;
	p2 =	seq.s32 @!p0 s5, $0x0  }
0x1f: {  	s9 =	smul.u32 $0xF7A, s1;
	s8 =	simm.s32 @!p0 $0x1BF5;
	p2 =	por !p2, p0  }
0x20: {  	[sflag:s8] =	ssyncset.s32 @!p0 $0xFFFFF086;
	s6 =	sadd.s32 @!p0 s3, s7;
	s7 =	simm.s32 @!p0 $0x108  }
0x21: {  	s3 =	sadd.s32 s3, s9;
	s6 =	sadd.s32 @!p0 $0x88, s6;
	s7 =	simm.s32 @p2 $0x1082  }
0x22: {  	[simem:s7], [sflag:s8] =	dma.local @!p0 [hbm:s6], $0xF7A  }
0x23: {  	s9 =	sor.u32 $0xD0000000, s2;
	s6 =	simm.s32 $0x108;
	_ =	swait.ge @!p0 [sflag:s8], $0x0  }
0x24: {  	s3 =	sadd.s32 $0x88, s3;
	s6 =	simm.s32 @!p1 $0x1082;
	[sflag:s4] =	ssyncset.s32 $0xFFFFF086  }
0x25: {  	[simem:s6], [sflag:s4] =	dma.local [hbm:s3], $0xF7A  }
0x26: {  	[smem:$0x3F9F] =	sst s1;
	(tag) =	ssettag s2;
	_ =	strace s9  }
0x27: {  	s1 =	sld [smem:$0x3FAF]  }
0x28: {  	s2 =	sld [smem:$0x3FB0]  }
0x29: {  	s4 =	sld [smem:$0x3FB2]  }
0x2a: {  	p0 =	seq.s32 s5, $0x0;
	s5 =	sld [smem:$0x3FB3]  }
0x2b: {  	s6 =	sld [smem:$0x3FB4]  }
0x2c: {  	s7 =	sld [smem:$0x3FB5]  }
0x2d: {  	s3 =	simm.s32 $0x108;
	s8 =	sld [smem:$0x3FB6]  }
0x2e: {  	s3 =	simm.s32 @!p0 $0x1082;
	s9 =	sld [smem:$0x3FB7]  }
0x2f: {  	lr =	sadd.s32 s0, s3;
	s0 =	sld [smem:$0x3FAE]  }
0x30: {  	s3 =	sld [smem:$0x3FB1]  }
0x31: {  	[smem:$0x3FBA] =	sst s10  }
0x32: {  	s10 =	sld [smem:$0x3FB8];
	_ =	sdelay $0x3  }
0x33: {  	p0 =	seq.s32 s10, $0x1;
	s10 =	sld [smem:$0x3FBA];
	_ =	sdelay $0x3  }
0x34: {  	[smem:$0x3FBA] =	sst s10  }
0x35: {  	s10 =	sld [smem:$0x3FB9];
	_ =	sdelay $0x3  }
0x36: {  	p1 =	seq.s32 s10, $0x1;
	s10 =	sld [smem:$0x3FBA];
	_ =	sdelay $0x3  }
0x37: {  	[smem:$0x3FBA] =	sst s10  }
0x38: {  	s10 =	sld [smem:$0x3FBB]  }
0x39: {  	_ = 	snop;
	(pc) =	sbr.ind lr, $3  }
0x3a: {  	_ = 	snop  }
0x3b: {  	_ = 	snop  }
0x3c: {  	p2 =	seq.s32 s10, $0x1;
	s10 =	sld [smem:$0x3FBA]  }
0x3d: {  	_ =	shalt  }
0x3e: {  	_ =	shalt  }
0x3f: {  	_ =	shalt  }
0x40: {  	_ =	shalt  }
0x41: {  	_ =	shalt  }
0x42: {  	_ =	shalt  }
0x43: {  	_ =	shalt  }
0x44: {  	_ =	shalt  }
0x45: {  	_ =	shalt  }
0x46: {  	_ =	shalt  }
0x47: {  	_ =	shalt  }
0x48: {  	_ =	shalt  }
0x49: {  	_ =	shalt  }
0x4a: {  	_ =	shalt  }
0x4b: {  	_ =	shalt  }
0x4c: {  	_ =	shalt  }
0x4d: {  	_ =	shalt  }
0x4e: {  	_ =	shalt  }
0x4f: {  	_ =	shalt  }
0x50: {  	_ =	shalt  }
0x51: {  	_ =	shalt  }
0x52: {  	_ =	shalt  }
0x53: {  	_ =	shalt  }
0x54: {  	_ =	shalt  }
0x55: {  	_ =	shalt  }
0x56: {  	_ =	shalt  }
0x57: {  	_ =	shalt  }
0x58: {  	_ =	shalt  }
0x59: {  	_ =	shalt  }
0x5a: {  	_ =	shalt  }
0x5b: {  	_ =	shalt  }
0x5c: {  	_ =	shalt  }
0x5d: {  	_ =	shalt  }
0x5e: {  	_ =	shalt  }
0x5f: {  	_ =	shalt  }
0x60: {  	_ =	shalt  }
0x61: {  	_ =	shalt  }
0x62: {  	_ =	shalt  }
0x63: {  	_ =	shalt  }
0x64: {  	_ =	shalt  }
0x65: {  	_ =	shalt  }
0x66: {  	_ =	shalt  }
0x67: {  	_ =	shalt  }
0x68: {  	_ =	shalt  }
0x69: {  	_ =	shalt  }
0x6a: {  	_ =	shalt  }
0x6b: {  	_ =	shalt  }
0x6c: {  	_ =	shalt  }
0x6d: {  	_ =	shalt  }
0x6e: {  	_ =	shalt  }
0x6f: {  	_ =	shalt  }
0x70: {  	_ =	shalt  }
0x71: {  	_ =	shalt  }
0x72: {  	_ =	shalt  }
0x73: {  	_ =	shalt  }
0x74: {  	_ =	shalt  }
0x75: {  	_ =	shalt  }
0x76: {  	_ =	shalt  }
0x77: {  	_ =	shalt  }
0x78: {  	_ =	shalt  }
0x79: {  	_ =	shalt  }
0x7a: {  	_ =	shalt  }
0x7b: {  	_ =	shalt  }
0x7c: {  	_ =	shalt  }
0x7d: {  	_ =	shalt  }
0x7e: {  	_ =	shalt  }
0x7f: {  	_ =	shalt  }
0x80: {  	_ =	shalt  }
0x81: {  	_ =	shalt  }
0x82: {  	_ =	shalt  }
0x83: {  	_ =	shalt  }
0x84: {  	_ =	shalt  }
0x85: {  	_ =	shalt  }
0x86: {  	_ =	shalt  }
0x87: {  	_ =	shalt  }
.Lfunc_end0:
.L_simem_size_0:
called_computation.2_lowered:
.L_overlay_start_0:
0x88: {  	s2 =	sld [smem:$0x3FD9]  }
0x89: {  	s3 =	sld [smem:$0x3FFE];
	_ =	sdelay $0x1  }
0x8a: {  	s1 =	srdreg.scid  }
0x8b: {  	s0 =	sand.u32 $0x1, s1  }
0x8c: {  	s17 =	sshll.u32 s0, $0xA;
	s2 =	sadd.s32 s3, s2  }
0x8d: {  	s2 =	sadd.s32 s2, s17  }
0x8e: {  	[smem:$0x3FC6] =	sst s2  }
0x8f: {  	_ = 	snop  }
0x90: {  	s2 =	sld [smem:$0x3FC9]  }
0x91: {  	s18 =	sld [smem:$0x3FD0];
	(tm) =	ssettm $0x1  }
0x92: {  	s4 =	sld [smem:$0x3FFB];
	_ =	sdelay $0x3  }
0x93: {  	_ =	strace s4  }
0x94: {  	s4 =	sld [smem:$0x3FFC];
	_ =	sdelay $0x3  }
0x95: {  	_ =	strace s4  }
0x96: {  	s4 =	sld [smem:$0x3FFD];
	_ =	sdelay $0x3  }
0x97: {  	_ =	strace s4  }
0x98: {  	_ =	strace $0x8FFFFFFF  }
0x99: {  	s19 =	sld [smem:$0x3FDB];
	_ =	sdelay $0x1  }
0x9a: {  	s5 =	simm.s32 $_scs_section_size  }
0x9b: {  	s6 =	simm.s32 $_size__tile_overlayer_lowered;
	s7 =	simm.s32 $_tile_overlayer_lowered  }
0x9c: {  	s22 =	simm.s32 $0x1BFF;
	s21 =	sshll.u32 s7, $0x1;
	s4 =	sadd.s32 s5, s19  }
0x9d: {  	s8 =	simm.s32 $0x0;
	s20 =	sshll.u32 s6, $0x1;
	s6 =	sadd.s32 s21, s4  }
0x9e: {  	[timem:s8], [sflag:s22] =	dma.local [hbm:s6], s20  }
0x9f: {  	_ =	swait.ge [sflag:s22], s20  }
0xa0: {  	s5 =	ssub.s32 $0x0, s20;
	[sflag:s22] =	ssyncset.done $0x0  }
0xa1: {  	[sflag:s22] =	ssyncadd.s32 s5;
	_ =	sdelay $0x1  }
0xa2: {  	s23 =	simm.s32 $0x1B8B  }
0xa3: {  	_ =	swait.ge [sflag:s23], $0x1  }
0xa4: {  	[sflag:s23] =	ssyncset.done $0x0  }
0xa5: {  	s25 =	simm.s32 $0x1B8E;
	s24 =	sld [smem:$0x3FFE];
	[sflag:s23] =	ssyncadd.s32 $0xFFFFFFFF  }
0xa6: {  	s26 =	simm.s32 $execute0_lowered;
	[smem:$0x3FD2] =	sst s25  }
0xa7: {  	s6 =	sshll.u32 s26, $0x1;
	_ =	strace $0x80000046;
	[dreg:$0x1] =	wrdreg $0xFFFFFFFF  }
0xa8: {  	s28 =	simm.s32 $_size_execute0_lowered;
	s4 =	sadd.s32 s4, s6;
	[dreg:$0x0] =	wrdreg $0x0  }
0xa9: {  	s6 =	sshll.u32 s28, $0x1;
	[dreg:$0x2] =	wrdreg s4  }
0xaa: {  	[dreg:$0x3] =	wrdreg s6  }
0xab: {  	[dreg:$0x4] =	wrdreg $0xC0  }
0xac: {  	_ =	task [dreg:s8], $0x5FFFF  }
0xad: {  	[dreg:$0x1] =	wrdreg $0xFFFFFFFF  }
0xae: {  	[dreg:$0x0] =	wrdreg $0x60  }
0xaf: {  	[dreg:$0x2] =	wrdreg s2  }
0xb0: {  	[dreg:$0x3] =	wrdreg s18  }
0xb1: {  	[dreg:$0x4] =	wrdreg s24  }
0xb2: {  	[dreg:$0x5] =	wrdreg $0x9  }
0xb3: {  	_ =	task.clear_ibuf [dreg:s8], $0x6FFFF;
	_ =	strace $0x90000046  }
0xb4: {  	s29 =	simm.s32 $0x9;
	_ =	strace $0x80000048  }
0xb5: {  	_ =	swait.ge [sflag:s29], $0x1  }
0xb6: {  	[sflag:s29] =	ssyncadd.s32 $0xFFFFFFFF  }
0xb7: {  	_ =	strace $0x90000048  }
0xb8: {  	_ =	sfence  }
0xb9: {  	s30 =	sld [smem:$0x0];
	_ =	sdelay $0x2  }
0xba: {  	s31 =	sshll.u32 s1, $0xD;
	s1 =	sshrl.u32 s1, $0x2  }
0xbb: {  	s3 =	sand.u32 $0x4000, s31;
	s1 =	sadd.s32 s1, s30  }
0xbc: {  	s0 =	sor.u32 s3, s0;
	s1 =	sshll.u32 s1, $0x11  }
0xbd: {  	s0 =	sor.u32 s1, s0  }
0xbe: {  	s0 =	sadd.s32 $0x8F2B, s0  }
0xbf: {  	[sflag:s0] =	ssyncadd.remote.s32 $0x1  }
0xc0: {  	_ =	sfence.sel $0xFFFF  }
0xc1: {  	[dreg:$0x0] =	wrdreg $0xFFFFFFFF;
	(pc) =	sbr.abs _section_cstart, $3  }
0xc2: {  	[dreg:$0x1] =	wrdreg $0xFFFFFFFF  }
0xc3: {  	_ =	task.clear_ibuf [dreg:s8], $0x2FFFF;
	_ =	strace $0x9FFFFFFF  }
0xc4: {  	(tm) =	ssettm $0x7FFFFFFF  }
0xc5: {  	_ =	shalt  }
tec
execute0_lowered:
.L_overlay_start_1:
0x0: {  	(tag) =	ssettag $0x1  }
0x1: {  	v0 =	vimm.f32 $7.000000000e+00;
	vm1 =	vcmask $0x300;
	v1 =	vimm.f32 $1.500000000e+00  }
0x2: {  	vm13 =	vcmask $0xB08;
	vm0 =	vmmov $0xffff;
	vm12 =	vcmask $0xF0C  }
0x3: {  	s1 =	rddreg [dreg:$0x0];
	vm2 =	vcmask $0x1B00;
	vm11 =	vcmask $0x1310;
	vm10 =	vcmask $0x1714  }
0x4: {  	s0 =	rddreg [dreg:$0x1];
	s3 =	simm.s32 $0x0;
	vm9 =	vcmask $0x1B18;
	vm8 =	vcmask $0x1F1C;
	vm7 =	vcmask $0x2724  }
0x5: {  	vm6 =	vcmask $0x2B28;
	vm4 =	vcmask $0x2F2C;
	vm3 =	vcmask $0x3330;
	[smem:$0x7FF] =	sst s3  }
0x6: {  	s2 =	rddreg [dreg:$0x2];
	v28 =	vlaneseq.u32;
	vm5 =	vcmask $0x3B38;
	vm14 =	vcmask $0x1300;
	_ =	strace $0x80000047  }
0x7: {  	v8 =	vimm.f32 $4.500000000e+00;
	(erf) = vrcp.f32 v0;
	v0 =	vsel vm1, $0x3F000000, v1  }
0x8: {  	v9 =	vimm.f32 $5.500000000e+00;
	v19 =	vimm.f32 $6.500000000e+00;
	v0 =	vsel vm13, $0x40200000, v0  }
0x9: {  	vm15 =	vcmask $0x700;
	v8 =	vsel vm14, $0x40200000, v8;
	v0 =	vsel vm12, $0x40600000, v0  }
0xa: {  	v9 =	vsel vm1, $0x40900000, v9;
	vm14 =	vcmask $0x2F14;
	v0 =	vsel vm11, $0x40900000, v0  }
0xb: {  	v12 =	vsel vm1, $0x40B00000, v19;
	v1 =	vimm.f32 $2.500000000e+00;
	v0 =	vsel vm10, $0x40B00000, v0  }
0xc: {  	v1 =	vsel vm2, $0x3F000000, v1;
	vm2 =	vcmask $0x371C;
	v2 =	vsel vm9, $0x40D00000, v0  }
0xd: {  	v0 =	vsel vm2, $0x3FC00000, v1;
	v1 =	vsel vm8, $0x3F000000, v2;
	v2 =	vimm.f32 $3.500000000e+00  }
0xe: {  	v25 =	vand.u32 $0x7, v28;
	v12 =	vsel vm13, $0x3F000000, v12;
	v2 =	vsel vm1, $0x40200000, v2  }
0xf: {  	v27 =	vshrl.u32 v28, $0x3;
	v14 =	vsel vm12, $0x3FC00000, v12;
	v2 =	vsel vm13, $0x40900000, v2  }
0x10: {  	v9 =	vsel vm13, $0x40D00000, v9;
	v14 =	vsel vm11, $0x40200000, v14;
	v2 =	vsel vm12, $0x40B00000, v2  }
0x11: {  	v27 =	vmul.u32 $0x8, v27;
	v14 =	vsel vm10, $0x40600000, v14;
	v2 =	vsel vm11, $0x40D00000, v2  }
0x12: {  	v9 =	vsel vm12, $0x3F000000, v9;
	v14 =	vsel vm9, $0x40900000, v14;
	v4 =	vsel vm10, $0x3F000000, v2  }
0x13: {  	v14 =	vsel vm8, $0x40B00000, v14;
	v1 =	vsel vm7, $0x40200000, v1;
	v6 =	vsel vm9, $0x3FC00000, v4  }
0x14: {  	vm2 =	vcmask $0x3734;
	v1 =	vsel vm6, $0x40600000, v1;
	v7 =	vsel vm8, $0x40200000, v6  }
0x15: {  	vm13 =	vcmask $0xB00;
	v1 =	vsel vm4, $0x40900000, v1;
	v7 =	vsel vm7, $0x40900000, v7  }
0x16: {  	v15 =	vsel vm13, $0x40900000, v19;
	v1 =	vsel vm3, $0x40B00000, v1;
	v7 =	vsel vm6, $0x40B00000, v7  }
0x17: {  	v19 =	vsel vm15, $0x40900000, v19;
	v3 =	vsel vm2, $0x40D00000, v1;
	v7 =	vsel vm4, $0x40D00000, v7  }
0x18: {  	v1 =	vmul.u32 $0x4, v28;
	v28 =	vor.u32 $0x8, v28;
	v10 =	vsel vm3, $0x3F000000, v7  }
0x19: {  	v7 =	vsel vm14, $0x40600000, v8;
	v8 =	vsel vm2, $0x3FC00000, v10;
	v10 =	vsel vm11, $0x3FC00000, v9  }
0x1a: {  	v2 =	vsel vm5, $0x3F000000, v3;
	v3 =	vimm.f32 $0.0e+00;
	v11 =	vsel vm10, $0x40200000, v10  }
0x1b: {  	v4 =	vor.u32 $0x1, v1;
	v5 =	vor.u32 $0x2, v1;
	v13 =	vsel vm9, $0x40600000, v11  }
0x1c: {  	s29 =	srdreg.scid;
	v6 =	vor.u32 $0x3, v1;
	v12 =	vor.u32 $0x43, v1;
	v13 =	vsel vm8, $0x40900000, v13  }
0x1d: {  	s4 =	stileid.u32;
	s8 =	simm.s32 $0x3;
	s9 =	simm.s32 $0x580;
	v17 =	vor.u32 $0x82, v1;
	v21 =	vadd.s32 $0x84, v1;
	v13 =	vsel vm7, $0x40D00000, v13  }
0x1e: {  	s12 =	simm.s32 $0x680;
	s10 =	simm.s32 $0x19F80;
	s11 =	simm.s32 $0x1A780;
	v22 =	vadd.s32 $0x85, v1;
	v23 =	vadd.s32 $0x86, v1;
	v13 =	vsel vm6, $0x3F000000, v13  }
0x1f: {  	s13 =	simm.s32 $0x1AF80;
	s14 =	simm.s32 $0x1B780;
	s15 =	simm.s32 $0x1BF80;
	v24 =	vadd.s32 $0x87, v1;
	vm14 =	vcmask $0x270C;
	v13 =	vsel vm4, $0x3FC00000, v13  }
0x20: {  	s16 =	simm.s32 $0x1;
	s17 =	simm.s32 $0x80;
	s18 =	simm.s32 $0x400;
	v9 =	vor.u32 $0x40, v1;
	v8 =	vsel vm5, $0x40200000, v8;
	v16 =	vsel vm3, $0x40200000, v13  }
0x21: {  	s19 =	simm.s32 $0x1C780;
	s20 =	simm.s32 $0x2;
	s3 =	sand.u32 $0x1, s29;
	v13 =	vsel vm14, $0x40B00000, v15;
	v15 =	vsel vm2, $0x40600000, v16;
	v16 =	vsel vm7, $0x3F000000, v14  }
0x22: {  	s4 =	sshll.u32 s4, $0x6;
	s6 =	ssub.s32 $0x2, s3;
	s3 =	sshll.u32 s3, $0x5;
	v10 =	vor.u32 $0x41, v1;
	v11 =	vor.u32 $0x42, v1;
	v18 =	vsel vm6, $0x3FC00000, v16  }
0x23: {  	s5 =	sadd.s32 $0xC00, s2;
	s7 =	sshrl.u32 s6, $0x1;
	s4 =	sor.u32 s3, s4;
	v14 =	vsel vm5, $0x40900000, v15;
	v15 =	vor.u32 $0x80, v1;
	v20 =	vsel vm4, $0x40200000, v18  }
0x24: {  	s2 =	simm.s32 $0x18780;
	s30 =	ssub.s32 s6, s7;
	s0 =	sadd.s32 s0, s4;
	v16 =	vor.u32 $0x81, v1;
	v18 =	vor.u32 $0x83, v1;
	v20 =	vsel vm3, $0x40600000, v20  }
0x25: {  	s3 =	simm.s32 $0x0;
	[dreg:$0x4] =	wrdreg s0;
	s31 =	smax.u32 s30, $0x1;
	vm3 =	vcmask $0x2308;
	v20 =	vsel vm2, $0x40900000, v20;
	vm2 =	vcmask $0x2320  }
0x26: {  	s6 =	simm.s32 $0x18F80;
	s7 =	simm.s32 $0x19780;
	[dreg:$0x5] =	wrdreg s31;
	v26 =	vpop (erf);
	v19 =	vsel vm3, $0x40B00000, v19;
	v20 =	vsel vm5, $0x40B00000, v20;
	vm1 =	vmor vm1, vm2  }
.LBB2_1:
0x27: {  	[dreg:$0x6] =	wrdreg s3  }
0x28: {  	s0 =	simm.s32 $0x0;
	s31 =	rddreg [dreg:$0x4]  }
0x29: {  	[tilespmem:s0], [sflag:$0x3] =	stream.linear.gather [hbm4b:s31+s0], $0x100, $0x38;
	[tilespmem:$0x1F880] =	vst v63  }
0x2a: {  	_ =	swait.ge [sflag:s8], $0x100  }
0x2b: {  	[sflag:s8] =	ssyncset.done $0x0  }
0x2c: {  	s21 =	simm.s32 $0x0;
	[sflag:s8] =	ssyncadd.s32 $0xFFFFFF00  }
.LBB2_2:
0x2d: {  	s23 =	sshll.u32 s21, $0x4  }
0x2e: {  	s22 =	sor.u32 $0x1, s23  }
0x2f: {  	s24 =	sor.u32 $0x2, s23;
	v29 =	vmov s22  }
0x30: {  	s26 =	sor.u32 $0x4, s23;
	v30 =	vmov s24;
	v29 =	vbroadcast v29, $0x0  }
0x31: {  	s25 =	sor.u32 $0x3, s23;
	v32 =	vmov s26;
	v30 =	vbroadcast v30, $0x0  }
0x32: {  	v31 =	vmov s25;
	v32 =	vbroadcast v32, $0x0  }
0x33: {  	v31 =	vbroadcast v31, $0x0;
	_ =	sdelay $0x1  }
0x34: {  	s22 =	simm.s32 $0x0  }
0x35: {  	v29 =	vld.idx.msk [tilespmem:v29+s22+$0x0], $0xffff  }
0x36: {  	v30 =	vld.idx.msk [tilespmem:v30+s22+$0x0], $0xffff  }
0x37: {  	v32 =	vld.idx.msk [tilespmem:v32+s22+$0x0], $0xffff  }
0x38: {  	v31 =	vld.idx.msk [tilespmem:v31+s22+$0x0], $0xffff;
	_ =	sdelay $0x1  }
0x39: {  	v33 =	vmov s23  }
0x3a: {  	v33 =	vbroadcast v33, $0x0  }
0x3b: {  	v34 =	vmul.f32 $2.500000000e-01, v30;
	v32 =	vmul.f32 $2.500000000e-01, v32  }
0x3c: {  	v29 =	vmul.f32 $2.500000000e-01, v29;
	v35 =	vmul.f32 $2.500000000e-01, v31  }
0x3d: {  	v31 =	vadd.f32 $-5.000000000e-01, v34;
	v32 =	vadd.f32 $-5.000000000e-01, v32  }
0x3e: {  	v30 =	vadd.f32 $-5.000000000e-01, v29;
	v29 =	vadd.f32 $-5.000000000e-01, v35  }
0x3f: {  	v32 =	vsub.f32 v32, v31  }
0x40: {  	v29 =	vsub.f32 v29, v30  }
0x41: {  	v59 =	vld.idx.msk [tilespmem:v33+s22+$0x0], $0xffff;
	v33 =	vmul.f32 v32, v26  }
0x42: {  	v32 =	vmul.f32 v29, v26  }
0x43: {  	v29 =	vmul.f32 v0, v33  }
0x44: {  	v60 =	vmul.f32 v2, v32;
	v45 =	vmul.f32 v7, v33  }
0x45: {  	v46 =	vmul.f32 v8, v32;
	v29 =	vadd.f32 v29, v31  }
0x46: {  	v34 =	vtrunc.f32 v59;
	v35 =	vadd.f32 v60, v30;
	v45 =	vadd.f32 v45, v31  }
0x47: {  	v46 =	vadd.f32 v46, v30;
	vm2 =	vgt.f32 v29, $-1.000000000e+00;
	v36 =	vmax.f32 v29, $0.0e+00  }
0x48: {  	v37 =	vmax.f32 v35, $0.0e+00;
	vm3 =	vlt.f32 v29, $5.600000000e+01;
	vm4 =	vgt.f32 v35, $-1.000000000e+00  }
0x49: {  	v54 =	vmax.f32 v45, $0.0e+00;
	v47 =	vmax.f32 v46, $0.0e+00;
	vm12 =	vgt.f32 v46, $-1.000000000e+00  }
0x4a: {  	v36 =	vmin.f32 v36, $5.500000000e+01;
	v37 =	vmin.f32 v37, $5.500000000e+01;
	vm2 =	vmand vm2, vm4  }
0x4b: {  	v55 =	vmin.f32 v47, $5.500000000e+01;
	v29 =	vtrunc.f32 v36;
	v38 =	vtrunc.f32 v37  }
0x4c: {  	vm2 =	vmand vm2, vm3;
	vm3 =	vlt.f32 v35, $5.600000000e+01;
	v48 =	vtrunc.f32 v55  }
0x4d: {  	v39 =	vcvt.f32.s32 v29;
	v38 =	vcvt.f32.s32 v38;
	vm2 =	vmand vm3, vm2  }
0x4e: {  	v29 =	vcvt.f32.s32 v34;
	v48 =	vcvt.f32.s32 v48;
	v42 =	vsel vm2, $0x3F800000, v3  }
0x4f: {  	vm2 =	vgt.f32 v45, $-1.000000000e+00;
	v61 =	vadd.s32 $0x1, v39;
	v62 =	vcvt.s32.f32 v39  }
0x50: {  	v40 =	vcvt.s32.f32 v38;
	v29 =	vmul.u32 $0xC40, v29;
	v41 =	vadd.s32 $0x1, v38  }
0x51: {  	v52 =	vmul.u32 $0x38, v39;
	vm2 =	vmand vm2, vm12;
	v49 =	vcvt.s32.f32 v48  }
0x52: {  	v59 =	vadd.s32 $0x1, v48;
	vm3 =	vlt.s32 v61, $0x37;
	v35 =	vsub.f32 v36, v62  }
0x53: {  	v63 =	vsub.f32 v37, v40;
	v34 =	vnsel vm3, $0x37, v61;
	vm3 =	vlt.s32 v41, $0x37  }
0x54: {  	v37 =	vadd.s32 v29, v52;
	v34 =	vmul.u32 $0x38, v34;
	v41 =	vnsel vm3, $0x37, v41  }
0x55: {  	v43 =	vadd.s32 v38, v37;
	vm3 =	vlt.f32 v45, $5.600000000e+01;
	v45 =	vsub.f32 v55, v49  }
0x56: {  	v53 =	vsub.f32 $1.000000000e+00, v35;
	v40 =	vsub.f32 $1.000000000e+00, v63;
	v37 =	vadd.s32 v41, v37  }
0x57: {  	vm2 =	vmand vm2, vm3;
	vm3 =	vlt.f32 v46, $5.600000000e+01;
	v34 =	vadd.s32 v29, v34  }
0x58: {  	v44 =	vmul.f32 v53, v40;
	v38 =	vadd.s32 v38, v34;
	v39 =	vmul.f32 v53, v63  }
0x59: {  	v40 =	vmul.f32 v40, v35;
	v34 =	vadd.s32 v41, v34;
	v35 =	vmul.f32 v35, v63  }
0x5a: {  	v41 =	vmin.f32 v54, $5.500000000e+01;
	v53 =	vmul.f32 v13, v33;
	v54 =	vmul.f32 v14, v32  }
0x5b: {  	vm2 =	vmand vm3, vm2;
	v33 =	vmul.f32 v19, v33;
	v32 =	vmul.f32 v20, v32  }
0x5c: {  	v49 =	vsub.f32 $1.000000000e+00, v45;
	v56 =	vtrunc.f32 v41;
	v44 =	vmul.f32 v44, v42  }
0x5d: {  	v50 =	vsel vm2, $0x3F800000, v3;
	v39 =	vmul.f32 v39, v42;
	v40 =	vmul.f32 v40, v42  }
0x5e: {  	v47 =	vcvt.f32.s32 v56;
	v62 =	vadd.f32 v53, v31;
	v63 =	vadd.f32 v54, v30  }
0x5f: {  	v35 =	vmul.f32 v35, v42;
	v31 =	vadd.f32 v33, v31;
	v30 =	vadd.f32 v32, v30  }
0x60: {  	v57 =	vadd.s32 $0x1, v47;
	v58 =	vcvt.s32.f32 v47;
	v60 =	vmul.u32 $0x38, v47  }
0x61: {  	vm2 =	vgt.f32 v62, $-1.000000000e+00;
	vm13 =	vgt.f32 v63, $-1.000000000e+00;
	vm14 =	vlt.f32 v31, $5.600000000e+01  }
0x62: {  	vm3 =	vlt.s32 v57, $0x37;
	vm2 =	vmand vm2, vm13;
	v41 =	vsub.f32 v41, v58  }
0x63: {  	v36 =	vnsel vm3, $0x37, v57;
	vm3 =	vlt.s32 v59, $0x37;
	v46 =	vadd.s32 v29, v60  }
0x64: {  	v57 =	vmax.f32 v62, $0.0e+00;
	v58 =	vmax.f32 v63, $0.0e+00;
	v36 =	vmul.u32 $0x38, v36  }
0x65: {  	v42 =	vnsel vm3, $0x37, v59;
	vm3 =	vlt.f32 v62, $5.600000000e+01;
	v61 =	vsub.f32 $1.000000000e+00, v41  }
0x66: {  	v51 =	vadd.s32 v48, v46;
	v46 =	vadd.s32 v42, v46;
	vm2 =	vmand vm2, vm3  }
0x67: {  	v36 =	vadd.s32 v29, v36;
	v52 =	vmul.f32 v61, v49;
	v47 =	vmul.f32 v61, v45  }
0x68: {  	v49 =	vmul.f32 v49, v41;
	v41 =	vmul.f32 v41, v45;
	v45 =	vmin.f32 v57, $5.500000000e+01  }
0x69: {  	[tilespmem:$0x180] =	vst v43;
	vm3 =	vlt.f32 v63, $5.600000000e+01;
	v48 =	vadd.s32 v48, v36;
	v59 =	vtrunc.f32 v45  }
0x6a: {  	[tilespmem:$0x200] =	vst v37;
	v36 =	vadd.s32 v42, v36;
	v42 =	vmul.f32 v52, v50;
	v47 =	vmul.f32 v47, v50  }
0x6b: {  	[tilespmem:$0x280] =	vst v38;
	v49 =	vmul.f32 v49, v50;
	v52 =	vmin.f32 v58, $5.500000000e+01;
	v60 =	vcvt.f32.s32 v59  }
0x6c: {  	[tilespmem:$0x300] =	vst v34;
	vm2 =	vmand vm3, vm2;
	v37 =	vmul.f32 v41, v50;
	v61 =	vtrunc.f32 v52  }
0x6d: {  	[tilespmem:v1+s9+$0x0] =	vst.idx.msk $0xffff, v44;
	v59 =	vsel vm2, $0x3F800000, v3;
	v41 =	vcvt.f32.s32 v61;
	v62 =	vadd.s32 $0x1, v60  }
0x6e: {  	[tilespmem:v4+s9+$0x0] =	vst.idx.msk $0xffff, v39;
	v63 =	vcvt.s32.f32 v60;
	v55 =	vmul.u32 $0x38, v60;
	vm3 =	vlt.s32 v62, $0x37  }
0x6f: {  	[tilespmem:v5+s9+$0x0] =	vst.idx.msk $0xffff, v40;
	vm2 =	vgt.f32 v31, $-1.000000000e+00;
	v53 =	vcvt.s32.f32 v41;
	v38 =	vnsel vm3, $0x37, v62  }
0x70: {  	[tilespmem:v6+s9+$0x0] =	vst.idx.msk $0xffff, v35;
	v54 =	vadd.s32 $0x1, v41;
	v45 =	vsub.f32 v45, v63;
	v39 =	vadd.s32 v29, v55  }
0x71: {  	[tilespmem:$0x190] =	vst v51;
	vm3 =	vlt.s32 v54, $0x37;
	v38 =	vmul.u32 $0x38, v38;
	v34 =	vsub.f32 v52, v53  }
0x72: {  	[tilespmem:$0x210] =	vst v46;
	v60 =	vadd.s32 v41, v39;
	v56 =	vnsel vm3, $0x37, v54;
	v57 =	vsub.f32 $1.000000000e+00, v45  }
0x73: {  	[tilespmem:$0x290] =	vst v48;
	vm3 =	vgt.f32 v30, $-1.000000000e+00;
	v38 =	vadd.s32 v29, v38;
	v58 =	vsub.f32 $1.000000000e+00, v34  }
0x74: {  	[tilespmem:$0x310] =	vst v36;
	v39 =	vadd.s32 v56, v39;
	vm2 =	vmand vm2, vm3;
	v43 =	vmul.f32 v57, v34  }
0x75: {  	[tilespmem:v9+s9+$0x0] =	vst.idx.msk $0xffff, v42;
	vm3 =	vlt.f32 v30, $5.600000000e+01;
	v34 =	vmul.f32 v45, v34;
	v35 =	vmul.f32 v58, v45  }
0x76: {  	[tilespmem:v10+s9+$0x0] =	vst.idx.msk $0xffff, v47;
	v63 =	vmul.f32 v43, v59;
	v43 =	vmax.f32 v31, $0.0e+00;
	v45 =	vmax.f32 v30, $0.0e+00  }
0x77: {  	[tilespmem:v11+s9+$0x0] =	vst.idx.msk $0xffff, v49;
	v61 =	vmul.f32 v57, v58;
	v36 =	vmin.f32 v43, $5.500000000e+01;
	v42 =	vmin.f32 v45, $5.500000000e+01  }
0x78: {  	[tilespmem:v12+s9+$0x0] =	vst.idx.msk $0xffff, v37;
	v41 =	vadd.s32 v41, v38;
	v46 =	vtrunc.f32 v36;
	v49 =	vtrunc.f32 v42  }
0x79: {  	[tilespmem:$0x1A0] =	vst v60;
	v47 =	vadd.s32 v56, v38;
	v48 =	vcvt.f32.s32 v46;
	v40 =	vcvt.f32.s32 v49  }
0x7a: {  	[tilespmem:$0x220] =	vst v39;
	vm2 =	vmand vm2, vm14;
	v34 =	vmul.f32 v34, v59;
	v62 =	vmul.f32 v61, v59  }
0x7b: {  	[tilespmem:$0x2A0] =	vst v41;
	v31 =	vcvt.s32.f32 v48;
	v51 =	vadd.s32 $0x1, v48;
	v52 =	vcvt.s32.f32 v40  }
0x7c: {  	[tilespmem:$0x320] =	vst v47;
	v35 =	vmul.f32 v35, v59;
	v54 =	vmul.u32 $0x38, v48;
	vm15 =	vlt.s32 v51, $0x37  }
0x7d: {  	[tilespmem:v15+s9+$0x0] =	vst.idx.msk $0xffff, v62;
	v30 =	vsub.f32 v36, v31;
	v31 =	vadd.s32 $0x1, v40;
	v53 =	vsub.f32 v42, v52  }
0x7e: {  	[tilespmem:v16+s9+$0x0] =	vst.idx.msk $0xffff, v63;
	v55 =	vnsel vm15, $0x37, v51;
	v36 =	vadd.s32 v29, v54;
	vm8 =	vlt.s32 v31, $0x37  }
0x7f: {  	[tilespmem:v17+s9+$0x0] =	vst.idx.msk $0xffff, v35;
	v32 =	vmul.u32 $0x38, v55;
	v56 =	vsub.f32 $1.000000000e+00, v30;
	v57 =	vsub.f32 $1.000000000e+00, v53  }
0x80: {  	vm2 =	vmand vm3, vm2;
	[tilespmem:v18+s9+$0x0] =	vst.idx.msk $0xffff, v34;
	v58 =	vadd.s32 v40, v36;
	v31 =	vnsel vm8, $0x37, v31  }
0x81: {  	[tilespmem:$0x1A1] =	vst v58;
	v29 =	vadd.s32 v29, v32;
	v59 =	vadd.s32 v31, v36;
	v60 =	vmul.f32 v56, v57  }
0x82: {  	v61 =	vsel vm2, $0x3F800000, v3;
	[tilespmem:$0x221] =	vst v59;
	v62 =	vadd.s32 v40, v29;
	v37 =	vmul.f32 v56, v53  }
0x83: {  	v29 =	vadd.s32 v31, v29;
	v63 =	vmul.f32 v57, v30;
	[tilespmem:$0x2A1] =	vst v62;
	v31 =	vmul.f32 v60, v61  }
0x84: {  	v30 =	vmul.f32 v30, v53;
	[tilespmem:$0x321] =	vst v29;
	v29 =	vmul.f32 v37, v61  }
0x85: {  	[tilespmem:v21+s9+$0x0] =	vst.idx.msk $0xffff, v31;
	v31 =	vmul.f32 v63, v61  }
0x86: {  	[tilespmem:v22+s9+$0x0] =	vst.idx.msk $0xffff, v29;
	v29 =	vmul.f32 v30, v61  }
0x87: {  	[tilespmem:v23+s9+$0x0] =	vst.idx.msk $0xffff, v31  }
0x88: {  	[tilespmem:v24+s9+$0x0] =	vst.idx.msk $0xffff, v29  }
0x89: {  	v29 =	vld [tilespmem:$0x180];
	_ =	sdelay $0x4  }
0x8a: {  	v30 =	vshll.u32 v29, $0x1  }
0x8b: {  	v29 =	vand.u32 $0x7, v29;
	v30 =	vand.u32 $0xFFFFFFF0, v30  }
0x8c: {  	v29 =	vor.u32 v29, v30  }
0x8d: {  	v30 =	vperm.xlane v29, v25;
	_ =	sdelay $0x1  }
0x8e: {  	v29 =	vperm.xlane v29, v28;
	v30 =	vadd.s32 v27, v30;
	_ =	sdelay $0x1  }
0x8f: {  	v29 =	vadd.s32 v27, v29;
	_ =	sdelay $0x1  }
0x90: {  	s0 =	simm.s32 $0x780  }
0x91: {  	[tilespmem:s0], [sflag:$0x1] =	stream.indirect_vreg.gather [hbm4b:s1+s22], $0x80, v30, vm0, $0xb8;
	[tilespmem:$0x1F880] =	vst v63  }
0x92: {  	s29 =	simm.s32 $0xF80  }
0x93: {  	[tilespmem:s29], [sflag:$0x1] =	stream.indirect_vreg.gather [hbm4b:s1+s22], $0x80, v29, vm0, $0xb8;
	[tilespmem:$0x1F880] =	vst v63  }
0x94: {  	v29 =	vld [tilespmem:$0x190];
	_ =	sdelay $0x4  }
0x95: {  	v30 =	vshll.u32 v29, $0x1  }
0x96: {  	v29 =	vand.u32 $0x7, v29;
	v30 =	vand.u32 $0xFFFFFFF0, v30  }
0x97: {  	v29 =	vor.u32 v29, v30  }
0x98: {  	v30 =	vperm.xlane v29, v25;
	_ =	sdelay $0x1  }
0x99: {  	v29 =	vperm.xlane v29, v28;
	v30 =	vadd.s32 v27, v30;
	_ =	sdelay $0x1  }
0x9a: {  	v29 =	vadd.s32 v27, v29;
	_ =	sdelay $0x1  }
0x9b: {  	s30 =	simm.s32 $0x1780  }
0x9c: {  	[tilespmem:s30], [sflag:$0x1] =	stream.indirect_vreg.gather [hbm4b:s1+s22], $0x80, v30, vm0, $0xb8;
	[tilespmem:$0x1F880] =	vst v63  }
0x9d: {  	s31 =	simm.s32 $0x1F80  }
0x9e: {  	[tilespmem:s31], [sflag:$0x1] =	stream.indirect_vreg.gather [hbm4b:s1+s22], $0x80, v29, vm0, $0xb8;
	[tilespmem:$0x1F880] =	vst v63  }
0x9f: {  	v29 =	vld [tilespmem:$0x1A0];
	_ =	sdelay $0x4  }
0xa0: {  	v30 =	vshll.u32 v29, $0x1  }
0xa1: {  	v29 =	vand.u32 $0x7, v29;
	v30 =	vand.u32 $0xFFFFFFF0, v30  }
0xa2: {  	v29 =	vor.u32 v29, v30  }
0xa3: {  	v30 =	vperm.xlane v29, v25;
	_ =	sdelay $0x1  }
0xa4: {  	v29 =	vperm.xlane v29, v28;
	v30 =	vadd.s32 v27, v30;
	_ =	sdelay $0x1  }
0xa5: {  	v29 =	vadd.s32 v27, v29;
	_ =	sdelay $0x1  }
0xa6: {  	s3 =	simm.s32 $0x2780  }
0xa7: {  	[tilespmem:s3], [sflag:$0x1] =	stream.indirect_vreg.gather [hbm4b:s1+s22], $0x80, v30, vm0, $0xb8;
	[tilespmem:$0x1F880] =	vst v63  }
0xa8: {  	s24 =	simm.s32 $0x2F80  }
0xa9: {  	[tilespmem:s24], [sflag:$0x1] =	stream.indirect_vreg.gather [hbm4b:s1+s22], $0x80, v29, vm0, $0xb8;
	[tilespmem:$0x1F880] =	vst v63  }
0xaa: {  	v29 =	vld.msk [tilespmem:$0x1B0], $0x1;
	_ =	sdelay $0x4  }
0xab: {  	v30 =	vshll.u32 v29, $0x1  }
0xac: {  	v29 =	vand.u32 $0x7, v29;
	v30 =	vand.u32 $0xFFFFFFF0, v30  }
0xad: {  	v29 =	vor.u32 v29, v30  }
0xae: {  	v29 =	vperm.xlane v29, v25;
	_ =	sdelay $0x1  }
0xaf: {  	v29 =	vadd.s32 v27, v29;
	_ =	sdelay $0x3  }
0xb0: {  	s25 =	simm.s32 $0x3780  }
0xb1: {  	[tilespmem:s25], [sflag:$0x1] =	stream.indirect_vreg.gather [hbm4b:s1+s22], $0x80, v29, vm1, $0xb8;
	[tilespmem:$0x1F880] =	vst v63  }
0xb2: {  	v29 =	vld [tilespmem:$0x200];
	_ =	sdelay $0x4  }
0xb3: {  	v30 =	vshll.u32 v29, $0x1  }
0xb4: {  	v29 =	vand.u32 $0x7, v29;
	v30 =	vand.u32 $0xFFFFFFF0, v30  }
0xb5: {  	v29 =	vor.u32 v29, v30  }
0xb6: {  	v30 =	vperm.xlane v29, v25;
	_ =	sdelay $0x1  }
0xb7: {  	v29 =	vperm.xlane v29, v28;
	v30 =	vadd.s32 v27, v30;
	_ =	sdelay $0x1  }
0xb8: {  	v29 =	vadd.s32 v27, v29;
	_ =	sdelay $0x1  }
0xb9: {  	s26 =	simm.s32 $0x3F80  }
0xba: {  	[tilespmem:s26], [sflag:$0x1] =	stream.indirect_vreg.gather [hbm4b:s1+s22], $0x80, v30, vm0, $0xb8;
	[tilespmem:$0x1F880] =	vst v63  }
0xbb: {  	s29 =	simm.s32 $0x4780  }
0xbc: {  	[tilespmem:s29], [sflag:$0x1] =	stream.indirect_vreg.gather [hbm4b:s1+s22], $0x80, v29, vm0, $0xb8;
	[tilespmem:$0x1F880] =	vst v63  }
0xbd: {  	v29 =	vld [tilespmem:$0x210];
	_ =	sdelay $0x4  }
0xbe: {  	v30 =	vshll.u32 v29, $0x1  }
0xbf: {  	v29 =	vand.u32 $0x7, v29;
	v30 =	vand.u32 $0xFFFFFFF0, v30  }
0xc0: {  	v29 =	vor.u32 v29, v30  }
0xc1: {  	v30 =	vperm.xlane v29, v25;
	_ =	sdelay $0x1  }
0xc2: {  	v29 =	vperm.xlane v29, v28;
	v30 =	vadd.s32 v27, v30;
	_ =	sdelay $0x1  }
0xc3: {  	v29 =	vadd.s32 v27, v29;
	_ =	sdelay $0x1  }
0xc4: {  	s30 =	simm.s32 $0x4F80  }
0xc5: {  	[tilespmem:s30], [sflag:$0x1] =	stream.indirect_vreg.gather [hbm4b:s1+s22], $0x80, v30, vm0, $0xb8;
	[tilespmem:$0x1F880] =	vst v63  }
0xc6: {  	s31 =	simm.s32 $0x5780  }
0xc7: {  	[tilespmem:s31], [sflag:$0x1] =	stream.indirect_vreg.gather [hbm4b:s1+s22], $0x80, v29, vm0, $0xb8;
	[tilespmem:$0x1F880] =	vst v63  }
0xc8: {  	v29 =	vld [tilespmem:$0x220];
	_ =	sdelay $0x4  }
0xc9: {  	v30 =	vshll.u32 v29, $0x1  }
0xca: {  	v29 =	vand.u32 $0x7, v29;
	v30 =	vand.u32 $0xFFFFFFF0, v30  }
0xcb: {  	v29 =	vor.u32 v29, v30  }
0xcc: {  	v30 =	vperm.xlane v29, v25;
	_ =	sdelay $0x1  }
0xcd: {  	v29 =	vperm.xlane v29, v28;
	v30 =	vadd.s32 v27, v30;
	_ =	sdelay $0x1  }
0xce: {  	v29 =	vadd.s32 v27, v29;
	_ =	sdelay $0x1  }
0xcf: {  	s3 =	simm.s32 $0x5F80  }
0xd0: {  	[tilespmem:s3], [sflag:$0x1] =	stream.indirect_vreg.gather [hbm4b:s1+s22], $0x80, v30, vm0, $0xb8;
	[tilespmem:$0x1F880] =	vst v63  }
0xd1: {  	s24 =	simm.s32 $0x6780  }
0xd2: {  	[tilespmem:s24], [sflag:$0x1] =	stream.indirect_vreg.gather [hbm4b:s1+s22], $0x80, v29, vm0, $0xb8;
	[tilespmem:$0x1F880] =	vst v63  }
0xd3: {  	v29 =	vld.msk [tilespmem:$0x230], $0x1;
	_ =	sdelay $0x4  }
0xd4: {  	v30 =	vshll.u32 v29, $0x1  }
0xd5: {  	v29 =	vand.u32 $0x7, v29;
	v30 =	vand.u32 $0xFFFFFFF0, v30  }
0xd6: {  	v29 =	vor.u32 v29, v30  }
0xd7: {  	v29 =	vperm.xlane v29, v25;
	_ =	sdelay $0x1  }
0xd8: {  	v29 =	vadd.s32 v27, v29;
	_ =	sdelay $0x3  }
0xd9: {  	s25 =	simm.s32 $0x6F80  }
0xda: {  	[tilespmem:s25], [sflag:$0x1] =	stream.indirect_vreg.gather [hbm4b:s1+s22], $0x80, v29, vm1, $0xb8;
	[tilespmem:$0x1F880] =	vst v63  }
0xdb: {  	v29 =	vld [tilespmem:$0x280];
	_ =	sdelay $0x4  }
0xdc: {  	v30 =	vshll.u32 v29, $0x1  }
0xdd: {  	v29 =	vand.u32 $0x7, v29;
	v30 =	vand.u32 $0xFFFFFFF0, v30  }
0xde: {  	v29 =	vor.u32 v29, v30  }
0xdf: {  	v30 =	vperm.xlane v29, v25;
	_ =	sdelay $0x1  }
0xe0: {  	v29 =	vperm.xlane v29, v28;
	v30 =	vadd.s32 v27, v30;
	_ =	sdelay $0x1  }
0xe1: {  	v29 =	vadd.s32 v27, v29;
	_ =	sdelay $0x1  }
0xe2: {  	s26 =	simm.s32 $0x7780  }
0xe3: {  	[tilespmem:s26], [sflag:$0x1] =	stream.indirect_vreg.gather [hbm4b:s1+s22], $0x80, v30, vm0, $0xb8;
	[tilespmem:$0x1F880] =	vst v63  }
0xe4: {  	s29 =	simm.s32 $0x7F80  }
0xe5: {  	[tilespmem:s29], [sflag:$0x1] =	stream.indirect_vreg.gather [hbm4b:s1+s22], $0x80, v29, vm0, $0xb8;
	[tilespmem:$0x1F880] =	vst v63  }
0xe6: {  	v29 =	vld [tilespmem:$0x290];
	_ =	sdelay $0x4  }
0xe7: {  	v30 =	vshll.u32 v29, $0x1  }
0xe8: {  	v29 =	vand.u32 $0x7, v29;
	v30 =	vand.u32 $0xFFFFFFF0, v30  }
0xe9: {  	v29 =	vor.u32 v29, v30  }
0xea: {  	v30 =	vperm.xlane v29, v25;
	_ =	sdelay $0x1  }
0xeb: {  	v29 =	vperm.xlane v29, v28;
	v30 =	vadd.s32 v27, v30;
	_ =	sdelay $0x1  }
0xec: {  	v29 =	vadd.s32 v27, v29;
	_ =	sdelay $0x1  }
0xed: {  	s30 =	simm.s32 $0x8780  }
0xee: {  	[tilespmem:s30], [sflag:$0x1] =	stream.indirect_vreg.gather [hbm4b:s1+s22], $0x80, v30, vm0, $0xb8;
	[tilespmem:$0x1F880] =	vst v63  }
0xef: {  	s31 =	simm.s32 $0x8F80  }
0xf0: {  	[tilespmem:s31], [sflag:$0x1] =	stream.indirect_vreg.gather [hbm4b:s1+s22], $0x80, v29, vm0, $0xb8;
	[tilespmem:$0x1F880] =	vst v63  }
0xf1: {  	v29 =	vld [tilespmem:$0x2A0];
	_ =	sdelay $0x4  }
0xf2: {  	v30 =	vshll.u32 v29, $0x1  }
0xf3: {  	v29 =	vand.u32 $0x7, v29;
	v30 =	vand.u32 $0xFFFFFFF0, v30  }
0xf4: {  	v29 =	vor.u32 v29, v30  }
0xf5: {  	v30 =	vperm.xlane v29, v25;
	_ =	sdelay $0x1  }
0xf6: {  	v29 =	vperm.xlane v29, v28;
	v30 =	vadd.s32 v27, v30;
	_ =	sdelay $0x1  }
0xf7: {  	v29 =	vadd.s32 v27, v29;
	_ =	sdelay $0x1  }
0xf8: {  	s3 =	simm.s32 $0x9780  }
0xf9: {  	[tilespmem:s3], [sflag:$0x1] =	stream.indirect_vreg.gather [hbm4b:s1+s22], $0x80, v30, vm0, $0xb8;
	[tilespmem:$0x1F880] =	vst v63  }
0xfa: {  	s24 =	simm.s32 $0x9F80  }
0xfb: {  	[tilespmem:s24], [sflag:$0x1] =	stream.indirect_vreg.gather [hbm4b:s1+s22], $0x80, v29, vm0, $0xb8;
	[tilespmem:$0x1F880] =	vst v63  }
0xfc: {  	v29 =	vld.msk [tilespmem:$0x2B0], $0x1;
	_ =	sdelay $0x4  }
0xfd: {  	v30 =	vshll.u32 v29, $0x1  }
0xfe: {  	v29 =	vand.u32 $0x7, v29;
	v30 =	vand.u32 $0xFFFFFFF0, v30  }
0xff: {  	v29 =	vor.u32 v29, v30  }
0x100: {  	v29 =	vperm.xlane v29, v25;
	_ =	sdelay $0x1  }
0x101: {  	v29 =	vadd.s32 v27, v29;
	_ =	sdelay $0x3  }
0x102: {  	s25 =	simm.s32 $0xA780  }
0x103: {  	[tilespmem:s25], [sflag:$0x1] =	stream.indirect_vreg.gather [hbm4b:s1+s22], $0x80, v29, vm1, $0xb8;
	[tilespmem:$0x1F880] =	vst v63  }
0x104: {  	v29 =	vld [tilespmem:$0x300];
	_ =	sdelay $0x4  }
0x105: {  	v30 =	vshll.u32 v29, $0x1  }
0x106: {  	v29 =	vand.u32 $0x7, v29;
	v30 =	vand.u32 $0xFFFFFFF0, v30  }
0x107: {  	v29 =	vor.u32 v29, v30  }
0x108: {  	v30 =	vperm.xlane v29, v25;
	_ =	sdelay $0x1  }
0x109: {  	v29 =	vperm.xlane v29, v28;
	v30 =	vadd.s32 v27, v30;
	_ =	sdelay $0x1  }
0x10a: {  	v29 =	vadd.s32 v27, v29;
	_ =	sdelay $0x1  }
0x10b: {  	s26 =	simm.s32 $0xAF80  }
0x10c: {  	[tilespmem:s26], [sflag:$0x1] =	stream.indirect_vreg.gather [hbm4b:s1+s22], $0x80, v30, vm0, $0xb8;
	[tilespmem:$0x1F880] =	vst v63  }
0x10d: {  	s29 =	simm.s32 $0xB780  }
0x10e: {  	[tilespmem:s29], [sflag:$0x1] =	stream.indirect_vreg.gather [hbm4b:s1+s22], $0x80, v29, vm0, $0xb8;
	[tilespmem:$0x1F880] =	vst v63  }
0x10f: {  	v29 =	vld [tilespmem:$0x310];
	_ =	sdelay $0x4  }
0x110: {  	v30 =	vshll.u32 v29, $0x1  }
0x111: {  	v29 =	vand.u32 $0x7, v29;
	v30 =	vand.u32 $0xFFFFFFF0, v30  }
0x112: {  	v29 =	vor.u32 v29, v30  }
0x113: {  	v30 =	vperm.xlane v29, v25;
	_ =	sdelay $0x1  }
0x114: {  	v29 =	vperm.xlane v29, v28;
	v30 =	vadd.s32 v27, v30;
	_ =	sdelay $0x1  }
0x115: {  	v29 =	vadd.s32 v27, v29;
	_ =	sdelay $0x1  }
0x116: {  	s30 =	simm.s32 $0xBF80  }
0x117: {  	[tilespmem:s30], [sflag:$0x1] =	stream.indirect_vreg.gather [hbm4b:s1+s22], $0x80, v30, vm0, $0xb8;
	[tilespmem:$0x1F880] =	vst v63  }
0x118: {  	s31 =	simm.s32 $0xC780  }
0x119: {  	[tilespmem:s31], [sflag:$0x1] =	stream.indirect_vreg.gather [hbm4b:s1+s22], $0x80, v29, vm0, $0xb8;
	[tilespmem:$0x1F880] =	vst v63  }
0x11a: {  	v29 =	vld [tilespmem:$0x320];
	_ =	sdelay $0x4  }
0x11b: {  	v30 =	vshll.u32 v29, $0x1  }
0x11c: {  	v29 =	vand.u32 $0x7, v29;
	v30 =	vand.u32 $0xFFFFFFF0, v30  }
0x11d: {  	v29 =	vor.u32 v29, v30  }
0x11e: {  	v30 =	vperm.xlane v29, v25;
	_ =	sdelay $0x1  }
0x11f: {  	v29 =	vperm.xlane v29, v28;
	v30 =	vadd.s32 v27, v30;
	_ =	sdelay $0x1  }
0x120: {  	v29 =	vadd.s32 v27, v29;
	_ =	sdelay $0x1  }
0x121: {  	s3 =	simm.s32 $0xCF80  }
0x122: {  	[tilespmem:s3], [sflag:$0x1] =	stream.indirect_vreg.gather [hbm4b:s1+s22], $0x80, v30, vm0, $0xb8;
	[tilespmem:$0x1F880] =	vst v63  }
0x123: {  	s24 =	simm.s32 $0xD780  }
0x124: {  	[tilespmem:s24], [sflag:$0x1] =	stream.indirect_vreg.gather [hbm4b:s1+s22], $0x80, v29, vm0, $0xb8;
	[tilespmem:$0x1F880] =	vst v63  }
0x125: {  	v29 =	vld.msk [tilespmem:$0x330], $0x1;
	_ =	sdelay $0x4  }
0x126: {  	v30 =	vshll.u32 v29, $0x1  }
0x127: {  	v29 =	vand.u32 $0x7, v29;
	v30 =	vand.u32 $0xFFFFFFF0, v30  }
0x128: {  	v29 =	vor.u32 v29, v30  }
0x129: {  	s24 =	sor.u32 $0x9, s23;
	v29 =	vperm.xlane v29, v25  }
0x12a: {  	s25 =	sor.u32 $0xA, s23;
	v30 =	vmov s24  }
0x12b: {  	v31 =	vmov s25;
	s26 =	sor.u32 $0xB, s23;
	v30 =	vbroadcast v30, $0x0;
	v29 =	vadd.s32 v27, v29  }
0x12c: {  	v31 =	vbroadcast v31, $0x0;
	v38 =	vmov s26;
	s29 =	sor.u32 $0xC, s23  }
0x12d: {  	v32 =	vbroadcast v38, $0x0;
	v39 =	vmov s29  }
0x12e: {  	v33 =	vbroadcast v39, $0x0  }
0x12f: {  	s30 =	simm.s32 $0xDF80  }
0x130: {  	[tilespmem:s30], [sflag:$0x1] =	stream.indirect_vreg.gather [hbm4b:s1+s22], $0x80, v29, vm1, $0xb8;
	[tilespmem:$0x1F880] =	vst v63  }
0x131: {  	v29 =	vld.idx.msk [tilespmem:v30+s22+$0x0], $0xffff  }
0x132: {  	v30 =	vld.idx.msk [tilespmem:v31+s22+$0x0], $0xffff  }
0x133: {  	v31 =	vld.idx.msk [tilespmem:v32+s22+$0x0], $0xffff  }
0x134: {  	v40 =	vld.idx.msk [tilespmem:v33+s22+$0x0], $0xffff  }
0x135: {  	s23 =	sor.u32 $0x8, s23  }
0x136: {  	v41 =	vmov s23  }
0x137: {  	v33 =	vbroadcast v41, $0x0  }
0x138: {  	v29 =	vmul.f32 $2.500000000e-01, v29;
	v42 =	vmul.f32 $2.500000000e-01, v30  }
0x139: {  	v43 =	vmul.f32 $2.500000000e-01, v31;
	v32 =	vmul.f32 $2.500000000e-01, v40  }
0x13a: {  	v30 =	vadd.f32 $-5.000000000e-01, v29;
	v31 =	vadd.f32 $-5.000000000e-01, v42  }
0x13b: {  	v29 =	vadd.f32 $-5.000000000e-01, v43;
	v32 =	vadd.f32 $-5.000000000e-01, v32;
	_ =	sdelay $0x1  }
0x13c: {  	v32 =	vsub.f32 v32, v31;
	v29 =	vsub.f32 v29, v30;
	_ =	sdelay $0x1  }
0x13d: {  	v44 =	vld.idx.msk [tilespmem:v33+s22+$0x0], $0xffff;
	v33 =	vmul.f32 v32, v26;
	v32 =	vmul.f32 v29, v26;
	_ =	sdelay $0x1  }
0x13e: {  	v29 =	vmul.f32 v0, v33;
	v45 =	vmul.f32 v2, v32  }
0x13f: {  	v59 =	vmul.f32 v7, v33  }
0x140: {  	v29 =	vadd.f32 v29, v31;
	v35 =	vadd.f32 v45, v30  }
0x141: {  	v34 =	vtrunc.f32 v44;
	v60 =	vmul.f32 v8, v32;
	v45 =	vadd.f32 v59, v31  }
0x142: {  	vm2 =	vgt.f32 v29, $-1.000000000e+00;
	v46 =	vmax.f32 v29, $0.0e+00;
	v47 =	vmax.f32 v35, $0.0e+00  }
0x143: {  	vm3 =	vlt.f32 v29, $5.600000000e+01;
	vm9 =	vgt.f32 v35, $-1.000000000e+00;
	v61 =	vmax.f32 v45, $0.0e+00  }
0x144: {  	v36 =	vmin.f32 v46, $5.500000000e+01;
	v37 =	vmin.f32 v47, $5.500000000e+01;
	vm2 =	vmand vm2, vm9  }
0x145: {  	v46 =	vadd.f32 v60, v30;
	v29 =	vtrunc.f32 v36;
	v48 =	vtrunc.f32 v37  }
0x146: {  	vm2 =	vmand vm2, vm3;
	vm3 =	vlt.f32 v35, $5.600000000e+01;
	v49 =	vcvt.f32.s32 v29  }
0x147: {  	v38 =	vcvt.f32.s32 v48;
	v29 =	vcvt.f32.s32 v34;
	vm2 =	vmand vm3, vm2  }
0x148: {  	v62 =	vmax.f32 v46, $0.0e+00;
	vm10 =	vgt.f32 v46, $-1.000000000e+00;
	v57 =	vsel vm2, $0x3F800000, v3  }
0x149: {  	vm2 =	vgt.f32 v45, $-1.000000000e+00;
	v63 =	vmin.f32 v62, $5.500000000e+01;
	v62 =	vmul.f32 v13, v33  }
0x14a: {  	v33 =	vmul.f32 v19, v33;
	v50 =	vadd.s32 $0x1, v49;
	v51 =	vcvt.s32.f32 v49  }
0x14b: {  	v52 =	vcvt.s32.f32 v38;
	v29 =	vmul.u32 $0xC40, v29;
	v53 =	vadd.s32 $0x1, v38  }
0x14c: {  	v55 =	vmul.u32 $0x38, v49;
	vm2 =	vmand vm2, vm10;
	vm3 =	vlt.s32 v50, $0x37  }
0x14d: {  	v35 =	vsub.f32 v36, v51;
	v54 =	vsub.f32 v37, v52;
	v34 =	vnsel vm3, $0x37, v50  }
0x14e: {  	vm3 =	vlt.s32 v53, $0x37;
	v37 =	vadd.s32 v29, v55;
	v34 =	vmul.u32 $0x38, v34  }
0x14f: {  	v41 =	vnsel vm3, $0x37, v53;
	v43 =	vadd.s32 v38, v37;
	vm3 =	vlt.f32 v45, $5.600000000e+01  }
0x150: {  	v53 =	vtrunc.f32 v63;
	v56 =	vsub.f32 $1.000000000e+00, v35;
	v40 =	vsub.f32 $1.000000000e+00, v54  }
0x151: {  	v37 =	vadd.s32 v41, v37;
	v48 =	vcvt.f32.s32 v53;
	v34 =	vadd.s32 v29, v34  }
0x152: {  	vm2 =	vmand vm2, vm3;
	v58 =	vmul.f32 v56, v40;
	v38 =	vadd.s32 v38, v34  }
0x153: {  	v39 =	vmul.f32 v56, v54;
	v40 =	vmul.f32 v40, v35;
	v34 =	vadd.s32 v41, v34  }
0x154: {  	v41 =	vmin.f32 v61, $5.500000000e+01;
	v35 =	vmul.f32 v35, v54;
	v56 =	vcvt.s32.f32 v48  }
0x155: {  	vm3 =	vlt.f32 v46, $5.600000000e+01;
	v52 =	vtrunc.f32 v41;
	v44 =	vmul.f32 v58, v57  }
0x156: {  	vm2 =	vmand vm3, vm2;
	v39 =	vmul.f32 v39, v57;
	v40 =	vmul.f32 v40, v57  }
0x157: {  	v60 =	vsel vm2, $0x3F800000, v3;
	v47 =	vcvt.f32.s32 v52;
	v35 =	vmul.f32 v35, v57  }
0x158: {  	v57 =	vadd.s32 $0x1, v48;
	v45 =	vsub.f32 v63, v56;
	v52 =	vadd.f32 v62, v31  }
0x159: {  	v63 =	vmul.f32 v14, v32;
	v32 =	vmul.f32 v20, v32;
	v31 =	vadd.f32 v33, v31  }
0x15a: {  	v54 =	vadd.s32 $0x1, v47;
	v55 =	vcvt.s32.f32 v47;
	v58 =	vmul.u32 $0x38, v47  }
0x15b: {  	v49 =	vsub.f32 $1.000000000e+00, v45;
	vm2 =	vgt.f32 v52, $-1.000000000e+00;
	vm3 =	vlt.s32 v54, $0x37  }
0x15c: {  	vm13 =	vlt.f32 v31, $5.600000000e+01;
	v41 =	vsub.f32 v41, v55;
	v36 =	vnsel vm3, $0x37, v54  }
0x15d: {  	vm3 =	vlt.s32 v57, $0x37;
	v46 =	vadd.s32 v29, v58;
	v58 =	vadd.f32 v63, v30  }
0x15e: {  	v36 =	vmul.u32 $0x38, v36;
	v42 =	vnsel vm3, $0x37, v57;
	v53 =	vadd.s32 v48, v46  }
0x15f: {  	vm3 =	vlt.f32 v52, $5.600000000e+01;
	v59 =	vsub.f32 $1.000000000e+00, v41;
	v46 =	vadd.s32 v42, v46  }
0x160: {  	v57 =	vmul.f32 v49, v41;
	v41 =	vmul.f32 v41, v45;
	vm11 =	vgt.f32 v58, $-1.000000000e+00  }
0x161: {  	v36 =	vadd.s32 v29, v36;
	vm2 =	vmand vm2, vm11;
	v61 =	vmul.f32 v59, v49  }
0x162: {  	v48 =	vadd.s32 v48, v36;
	v36 =	vadd.s32 v42, v36;
	v56 =	vmul.f32 v59, v45  }
0x163: {  	[tilespmem:$0x380] =	vst v43;
	v59 =	vmax.f32 v52, $0.0e+00;
	v47 =	vmul.f32 v57, v60;
	v41 =	vmul.f32 v41, v60  }
0x164: {  	[tilespmem:$0x400] =	vst v37;
	vm2 =	vmand vm2, vm3;
	v49 =	vmin.f32 v59, $5.500000000e+01;
	v51 =	vmul.f32 v61, v60  }
0x165: {  	[tilespmem:$0x480] =	vst v38;
	v42 =	vmul.f32 v56, v60;
	v60 =	vmax.f32 v58, $0.0e+00;
	v61 =	vtrunc.f32 v49  }
0x166: {  	[tilespmem:$0x500] =	vst v34;
	vm3 =	vlt.f32 v58, $5.600000000e+01;
	v50 =	vmin.f32 v60, $5.500000000e+01;
	v54 =	vcvt.f32.s32 v61  }
0x167: {  	[tilespmem:v1+s12+$0x0] =	vst.idx.msk $0xffff, v44;
	v30 =	vadd.f32 v32, v30;
	vm2 =	vmand vm3, vm2;
	v62 =	vtrunc.f32 v50  }
0x168: {  	[tilespmem:v4+s12+$0x0] =	vst.idx.msk $0xffff, v39;
	v61 =	vsel vm2, $0x3F800000, v3;
	v37 =	vcvt.f32.s32 v62;
	v63 =	vcvt.s32.f32 v54  }
0x169: {  	[tilespmem:v5+s12+$0x0] =	vst.idx.msk $0xffff, v40;
	vm2 =	vgt.f32 v31, $-1.000000000e+00;
	v52 =	vadd.s32 $0x1, v54;
	v59 =	vmul.u32 $0x38, v54  }
0x16a: {  	[tilespmem:v6+s12+$0x0] =	vst.idx.msk $0xffff, v35;
	vm3 =	vlt.s32 v52, $0x37;
	v55 =	vadd.s32 $0x1, v37;
	v43 =	vsub.f32 v49, v63  }
0x16b: {  	[tilespmem:$0x390] =	vst v53;
	v56 =	vcvt.s32.f32 v37;
	v38 =	vnsel vm3, $0x37, v52;
	v44 =	vadd.s32 v29, v59  }
0x16c: {  	[tilespmem:$0x410] =	vst v46;
	v49 =	vmax.f32 v31, $0.0e+00;
	vm3 =	vgt.f32 v30, $-1.000000000e+00;
	vm12 =	vlt.s32 v55, $0x37  }
0x16d: {  	[tilespmem:$0x490] =	vst v48;
	v38 =	vmul.u32 $0x38, v38;
	v63 =	vadd.s32 v37, v44;
	vm2 =	vmand vm2, vm3  }
0x16e: {  	[tilespmem:$0x510] =	vst v36;
	vm3 =	vlt.f32 v30, $5.600000000e+01;
	v57 =	vsub.f32 v50, v56;
	v58 =	vsub.f32 $1.000000000e+00, v43  }
0x16f: {  	[tilespmem:v9+s12+$0x0] =	vst.idx.msk $0xffff, v51;
	v34 =	vnsel vm12, $0x37, v55;
	v50 =	vmax.f32 v30, $0.0e+00;
	vm2 =	vmand vm2, vm13  }
0x170: {  	[tilespmem:v10+s12+$0x0] =	vst.idx.msk $0xffff, v42;
	v38 =	vadd.s32 v29, v38;
	v51 =	vmin.f32 v50, $5.500000000e+01;
	v40 =	vmul.f32 v58, v57  }
0x171: {  	[tilespmem:v11+s12+$0x0] =	vst.idx.msk $0xffff, v47;
	v60 =	vsub.f32 $1.000000000e+00, v57;
	v39 =	vmul.f32 v43, v57;
	v54 =	vtrunc.f32 v51  }
0x172: {  	[tilespmem:v12+s12+$0x0] =	vst.idx.msk $0xffff, v41;
	v41 =	vcvt.f32.s32 v54;
	v48 =	vmul.f32 v40, v61;
	v40 =	vmin.f32 v49, $5.500000000e+01  }
0x173: {  	v44 =	vadd.s32 v34, v44;
	v62 =	vmul.f32 v58, v60;
	v52 =	vtrunc.f32 v40  }
0x174: {  	[tilespmem:$0x3A0] =	vst v63;
	v46 =	vadd.s32 v37, v38;
	v56 =	vcvt.s32.f32 v41;
	v53 =	vcvt.f32.s32 v52  }
0x175: {  	v34 =	vadd.s32 v34, v38;
	[tilespmem:$0x420] =	vst v44;
	v35 =	vmul.f32 v60, v43;
	v33 =	vmul.f32 v39, v61  }
0x176: {  	[tilespmem:$0x4A0] =	vst v46;
	v32 =	vmul.f32 v62, v61;
	v57 =	vsub.f32 v51, v56;
	v31 =	vcvt.s32.f32 v53  }
0x177: {  	[tilespmem:$0x520] =	vst v34;
	v35 =	vmul.f32 v35, v61;
	v55 =	vadd.s32 $0x1, v53;
	v58 =	vmul.u32 $0x38, v53  }
0x178: {  	[tilespmem:v15+s12+$0x0] =	vst.idx.msk $0xffff, v32;
	vm14 =	vlt.s32 v55, $0x37;
	v60 =	vsub.f32 $1.000000000e+00, v57;
	v30 =	vsub.f32 v40, v31  }
0x179: {  	[tilespmem:v16+s12+$0x0] =	vst.idx.msk $0xffff, v48;
	v31 =	vadd.s32 $0x1, v41;
	v36 =	vnsel vm14, $0x37, v55;
	v34 =	vadd.s32 v29, v58  }
0x17a: {  	[tilespmem:v17+s12+$0x0] =	vst.idx.msk $0xffff, v35;
	vm15 =	vlt.s32 v31, $0x37;
	v36 =	vmul.u32 $0x38, v36;
	v59 =	vsub.f32 $1.000000000e+00, v30  }
0x17b: {  	vm2 =	vmand vm3, vm2;
	[tilespmem:v18+s12+$0x0] =	vst.idx.msk $0xffff, v33;
	v61 =	vadd.s32 v41, v34;
	v31 =	vnsel vm15, $0x37, v31  }
0x17c: {  	[tilespmem:$0x3A1] =	vst v61;
	v29 =	vadd.s32 v29, v36;
	v62 =	vadd.s32 v31, v34;
	v63 =	vmul.f32 v59, v60  }
0x17d: {  	v40 =	vsel vm2, $0x3F800000, v3;
	[tilespmem:$0x421] =	vst v62;
	v42 =	vadd.s32 v41, v29;
	v37 =	vmul.f32 v59, v57  }
0x17e: {  	v43 =	vmul.f32 v60, v30;
	v29 =	vadd.s32 v31, v29;
	[tilespmem:$0x4A1] =	vst v42;
	v31 =	vmul.f32 v63, v40  }
0x17f: {  	v30 =	vmul.f32 v30, v57;
	[tilespmem:$0x521] =	vst v29;
	v29 =	vmul.f32 v37, v40  }
0x180: {  	[tilespmem:v21+s12+$0x0] =	vst.idx.msk $0xffff, v31;
	v31 =	vmul.f32 v43, v40  }
0x181: {  	[tilespmem:v22+s12+$0x0] =	vst.idx.msk $0xffff, v29;
	v29 =	vmul.f32 v30, v40  }
0x182: {  	[tilespmem:v23+s12+$0x0] =	vst.idx.msk $0xffff, v31  }
0x183: {  	[tilespmem:v24+s12+$0x0] =	vst.idx.msk $0xffff, v29  }
0x184: {  	v29 =	vld [tilespmem:$0x380];
	_ =	sdelay $0x4  }
0x185: {  	v30 =	vshll.u32 v29, $0x1  }
0x186: {  	v29 =	vand.u32 $0x7, v29;
	v30 =	vand.u32 $0xFFFFFFF0, v30  }
0x187: {  	v29 =	vor.u32 v29, v30  }
0x188: {  	v30 =	vperm.xlane v29, v25;
	_ =	sdelay $0x1  }
0x189: {  	v29 =	vperm.xlane v29, v28;
	v30 =	vadd.s32 v27, v30;
	_ =	sdelay $0x1  }
0x18a: {  	v29 =	vadd.s32 v27, v29;
	_ =	sdelay $0x1  }
0x18b: {  	s31 =	simm.s32 $0xE780  }
0x18c: {  	[tilespmem:s31], [sflag:$0x2] =	stream.indirect_vreg.gather [hbm4b:s1+s22], $0x80, v30, vm0, $0xb8;
	[tilespmem:$0x1F880] =	vst v63  }
0x18d: {  	s3 =	simm.s32 $0xEF80  }
0x18e: {  	[tilespmem:s3], [sflag:$0x2] =	stream.indirect_vreg.gather [hbm4b:s1+s22], $0x80, v29, vm0, $0xb8;
	[tilespmem:$0x1F880] =	vst v63  }
0x18f: {  	v29 =	vld [tilespmem:$0x390];
	_ =	sdelay $0x4  }
0x190: {  	v30 =	vshll.u32 v29, $0x1  }
0x191: {  	v29 =	vand.u32 $0x7, v29;
	v30 =	vand.u32 $0xFFFFFFF0, v30  }
0x192: {  	v29 =	vor.u32 v29, v30  }
0x193: {  	v30 =	vperm.xlane v29, v25;
	_ =	sdelay $0x1  }
0x194: {  	v29 =	vperm.xlane v29, v28;
	v30 =	vadd.s32 v27, v30;
	_ =	sdelay $0x1  }
0x195: {  	v29 =	vadd.s32 v27, v29;
	_ =	sdelay $0x1  }
0x196: {  	s23 =	simm.s32 $0xF780  }
0x197: {  	[tilespmem:s23], [sflag:$0x2] =	stream.indirect_vreg.gather [hbm4b:s1+s22], $0x80, v30, vm0, $0xb8;
	[tilespmem:$0x1F880] =	vst v63  }
0x198: {  	s24 =	simm.s32 $0xFF80  }
0x199: {  	[tilespmem:s24], [sflag:$0x2] =	stream.indirect_vreg.gather [hbm4b:s1+s22], $0x80, v29, vm0, $0xb8;
	[tilespmem:$0x1F880] =	vst v63  }
0x19a: {  	v29 =	vld [tilespmem:$0x3A0];
	_ =	sdelay $0x4  }
0x19b: {  	v30 =	vshll.u32 v29, $0x1  }
0x19c: {  	v29 =	vand.u32 $0x7, v29;
	v30 =	vand.u32 $0xFFFFFFF0, v30  }
0x19d: {  	v29 =	vor.u32 v29, v30  }
0x19e: {  	v30 =	vperm.xlane v29, v25;
	_ =	sdelay $0x1  }
0x19f: {  	v29 =	vperm.xlane v29, v28;
	v30 =	vadd.s32 v27, v30;
	_ =	sdelay $0x1  }
0x1a0: {  	v29 =	vadd.s32 v27, v29;
	_ =	sdelay $0x1  }
0x1a1: {  	s25 =	simm.s32 $0x10780  }
0x1a2: {  	[tilespmem:s25], [sflag:$0x2] =	stream.indirect_vreg.gather [hbm4b:s1+s22], $0x80, v30, vm0, $0xb8;
	[tilespmem:$0x1F880] =	vst v63  }
0x1a3: {  	s26 =	simm.s32 $0x10F80  }
0x1a4: {  	[tilespmem:s26], [sflag:$0x2] =	stream.indirect_vreg.gather [hbm4b:s1+s22], $0x80, v29, vm0, $0xb8;
	[tilespmem:$0x1F880] =	vst v63  }
0x1a5: {  	v29 =	vld.msk [tilespmem:$0x3B0], $0x1;
	_ =	sdelay $0x4  }
0x1a6: {  	v30 =	vshll.u32 v29, $0x1  }
0x1a7: {  	v29 =	vand.u32 $0x7, v29;
	v30 =	vand.u32 $0xFFFFFFF0, v30  }
0x1a8: {  	v29 =	vor.u32 v29, v30  }
0x1a9: {  	v29 =	vperm.xlane v29, v25;
	_ =	sdelay $0x1  }
0x1aa: {  	v29 =	vadd.s32 v27, v29;
	_ =	sdelay $0x3  }
0x1ab: {  	s29 =	simm.s32 $0x11780  }
0x1ac: {  	[tilespmem:s29], [sflag:$0x2] =	stream.indirect_vreg.gather [hbm4b:s1+s22], $0x80, v29, vm1, $0xb8;
	[tilespmem:$0x1F880] =	vst v63  }
0x1ad: {  	v29 =	vld [tilespmem:$0x400];
	_ =	sdelay $0x4  }
0x1ae: {  	v30 =	vshll.u32 v29, $0x1  }
0x1af: {  	v29 =	vand.u32 $0x7, v29;
	v30 =	vand.u32 $0xFFFFFFF0, v30  }
0x1b0: {  	v29 =	vor.u32 v29, v30  }
0x1b1: {  	v30 =	vperm.xlane v29, v25;
	_ =	sdelay $0x1  }
0x1b2: {  	v29 =	vperm.xlane v29, v28;
	v30 =	vadd.s32 v27, v30;
	_ =	sdelay $0x1  }
0x1b3: {  	v29 =	vadd.s32 v27, v29;
	_ =	sdelay $0x1  }
0x1b4: {  	s30 =	simm.s32 $0x11F80  }
0x1b5: {  	[tilespmem:s30], [sflag:$0x2] =	stream.indirect_vreg.gather [hbm4b:s1+s22], $0x80, v30, vm0, $0xb8;
	[tilespmem:$0x1F880] =	vst v63  }
0x1b6: {  	s31 =	simm.s32 $0x12780  }
0x1b7: {  	[tilespmem:s31], [sflag:$0x2] =	stream.indirect_vreg.gather [hbm4b:s1+s22], $0x80, v29, vm0, $0xb8;
	[tilespmem:$0x1F880] =	vst v63  }
0x1b8: {  	v29 =	vld [tilespmem:$0x410];
	_ =	sdelay $0x4  }
0x1b9: {  	v30 =	vshll.u32 v29, $0x1  }
0x1ba: {  	v29 =	vand.u32 $0x7, v29;
	v30 =	vand.u32 $0xFFFFFFF0, v30  }
0x1bb: {  	v29 =	vor.u32 v29, v30  }
0x1bc: {  	v30 =	vperm.xlane v29, v25;
	_ =	sdelay $0x1  }
0x1bd: {  	v29 =	vperm.xlane v29, v28;
	v30 =	vadd.s32 v27, v30;
	_ =	sdelay $0x1  }
0x1be: {  	v29 =	vadd.s32 v27, v29;
	_ =	sdelay $0x1  }
0x1bf: {  	s3 =	simm.s32 $0x12F80  }
0x1c0: {  	[tilespmem:s3], [sflag:$0x2] =	stream.indirect_vreg.gather [hbm4b:s1+s22], $0x80, v30, vm0, $0xb8;
	[tilespmem:$0x1F880] =	vst v63  }
0x1c1: {  	s23 =	simm.s32 $0x13780  }
0x1c2: {  	[tilespmem:s23], [sflag:$0x2] =	stream.indirect_vreg.gather [hbm4b:s1+s22], $0x80, v29, vm0, $0xb8;
	[tilespmem:$0x1F880] =	vst v63  }
0x1c3: {  	v29 =	vld [tilespmem:$0x420];
	_ =	sdelay $0x4  }
0x1c4: {  	v30 =	vshll.u32 v29, $0x1  }
0x1c5: {  	v29 =	vand.u32 $0x7, v29;
	v30 =	vand.u32 $0xFFFFFFF0, v30  }
0x1c6: {  	v29 =	vor.u32 v29, v30  }
0x1c7: {  	v30 =	vperm.xlane v29, v25;
	_ =	sdelay $0x1  }
0x1c8: {  	v29 =	vperm.xlane v29, v28;
	v30 =	vadd.s32 v27, v30;
	_ =	sdelay $0x1  }
0x1c9: {  	v29 =	vadd.s32 v27, v29;
	_ =	sdelay $0x1  }
0x1ca: {  	s24 =	simm.s32 $0x13F80  }
0x1cb: {  	[tilespmem:s24], [sflag:$0x2] =	stream.indirect_vreg.gather [hbm4b:s1+s22], $0x80, v30, vm0, $0xb8;
	[tilespmem:$0x1F880] =	vst v63  }
0x1cc: {  	s25 =	simm.s32 $0x14780  }
0x1cd: {  	[tilespmem:s25], [sflag:$0x2] =	stream.indirect_vreg.gather [hbm4b:s1+s22], $0x80, v29, vm0, $0xb8;
	[tilespmem:$0x1F880] =	vst v63  }
0x1ce: {  	v29 =	vld.msk [tilespmem:$0x430], $0x1;
	_ =	sdelay $0x4  }
0x1cf: {  	v30 =	vshll.u32 v29, $0x1  }
0x1d0: {  	v29 =	vand.u32 $0x7, v29;
	v30 =	vand.u32 $0xFFFFFFF0, v30  }
0x1d1: {  	v29 =	vor.u32 v29, v30  }
0x1d2: {  	v29 =	vperm.xlane v29, v25;
	_ =	sdelay $0x1  }
0x1d3: {  	v29 =	vadd.s32 v27, v29;
	_ =	sdelay $0x3  }
0x1d4: {  	s26 =	simm.s32 $0x14F80  }
0x1d5: {  	[tilespmem:s26], [sflag:$0x2] =	stream.indirect_vreg.gather [hbm4b:s1+s22], $0x80, v29, vm1, $0xb8;
	[tilespmem:$0x1F880] =	vst v63  }
0x1d6: {  	v29 =	vld [tilespmem:$0x480];
	_ =	sdelay $0x4  }
0x1d7: {  	v30 =	vshll.u32 v29, $0x1  }
0x1d8: {  	v29 =	vand.u32 $0x7, v29;
	v30 =	vand.u32 $0xFFFFFFF0, v30  }
0x1d9: {  	v29 =	vor.u32 v29, v30  }
0x1da: {  	v30 =	vperm.xlane v29, v25;
	_ =	sdelay $0x1  }
0x1db: {  	v29 =	vperm.xlane v29, v28;
	v30 =	vadd.s32 v27, v30;
	_ =	sdelay $0x1  }
0x1dc: {  	v29 =	vadd.s32 v27, v29;
	_ =	sdelay $0x1  }
0x1dd: {  	s29 =	simm.s32 $0x15780  }
0x1de: {  	[tilespmem:s29], [sflag:$0x2] =	stream.indirect_vreg.gather [hbm4b:s1+s22], $0x80, v30, vm0, $0xb8;
	[tilespmem:$0x1F880] =	vst v63  }
0x1df: {  	s30 =	simm.s32 $0x15F80  }
0x1e0: {  	[tilespmem:s30], [sflag:$0x2] =	stream.indirect_vreg.gather [hbm4b:s1+s22], $0x80, v29, vm0, $0xb8;
	[tilespmem:$0x1F880] =	vst v63  }
0x1e1: {  	v29 =	vld [tilespmem:$0x490];
	_ =	sdelay $0x4  }
0x1e2: {  	v30 =	vshll.u32 v29, $0x1  }
0x1e3: {  	v29 =	vand.u32 $0x7, v29;
	v30 =	vand.u32 $0xFFFFFFF0, v30  }
0x1e4: {  	v29 =	vor.u32 v29, v30  }
0x1e5: {  	v30 =	vperm.xlane v29, v25;
	_ =	sdelay $0x1  }
0x1e6: {  	v29 =	vperm.xlane v29, v28;
	v30 =	vadd.s32 v27, v30;
	_ =	sdelay $0x1  }
0x1e7: {  	v29 =	vadd.s32 v27, v29;
	_ =	sdelay $0x1  }
0x1e8: {  	s31 =	simm.s32 $0x16780  }
0x1e9: {  	[tilespmem:s31], [sflag:$0x2] =	stream.indirect_vreg.gather [hbm4b:s1+s22], $0x80, v30, vm0, $0xb8;
	[tilespmem:$0x1F880] =	vst v63  }
0x1ea: {  	s3 =	simm.s32 $0x16F80  }
0x1eb: {  	[tilespmem:s3], [sflag:$0x2] =	stream.indirect_vreg.gather [hbm4b:s1+s22], $0x80, v29, vm0, $0xb8;
	[tilespmem:$0x1F880] =	vst v63  }
0x1ec: {  	v29 =	vld [tilespmem:$0x4A0];
	_ =	sdelay $0x4  }
0x1ed: {  	v30 =	vshll.u32 v29, $0x1  }
0x1ee: {  	v29 =	vand.u32 $0x7, v29;
	v30 =	vand.u32 $0xFFFFFFF0, v30  }
0x1ef: {  	v29 =	vor.u32 v29, v30  }
0x1f0: {  	v30 =	vperm.xlane v29, v25;
	_ =	sdelay $0x1  }
0x1f1: {  	v29 =	vperm.xlane v29, v28;
	v30 =	vadd.s32 v27, v30;
	_ =	sdelay $0x1  }
0x1f2: {  	v29 =	vadd.s32 v27, v29;
	_ =	sdelay $0x1  }
0x1f3: {  	s23 =	simm.s32 $0x17780  }
0x1f4: {  	[tilespmem:s23], [sflag:$0x2] =	stream.indirect_vreg.gather [hbm4b:s1+s22], $0x80, v30, vm0, $0xb8;
	[tilespmem:$0x1F880] =	vst v63  }
0x1f5: {  	s24 =	simm.s32 $0x17F80  }
0x1f6: {  	[tilespmem:s24], [sflag:$0x2] =	stream.indirect_vreg.gather [hbm4b:s1+s22], $0x80, v29, vm0, $0xb8;
	[tilespmem:$0x1F880] =	vst v63  }
0x1f7: {  	v29 =	vld.msk [tilespmem:$0x4B0], $0x1;
	_ =	sdelay $0x4  }
0x1f8: {  	v30 =	vshll.u32 v29, $0x1  }
0x1f9: {  	v29 =	vand.u32 $0x7, v29;
	v30 =	vand.u32 $0xFFFFFFF0, v30  }
0x1fa: {  	v29 =	vor.u32 v29, v30  }
0x1fb: {  	v29 =	vperm.xlane v29, v25;
	_ =	sdelay $0x1  }
0x1fc: {  	v29 =	vadd.s32 v27, v29;
	_ =	sdelay $0x4  }
0x1fd: {  	[tilespmem:s2], [sflag:$0x2] =	stream.indirect_vreg.gather [hbm4b:s1+s22], $0x80, v29, vm1, $0xb8;
	[tilespmem:$0x1F880] =	vst v63  }
0x1fe: {  	v29 =	vld [tilespmem:$0x500];
	_ =	sdelay $0x4  }
0x1ff: {  	v30 =	vshll.u32 v29, $0x1  }
0x200: {  	v29 =	vand.u32 $0x7, v29;
	v30 =	vand.u32 $0xFFFFFFF0, v30  }
0x201: {  	v29 =	vor.u32 v29, v30  }
0x202: {  	v30 =	vperm.xlane v29, v25;
	_ =	sdelay $0x1  }
0x203: {  	v29 =	vperm.xlane v29, v28;
	v30 =	vadd.s32 v27, v30;
	_ =	sdelay $0x1  }
0x204: {  	v29 =	vadd.s32 v27, v29;
	_ =	sdelay $0x2  }
0x205: {  	[tilespmem:s6], [sflag:$0x2] =	stream.indirect_vreg.gather [hbm4b:s1+s22], $0x80, v30, vm0, $0xb8;
	[tilespmem:$0x1F880] =	vst v63  }
0x206: {  	_ = 	snop  }
0x207: {  	[tilespmem:s7], [sflag:$0x2] =	stream.indirect_vreg.gather [hbm4b:s1+s22], $0x80, v29, vm0, $0xb8;
	[tilespmem:$0x1F880] =	vst v63  }
0x208: {  	v29 =	vld [tilespmem:$0x510];
	_ =	sdelay $0x4  }
0x209: {  	v30 =	vshll.u32 v29, $0x1  }
0x20a: {  	v29 =	vand.u32 $0x7, v29;
	v30 =	vand.u32 $0xFFFFFFF0, v30  }
0x20b: {  	v29 =	vor.u32 v29, v30  }
0x20c: {  	v30 =	vperm.xlane v29, v25;
	_ =	sdelay $0x1  }
0x20d: {  	v29 =	vperm.xlane v29, v28;
	v30 =	vadd.s32 v27, v30;
	_ =	sdelay $0x1  }
0x20e: {  	v29 =	vadd.s32 v27, v29;
	_ =	sdelay $0x2  }
0x20f: {  	[tilespmem:s10], [sflag:$0x2] =	stream.indirect_vreg.gather [hbm4b:s1+s22], $0x80, v30, vm0, $0xb8;
	[tilespmem:$0x1F880] =	vst v63  }
0x210: {  	_ = 	snop  }
0x211: {  	[tilespmem:s11], [sflag:$0x2] =	stream.indirect_vreg.gather [hbm4b:s1+s22], $0x80, v29, vm0, $0xb8;
	[tilespmem:$0x1F880] =	vst v63  }
0x212: {  	v29 =	vld [tilespmem:$0x520];
	_ =	sdelay $0x4  }
0x213: {  	v30 =	vshll.u32 v29, $0x1  }
0x214: {  	v29 =	vand.u32 $0x7, v29;
	v30 =	vand.u32 $0xFFFFFFF0, v30  }
0x215: {  	v29 =	vor.u32 v29, v30  }
0x216: {  	v30 =	vperm.xlane v29, v25;
	_ =	sdelay $0x1  }
0x217: {  	v29 =	vperm.xlane v29, v28;
	v30 =	vadd.s32 v27, v30;
	_ =	sdelay $0x1  }
0x218: {  	v29 =	vadd.s32 v27, v29;
	_ =	sdelay $0x2  }
0x219: {  	[tilespmem:s13], [sflag:$0x2] =	stream.indirect_vreg.gather [hbm4b:s1+s22], $0x80, v30, vm0, $0xb8;
	[tilespmem:$0x1F880] =	vst v63  }
0x21a: {  	_ = 	snop  }
0x21b: {  	[tilespmem:s14], [sflag:$0x2] =	stream.indirect_vreg.gather [hbm4b:s1+s22], $0x80, v29, vm0, $0xb8;
	[tilespmem:$0x1F880] =	vst v63  }
0x21c: {  	v29 =	vld.msk [tilespmem:$0x530], $0x1;
	_ =	sdelay $0x4  }
0x21d: {  	v30 =	vshll.u32 v29, $0x1  }
0x21e: {  	v29 =	vand.u32 $0x7, v29;
	v30 =	vand.u32 $0xFFFFFFF0, v30  }
0x21f: {  	v29 =	vor.u32 v29, v30  }
0x220: {  	v29 =	vperm.xlane v29, v25;
	_ =	sdelay $0x1  }
0x221: {  	v29 =	vadd.s32 v27, v29;
	_ =	sdelay $0x4  }
0x222: {  	[tilespmem:s15], [sflag:$0x2] =	stream.indirect_vreg.gather [hbm4b:s1+s22], $0x80, v29, vm1, $0xb8;
	[tilespmem:$0x1F880] =	vst v63  }
0x223: {  	_ =	swait.ge [sflag:s16], $0x3100  }
0x224: {  	[sflag:s16] =	ssyncset.done $0x0  }
0x225: {  	[sflag:s16] =	ssyncadd.s32 $0xFFFFCF00  }
0x226: {  	s25 =	simm.s32 $0x0;
	_ =	swait.ge [sflag:s16], $0x3100  }
0x227: {  	v29 =	vmov s25;
	[sflag:s16] =	ssyncset.done $0x0  }
0x228: {  	s26 =	simm.s32 $0x1;
	v29 =	vand.u32 $0xFFFFFFFC, v29;
	[sflag:s16] =	ssyncadd.s32 $0xFFFFCF00  }
0x229: {  	v30 =	vmov s26;
	v29 =	vbroadcast v29, $0x0;
	_ =	swait.ge [sflag:s16], $0x3100  }
0x22a: {  	s29 =	simm.s32 $0x2;
	v30 =	vand.u32 $0xFFFFFFFD, v30;
	[sflag:s16] =	ssyncset.done $0x0  }
0x22b: {  	v31 =	vmov s29;
	v44 =	vbroadcast v30, $0x0;
	[sflag:s16] =	ssyncadd.s32 $0xFFFFCF00  }
0x22c: {  	v30 =	vand.u32 $0xFFFFFFFE, v31;
	_ =	swait.ge [sflag:s16], $0x3100  }
0x22d: {  	v45 =	vbroadcast v30, $0x0;
	[sflag:s16] =	ssyncset.done $0x0  }
0x22e: {  	s30 =	sand.u32 $0x3800, s22;
	s31 =	sand.u32 $0x380, s22;
	[sflag:s16] =	ssyncadd.s32 $0xFFFFCF00  }
0x22f: {  	s24 =	sor.u32 s31, s30;
	v30 =	vld.idx.msk [tilespmem:v29+s9+$0x0], $0xffff  }
0x230: {  	s25 =	simm.s32 $0x3;
	v46 =	vld [tilespmem:s24+$0x780]  }
0x231: {  	v29 =	vmov s25;
	v31 =	vld.idx.msk [tilespmem:v44+s9+$0x0], $0xffff  }
0x232: {  	v47 =	vld [tilespmem:s24+$0x3F80]  }
0x233: {  	v32 =	vld.idx.msk [tilespmem:v45+s9+$0x0], $0xffff  }
0x234: {  	v48 =	vld [tilespmem:s24+$0x7780]  }
0x235: {  	v49 =	vld [tilespmem:s24+$0xAF80]  }
0x236: {  	v29 =	vld.idx.msk [tilespmem:v29+s9+$0x0], $0xffff  }
0x237: {  	v34 =	vmul.f32 v46, v30;
	v35 =	vmul.f32 v47, v31;
	_ =	sdelay $0x1  }
0x238: {  	v33 =	vmul.f32 v48, v32;
	v34 =	vadd.f32 v35, v34;
	_ =	sdelay $0x1  }
0x239: {  	v33 =	vadd.f32 v33, v34;
	v50 =	vmul.f32 v49, v29;
	_ =	sdelay $0x1  }
0x23a: {  	v33 =	vadd.f32 v50, v33  }
0x23b: {  	s23 =	simm.s32 $0x1C800  }
0x23c: {  	[tilespmem:s23+$0xFFFFFF80] =	vst v33  }
0x23d: {  	v33 =	vld [tilespmem:s24+$0x790]  }
0x23e: {  	v51 =	vld [tilespmem:s24+$0x3F90];
	_ =	sdelay $0x1  }
0x23f: {  	v52 =	vld [tilespmem:s24+$0x7790];
	_ =	sdelay $0x1  }
0x240: {  	v53 =	vld [tilespmem:s24+$0xAF90]  }
0x241: {  	v33 =	vmul.f32 v33, v30;
	v34 =	vmul.f32 v51, v31;
	_ =	sdelay $0x1  }
0x242: {  	v54 =	vmul.f32 v52, v32;
	v33 =	vadd.f32 v34, v33;
	_ =	sdelay $0x1  }
0x243: {  	v55 =	vmul.f32 v53, v29;
	v33 =	vadd.f32 v54, v33;
	_ =	sdelay $0x1  }
0x244: {  	v33 =	vadd.f32 v55, v33;
	_ =	sdelay $0x1  }
0x245: {  	[tilespmem:s23+$0xFFFFFF90] =	vst v33  }
0x246: {  	v33 =	vld [tilespmem:s24+$0x7A0]  }
0x247: {  	v56 =	vld [tilespmem:s24+$0x3FA0];
	_ =	sdelay $0x1  }
0x248: {  	v57 =	vld [tilespmem:s24+$0x77A0];
	_ =	sdelay $0x1  }
0x249: {  	v58 =	vld [tilespmem:s24+$0xAFA0]  }
0x24a: {  	v33 =	vmul.f32 v33, v30;
	v34 =	vmul.f32 v56, v31;
	_ =	sdelay $0x1  }
0x24b: {  	v59 =	vmul.f32 v57, v32;
	v33 =	vadd.f32 v34, v33;
	_ =	sdelay $0x1  }
0x24c: {  	v60 =	vmul.f32 v58, v29;
	v33 =	vadd.f32 v59, v33;
	_ =	sdelay $0x1  }
0x24d: {  	v33 =	vadd.f32 v60, v33;
	_ =	sdelay $0x1  }
0x24e: {  	[tilespmem:s23+$0xFFFFFFA0] =	vst v33  }
0x24f: {  	v33 =	vld [tilespmem:s24+$0x7B0]  }
0x250: {  	v61 =	vld [tilespmem:s24+$0x3FB0];
	_ =	sdelay $0x1  }
0x251: {  	v62 =	vld [tilespmem:s24+$0x77B0];
	_ =	sdelay $0x1  }
0x252: {  	v63 =	vld [tilespmem:s24+$0xAFB0]  }
0x253: {  	v33 =	vmul.f32 v33, v30;
	v34 =	vmul.f32 v61, v31;
	_ =	sdelay $0x1  }
0x254: {  	v38 =	vmul.f32 v62, v32;
	v33 =	vadd.f32 v34, v33;
	_ =	sdelay $0x1  }
0x255: {  	v39 =	vmul.f32 v63, v29;
	v33 =	vadd.f32 v38, v33;
	_ =	sdelay $0x1  }
0x256: {  	v33 =	vadd.f32 v39, v33;
	_ =	sdelay $0x1  }
0x257: {  	[tilespmem:s23+$0xFFFFFFB0] =	vst v33  }
0x258: {  	v33 =	vld [tilespmem:s24+$0x7C0]  }
0x259: {  	v40 =	vld [tilespmem:s24+$0x3FC0];
	_ =	sdelay $0x1  }
0x25a: {  	v41 =	vld [tilespmem:s24+$0x77C0];
	_ =	sdelay $0x1  }
0x25b: {  	v42 =	vld [tilespmem:s24+$0xAFC0]  }
0x25c: {  	v33 =	vmul.f32 v33, v30;
	v34 =	vmul.f32 v40, v31;
	_ =	sdelay $0x1  }
0x25d: {  	v43 =	vmul.f32 v41, v32;
	v33 =	vadd.f32 v34, v33;
	_ =	sdelay $0x1  }
0x25e: {  	v44 =	vmul.f32 v42, v29;
	v33 =	vadd.f32 v43, v33;
	_ =	sdelay $0x1  }
0x25f: {  	v33 =	vadd.f32 v44, v33;
	_ =	sdelay $0x1  }
0x260: {  	[tilespmem:s23+$0xFFFFFFC0] =	vst v33  }
0x261: {  	v33 =	vld [tilespmem:s24+$0x7D0]  }
0x262: {  	v45 =	vld [tilespmem:s24+$0x3FD0];
	_ =	sdelay $0x1  }
0x263: {  	v46 =	vld [tilespmem:s24+$0x77D0];
	_ =	sdelay $0x1  }
0x264: {  	v47 =	vld [tilespmem:s24+$0xAFD0]  }
0x265: {  	v33 =	vmul.f32 v33, v30;
	v34 =	vmul.f32 v45, v31;
	_ =	sdelay $0x1  }
0x266: {  	v48 =	vmul.f32 v46, v32;
	v33 =	vadd.f32 v34, v33;
	_ =	sdelay $0x1  }
0x267: {  	v49 =	vmul.f32 v47, v29;
	v33 =	vadd.f32 v48, v33;
	_ =	sdelay $0x1  }
0x268: {  	v33 =	vadd.f32 v49, v33;
	_ =	sdelay $0x1  }
0x269: {  	[tilespmem:s23+$0xFFFFFFD0] =	vst v33  }
0x26a: {  	v33 =	vld [tilespmem:s24+$0x7E0]  }
0x26b: {  	v50 =	vld [tilespmem:s24+$0x3FE0];
	_ =	sdelay $0x1  }
0x26c: {  	v51 =	vld [tilespmem:s24+$0x77E0];
	_ =	sdelay $0x1  }
0x26d: {  	v52 =	vld [tilespmem:s24+$0xAFE0]  }
0x26e: {  	v33 =	vmul.f32 v33, v30;
	v34 =	vmul.f32 v50, v31;
	_ =	sdelay $0x1  }
0x26f: {  	v53 =	vmul.f32 v51, v32;
	v33 =	vadd.f32 v34, v33;
	_ =	sdelay $0x1  }
0x270: {  	v54 =	vmul.f32 v52, v29;
	v33 =	vadd.f32 v53, v33;
	_ =	sdelay $0x1  }
0x271: {  	v33 =	vadd.f32 v54, v33;
	_ =	sdelay $0x1  }
0x272: {  	[tilespmem:s23+$0xFFFFFFE0] =	vst v33  }
0x273: {  	v33 =	vld [tilespmem:s24+$0x7F0]  }
0x274: {  	v55 =	vld [tilespmem:s24+$0x3FF0];
	_ =	sdelay $0x1  }
0x275: {  	v56 =	vld [tilespmem:s24+$0x77F0];
	_ =	sdelay $0x1  }
0x276: {  	v57 =	vld [tilespmem:s24+$0xAFF0]  }
0x277: {  	v33 =	vmul.f32 v33, v30;
	v34 =	vmul.f32 v55, v31;
	_ =	sdelay $0x1  }
0x278: {  	v35 =	vmul.f32 v56, v32;
	v33 =	vadd.f32 v34, v33;
	_ =	sdelay $0x1  }
0x279: {  	v58 =	vmul.f32 v57, v29;
	v33 =	vadd.f32 v35, v33;
	_ =	sdelay $0x1  }
0x27a: {  	v33 =	vadd.f32 v58, v33;
	_ =	sdelay $0x1  }
0x27b: {  	[tilespmem:s23+$0xFFFFFFF0] =	vst v33  }
0x27c: {  	v33 =	vld [tilespmem:s24+$0xB80]  }
0x27d: {  	v59 =	vld [tilespmem:s24+$0x4380];
	_ =	sdelay $0x1  }
0x27e: {  	v60 =	vld [tilespmem:s24+$0x7B80];
	_ =	sdelay $0x1  }
0x27f: {  	v61 =	vld [tilespmem:s24+$0xB380]  }
0x280: {  	v33 =	vmul.f32 v33, v30;
	v34 =	vmul.f32 v59, v31;
	_ =	sdelay $0x1  }
0x281: {  	v35 =	vmul.f32 v60, v32;
	v33 =	vadd.f32 v34, v33;
	_ =	sdelay $0x1  }
0x282: {  	v62 =	vmul.f32 v61, v29;
	v33 =	vadd.f32 v35, v33;
	_ =	sdelay $0x1  }
0x283: {  	v33 =	vadd.f32 v62, v33;
	_ =	sdelay $0x1  }
0x284: {  	[tilespmem:s23+$0x0] =	vst v33  }
0x285: {  	v33 =	vld [tilespmem:s24+$0xB90]  }
0x286: {  	v63 =	vld [tilespmem:s24+$0x4390];
	_ =	sdelay $0x1  }
0x287: {  	v40 =	vld [tilespmem:s24+$0x7B90];
	_ =	sdelay $0x1  }
0x288: {  	v41 =	vld [tilespmem:s24+$0xB390]  }
0x289: {  	v33 =	vmul.f32 v33, v30;
	v34 =	vmul.f32 v63, v31;
	_ =	sdelay $0x1  }
0x28a: {  	v42 =	vmul.f32 v40, v32;
	v33 =	vadd.f32 v34, v33;
	_ =	sdelay $0x1  }
0x28b: {  	v43 =	vmul.f32 v41, v29;
	v33 =	vadd.f32 v42, v33;
	_ =	sdelay $0x1  }
0x28c: {  	v33 =	vadd.f32 v43, v33;
	_ =	sdelay $0x1  }
0x28d: {  	[tilespmem:s23+$0x10] =	vst v33  }
0x28e: {  	v33 =	vld [tilespmem:s24+$0xBA0]  }
0x28f: {  	v44 =	vld [tilespmem:s24+$0x43A0];
	_ =	sdelay $0x1  }
0x290: {  	v45 =	vld [tilespmem:s24+$0x7BA0];
	_ =	sdelay $0x1  }
0x291: {  	v46 =	vld [tilespmem:s24+$0xB3A0]  }
0x292: {  	v33 =	vmul.f32 v33, v30;
	v34 =	vmul.f32 v44, v31;
	_ =	sdelay $0x1  }
0x293: {  	v47 =	vmul.f32 v45, v32;
	v33 =	vadd.f32 v34, v33;
	_ =	sdelay $0x1  }
0x294: {  	v48 =	vmul.f32 v46, v29;
	v33 =	vadd.f32 v47, v33;
	_ =	sdelay $0x1  }
0x295: {  	v33 =	vadd.f32 v48, v33;
	_ =	sdelay $0x1  }
0x296: {  	[tilespmem:s23+$0x20] =	vst v33  }
0x297: {  	v33 =	vld [tilespmem:s24+$0xBB0]  }
0x298: {  	v49 =	vld [tilespmem:s24+$0x43B0];
	_ =	sdelay $0x1  }
0x299: {  	v50 =	vld [tilespmem:s24+$0x7BB0];
	_ =	sdelay $0x1  }
0x29a: {  	v51 =	vld [tilespmem:s24+$0xB3B0]  }
0x29b: {  	v33 =	vmul.f32 v33, v30;
	v34 =	vmul.f32 v49, v31;
	_ =	sdelay $0x1  }
0x29c: {  	v52 =	vmul.f32 v50, v32;
	v33 =	vadd.f32 v34, v33;
	_ =	sdelay $0x1  }
0x29d: {  	v53 =	vmul.f32 v51, v29;
	v33 =	vadd.f32 v52, v33;
	_ =	sdelay $0x1  }
0x29e: {  	v33 =	vadd.f32 v53, v33;
	_ =	sdelay $0x1  }
0x29f: {  	[tilespmem:s23+$0x30] =	vst v33  }
0x2a0: {  	v33 =	vld [tilespmem:s24+$0xBC0]  }
0x2a1: {  	v54 =	vld [tilespmem:s24+$0x43C0];
	_ =	sdelay $0x1  }
0x2a2: {  	v55 =	vld [tilespmem:s24+$0x7BC0];
	_ =	sdelay $0x1  }
0x2a3: {  	v56 =	vld [tilespmem:s24+$0xB3C0]  }
0x2a4: {  	v33 =	vmul.f32 v33, v30;
	v34 =	vmul.f32 v54, v31;
	_ =	sdelay $0x1  }
0x2a5: {  	v57 =	vmul.f32 v55, v32;
	v33 =	vadd.f32 v34, v33;
	_ =	sdelay $0x1  }
0x2a6: {  	v58 =	vmul.f32 v56, v29;
	v33 =	vadd.f32 v57, v33;
	_ =	sdelay $0x1  }
0x2a7: {  	v33 =	vadd.f32 v58, v33;
	_ =	sdelay $0x1  }
0x2a8: {  	[tilespmem:s23+$0x40] =	vst v33  }
0x2a9: {  	v33 =	vld [tilespmem:s24+$0xBD0]  }
0x2aa: {  	v59 =	vld [tilespmem:s24+$0x43D0];
	_ =	sdelay $0x1  }
0x2ab: {  	v60 =	vld [tilespmem:s24+$0x7BD0];
	_ =	sdelay $0x1  }
0x2ac: {  	v61 =	vld [tilespmem:s24+$0xB3D0]  }
0x2ad: {  	v33 =	vmul.f32 v33, v30;
	v34 =	vmul.f32 v59, v31;
	_ =	sdelay $0x1  }
0x2ae: {  	v62 =	vmul.f32 v60, v32;
	v33 =	vadd.f32 v34, v33;
	_ =	sdelay $0x1  }
0x2af: {  	v63 =	vmul.f32 v61, v29;
	v33 =	vadd.f32 v62, v33;
	_ =	sdelay $0x1  }
0x2b0: {  	v33 =	vadd.f32 v63, v33;
	_ =	sdelay $0x1  }
0x2b1: {  	[tilespmem:s23+$0x50] =	vst v33  }
0x2b2: {  	v33 =	vld [tilespmem:s24+$0xBE0]  }
0x2b3: {  	v34 =	vld [tilespmem:s24+$0x43E0]  }
0x2b4: {  	s28 =	simm.s32 $0x0;
	s26 =	simm.s32 $0x7;
	s25 =	simm.s32 $0x1C800;
	v35 =	vld [tilespmem:s24+$0x7BE0]  }
.LBB2_3:
0x2b5: {  	v36 =	vld [tilespmem:s24+$0xB3E0];
	s22 =	sadd.s32 $0x80, s22;
	s28 =	sadd.s32 $0x100, s28;
	s23 =	sadd.s32 $0x100, s23  }
0x2b6: {  	p0 =	sne.s32 s26, $0xC3;
	s29 =	smov.u32 s26;
	s26 =	sadd.s32 $0x4, s26  }
0x2b7: {  	v33 =	vmul.f32 v33, v30  }
0x2b8: {  	v34 =	vmul.f32 v34, v31  }
0x2b9: {  	v35 =	vmul.f32 v35, v32  }
0x2ba: {  	v33 =	vadd.f32 v34, v33;
	v34 =	vmul.f32 v36, v29;
	_ =	sdelay $0x1  }
0x2bb: {  	v33 =	vadd.f32 v35, v33;
	_ =	sdelay $0x1  }
0x2bc: {  	v33 =	vadd.f32 v34, v33;
	_ =	sdelay $0x1  }
0x2bd: {  	s30 =	sadd.s32 $0xFFFFFFFD, s29;
	s31 =	sadd.s32 $0xFFFFFFFE, s29;
	s0 =	sadd.s32 $0xFFFFFFFF, s29;
	[tilespmem:s25+$0x60] =	vst v33  }
0x2be: {  	v34 =	vmov s31;
	v33 =	vmov s30;
	v35 =	vld [tilespmem:s24+$0xBF0]  }
0x2bf: {  	v34 =	vand.u32 $0xFFFFFFFD, v34;
	v33 =	vand.u32 $0xFFFFFFFC, v33;
	v36 =	vld [tilespmem:s24+$0x43F0]  }
0x2c0: {  	v37 =	vmov s0;
	v33 =	vbroadcast v33, $0x0;
	v38 =	vld [tilespmem:s24+$0x7BF0]  }
0x2c1: {  	v37 =	vand.u32 $0xFFFFFFFE, v37;
	v39 =	vld [tilespmem:s24+$0xB3F0]  }
0x2c2: {  	v34 =	vbroadcast v34, $0x0  }
0x2c3: {  	v30 =	vmul.f32 v35, v30  }
0x2c4: {  	v31 =	vmul.f32 v36, v31  }
0x2c5: {  	v32 =	vmul.f32 v38, v32  }
0x2c6: {  	v35 =	vbroadcast v37, $0x0;
	v30 =	vadd.f32 v31, v30;
	v29 =	vmul.f32 v39, v29;
	_ =	sdelay $0x1  }
0x2c7: {  	v31 =	vmov s29;
	v30 =	vadd.f32 v32, v30;
	_ =	sdelay $0x1  }
0x2c8: {  	v29 =	vadd.f32 v29, v30;
	_ =	sdelay $0x1  }
0x2c9: {  	[tilespmem:s25+$0x70] =	vst v29;
	s25 =	smov.u32 s23  }
0x2ca: {  	s0 =	sand.u32 $0x3800, s28;
	s24 =	sand.u32 $0x380, s22;
	v29 =	vld.idx.msk [tilespmem:v31+s9+$0x0], $0xffff  }
0x2cb: {  	s24 =	sor.u32 s24, s0;
	v30 =	vld.idx.msk [tilespmem:v33+s9+$0x0], $0xffff  }
0x2cc: {  	v33 =	vld [tilespmem:s24+$0x780]  }
0x2cd: {  	v31 =	vld.idx.msk [tilespmem:v34+s9+$0x0], $0xffff  }
0x2ce: {  	v34 =	vld [tilespmem:s24+$0xAF80]  }
0x2cf: {  	v36 =	vld [tilespmem:s24+$0x3F80]  }
0x2d0: {  	v32 =	vld.idx.msk [tilespmem:v35+s9+$0x0], $0xffff  }
0x2d1: {  	v35 =	vld [tilespmem:s24+$0x7780];
	_ =	sdelay $0x1  }
0x2d2: {  	v33 =	vmul.f32 v33, v30;
	v34 =	vmul.f32 v34, v29  }
0x2d3: {  	v36 =	vmul.f32 v36, v31;
	_ =	sdelay $0x1  }
0x2d4: {  	v33 =	vadd.f32 v36, v33;
	v35 =	vmul.f32 v35, v32;
	_ =	sdelay $0x1  }
0x2d5: {  	v33 =	vadd.f32 v35, v33;
	_ =	sdelay $0x1  }
0x2d6: {  	v33 =	vadd.f32 v34, v33;
	_ =	sdelay $0x1  }
0x2d7: {  	[tilespmem:s23+$0xFFFFFF80] =	vst v33  }
0x2d8: {  	v33 =	vld [tilespmem:s24+$0x790]  }
0x2d9: {  	v34 =	vld [tilespmem:s24+$0x3F90];
	_ =	sdelay $0x1  }
0x2da: {  	v35 =	vld [tilespmem:s24+$0x7790];
	_ =	sdelay $0x1  }
0x2db: {  	v33 =	vmul.f32 v33, v30;
	v36 =	vld [tilespmem:s24+$0xAF90]  }
0x2dc: {  	v34 =	vmul.f32 v34, v31;
	_ =	sdelay $0x1  }
0x2dd: {  	v33 =	vadd.f32 v34, v33;
	v34 =	vmul.f32 v35, v32;
	_ =	sdelay $0x1  }
0x2de: {  	v33 =	vadd.f32 v34, v33;
	v34 =	vmul.f32 v36, v29;
	_ =	sdelay $0x1  }
0x2df: {  	v33 =	vadd.f32 v34, v33;
	_ =	sdelay $0x1  }
0x2e0: {  	[tilespmem:s23+$0xFFFFFF90] =	vst v33  }
0x2e1: {  	v33 =	vld [tilespmem:s24+$0x7A0]  }
0x2e2: {  	v34 =	vld [tilespmem:s24+$0x3FA0];
	_ =	sdelay $0x1  }
0x2e3: {  	v35 =	vld [tilespmem:s24+$0x77A0];
	_ =	sdelay $0x1  }
0x2e4: {  	v33 =	vmul.f32 v33, v30;
	v36 =	vld [tilespmem:s24+$0xAFA0]  }
0x2e5: {  	v34 =	vmul.f32 v34, v31;
	_ =	sdelay $0x1  }
0x2e6: {  	v33 =	vadd.f32 v34, v33;
	v34 =	vmul.f32 v35, v32;
	_ =	sdelay $0x1  }
0x2e7: {  	v33 =	vadd.f32 v34, v33;
	v34 =	vmul.f32 v36, v29;
	_ =	sdelay $0x1  }
0x2e8: {  	v33 =	vadd.f32 v34, v33;
	_ =	sdelay $0x1  }
0x2e9: {  	[tilespmem:s23+$0xFFFFFFA0] =	vst v33  }
0x2ea: {  	v33 =	vld [tilespmem:s24+$0x7B0]  }
0x2eb: {  	v34 =	vld [tilespmem:s24+$0x3FB0];
	_ =	sdelay $0x1  }
0x2ec: {  	v35 =	vld [tilespmem:s24+$0x77B0];
	_ =	sdelay $0x1  }
0x2ed: {  	v33 =	vmul.f32 v33, v30;
	v36 =	vld [tilespmem:s24+$0xAFB0]  }
0x2ee: {  	v34 =	vmul.f32 v34, v31;
	_ =	sdelay $0x1  }
0x2ef: {  	v33 =	vadd.f32 v34, v33;
	v34 =	vmul.f32 v35, v32;
	_ =	sdelay $0x1  }
0x2f0: {  	v33 =	vadd.f32 v34, v33;
	v34 =	vmul.f32 v36, v29;
	_ =	sdelay $0x1  }
0x2f1: {  	v33 =	vadd.f32 v34, v33;
	_ =	sdelay $0x1  }
0x2f2: {  	[tilespmem:s23+$0xFFFFFFB0] =	vst v33  }
0x2f3: {  	v33 =	vld [tilespmem:s24+$0x7C0]  }
0x2f4: {  	v34 =	vld [tilespmem:s24+$0x3FC0]  }
0x2f5: {  	v35 =	vld [tilespmem:s24+$0x77C0]  }
0x2f6: {  	v36 =	vld [tilespmem:s24+$0xAFC0];
	_ =	sdelay $0x1  }
0x2f7: {  	v33 =	vmul.f32 v33, v30  }
0x2f8: {  	v34 =	vmul.f32 v34, v31;
	_ =	sdelay $0x1  }
0x2f9: {  	v33 =	vadd.f32 v34, v33;
	v34 =	vmul.f32 v35, v32;
	_ =	sdelay $0x1  }
0x2fa: {  	v33 =	vadd.f32 v34, v33;
	v34 =	vmul.f32 v36, v29;
	_ =	sdelay $0x1  }
0x2fb: {  	v33 =	vadd.f32 v34, v33;
	_ =	sdelay $0x1  }
0x2fc: {  	[tilespmem:s23+$0xFFFFFFC0] =	vst v33  }
0x2fd: {  	v33 =	vld [tilespmem:s24+$0x7D0]  }
0x2fe: {  	v34 =	vld [tilespmem:s24+$0x3FD0]  }
0x2ff: {  	v35 =	vld [tilespmem:s24+$0x77D0]  }
0x300: {  	v36 =	vld [tilespmem:s24+$0xAFD0];
	_ =	sdelay $0x1  }
0x301: {  	v33 =	vmul.f32 v33, v30  }
0x302: {  	v34 =	vmul.f32 v34, v31;
	_ =	sdelay $0x1  }
0x303: {  	v33 =	vadd.f32 v34, v33;
	v34 =	vmul.f32 v35, v32;
	_ =	sdelay $0x1  }
0x304: {  	v33 =	vadd.f32 v34, v33;
	v34 =	vmul.f32 v36, v29;
	_ =	sdelay $0x1  }
0x305: {  	v33 =	vadd.f32 v34, v33;
	_ =	sdelay $0x1  }
0x306: {  	[tilespmem:s23+$0xFFFFFFD0] =	vst v33  }
0x307: {  	v33 =	vld [tilespmem:s24+$0x7E0]  }
0x308: {  	v34 =	vld [tilespmem:s24+$0x3FE0]  }
0x309: {  	v35 =	vld [tilespmem:s24+$0x77E0]  }
0x30a: {  	v36 =	vld [tilespmem:s24+$0xAFE0];
	_ =	sdelay $0x1  }
0x30b: {  	v33 =	vmul.f32 v33, v30  }
0x30c: {  	v34 =	vmul.f32 v34, v31;
	_ =	sdelay $0x1  }
0x30d: {  	v33 =	vadd.f32 v34, v33;
	v34 =	vmul.f32 v35, v32;
	_ =	sdelay $0x1  }
0x30e: {  	v33 =	vadd.f32 v34, v33;
	v34 =	vmul.f32 v36, v29;
	_ =	sdelay $0x1  }
0x30f: {  	v33 =	vadd.f32 v34, v33;
	_ =	sdelay $0x1  }
0x310: {  	[tilespmem:s23+$0xFFFFFFE0] =	vst v33  }
0x311: {  	v33 =	vld [tilespmem:s24+$0x7F0]  }
0x312: {  	v34 =	vld [tilespmem:s24+$0x3FF0]  }
0x313: {  	v35 =	vld [tilespmem:s24+$0x77F0]  }
0x314: {  	v36 =	vld [tilespmem:s24+$0xAFF0];
	_ =	sdelay $0x1  }
0x315: {  	v33 =	vmul.f32 v33, v30  }
0x316: {  	v34 =	vmul.f32 v34, v31  }
0x317: {  	v35 =	vmul.f32 v35, v32  }
0x318: {  	v33 =	vadd.f32 v34, v33;
	_ =	sdelay $0x1  }
0x319: {  	v34 =	vmul.f32 v36, v29;
	v33 =	vadd.f32 v35, v33;
	_ =	sdelay $0x1  }
0x31a: {  	v33 =	vadd.f32 v34, v33;
	_ =	sdelay $0x1  }
0x31b: {  	[tilespmem:s23+$0xFFFFFFF0] =	vst v33  }
0x31c: {  	v33 =	vld [tilespmem:s24+$0xB80]  }
0x31d: {  	v34 =	vld [tilespmem:s24+$0x4380]  }
0x31e: {  	v35 =	vld [tilespmem:s24+$0x7B80]  }
0x31f: {  	v36 =	vld [tilespmem:s24+$0xB380];
	_ =	sdelay $0x1  }
0x320: {  	v33 =	vmul.f32 v33, v30  }
0x321: {  	v34 =	vmul.f32 v34, v31  }
0x322: {  	v35 =	vmul.f32 v35, v32  }
0x323: {  	v33 =	vadd.f32 v34, v33;
	_ =	sdelay $0x1  }
0x324: {  	v34 =	vmul.f32 v36, v29;
	v33 =	vadd.f32 v35, v33;
	_ =	sdelay $0x1  }
0x325: {  	v33 =	vadd.f32 v34, v33;
	_ =	sdelay $0x1  }
0x326: {  	[tilespmem:s23+$0x0] =	vst v33  }
0x327: {  	v33 =	vld [tilespmem:s24+$0xB90]  }
0x328: {  	v34 =	vld [tilespmem:s24+$0x4390]  }
0x329: {  	v35 =	vld [tilespmem:s24+$0x7B90]  }
0x32a: {  	v36 =	vld [tilespmem:s24+$0xB390];
	_ =	sdelay $0x1  }
0x32b: {  	v33 =	vmul.f32 v33, v30  }
0x32c: {  	v34 =	vmul.f32 v34, v31;
	_ =	sdelay $0x1  }
0x32d: {  	v33 =	vadd.f32 v34, v33;
	v34 =	vmul.f32 v35, v32;
	v35 =	vmul.f32 v36, v29;
	_ =	sdelay $0x1  }
0x32e: {  	v33 =	vadd.f32 v34, v33;
	_ =	sdelay $0x1  }
0x32f: {  	v33 =	vadd.f32 v35, v33;
	_ =	sdelay $0x1  }
0x330: {  	[tilespmem:s23+$0x10] =	vst v33  }
0x331: {  	v33 =	vld [tilespmem:s24+$0xBA0]  }
0x332: {  	v34 =	vld [tilespmem:s24+$0x43A0]  }
0x333: {  	v35 =	vld [tilespmem:s24+$0xB3A0]  }
0x334: {  	v36 =	vld [tilespmem:s24+$0x7BA0];
	_ =	sdelay $0x1  }
0x335: {  	v33 =	vmul.f32 v33, v30  }
0x336: {  	v34 =	vmul.f32 v34, v31;
	_ =	sdelay $0x1  }
0x337: {  	v33 =	vadd.f32 v34, v33;
	v34 =	vmul.f32 v36, v32;
	_ =	sdelay $0x1  }
0x338: {  	v33 =	vadd.f32 v34, v33;
	v34 =	vmul.f32 v35, v29;
	_ =	sdelay $0x1  }
0x339: {  	v33 =	vadd.f32 v34, v33;
	_ =	sdelay $0x1  }
0x33a: {  	[tilespmem:s23+$0x20] =	vst v33  }
0x33b: {  	v33 =	vld [tilespmem:s24+$0xBB0]  }
0x33c: {  	v34 =	vld [tilespmem:s24+$0x43B0]  }
0x33d: {  	v35 =	vld [tilespmem:s24+$0x7BB0]  }
0x33e: {  	v36 =	vld [tilespmem:s24+$0xB3B0];
	_ =	sdelay $0x1  }
0x33f: {  	v33 =	vmul.f32 v33, v30  }
0x340: {  	v34 =	vmul.f32 v34, v31;
	_ =	sdelay $0x1  }
0x341: {  	v33 =	vadd.f32 v34, v33;
	v34 =	vmul.f32 v35, v32;
	_ =	sdelay $0x1  }
0x342: {  	v33 =	vadd.f32 v34, v33;
	v34 =	vmul.f32 v36, v29;
	_ =	sdelay $0x1  }
0x343: {  	v33 =	vadd.f32 v34, v33;
	_ =	sdelay $0x1  }
0x344: {  	[tilespmem:s23+$0x30] =	vst v33  }
0x345: {  	v33 =	vld [tilespmem:s24+$0xBC0]  }
0x346: {  	v34 =	vld [tilespmem:s24+$0x43C0]  }
0x347: {  	v35 =	vld [tilespmem:s24+$0x7BC0]  }
0x348: {  	v36 =	vld [tilespmem:s24+$0xB3C0];
	_ =	sdelay $0x1  }
0x349: {  	v33 =	vmul.f32 v33, v30  }
0x34a: {  	v34 =	vmul.f32 v34, v31;
	_ =	sdelay $0x1  }
0x34b: {  	v33 =	vadd.f32 v34, v33;
	v34 =	vmul.f32 v35, v32;
	v35 =	vmul.f32 v36, v29;
	_ =	sdelay $0x1  }
0x34c: {  	v33 =	vadd.f32 v34, v33;
	_ =	sdelay $0x1  }
0x34d: {  	v33 =	vadd.f32 v35, v33;
	_ =	sdelay $0x1  }
0x34e: {  	[tilespmem:s23+$0x40] =	vst v33  }
0x34f: {  	v33 =	vld [tilespmem:s24+$0xBD0]  }
0x350: {  	v34 =	vld [tilespmem:s24+$0x43D0]  }
0x351: {  	v35 =	vld [tilespmem:s24+$0x7BD0]  }
0x352: {  	v36 =	vld [tilespmem:s24+$0xB3D0];
	_ =	sdelay $0x1  }
0x353: {  	v33 =	vmul.f32 v33, v30  }
0x354: {  	v34 =	vmul.f32 v34, v31;
	_ =	sdelay $0x1  }
0x355: {  	v33 =	vadd.f32 v34, v33;
	v34 =	vmul.f32 v35, v32;
	v35 =	vmul.f32 v36, v29;
	_ =	sdelay $0x1  }
0x356: {  	v33 =	vadd.f32 v34, v33;
	_ =	sdelay $0x1  }
0x357: {  	v33 =	vadd.f32 v35, v33  }
.Ltmp0:
0x358: {  	(pc) =	sbr.rel @p0 .LBB2_3-.Ltmp0, $4  }
0x359: {  	[tilespmem:s23+$0x50] =	vst v33  }
0x35a: {  	v33 =	vld [tilespmem:s24+$0xBE0]  }
0x35b: {  	v34 =	vld [tilespmem:s24+$0x43E0]  }
0x35c: {  	v35 =	vld [tilespmem:s24+$0x7BE0]  }
0x35d: {  	_ =	sdelay $0x1  }
0x35e: {  	v36 =	vld [tilespmem:s24+$0xB3E0]  }
0x35f: {  	v33 =	vmul.f32 v33, v30;
	v34 =	vmul.f32 v34, v31;
	_ =	sdelay $0x1  }
0x360: {  	v35 =	vmul.f32 v35, v32;
	v33 =	vadd.f32 v34, v33;
	_ =	sdelay $0x1  }
0x361: {  	v39 =	vmul.f32 v36, v29;
	v33 =	vadd.f32 v35, v33;
	_ =	sdelay $0x1  }
0x362: {  	v33 =	vadd.f32 v39, v33;
	_ =	sdelay $0x1  }
0x363: {  	[tilespmem:s25+$0x60] =	vst v33  }
0x364: {  	v33 =	vld [tilespmem:s24+$0xBF0]  }
0x365: {  	v40 =	vld [tilespmem:s24+$0x43F0];
	_ =	sdelay $0x1  }
0x366: {  	v41 =	vld [tilespmem:s24+$0x7BF0];
	_ =	sdelay $0x1  }
0x367: {  	v42 =	vld [tilespmem:s24+$0xB3F0]  }
0x368: {  	v30 =	vmul.f32 v33, v30;
	v31 =	vmul.f32 v40, v31  }
0x369: {  	s0 =	sshll.u32 s21, $0x1  }
0x36a: {  	s0 =	sadd.s32 s4, s0;
	v43 =	vmul.f32 v41, v32;
	v30 =	vadd.f32 v31, v30  }
0x36b: {  	s0 =	sshrl.u32 s0, $0x3  }
0x36c: {  	s22 =	sshll.u32 s21, $0x8;
	s0 =	smul.u32 $0x18800, s0;
	v29 =	vmul.f32 v42, v29;
	v30 =	vadd.f32 v43, v30  }
0x36d: {  	s22 =	sand.u32 $0x300, s22  }
0x36e: {  	s0 =	sor.u32 s22, s0;
	v29 =	vadd.f32 v29, v30  }
0x36f: {  	s22 =	sshrl.u32 s0, $0x3  }
0x370: {  	s3 =	simm.s32 $0x3;
	s0 =	sadd.s32 s5, s22;
	[tilespmem:s25+$0x70] =	vst v29  }
0x371: {  	[hbm4b:s0+s17] =	stream.strided.scatter [tilespmem:s19], [sflag:$0x3], $0x3100, s18, s17, $0x38;
	[tilespmem:$0x1F880] =	vst v63  }
0x372: {  	_ =	swait.ge [sflag:s3], $0x3100  }
0x373: {  	[sflag:s3] =	ssyncset.done $0x0  }
0x374: {  	[sflag:s3] =	ssyncadd.s32 $0xFFFFCF00  }
0x375: {  	_ =	swait.ge [sflag:s20], $0x3100  }
0x376: {  	[sflag:s20] =	ssyncset.done $0x0  }
0x377: {  	[sflag:s20] =	ssyncadd.s32 $0xFFFFCF00  }
0x378: {  	s23 =	simm.s32 $0x0;
	_ =	swait.ge [sflag:s20], $0x3100  }
0x379: {  	v29 =	vmov s23;
	[sflag:s20] =	ssyncset.done $0x0  }
0x37a: {  	s25 =	simm.s32 $0x1;
	v29 =	vand.u32 $0xFFFFFFFC, v29;
	[sflag:s20] =	ssyncadd.s32 $0xFFFFCF00  }
0x37b: {  	v30 =	vmov s25;
	v29 =	vbroadcast v29, $0x0;
	_ =	swait.ge [sflag:s20], $0x3100  }
0x37c: {  	s26 =	simm.s32 $0x2;
	v30 =	vand.u32 $0xFFFFFFFD, v30;
	[sflag:s20] =	ssyncset.done $0x0  }
0x37d: {  	v31 =	vmov s26;
	v44 =	vbroadcast v30, $0x0;
	[sflag:s20] =	ssyncadd.s32 $0xFFFFCF00  }
0x37e: {  	v30 =	vand.u32 $0xFFFFFFFE, v31;
	_ =	swait.ge [sflag:s20], $0x3100  }
0x37f: {  	s23 =	simm.s32 $0x0;
	v45 =	vbroadcast v30, $0x0;
	[sflag:s20] =	ssyncset.done $0x0  }
0x380: {  	s30 =	sand.u32 $0x3800, s23;
	s31 =	sand.u32 $0x380, s23;
	[sflag:s20] =	ssyncadd.s32 $0xFFFFCF00  }
0x381: {  	s25 =	sor.u32 s31, s30;
	v30 =	vld.idx.msk [tilespmem:v29+s12+$0x0], $0xffff  }
0x382: {  	v46 =	vld [tilespmem:s25+$0xE780]  }
0x383: {  	v29 =	vmov s3;
	v31 =	vld.idx.msk [tilespmem:v44+s12+$0x0], $0xffff  }
0x384: {  	v47 =	vld [tilespmem:s25+$0x11F80]  }
0x385: {  	v32 =	vld.idx.msk [tilespmem:v45+s12+$0x0], $0xffff  }
0x386: {  	v48 =	vld [tilespmem:s25+$0x15780]  }
0x387: {  	v49 =	vld [tilespmem:s25+$0x18F80]  }
0x388: {  	v29 =	vld.idx.msk [tilespmem:v29+s12+$0x0], $0xffff  }
0x389: {  	v34 =	vmul.f32 v46, v30;
	v35 =	vmul.f32 v47, v31;
	_ =	sdelay $0x1  }
0x38a: {  	v33 =	vmul.f32 v48, v32;
	v34 =	vadd.f32 v35, v34;
	_ =	sdelay $0x1  }
0x38b: {  	v33 =	vadd.f32 v33, v34;
	v50 =	vmul.f32 v49, v29;
	_ =	sdelay $0x1  }
0x38c: {  	v33 =	vadd.f32 v50, v33  }
0x38d: {  	s24 =	simm.s32 $0x1C800  }
0x38e: {  	[tilespmem:s24+$0xFFFFFF80] =	vst v33  }
0x38f: {  	v33 =	vld [tilespmem:s25+$0xE790]  }
0x390: {  	v51 =	vld [tilespmem:s25+$0x11F90];
	_ =	sdelay $0x1  }
0x391: {  	v52 =	vld [tilespmem:s25+$0x15790];
	_ =	sdelay $0x1  }
0x392: {  	v53 =	vld [tilespmem:s25+$0x18F90]  }
0x393: {  	v33 =	vmul.f32 v33, v30;
	v34 =	vmul.f32 v51, v31;
	_ =	sdelay $0x1  }
0x394: {  	v54 =	vmul.f32 v52, v32;
	v33 =	vadd.f32 v34, v33;
	_ =	sdelay $0x1  }
0x395: {  	v55 =	vmul.f32 v53, v29;
	v33 =	vadd.f32 v54, v33;
	_ =	sdelay $0x1  }
0x396: {  	v33 =	vadd.f32 v55, v33;
	_ =	sdelay $0x1  }
0x397: {  	[tilespmem:s24+$0xFFFFFF90] =	vst v33  }
0x398: {  	v33 =	vld [tilespmem:s25+$0xE7A0]  }
0x399: {  	v56 =	vld [tilespmem:s25+$0x11FA0];
	_ =	sdelay $0x1  }
0x39a: {  	v57 =	vld [tilespmem:s25+$0x157A0];
	_ =	sdelay $0x1  }
0x39b: {  	v58 =	vld [tilespmem:s25+$0x18FA0]  }
0x39c: {  	v33 =	vmul.f32 v33, v30;
	v34 =	vmul.f32 v56, v31;
	_ =	sdelay $0x1  }
0x39d: {  	v59 =	vmul.f32 v57, v32;
	v33 =	vadd.f32 v34, v33;
	_ =	sdelay $0x1  }
0x39e: {  	v60 =	vmul.f32 v58, v29;
	v33 =	vadd.f32 v59, v33;
	_ =	sdelay $0x1  }
0x39f: {  	v33 =	vadd.f32 v60, v33;
	_ =	sdelay $0x1  }
0x3a0: {  	[tilespmem:s24+$0xFFFFFFA0] =	vst v33  }
0x3a1: {  	v33 =	vld [tilespmem:s25+$0xE7B0]  }
0x3a2: {  	v61 =	vld [tilespmem:s25+$0x11FB0];
	_ =	sdelay $0x1  }
0x3a3: {  	v62 =	vld [tilespmem:s25+$0x157B0];
	_ =	sdelay $0x1  }
0x3a4: {  	v63 =	vld [tilespmem:s25+$0x18FB0]  }
0x3a5: {  	v33 =	vmul.f32 v33, v30;
	v34 =	vmul.f32 v61, v31;
	_ =	sdelay $0x1  }
0x3a6: {  	v38 =	vmul.f32 v62, v32;
	v33 =	vadd.f32 v34, v33;
	_ =	sdelay $0x1  }
0x3a7: {  	v39 =	vmul.f32 v63, v29;
	v33 =	vadd.f32 v38, v33;
	_ =	sdelay $0x1  }
0x3a8: {  	v33 =	vadd.f32 v39, v33;
	_ =	sdelay $0x1  }
0x3a9: {  	[tilespmem:s24+$0xFFFFFFB0] =	vst v33  }
0x3aa: {  	v33 =	vld [tilespmem:s25+$0xE7C0]  }
0x3ab: {  	v40 =	vld [tilespmem:s25+$0x11FC0];
	_ =	sdelay $0x1  }
0x3ac: {  	v41 =	vld [tilespmem:s25+$0x157C0];
	_ =	sdelay $0x1  }
0x3ad: {  	v42 =	vld [tilespmem:s25+$0x18FC0]  }
0x3ae: {  	v33 =	vmul.f32 v33, v30;
	v34 =	vmul.f32 v40, v31;
	_ =	sdelay $0x1  }
0x3af: {  	v43 =	vmul.f32 v41, v32;
	v33 =	vadd.f32 v34, v33;
	_ =	sdelay $0x1  }
0x3b0: {  	v44 =	vmul.f32 v42, v29;
	v33 =	vadd.f32 v43, v33;
	_ =	sdelay $0x1  }
0x3b1: {  	v33 =	vadd.f32 v44, v33;
	_ =	sdelay $0x1  }
0x3b2: {  	[tilespmem:s24+$0xFFFFFFC0] =	vst v33  }
0x3b3: {  	v33 =	vld [tilespmem:s25+$0xE7D0]  }
0x3b4: {  	v45 =	vld [tilespmem:s25+$0x11FD0];
	_ =	sdelay $0x1  }
0x3b5: {  	v46 =	vld [tilespmem:s25+$0x157D0];
	_ =	sdelay $0x1  }
0x3b6: {  	v47 =	vld [tilespmem:s25+$0x18FD0]  }
0x3b7: {  	v33 =	vmul.f32 v33, v30;
	v34 =	vmul.f32 v45, v31;
	_ =	sdelay $0x1  }
0x3b8: {  	v48 =	vmul.f32 v46, v32;
	v33 =	vadd.f32 v34, v33;
	_ =	sdelay $0x1  }
0x3b9: {  	v49 =	vmul.f32 v47, v29;
	v33 =	vadd.f32 v48, v33;
	_ =	sdelay $0x1  }
0x3ba: {  	v33 =	vadd.f32 v49, v33;
	_ =	sdelay $0x1  }
0x3bb: {  	[tilespmem:s24+$0xFFFFFFD0] =	vst v33  }
0x3bc: {  	v33 =	vld [tilespmem:s25+$0xE7E0]  }
0x3bd: {  	v50 =	vld [tilespmem:s25+$0x11FE0];
	_ =	sdelay $0x1  }
0x3be: {  	v51 =	vld [tilespmem:s25+$0x157E0];
	_ =	sdelay $0x1  }
0x3bf: {  	v52 =	vld [tilespmem:s25+$0x18FE0]  }
0x3c0: {  	v33 =	vmul.f32 v33, v30;
	v34 =	vmul.f32 v50, v31;
	_ =	sdelay $0x1  }
0x3c1: {  	v53 =	vmul.f32 v51, v32;
	v33 =	vadd.f32 v34, v33;
	_ =	sdelay $0x1  }
0x3c2: {  	v54 =	vmul.f32 v52, v29;
	v33 =	vadd.f32 v53, v33;
	_ =	sdelay $0x1  }
0x3c3: {  	v33 =	vadd.f32 v54, v33;
	_ =	sdelay $0x1  }
0x3c4: {  	[tilespmem:s24+$0xFFFFFFE0] =	vst v33  }
0x3c5: {  	v33 =	vld [tilespmem:s25+$0xE7F0]  }
0x3c6: {  	v55 =	vld [tilespmem:s25+$0x11FF0];
	_ =	sdelay $0x1  }
0x3c7: {  	v56 =	vld [tilespmem:s25+$0x157F0];
	_ =	sdelay $0x1  }
0x3c8: {  	v57 =	vld [tilespmem:s25+$0x18FF0]  }
0x3c9: {  	v33 =	vmul.f32 v33, v30;
	v34 =	vmul.f32 v55, v31;
	_ =	sdelay $0x1  }
0x3ca: {  	v35 =	vmul.f32 v56, v32;
	v33 =	vadd.f32 v34, v33;
	_ =	sdelay $0x1  }
0x3cb: {  	v58 =	vmul.f32 v57, v29;
	v33 =	vadd.f32 v35, v33;
	_ =	sdelay $0x1  }
0x3cc: {  	v33 =	vadd.f32 v58, v33;
	_ =	sdelay $0x1  }
0x3cd: {  	[tilespmem:s24+$0xFFFFFFF0] =	vst v33  }
0x3ce: {  	v33 =	vld [tilespmem:s25+$0xEB80]  }
0x3cf: {  	v59 =	vld [tilespmem:s25+$0x12380];
	_ =	sdelay $0x1  }
0x3d0: {  	v60 =	vld [tilespmem:s25+$0x15B80];
	_ =	sdelay $0x1  }
0x3d1: {  	v61 =	vld [tilespmem:s25+$0x19380]  }
0x3d2: {  	v33 =	vmul.f32 v33, v30;
	v34 =	vmul.f32 v59, v31;
	_ =	sdelay $0x1  }
0x3d3: {  	v35 =	vmul.f32 v60, v32;
	v33 =	vadd.f32 v34, v33;
	_ =	sdelay $0x1  }
0x3d4: {  	v62 =	vmul.f32 v61, v29;
	v33 =	vadd.f32 v35, v33;
	_ =	sdelay $0x1  }
0x3d5: {  	v33 =	vadd.f32 v62, v33;
	_ =	sdelay $0x1  }
0x3d6: {  	[tilespmem:s24+$0x0] =	vst v33  }
0x3d7: {  	v33 =	vld [tilespmem:s25+$0xEB90]  }
0x3d8: {  	v63 =	vld [tilespmem:s25+$0x12390];
	_ =	sdelay $0x1  }
0x3d9: {  	v40 =	vld [tilespmem:s25+$0x15B90];
	_ =	sdelay $0x1  }
0x3da: {  	v41 =	vld [tilespmem:s25+$0x19390]  }
0x3db: {  	v33 =	vmul.f32 v33, v30;
	v34 =	vmul.f32 v63, v31;
	_ =	sdelay $0x1  }
0x3dc: {  	v42 =	vmul.f32 v40, v32;
	v33 =	vadd.f32 v34, v33;
	_ =	sdelay $0x1  }
0x3dd: {  	v43 =	vmul.f32 v41, v29;
	v33 =	vadd.f32 v42, v33;
	_ =	sdelay $0x1  }
0x3de: {  	v33 =	vadd.f32 v43, v33;
	_ =	sdelay $0x1  }
0x3df: {  	[tilespmem:s24+$0x10] =	vst v33  }
0x3e0: {  	v33 =	vld [tilespmem:s25+$0xEBA0]  }
0x3e1: {  	v44 =	vld [tilespmem:s25+$0x123A0];
	_ =	sdelay $0x1  }
0x3e2: {  	v45 =	vld [tilespmem:s25+$0x15BA0];
	_ =	sdelay $0x1  }
0x3e3: {  	v46 =	vld [tilespmem:s25+$0x193A0]  }
0x3e4: {  	v33 =	vmul.f32 v33, v30;
	v34 =	vmul.f32 v44, v31;
	_ =	sdelay $0x1  }
0x3e5: {  	v47 =	vmul.f32 v45, v32;
	v33 =	vadd.f32 v34, v33;
	_ =	sdelay $0x1  }
0x3e6: {  	v48 =	vmul.f32 v46, v29;
	v33 =	vadd.f32 v47, v33;
	_ =	sdelay $0x1  }
0x3e7: {  	v33 =	vadd.f32 v48, v33;
	_ =	sdelay $0x1  }
0x3e8: {  	[tilespmem:s24+$0x20] =	vst v33  }
0x3e9: {  	v33 =	vld [tilespmem:s25+$0xEBB0]  }
0x3ea: {  	v49 =	vld [tilespmem:s25+$0x123B0];
	_ =	sdelay $0x1  }
0x3eb: {  	v50 =	vld [tilespmem:s25+$0x15BB0];
	_ =	sdelay $0x1  }
0x3ec: {  	v51 =	vld [tilespmem:s25+$0x193B0]  }
0x3ed: {  	v33 =	vmul.f32 v33, v30;
	v34 =	vmul.f32 v49, v31;
	_ =	sdelay $0x1  }
0x3ee: {  	v52 =	vmul.f32 v50, v32;
	v33 =	vadd.f32 v34, v33;
	_ =	sdelay $0x1  }
0x3ef: {  	v53 =	vmul.f32 v51, v29;
	v33 =	vadd.f32 v52, v33;
	_ =	sdelay $0x1  }
0x3f0: {  	v33 =	vadd.f32 v53, v33;
	_ =	sdelay $0x1  }
0x3f1: {  	[tilespmem:s24+$0x30] =	vst v33  }
0x3f2: {  	v33 =	vld [tilespmem:s25+$0xEBC0]  }
0x3f3: {  	v54 =	vld [tilespmem:s25+$0x123C0];
	_ =	sdelay $0x1  }
0x3f4: {  	v55 =	vld [tilespmem:s25+$0x15BC0];
	_ =	sdelay $0x1  }
0x3f5: {  	v56 =	vld [tilespmem:s25+$0x193C0]  }
0x3f6: {  	v33 =	vmul.f32 v33, v30;
	v34 =	vmul.f32 v54, v31;
	_ =	sdelay $0x1  }
0x3f7: {  	v57 =	vmul.f32 v55, v32;
	v33 =	vadd.f32 v34, v33;
	_ =	sdelay $0x1  }
0x3f8: {  	v58 =	vmul.f32 v56, v29;
	v33 =	vadd.f32 v57, v33;
	_ =	sdelay $0x1  }
0x3f9: {  	v33 =	vadd.f32 v58, v33;
	_ =	sdelay $0x1  }
0x3fa: {  	[tilespmem:s24+$0x40] =	vst v33  }
0x3fb: {  	v33 =	vld [tilespmem:s25+$0xEBD0]  }
0x3fc: {  	v59 =	vld [tilespmem:s25+$0x123D0];
	_ =	sdelay $0x1  }
0x3fd: {  	v60 =	vld [tilespmem:s25+$0x15BD0];
	_ =	sdelay $0x1  }
0x3fe: {  	v61 =	vld [tilespmem:s25+$0x193D0]  }
0x3ff: {  	v33 =	vmul.f32 v33, v30;
	v34 =	vmul.f32 v59, v31;
	_ =	sdelay $0x1  }
0x400: {  	v62 =	vmul.f32 v60, v32;
	v33 =	vadd.f32 v34, v33;
	_ =	sdelay $0x1  }
0x401: {  	v63 =	vmul.f32 v61, v29;
	v33 =	vadd.f32 v62, v33;
	_ =	sdelay $0x1  }
0x402: {  	v33 =	vadd.f32 v63, v33;
	_ =	sdelay $0x1  }
0x403: {  	[tilespmem:s24+$0x50] =	vst v33  }
0x404: {  	v33 =	vld [tilespmem:s25+$0xEBE0]  }
0x405: {  	v34 =	vld [tilespmem:s25+$0x123E0]  }
0x406: {  	s28 =	simm.s32 $0x7;
	s29 =	simm.s32 $0x0;
	s26 =	simm.s32 $0x1C800;
	v35 =	vld [tilespmem:s25+$0x15BE0]  }
.LBB2_5:
0x407: {  	v36 =	vld [tilespmem:s25+$0x193E0];
	s23 =	sadd.s32 $0x80, s23;
	s29 =	sadd.s32 $0x100, s29;
	s24 =	sadd.s32 $0x100, s24  }
0x408: {  	p0 =	sne.s32 s28, $0xC3;
	s0 =	smov.u32 s28;
	s28 =	sadd.s32 $0x4, s28  }
0x409: {  	v33 =	vmul.f32 v33, v30  }
0x40a: {  	v34 =	vmul.f32 v34, v31  }
0x40b: {  	v35 =	vmul.f32 v35, v32  }
0x40c: {  	v33 =	vadd.f32 v34, v33;
	v34 =	vmul.f32 v36, v29;
	_ =	sdelay $0x1  }
0x40d: {  	v33 =	vadd.f32 v35, v33;
	_ =	sdelay $0x1  }
0x40e: {  	v33 =	vadd.f32 v34, v33;
	_ =	sdelay $0x1  }
0x40f: {  	s30 =	sadd.s32 $0xFFFFFFFD, s0;
	s31 =	sadd.s32 $0xFFFFFFFE, s0;
	s3 =	sadd.s32 $0xFFFFFFFF, s0;
	[tilespmem:s26+$0x60] =	vst v33  }
0x410: {  	v34 =	vmov s31;
	v33 =	vmov s30;
	v35 =	vld [tilespmem:s25+$0xEBF0]  }
0x411: {  	v34 =	vand.u32 $0xFFFFFFFD, v34;
	v33 =	vand.u32 $0xFFFFFFFC, v33;
	v36 =	vld [tilespmem:s25+$0x123F0]  }
0x412: {  	v37 =	vmov s3;
	v33 =	vbroadcast v33, $0x0;
	v38 =	vld [tilespmem:s25+$0x15BF0]  }
0x413: {  	v37 =	vand.u32 $0xFFFFFFFE, v37;
	v39 =	vld [tilespmem:s25+$0x193F0]  }
0x414: {  	v34 =	vbroadcast v34, $0x0  }
0x415: {  	v30 =	vmul.f32 v35, v30  }
0x416: {  	v31 =	vmul.f32 v36, v31  }
0x417: {  	v32 =	vmul.f32 v38, v32  }
0x418: {  	v35 =	vbroadcast v37, $0x0;
	v30 =	vadd.f32 v31, v30;
	v29 =	vmul.f32 v39, v29;
	_ =	sdelay $0x1  }
0x419: {  	v31 =	vmov s0;
	v30 =	vadd.f32 v32, v30;
	_ =	sdelay $0x1  }
0x41a: {  	v29 =	vadd.f32 v29, v30;
	_ =	sdelay $0x1  }
0x41b: {  	[tilespmem:s26+$0x70] =	vst v29;
	s26 =	smov.u32 s24  }
0x41c: {  	s3 =	sand.u32 $0x380, s23;
	s0 =	sand.u32 $0x3800, s29;
	v29 =	vld.idx.msk [tilespmem:v31+s12+$0x0], $0xffff  }
0x41d: {  	s25 =	sor.u32 s3, s0;
	v30 =	vld.idx.msk [tilespmem:v33+s12+$0x0], $0xffff  }
0x41e: {  	v33 =	vld [tilespmem:s25+$0xE780]  }
0x41f: {  	v31 =	vld.idx.msk [tilespmem:v34+s12+$0x0], $0xffff  }
0x420: {  	v34 =	vld [tilespmem:s25+$0x18F80]  }
0x421: {  	v36 =	vld [tilespmem:s25+$0x11F80]  }
0x422: {  	v32 =	vld.idx.msk [tilespmem:v35+s12+$0x0], $0xffff  }
0x423: {  	v35 =	vld [tilespmem:s25+$0x15780];
	_ =	sdelay $0x1  }
0x424: {  	v33 =	vmul.f32 v33, v30;
	v34 =	vmul.f32 v34, v29  }
0x425: {  	v36 =	vmul.f32 v36, v31;
	_ =	sdelay $0x1  }
0x426: {  	v33 =	vadd.f32 v36, v33;
	v35 =	vmul.f32 v35, v32;
	_ =	sdelay $0x1  }
0x427: {  	v33 =	vadd.f32 v35, v33;
	_ =	sdelay $0x1  }
0x428: {  	v33 =	vadd.f32 v34, v33;
	_ =	sdelay $0x1  }
0x429: {  	[tilespmem:s24+$0xFFFFFF80] =	vst v33  }
0x42a: {  	v33 =	vld [tilespmem:s25+$0xE790]  }
0x42b: {  	v34 =	vld [tilespmem:s25+$0x11F90];
	_ =	sdelay $0x1  }
0x42c: {  	v35 =	vld [tilespmem:s25+$0x15790];
	_ =	sdelay $0x1  }
0x42d: {  	v33 =	vmul.f32 v33, v30;
	v36 =	vld [tilespmem:s25+$0x18F90]  }
0x42e: {  	v34 =	vmul.f32 v34, v31;
	_ =	sdelay $0x1  }
0x42f: {  	v33 =	vadd.f32 v34, v33;
	v34 =	vmul.f32 v35, v32;
	_ =	sdelay $0x1  }
0x430: {  	v33 =	vadd.f32 v34, v33;
	v34 =	vmul.f32 v36, v29;
	_ =	sdelay $0x1  }
0x431: {  	v33 =	vadd.f32 v34, v33;
	_ =	sdelay $0x1  }
0x432: {  	[tilespmem:s24+$0xFFFFFF90] =	vst v33  }
0x433: {  	v33 =	vld [tilespmem:s25+$0xE7A0]  }
0x434: {  	v34 =	vld [tilespmem:s25+$0x11FA0];
	_ =	sdelay $0x1  }
0x435: {  	v35 =	vld [tilespmem:s25+$0x157A0];
	_ =	sdelay $0x1  }
0x436: {  	v33 =	vmul.f32 v33, v30;
	v36 =	vld [tilespmem:s25+$0x18FA0]  }
0x437: {  	v34 =	vmul.f32 v34, v31;
	_ =	sdelay $0x1  }
0x438: {  	v33 =	vadd.f32 v34, v33;
	v34 =	vmul.f32 v35, v32;
	_ =	sdelay $0x1  }
0x439: {  	v33 =	vadd.f32 v34, v33;
	v34 =	vmul.f32 v36, v29;
	_ =	sdelay $0x1  }
0x43a: {  	v33 =	vadd.f32 v34, v33;
	_ =	sdelay $0x1  }
0x43b: {  	[tilespmem:s24+$0xFFFFFFA0] =	vst v33  }
0x43c: {  	v33 =	vld [tilespmem:s25+$0xE7B0]  }
0x43d: {  	v34 =	vld [tilespmem:s25+$0x11FB0];
	_ =	sdelay $0x1  }
0x43e: {  	v35 =	vld [tilespmem:s25+$0x157B0];
	_ =	sdelay $0x1  }
0x43f: {  	v33 =	vmul.f32 v33, v30;
	v36 =	vld [tilespmem:s25+$0x18FB0]  }
0x440: {  	v34 =	vmul.f32 v34, v31;
	_ =	sdelay $0x1  }
0x441: {  	v33 =	vadd.f32 v34, v33;
	v34 =	vmul.f32 v35, v32;
	_ =	sdelay $0x1  }
0x442: {  	v33 =	vadd.f32 v34, v33;
	v34 =	vmul.f32 v36, v29;
	_ =	sdelay $0x1  }
0x443: {  	v33 =	vadd.f32 v34, v33;
	_ =	sdelay $0x1  }
0x444: {  	[tilespmem:s24+$0xFFFFFFB0] =	vst v33  }
0x445: {  	v33 =	vld [tilespmem:s25+$0xE7C0]  }
0x446: {  	v34 =	vld [tilespmem:s25+$0x11FC0]  }
0x447: {  	v35 =	vld [tilespmem:s25+$0x157C0]  }
0x448: {  	v36 =	vld [tilespmem:s25+$0x18FC0];
	_ =	sdelay $0x1  }
0x449: {  	v33 =	vmul.f32 v33, v30  }
0x44a: {  	v34 =	vmul.f32 v34, v31;
	_ =	sdelay $0x1  }
0x44b: {  	v33 =	vadd.f32 v34, v33;
	v34 =	vmul.f32 v35, v32;
	_ =	sdelay $0x1  }
0x44c: {  	v33 =	vadd.f32 v34, v33;
	v34 =	vmul.f32 v36, v29;
	_ =	sdelay $0x1  }
0x44d: {  	v33 =	vadd.f32 v34, v33;
	_ =	sdelay $0x1  }
0x44e: {  	[tilespmem:s24+$0xFFFFFFC0] =	vst v33  }
0x44f: {  	v33 =	vld [tilespmem:s25+$0xE7D0]  }
0x450: {  	v34 =	vld [tilespmem:s25+$0x11FD0]  }
0x451: {  	v35 =	vld [tilespmem:s25+$0x157D0]  }
0x452: {  	v36 =	vld [tilespmem:s25+$0x18FD0];
	_ =	sdelay $0x1  }
0x453: {  	v33 =	vmul.f32 v33, v30  }
0x454: {  	v34 =	vmul.f32 v34, v31;
	_ =	sdelay $0x1  }
0x455: {  	v33 =	vadd.f32 v34, v33;
	v34 =	vmul.f32 v35, v32;
	_ =	sdelay $0x1  }
0x456: {  	v33 =	vadd.f32 v34, v33;
	v34 =	vmul.f32 v36, v29;
	_ =	sdelay $0x1  }
0x457: {  	v33 =	vadd.f32 v34, v33;
	_ =	sdelay $0x1  }
0x458: {  	[tilespmem:s24+$0xFFFFFFD0] =	vst v33  }
0x459: {  	v33 =	vld [tilespmem:s25+$0xE7E0]  }
0x45a: {  	v34 =	vld [tilespmem:s25+$0x11FE0]  }
0x45b: {  	v35 =	vld [tilespmem:s25+$0x157E0]  }
0x45c: {  	v36 =	vld [tilespmem:s25+$0x18FE0];
	_ =	sdelay $0x1  }
0x45d: {  	v33 =	vmul.f32 v33, v30  }
0x45e: {  	v34 =	vmul.f32 v34, v31;
	_ =	sdelay $0x1  }
0x45f: {  	v33 =	vadd.f32 v34, v33;
	v34 =	vmul.f32 v35, v32;
	_ =	sdelay $0x1  }
0x460: {  	v33 =	vadd.f32 v34, v33;
	v34 =	vmul.f32 v36, v29;
	_ =	sdelay $0x1  }
0x461: {  	v33 =	vadd.f32 v34, v33;
	_ =	sdelay $0x1  }
0x462: {  	[tilespmem:s24+$0xFFFFFFE0] =	vst v33  }
0x463: {  	v33 =	vld [tilespmem:s25+$0xE7F0]  }
0x464: {  	v34 =	vld [tilespmem:s25+$0x11FF0]  }
0x465: {  	v35 =	vld [tilespmem:s25+$0x157F0]  }
0x466: {  	v36 =	vld [tilespmem:s25+$0x18FF0];
	_ =	sdelay $0x1  }
0x467: {  	v33 =	vmul.f32 v33, v30  }
0x468: {  	v34 =	vmul.f32 v34, v31  }
0x469: {  	v35 =	vmul.f32 v35, v32  }
0x46a: {  	v33 =	vadd.f32 v34, v33;
	_ =	sdelay $0x1  }
0x46b: {  	v34 =	vmul.f32 v36, v29;
	v33 =	vadd.f32 v35, v33;
	_ =	sdelay $0x1  }
0x46c: {  	v33 =	vadd.f32 v34, v33;
	_ =	sdelay $0x1  }
0x46d: {  	[tilespmem:s24+$0xFFFFFFF0] =	vst v33  }
0x46e: {  	v33 =	vld [tilespmem:s25+$0xEB80]  }
0x46f: {  	v34 =	vld [tilespmem:s25+$0x12380]  }
0x470: {  	v35 =	vld [tilespmem:s25+$0x15B80]  }
0x471: {  	v36 =	vld [tilespmem:s25+$0x19380];
	_ =	sdelay $0x1  }
0x472: {  	v33 =	vmul.f32 v33, v30  }
0x473: {  	v34 =	vmul.f32 v34, v31  }
0x474: {  	v35 =	vmul.f32 v35, v32  }
0x475: {  	v33 =	vadd.f32 v34, v33;
	_ =	sdelay $0x1  }
0x476: {  	v34 =	vmul.f32 v36, v29;
	v33 =	vadd.f32 v35, v33;
	_ =	sdelay $0x1  }
0x477: {  	v33 =	vadd.f32 v34, v33;
	_ =	sdelay $0x1  }
0x478: {  	[tilespmem:s24+$0x0] =	vst v33  }
0x479: {  	v33 =	vld [tilespmem:s25+$0xEB90]  }
0x47a: {  	v34 =	vld [tilespmem:s25+$0x12390]  }
0x47b: {  	v35 =	vld [tilespmem:s25+$0x15B90]  }
0x47c: {  	v36 =	vld [tilespmem:s25+$0x19390];
	_ =	sdelay $0x1  }
0x47d: {  	v33 =	vmul.f32 v33, v30  }
0x47e: {  	v34 =	vmul.f32 v34, v31;
	_ =	sdelay $0x1  }
0x47f: {  	v33 =	vadd.f32 v34, v33;
	v34 =	vmul.f32 v35, v32;
	v35 =	vmul.f32 v36, v29;
	_ =	sdelay $0x1  }
0x480: {  	v33 =	vadd.f32 v34, v33;
	_ =	sdelay $0x1  }
0x481: {  	v33 =	vadd.f32 v35, v33;
	_ =	sdelay $0x1  }
0x482: {  	[tilespmem:s24+$0x10] =	vst v33  }
0x483: {  	v33 =	vld [tilespmem:s25+$0xEBA0]  }
0x484: {  	v34 =	vld [tilespmem:s25+$0x123A0]  }
0x485: {  	v35 =	vld [tilespmem:s25+$0x193A0]  }
0x486: {  	v36 =	vld [tilespmem:s25+$0x15BA0];
	_ =	sdelay $0x1  }
0x487: {  	v33 =	vmul.f32 v33, v30  }
0x488: {  	v34 =	vmul.f32 v34, v31;
	_ =	sdelay $0x1  }
0x489: {  	v33 =	vadd.f32 v34, v33;
	v34 =	vmul.f32 v36, v32;
	_ =	sdelay $0x1  }
0x48a: {  	v33 =	vadd.f32 v34, v33;
	v34 =	vmul.f32 v35, v29;
	_ =	sdelay $0x1  }
0x48b: {  	v33 =	vadd.f32 v34, v33;
	_ =	sdelay $0x1  }
0x48c: {  	[tilespmem:s24+$0x20] =	vst v33  }
0x48d: {  	v33 =	vld [tilespmem:s25+$0xEBB0]  }
0x48e: {  	v34 =	vld [tilespmem:s25+$0x123B0]  }
0x48f: {  	v35 =	vld [tilespmem:s25+$0x15BB0]  }
0x490: {  	v36 =	vld [tilespmem:s25+$0x193B0];
	_ =	sdelay $0x1  }
0x491: {  	v33 =	vmul.f32 v33, v30  }
0x492: {  	v34 =	vmul.f32 v34, v31;
	_ =	sdelay $0x1  }
0x493: {  	v33 =	vadd.f32 v34, v33;
	v34 =	vmul.f32 v35, v32;
	_ =	sdelay $0x1  }
0x494: {  	v33 =	vadd.f32 v34, v33;
	v34 =	vmul.f32 v36, v29;
	_ =	sdelay $0x1  }
0x495: {  	v33 =	vadd.f32 v34, v33;
	_ =	sdelay $0x1  }
0x496: {  	[tilespmem:s24+$0x30] =	vst v33  }
0x497: {  	v33 =	vld [tilespmem:s25+$0xEBC0]  }
0x498: {  	v34 =	vld [tilespmem:s25+$0x123C0]  }
0x499: {  	v35 =	vld [tilespmem:s25+$0x15BC0]  }
0x49a: {  	v36 =	vld [tilespmem:s25+$0x193C0];
	_ =	sdelay $0x1  }
0x49b: {  	v33 =	vmul.f32 v33, v30  }
0x49c: {  	v34 =	vmul.f32 v34, v31;
	_ =	sdelay $0x1  }
0x49d: {  	v33 =	vadd.f32 v34, v33;
	v34 =	vmul.f32 v35, v32;
	v35 =	vmul.f32 v36, v29;
	_ =	sdelay $0x1  }
0x49e: {  	v33 =	vadd.f32 v34, v33;
	_ =	sdelay $0x1  }
0x49f: {  	v33 =	vadd.f32 v35, v33;
	_ =	sdelay $0x1  }
0x4a0: {  	[tilespmem:s24+$0x40] =	vst v33  }
0x4a1: {  	v33 =	vld [tilespmem:s25+$0xEBD0]  }
0x4a2: {  	v34 =	vld [tilespmem:s25+$0x123D0]  }
0x4a3: {  	v35 =	vld [tilespmem:s25+$0x15BD0]  }
0x4a4: {  	v36 =	vld [tilespmem:s25+$0x193D0];
	_ =	sdelay $0x1  }
0x4a5: {  	v33 =	vmul.f32 v33, v30  }
0x4a6: {  	v34 =	vmul.f32 v34, v31;
	_ =	sdelay $0x1  }
0x4a7: {  	v33 =	vadd.f32 v34, v33;
	v34 =	vmul.f32 v35, v32;
	v35 =	vmul.f32 v36, v29;
	_ =	sdelay $0x1  }
0x4a8: {  	v33 =	vadd.f32 v34, v33;
	_ =	sdelay $0x1  }
0x4a9: {  	v33 =	vadd.f32 v35, v33  }
.Ltmp1:
0x4aa: {  	(pc) =	sbr.rel @p0 .LBB2_5-.Ltmp1, $4  }
0x4ab: {  	[tilespmem:s24+$0x50] =	vst v33  }
0x4ac: {  	v33 =	vld [tilespmem:s25+$0xEBE0]  }
0x4ad: {  	v34 =	vld [tilespmem:s25+$0x123E0]  }
0x4ae: {  	v35 =	vld [tilespmem:s25+$0x15BE0]  }
0x4af: {  	_ =	sdelay $0x1  }
0x4b0: {  	v36 =	vld [tilespmem:s25+$0x193E0]  }
0x4b1: {  	v33 =	vmul.f32 v33, v30;
	v34 =	vmul.f32 v34, v31;
	_ =	sdelay $0x1  }
0x4b2: {  	v35 =	vmul.f32 v35, v32;
	v33 =	vadd.f32 v34, v33;
	_ =	sdelay $0x1  }
0x4b3: {  	v59 =	vmul.f32 v36, v29;
	v33 =	vadd.f32 v35, v33;
	_ =	sdelay $0x1  }
0x4b4: {  	v33 =	vadd.f32 v59, v33;
	_ =	sdelay $0x1  }
0x4b5: {  	[tilespmem:s26+$0x60] =	vst v33  }
0x4b6: {  	v33 =	vld [tilespmem:s25+$0xEBF0]  }
0x4b7: {  	v60 =	vld [tilespmem:s25+$0x123F0];
	_ =	sdelay $0x1  }
0x4b8: {  	v61 =	vld [tilespmem:s25+$0x15BF0];
	_ =	sdelay $0x1  }
0x4b9: {  	v62 =	vld [tilespmem:s25+$0x193F0]  }
0x4ba: {  	v30 =	vmul.f32 v33, v30;
	v31 =	vmul.f32 v60, v31;
	_ =	sdelay $0x1  }
0x4bb: {  	v63 =	vmul.f32 v61, v32;
	v30 =	vadd.f32 v31, v30;
	_ =	sdelay $0x1  }
0x4bc: {  	v29 =	vmul.f32 v62, v29;
	v30 =	vadd.f32 v63, v30;
	_ =	sdelay $0x1  }
0x4bd: {  	s21 =	sadd.s32 $0x1, s21;
	v29 =	vadd.f32 v29, v30  }
0x4be: {  	s0 =	sadd.s32 s22, s5;
	p0 =	sne.s32 s21, $0x10  }
.Ltmp2:
0x4bf: {  	s0 =	sadd.s32 $0x10, s0;
	[tilespmem:s26+$0x70] =	vst v29;
	(pc) =	sbr.rel @p0 .LBB2_2-.Ltmp2, $4  }
0x4c0: {  	[hbm4b:s0+s17] =	stream.strided.scatter [tilespmem:s19], [sflag:$0x3], $0x3100, s18, s17, $0x38;
	[tilespmem:$0x1F880] =	vst v63  }
0x4c1: {  	_ =	swait.ge [sflag:s8], $0x3100  }
0x4c2: {  	[sflag:s8] =	ssyncset.done $0x0  }
0x4c3: {  	[sflag:s8] =	ssyncadd.s32 $0xFFFFCF00  }
0x4c4: {  	s3 =	rddreg [dreg:$0x6]  }
0x4c5: {  	s0 =	rddreg [dreg:$0x5];
	s3 =	sadd.s32 $0x1, s3  }
0x4c6: {  	p0 =	sne.s32 s3, s0  }
.Ltmp3:
0x4c7: {  	_ = 	snop;
	(pc) =	sbr.rel @p0 .LBB2_1-.Ltmp3, $1  }
0x4c8: {  	_ =	sdelay $0x3  }
0x4c9: {  	_ =	sfence.sel $0x180000  }
0x4ca: {  	[bflag:$0x0] =	sbarrier.arrive $0xFFFF  }
0x4cb: {  	_ =	strace $0x90000047  }
0x4cc: {  	s0 =	stileid.u32;
	[bflag:$0x2] =	sbarrier.arrive $0xFFFF  }
0x4cd: {  	p0 =	sne.s32 s0, $0x0;
	s0 =	rddreg [dreg:$0x3]  }
0x4ce: {  	s0 =	sadd.s32 @!p0 $0x100000, s0  }
0x4cf: {  	[sflag:s0] =	ssyncadd.tile.s32 @!p0 $0x1;
	_ =	shalt  }
.Lfunc_end2:
_tile_overlayer_lowered:
.L_overlay_start_2:
0x4d0: {  	(tag) =	ssettag $0x2  }
0x4d1: {  	s0 =	rddreg [dreg:$0x0];
	s2 =	stileid.u32  }
0x4d2: {  	s1 =	rddreg [dreg:$0x1];
	p0 =	sne.s32 s2, $0x0  }
0x4d3: {  	s3 =	rddreg [dreg:$0x2];
	[bflag:$0x3] =	sbarrier.arrive $0xFFFF;
	s2 =	simm.s32 @!p0 $0x1C03  }
0x4d4: {  	[timem:s3], [sflag:s2] =	dma.local @!p0 [hbm:s0], s1  }
0x4d5: {  	s0 =	simm.s32 @!p0 $0x3  }
0x4d6: {  	_ =	swait.ge @!p0 [sflag:s0], s1  }
0x4d7: {  	s1 =	ssub.s32 @!p0 $0x0, s1;
	[sflag:s0] =	ssyncset.done @!p0 $0x0  }
0x4d8: {  	[sflag:s0] =	ssyncadd.s32 @!p0 s1  }
0x4d9: {  	[bflag:$0x3] =	sbarrier.arrive $0xFFFF  }
0x4da: {  	_ =	shalt  }

// kernel: sparse-core-data-format-call.1.cloned.1.call-start
scs
called_computation.1_lowered:
.L_overlay_start_0:
0x0: {  	s2 =	sld [smem:$0x3FD9]  }
0x1: {  	s3 =	sld [smem:$0x3FFE];
	_ =	sdelay $0x1  }
0x2: {  	s1 =	srdreg.scid  }
0x3: {  	s0 =	sand.u32 $0x1, s1  }
0x4: {  	s18 =	sshll.u32 s0, $0xA;
	s2 =	sadd.s32 s3, s2  }
0x5: {  	s2 =	sadd.s32 s2, s18  }
0x6: {  	[smem:$0x3FC6] =	sst s2  }
0x7: {  	_ = 	snop  }
0x8: {  	s2 =	sld [smem:$0x3FD0];
	(tm) =	ssettm $0x1  }
0x9: {  	s19 =	sld [smem:$0x3FFB];
	_ =	sdelay $0x3  }
0xa: {  	_ =	strace s19  }
0xb: {  	s3 =	sld [smem:$0x3FFC];
	_ =	sdelay $0x3  }
0xc: {  	_ =	strace s3  }
0xd: {  	s3 =	sld [smem:$0x3FFD];
	_ =	sdelay $0x3  }
0xe: {  	_ =	strace s3  }
0xf: {  	_ =	strace $0x8FFFFFFF  }
0x10: {  	s20 =	sld [smem:$0x3FDB];
	_ =	sdelay $0x1  }
0x11: {  	s4 =	simm.s32 $_scs_section_size  }
0x12: {  	s5 =	simm.s32 $_size__tile_overlayer_lowered;
	s6 =	simm.s32 $_tile_overlayer_lowered  }
0x13: {  	s23 =	simm.s32 $0x1BFF;
	s22 =	sshll.u32 s6, $0x1;
	s3 =	sadd.s32 s4, s20  }
0x14: {  	s7 =	simm.s32 $0x0;
	s21 =	sshll.u32 s5, $0x1;
	s5 =	sadd.s32 s22, s3  }
0x15: {  	[timem:s7], [sflag:s23] =	dma.local [hbm:s5], s21  }
0x16: {  	_ =	swait.ge [sflag:s23], s21  }
0x17: {  	s4 =	ssub.s32 $0x0, s21;
	[sflag:s23] =	ssyncset.done $0x0  }
0x18: {  	[sflag:s23] =	ssyncadd.s32 s4;
	_ =	sdelay $0x1  }
0x19: {  	s24 =	simm.s32 $0x1B8B  }
0x1a: {  	_ =	swait.ge [sflag:s24], $0x1  }
0x1b: {  	[sflag:s24] =	ssyncset.done $0x0  }
0x1c: {  	s26 =	simm.s32 $0x1B8E;
	s25 =	sld [smem:$0x3FFE];
	[sflag:s24] =	ssyncadd.s32 $0xFFFFFFFF  }
0x1d: {  	s27 =	simm.s32 $execute0_lowered;
	[smem:$0x3FD2] =	sst s26  }
0x1e: {  	s5 =	sshll.u32 s27, $0x1;
	_ =	strace $0x80000049;
	[dreg:$0x1] =	wrdreg $0xFFFFFFFF  }
0x1f: {  	s28 =	simm.s32 $_size_execute0_lowered;
	s3 =	sadd.s32 s3, s5;
	[dreg:$0x0] =	wrdreg $0x0  }
0x20: {  	s5 =	sshll.u32 s28, $0x1;
	[dreg:$0x2] =	wrdreg s3  }
0x21: {  	[dreg:$0x3] =	wrdreg s5  }
0x22: {  	[dreg:$0x4] =	wrdreg $0xC0  }
0x23: {  	_ =	task [dreg:s7], $0x5FFFF  }
0x24: {  	[dreg:$0x1] =	wrdreg $0xFFFFFFFF  }
0x25: {  	[dreg:$0x0] =	wrdreg $0x60  }
0x26: {  	[dreg:$0x2] =	wrdreg s2  }
0x27: {  	[dreg:$0x3] =	wrdreg s25  }
0x28: {  	[dreg:$0x4] =	wrdreg $0x9  }
0x29: {  	_ =	task.clear_ibuf [dreg:s7], $0x5FFFF;
	_ =	strace $0x90000049  }
0x2a: {  	s29 =	simm.s32 $0x9;
	_ =	strace $0x8000004B  }
0x2b: {  	_ =	swait.ge [sflag:s29], $0x1  }
0x2c: {  	[sflag:s29] =	ssyncadd.s32 $0xFFFFFFFF  }
0x2d: {  	_ =	strace $0x9000004B  }
0x2e: {  	_ =	sfence  }
0x2f: {  	s30 =	sld [smem:$0x0];
	_ =	sdelay $0x2  }
0x30: {  	s31 =	sshll.u32 s1, $0xD;
	s1 =	sshrl.u32 s1, $0x2  }
0x31: {  	s3 =	sand.u32 $0x4000, s31;
	s1 =	sadd.s32 s1, s30  }
0x32: {  	s0 =	sor.u32 s3, s0;
	s1 =	sshll.u32 s1, $0x11  }
0x33: {  	s0 =	sor.u32 s1, s0  }
0x34: {  	s0 =	sadd.s32 $0x8F2B, s0  }
0x35: {  	[sflag:s0] =	ssyncadd.remote.s32 $0x1  }
0x36: {  	_ =	sfence.sel $0xFFFF  }
0x37: {  	[dreg:$0x0] =	wrdreg $0xFFFFFFFF;
	(pc) =	sbr.abs _section_cstart, $3  }
0x38: {  	[dreg:$0x1] =	wrdreg $0xFFFFFFFF  }
0x39: {  	_ =	task.clear_ibuf [dreg:s7], $0x2FFFF;
	_ =	strace $0x9FFFFFFF  }
0x3a: {  	(tm) =	ssettm $0x7FFFFFFF  }
0x3b: {  	_ =	shalt  }
tec
execute0_lowered:
.L_overlay_start_1:
0x0: {  	(tag) =	ssettag $0x1  }
0x1: {  	s0 =	stileid.u32  }
0x2: {  	s1 =	srdreg.scid;
	s2 =	rddreg [dreg:$0x0]  }
0x3: {  	s4 =	rddreg [dreg:$0x1];
	s5 =	simm.s32 $0x1;
	s9 =	simm.s32 $0x2  }
0x4: {  	s14 =	simm.s32 $0x0;
	s3 =	sshll.u32 s0, $0x4;
	s1 =	sshll.u32 s1, $0x8  }
0x5: {  	s13 =	simm.s32 $0x0;
	s12 =	simm.s32 $0x0;
	s3 =	sor.u32 s3, s1  }
0x6: {  	s4 =	sadd.s32 $0xC00, s4;
	s7 =	sshll.u32 s0, $0x7;
	s3 =	sand.u32 $0x180, s3  }
0x7: {  	s1 =	rddreg [dreg:$0x2];
	_ =	strace $0x8000004A;
	s6 =	ssub.s32 $0x3100, s3  }
.Ltmp0:
0x8: {  	[sflag:s5] =	ssyncpa.u1 $0x0;
	s8 =	sand.u32 $0x180, s6;
	(pc) =	sbr.rel .LBB1_1-.Ltmp0, $4  }
0x9: {  	[sflag:s9] =	ssyncpa.u1 $0x0;
	p0 =	sne.s32 s8, $0x0;
	s8 =	simm.s32 $0x1  }
0xa: {  	s10 =	sshrl.u32 s6, $0x9;
	s6 =	sand.u32 $0x380, s7;
	s8 =	simm.s32 @!p0 $0x0  }
0xb: {  	s9 =	simm.s32 $0x2000;
	s11 =	smov.u32 s6;
	s7 =	sadd.s32 s8, s10  }
0xc: {  	p0 =	por $0x0, $0x0;
	s10 =	smov.u32 s3;
	s8 =	sadd.s32 $0x1, s7  }
.LBB1_4:
0xd: {  	v5 =	vld [tilespmem:s18+$0xFFFFFFD0];
	[tilespmem:s17+$0x2040 ss:$0x81] =	vst.msk $0xffff, v4;
	s20 =	sshll.u32 s14, $0xA;
	s21 =	sshll.u32 s13, $0x3  }
0xe: {  	v58 =	vld [tilespmem:s18+$0xFFFFFFE0];
	[tilespmem:s17+$0x2850 ss:$0x81] =	vst.msk $0xffff, v3;
	s20 =	sand.u32 $0xFFFFE000, s20;
	s21 =	sand.u32 $0xFFFFFC00, s21  }
0xf: {  	s19 =	sshra.s32 s19, $0x2;
	v59 =	vld [tilespmem:s18+$0xFFFFFFF0];
	[tilespmem:s17+$0x3060 ss:$0x81] =	vst.msk $0xffff, v2;
	s20 =	sadd.s32 s21, s20  }
0x10: {  	v60 =	vld [tilespmem:s18+$0x0];
	[tilespmem:s17+$0x0 ss:$0x81] =	vst.msk $0xffff, v0;
	s16 =	sadd.s32 s19, s16;
	s26 =	sshrl.u32 s20, $0xA  }
0x11: {  	v61 =	vld [tilespmem:s18+$0x10];
	[tilespmem:s16+$0x3870 ss:$0x81] =	vst.msk $0xffff, v1;
	s27 =	smulhi.u32 $0x539783, s26  }
0x12: {  	v62 =	vld [tilespmem:s18+$0x20];
	[tilespmem:s16+$0x810 ss:$0x81] =	vst.msk $0xffff, v5  }
0x13: {  	v63 =	vld [tilespmem:s18+$0xFFFFFFC0];
	s28 =	sshll.u32 s14, $0x7;
	[tilespmem:s16+$0x1020 ss:$0x81] =	vst.msk $0xffff, v58;
	s29 =	sshrl.u32 s27, $0x4  }
0x14: {  	s30 =	sand.u32 $0x78, s13;
	s14 =	sand.u32 $0x380, s28;
	[tilespmem:s16+$0x1830 ss:$0x81] =	vst.msk $0xffff, v59;
	s18 =	smul.u32 $0x3100, s29  }
0x15: {  	s14 =	sor.u32 s30, s14;
	[tilespmem:s16+$0x2040 ss:$0x81] =	vst.msk $0xffff, v60  }
0x16: {  	s31 =	sand.u32 $0x7, s13;
	s14 =	sshrl.u32 s14, $0x3;
	[tilespmem:s16+$0x2850 ss:$0x81] =	vst.msk $0xffff, v61;
	s17 =	ssub.s32 s26, s18  }
0x17: {  	s13 =	sshll.u32 s31, $0x12;
	s14 =	sadd.s32 s4, s14;
	[tilespmem:s16+$0x3060 ss:$0x81] =	vst.msk $0xffff, v62;
	s17 =	sshll.u32 s17, $0x7  }
0x18: {  	s13 =	sor.u32 $0x400, s13;
	[tilespmem:s16+$0x0 ss:$0x81] =	vst.msk $0xffff, v63;
	s14 =	sadd.s32 s17, s14  }
0x19: {  	[hbm4b:s14+s13] =	stream.strided.scatter [tilespmem:s15], [sflag:$0x2], $0x4000, s9, s13, $0x20;
	[tilespmem:$0x10100] =	vst v63  }
.LBB1_5:
0x1a: {  	s15 =	sadd.s32 $0x200, s10  }
0x1b: {  	s13 =	sadd.s32 $0x400, s11;
	s17 =	smov.u32 s11;
	p2 =	sgt.s32 s15, $0x30FF  }
0x1c: {  	s17 =	smov.u32 @p2 s13  }
0x1d: {  	s15 =	smov.u32 @p2 s3;
	p2 =	sgt.s32 s17, $0x3E7  }
0x1e: {  	s17 =	smov.u32 @p2 s6;
	p2 =	sne.s32 s12, s8  }
.Ltmp1:
0x1f: {  	p1 =	slt.u32 s12, $0x2;
	(pc) =	sbr.rel @!p2 .LBB1_6-.Ltmp1, $4  }
0x20: {  	s16 =	simm.s32 @!p1 $0x2  }
0x21: {  	s14 =	smov.u32 s10;
	p0 =	por !p0, !p0;
	_ =	swait.ge @!p1 [sflag:s16], $0x4000  }
0x22: {  	s13 =	smov.u32 s11;
	[sflag:s16] =	ssyncset.done @!p1 $0x0;
	s10 =	smov.u32 s15  }
0x23: {  	s12 =	sadd.s32 $0x1, s12;
	[sflag:s16] =	ssyncadd.s32 @!p1 $0xFFFFC000;
	s11 =	smov.u32 s17  }
.LBB1_1:
0x24: {  	p1 =	sge.u32 s12, s7  }
0x25: {  	s18 =	smov.u32 s11;
	s20 =	smov.u32 s10;
	s31 =	sadd.s32 $0xFFFFFFFF, s12  }
0x26: {  	s15 =	sshrl.u32 @!p1 s11, $0x3;
	s16 =	sshll.u32 @!p1 s10, $0x3;
	s17 =	sshll.u32 @!p1 s11, $0x7  }
0x27: {  	p2 =	sgt.s32 @!p1 s11, $0x368;
	s19 =	sshra.s32 @!p1 s11, $0x1F;
	s21 =	sshra.s32 @!p1 s10, $0x1F  }
0x28: {  	s15 =	smul.u32 @!p1 $0x18800, s15;
	s16 =	sand.u32 @!p1 $0xFFFFFC00, s16;
	p2 =	por !p2, p1  }
0x29: {  	s19 =	sand.u32 @!p1 s19, s11;
	s21 =	sand.u32 @!p1 s21, s10;
	s18 =	simm.s32 @p2 $0x368  }
0x2a: {  	p2 =	sgt.s32 @!p1 s10, $0x3080;
	s15 =	sadd.s32 @!p1 s15, s16;
	s16 =	sand.u32 @!p1 $0x380, s17  }
0x2b: {  	s17 =	sand.u32 @!p1 $0x7F, s10;
	p2 =	por !p2, p1;
	s15 =	sor.u32 @!p1 s16, s15  }
0x2c: {  	s18 =	ssub.s32 @!p1 s18, s19;
	s20 =	simm.s32 @p2 $0x3080;
	s16 =	sor.u32 @!p1 s17, s15  }
0x2d: {  	s15 =	smulhi.u32 @!p1 $0x5397829D, s15;
	s19 =	ssub.s32 @!p1 s20, s21;
	s21 =	sadd.s32 @!p1 $0xFFFFFC98, s18  }
0x2e: {  	s18 =	ssub.s32 @!p1 $0x3E8, s18;
	s17 =	smulhi.u32 @!p1 $0x5397829D, s16;
	s22 =	sadd.s32 @!p1 $0xFFFFCF80, s19  }
0x2f: {  	p2 =	sgt.s32 @!p1 s21, $0x7F;
	s19 =	ssub.s32 @!p1 $0x3100, s19;
	s15 =	sshrl.u32 @!p1 s15, $0xC  }
0x30: {  	p3 =	sgt.s32 @!p1 s22, $0x7F;
	s17 =	sshrl.u32 @!p1 s17, $0xC;
	s20 =	smulhi.u32 @!p1 $0x418938, s15  }
0x31: {  	p2 =	por !p2, p1;
	p3 =	por !p3, p1;
	s17 =	smul.u32 @!p1 $0x3100, s17  }
0x32: {  	s18 =	simm.s32 @!p2 $0x0;
	s19 =	simm.s32 @!p3 $0x0;
	s20 =	smul.u32 @!p1 $0x3E8, s20  }
0x33: {  	s18 =	smul.u32 @!p1 s18, s19;
	s16 =	ssub.s32 @!p1 s16, s17;
	s17 =	sxor.u32 @!p1 $0xFFFFFFFF, s12  }
0x34: {  	s17 =	sshll.u32 @!p1 s17, $0xE;
	s15 =	ssub.s32 @!p1 s15, s20;
	s19 =	sshrl.u32 @!p1 s16, $0x3  }
0x35: {  	s16 =	sand.u32 @!p1 $0x7, s16;
	s18 =	sand.u32 @!p1 $0x3FFFFFFF, s18;
	s15 =	smul.u32 @!p1 $0x620, s15  }
0x36: {  	s17 =	sand.u32 @!p1 $0x4000, s17;
	s19 =	sadd.s32 @!p1 s2, s19;
	s16 =	sshll.u32 @!p1 s16, $0x12  }
0x37: {  	s16 =	sor.u32 @!p1 $0x400, s16;
	s15 =	sadd.s32 @!p1 s15, s19;
	s19 =	simm.s32 @!p1 $0x18800  }
0x38: {  	[tilespmem:s17], [sflag:$0x1] =	stream.strided.gather @!p1 [hbm4b:s15+s16], s18, s19, s16, $0x38;
	[tilespmem:$0x10100] =	vst v63  }
0x39: {  	p1 =	sge.u32 s31, s7  }
.Ltmp2:
0x3a: {  	_ = 	snop;
	(pc) =	sbr.rel @p1 .LBB1_5-.Ltmp2, $1  }
0x3b: {  	_ =	sdelay $0x3  }
0x3c: {  	p1 =	sgt.s32 s13, $0x368  }
0x3d: {  	s15 =	smov.u32 s13;
	s16 =	sshra.s32 s13, $0x1F;
	s17 =	smov.u32 s14  }
0x3e: {  	s18 =	sshra.s32 s14, $0x1F;
	s15 =	simm.s32 @!p1 $0x368;
	p1 =	sgt.s32 s14, $0x3080  }
0x3f: {  	s16 =	sand.u32 s16, s13;
	s26 =	sand.u32 s18, s14;
	s17 =	simm.s32 @!p1 $0x3080  }
0x40: {  	s15 =	ssub.s32 s15, s16;
	s16 =	ssub.s32 s17, s26  }
0x41: {  	s27 =	sadd.s32 $0xFFFFFC98, s15;
	s15 =	ssub.s32 $0x3E8, s15;
	s17 =	sadd.s32 $0xFFFFCF80, s16  }
0x42: {  	p1 =	sgt.s32 s27, $0x7F;
	s16 =	ssub.s32 $0x3100, s16;
	p2 =	sgt.s32 s17, $0x7F  }
0x43: {  	s15 =	simm.s32 @p1 $0x0;
	s16 =	simm.s32 @p2 $0x0  }
0x44: {  	s15 =	smul.u32 s15, s16;
	_ =	sdelay $0x1  }
0x45: {  	s16 =	simm.s32 $0x1;
	s15 =	sand.u32 $0x3FFFFFFF, s15  }
0x46: {  	s16 =	simm.s32 @!p0 $0x0;
	_ =	swait.ge [sflag:s5], s15  }
0x47: {  	s28 =	sshll.u32 s16, $0xE;
	s15 =	ssub.s32 $0x0, s15;
	[sflag:s5] =	ssyncset.done $0x0  }
0x48: {  	s29 =	sor.u32 $0x40, s28;
	[sflag:s5] =	ssyncadd.s32 s15  }
0x49: {  	s30 =	smul.u32 $0x10200, s16;
	v0 =	vld [tilespmem:s29+$0x30]  }
0x4a: {  	v1 =	vld [tilespmem:s29+$0xFFFFFFD0]  }
0x4b: {  	s15 =	sshrl.u32 s30, $0x2;
	v5 =	vld [tilespmem:s29+$0xFFFFFFE0]  }
0x4c: {  	s16 =	sor.u32 $0x8000, s15;
	v6 =	vld [tilespmem:s29+$0xFFFFFFF0]  }
0x4d: {  	s31 =	sand.u32 $0x1, s12;
	v4 =	vld [tilespmem:s29+$0x0];
	s17 =	sadd.s32 $0x0, s16  }
0x4e: {  	s15 =	smul.u32 $0x10200, s31;
	v3 =	vld [tilespmem:s29+$0x10];
	[tilespmem:s17+$0x3870 ss:$0x81] =	vst.msk $0xffff, v0  }
0x4f: {  	v2 =	vld [tilespmem:s29+$0x20];
	[tilespmem:s17+$0x810 ss:$0x81] =	vst.msk $0xffff, v1  }
0x50: {  	s18 =	sadd.s32 $0x80, s29;
	s15 =	sshrl.u32 s15, $0x2;
	v0 =	vld [tilespmem:s29+$0xFFFFFFC0];
	[tilespmem:s17+$0x1020 ss:$0x81] =	vst.msk $0xffff, v5  }
0x51: {  	s19 =	simm.s32 $0x4;
	s20 =	simm.s32 $0x8;
	s15 =	sor.u32 $0x8000, s15;
	v1 =	vld [tilespmem:s18+$0x30];
	[tilespmem:s17+$0x1830 ss:$0x81] =	vst.msk $0xffff, v6  }
.LBB1_3:
0x52: {  	p1 =	sne.s32 s20, $0x1FC;
	v5 =	vld [tilespmem:s18+$0xFFFFFFD0];
	[tilespmem:s17+$0x2040 ss:$0x81] =	vst.msk $0xffff, v4  }
0x53: {  	v6 =	vld [tilespmem:s18+$0xFFFFFFE0];
	[tilespmem:s17+$0x2850 ss:$0x81] =	vst.msk $0xffff, v3  }
0x54: {  	s21 =	sshra.s32 s19, $0x2;
	s19 =	smov.u32 s20;
	v7 =	vld [tilespmem:s18+$0xFFFFFFF0];
	[tilespmem:s17+$0x3060 ss:$0x81] =	vst.msk $0xffff, v2  }
.Ltmp3:
0x55: {  	v4 =	vld [tilespmem:s18+$0x0];
	[tilespmem:s17+$0x0 ss:$0x81] =	vst.msk $0xffff, v0;
	s17 =	sadd.s32 s21, s16;
	(pc) =	sbr.rel @p1 .LBB1_3-.Ltmp3, $4  }
0x56: {  	v3 =	vld [tilespmem:s18+$0x10];
	[tilespmem:s17+$0x3870 ss:$0x81] =	vst.msk $0xffff, v1  }
0x57: {  	[tilespmem:s17+$0x810 ss:$0x81] =	vst.msk $0xffff, v5;
	v2 =	vld [tilespmem:s18+$0x20]  }
0x58: {  	v0 =	vld [tilespmem:s18+$0xFFFFFFC0];
	[tilespmem:s17+$0x1020 ss:$0x81] =	vst.msk $0xffff, v6;
	s18 =	sadd.s32 $0x80, s18  }
0x59: {  	s20 =	sadd.s32 $0x4, s20;
	v1 =	vld [tilespmem:s18+$0x30];
	[tilespmem:s17+$0x1830 ss:$0x81] =	vst.msk $0xffff, v7  }
.Ltmp4:
0x5a: {  	_ = 	snop;
	(pc) =	sbr.rel .LBB1_4-.Ltmp4, $1  }
0x5b: {  	_ =	sdelay $0x3  }
.LBB1_6:
0x5c: {  	_ =	sfence.sel $0x180000  }
0x5d: {  	s2 =	simm.s32 $0x1;
	[bflag:$0x0] =	sbarrier.arrive $0xFFFF  }
0x5e: {  	s31 =	simm.s32 $0x2;
	[sflag:s2] =	ssyncpa.u1 $0x1  }
0x5f: {  	[sflag:s31] =	ssyncpa.u1 $0x1  }
0x60: {  	p0 =	sne.s32 s0, $0x0;
	_ =	strace $0x9000004A  }
0x61: {  	s0 =	sadd.s32 @!p0 $0x100000, s1;
	[bflag:$0x2] =	sbarrier.arrive $0xFFFF  }
0x62: {  	[sflag:s0] =	ssyncadd.tile.s32 @!p0 $0x1;
	_ =	shalt  }
.Lfunc_end1:
_tile_overlayer_lowered:
.L_overlay_start_2:
0x63: {  	(tag) =	ssettag $0x2  }
0x64: {  	s0 =	rddreg [dreg:$0x0];
	s2 =	stileid.u32  }
0x65: {  	s1 =	rddreg [dreg:$0x1];
	p0 =	sne.s32 s2, $0x0  }
0x66: {  	s3 =	rddreg [dreg:$0x2];
	[bflag:$0x3] =	sbarrier.arrive $0xFFFF;
	s2 =	simm.s32 @!p0 $0x1C01  }
0x67: {  	[timem:s3], [sflag:s2] =	dma.local @!p0 [hbm:s0], s1  }
0x68: {  	s0 =	simm.s32 @!p0 $0x1  }
0x69: {  	_ =	swait.ge @!p0 [sflag:s0], s1  }
0x6a: {  	s1 =	ssub.s32 @!p0 $0x0, s1;
	[sflag:s0] =	ssyncset.done @!p0 $0x0  }
0x6b: {  	[sflag:s0] =	ssyncadd.s32 @!p0 s1  }
0x6c: {  	[bflag:$0x3] =	sbarrier.arrive $0xFFFF  }
0x6d: {  	_ =	shalt  }

// kernel: sparse-core-data-format-call.cloned.1.call-start
scs
called_computation_lowered:
.L_overlay_start_0:
0x0: {  	s2 =	sld [smem:$0x3FD9]  }
0x1: {  	s3 =	sld [smem:$0x3FFE];
	_ =	sdelay $0x1  }
0x2: {  	s1 =	srdreg.scid  }
0x3: {  	s0 =	sand.u32 $0x1, s1  }
0x4: {  	s18 =	sshll.u32 s0, $0xA;
	s2 =	sadd.s32 s3, s2  }
0x5: {  	s2 =	sadd.s32 s2, s18  }
0x6: {  	[smem:$0x3FC6] =	sst s2  }
0x7: {  	_ = 	snop  }
0x8: {  	s2 =	sld [smem:$0x3FD0];
	(tm) =	ssettm $0x1  }
0x9: {  	s19 =	sld [smem:$0x3FFB];
	_ =	sdelay $0x3  }
0xa: {  	_ =	strace s19  }
0xb: {  	s3 =	sld [smem:$0x3FFC];
	_ =	sdelay $0x3  }
0xc: {  	_ =	strace s3  }
0xd: {  	s3 =	sld [smem:$0x3FFD];
	_ =	sdelay $0x3  }
0xe: {  	_ =	strace s3  }
0xf: {  	_ =	strace $0x8FFFFFFF  }
0x10: {  	s20 =	sld [smem:$0x3FDB];
	_ =	sdelay $0x1  }
0x11: {  	s4 =	simm.s32 $_scs_section_size  }
0x12: {  	s5 =	simm.s32 $_size__tile_overlayer_lowered;
	s6 =	simm.s32 $_tile_overlayer_lowered  }
0x13: {  	s23 =	simm.s32 $0x1BFF;
	s22 =	sshll.u32 s6, $0x1;
	s3 =	sadd.s32 s4, s20  }
0x14: {  	s7 =	simm.s32 $0x0;
	s21 =	sshll.u32 s5, $0x1;
	s5 =	sadd.s32 s22, s3  }
0x15: {  	[timem:s7], [sflag:s23] =	dma.local [hbm:s5], s21  }
0x16: {  	_ =	swait.ge [sflag:s23], s21  }
0x17: {  	s4 =	ssub.s32 $0x0, s21;
	[sflag:s23] =	ssyncset.done $0x0  }
0x18: {  	[sflag:s23] =	ssyncadd.s32 s4;
	_ =	sdelay $0x1  }
0x19: {  	s24 =	simm.s32 $0x1B8B  }
0x1a: {  	_ =	swait.ge [sflag:s24], $0x1  }
0x1b: {  	[sflag:s24] =	ssyncset.done $0x0  }
0x1c: {  	s26 =	simm.s32 $0x1B8E;
	s25 =	sld [smem:$0x3FFE];
	[sflag:s24] =	ssyncadd.s32 $0xFFFFFFFF  }
0x1d: {  	s27 =	simm.s32 $execute0_lowered;
	[smem:$0x3FD2] =	sst s26  }
0x1e: {  	s5 =	sshll.u32 s27, $0x1;
	_ =	strace $0x8000004C;
	[dreg:$0x1] =	wrdreg $0xFFFFFFFF  }
0x1f: {  	s28 =	simm.s32 $_size_execute0_lowered;
	s3 =	sadd.s32 s3, s5;
	[dreg:$0x0] =	wrdreg $0x0  }
0x20: {  	s5 =	sshll.u32 s28, $0x1;
	[dreg:$0x2] =	wrdreg s3  }
0x21: {  	[dreg:$0x3] =	wrdreg s5  }
0x22: {  	[dreg:$0x4] =	wrdreg $0xC0  }
0x23: {  	_ =	task [dreg:s7], $0x5FFFF  }
0x24: {  	[dreg:$0x1] =	wrdreg $0xFFFFFFFF  }
0x25: {  	[dreg:$0x0] =	wrdreg $0x60  }
0x26: {  	[dreg:$0x2] =	wrdreg s25  }
0x27: {  	[dreg:$0x3] =	wrdreg s2  }
0x28: {  	[dreg:$0x4] =	wrdreg $0x9  }
0x29: {  	_ =	task.clear_ibuf [dreg:s7], $0x5FFFF;
	_ =	strace $0x9000004C  }
0x2a: {  	s29 =	simm.s32 $0x9;
	_ =	strace $0x8000004E  }
0x2b: {  	_ =	swait.ge [sflag:s29], $0x1  }
0x2c: {  	[sflag:s29] =	ssyncadd.s32 $0xFFFFFFFF  }
0x2d: {  	_ =	strace $0x9000004E  }
0x2e: {  	_ =	sfence  }
0x2f: {  	s30 =	sld [smem:$0x0];
	_ =	sdelay $0x2  }
0x30: {  	s31 =	sshll.u32 s1, $0xD;
	s1 =	sshrl.u32 s1, $0x2  }
0x31: {  	s3 =	sand.u32 $0x4000, s31;
	s1 =	sadd.s32 s1, s30  }
0x32: {  	s0 =	sor.u32 s3, s0;
	s1 =	sshll.u32 s1, $0x11  }
0x33: {  	s0 =	sor.u32 s1, s0  }
0x34: {  	s0 =	sadd.s32 $0x8F2B, s0  }
0x35: {  	[sflag:s0] =	ssyncadd.remote.s32 $0x1  }
0x36: {  	_ =	sfence.sel $0xFFFF  }
0x37: {  	[dreg:$0x0] =	wrdreg $0xFFFFFFFF;
	(pc) =	sbr.abs _section_cstart, $3  }
0x38: {  	[dreg:$0x1] =	wrdreg $0xFFFFFFFF  }
0x39: {  	_ =	task.clear_ibuf [dreg:s7], $0x2FFFF;
	_ =	strace $0x9FFFFFFF  }
0x3a: {  	(tm) =	ssettm $0x7FFFFFFF  }
0x3b: {  	_ =	shalt  }
tec
execute0_lowered:
.L_overlay_start_1:
0x0: {  	(tag) =	ssettag $0x1  }
0x1: {  	s0 =	stileid.u32  }
0x2: {  	s1 =	srdreg.scid;
	s5 =	rddreg [dreg:$0x0];
	s31 =	simm.s32 $0x2  }
0x3: {  	s18 =	simm.s32 $0x0;
	p0 =	por $0x0, $0x0;
	s10 =	simm.s32 $0x400  }
0x4: {  	s11 =	simm.s32 $0x800;
	s19 =	simm.s32 $0x0;
	s20 =	simm.s32 $0x0  }
0x5: {  	s12 =	simm.s32 $0x0;
	s1 =	sshll.u32 s1, $0x4;
	s2 =	sshll.u32 s0, $0x6  }
0x6: {  	s21 =	simm.s32 $0x0;
	s3 =	sand.u32 $0x10, s1;
	s1 =	sand.u32 $0x80, s2  }
0x7: {  	s13 =	simm.s32 $0x0;
	s14 =	simm.s32 $0x0;
	s6 =	ssub.s32 $0x100, s1  }
0x8: {  	s15 =	simm.s32 $0x0;
	s17 =	simm.s32 $0x0;
	s30 =	sshrl.u32 s6, $0x7  }
0x9: {  	s4 =	sand.u32 $0x1, s0;
	s6 =	sshrl.u32 s6, $0x8;
	s2 =	sand.u32 $0x1, s30  }
0xa: {  	s9 =	ssub.s32 $0x4, s4;
	s29 =	sor.u32 s0, s3;
	s6 =	sadd.s32 s6, s2  }
0xb: {  	s8 =	sshll.u32 s0, $0xD;
	s7 =	sshll.u32 s29, $0x5;
	s6 =	smul.u32 s6, s9  }
.Ltmp0:
0xc: {  	s3 =	rddreg [dreg:$0x1];
	s8 =	sor.u32 s8, s7;
	(pc) =	sbr.rel .LBB1_1-.Ltmp0, $4  }
0xd: {  	s2 =	rddreg [dreg:$0x2];
	_ =	strace $0x8000004D;
	s8 =	sand.u32 $0x4380, s8  }
0xe: {  	s8 =	sadd.s32 s8, s5;
	s5 =	simm.s32 $0x1;
	s6 =	smul.u32 $0x7, s6  }
0xf: {  	s16 =	smov.u32 s4;
	s7 =	sand.u32 $0x380, s7;
	[sflag:s5] =	ssyncpa.u1 $0x0  }
0x10: {  	s8 =	sadd.s32 $0xC00, s8;
	[sflag:s31] =	ssyncpa.u1 $0x0;
	s9 =	sadd.s32 $0x1, s6  }
.LBB1_4:
0x11: {  	p1 =	sgt.s32 s14, $0x6;
	s27 =	smov.u32 s14;
	s28 =	sshra.s32 s14, $0x1F  }
0x12: {  	s26 =	sshra.s32 s26, $0x2;
	p2 =	sgt.s32 s13, $0x6;
	s30 =	sshra.s32 s13, $0x1F  }
0x13: {  	v5 =	vld [tilespmem:s23+$0xFFFFFFD0];
	[tilespmem:s24+$0x2040 ss:$0x81] =	vst.msk $0xffff, v4;
	s29 =	smul.u32 $0x36B00, s14;
	s27 =	simm.s32 @!p1 $0x6;
	s28 =	sand.u32 s28, s14  }
0x14: {  	v58 =	vld [tilespmem:s23+$0xFFFFFFE0];
	[tilespmem:s24+$0x2850 ss:$0x81] =	vst.msk $0xffff, v3;
	s25 =	sadd.s32 s26, s25;
	s26 =	smov.u32 s13;
	s27 =	ssub.s32 s27, s28  }
0x15: {  	v59 =	vld [tilespmem:s23+$0xFFFFFFF0];
	[tilespmem:s24+$0x3060 ss:$0x81] =	vst.msk $0xffff, v2;
	s26 =	simm.s32 @!p2 $0x6;
	p2 =	sgt.s32 s12, $0x368;
	s27 =	sadd.s32 $0xFFFFFFFA, s27  }
0x16: {  	v60 =	vld [tilespmem:s23+$0x0];
	[tilespmem:s24+$0x0 ss:$0x81] =	vst.msk $0xffff, v0;
	s28 =	smov.u32 s12;
	p1 =	sgt.s32 s27, $0x0;
	s27 =	sshll.u32 s27, $0x7  }
0x17: {  	v61 =	vld [tilespmem:s23+$0x10];
	s24 =	sand.u32 s30, s13;
	[tilespmem:s25+$0x3870 ss:$0x81] =	vst.msk $0xffff, v1;
	s28 =	simm.s32 @!p2 $0x368;
	s27 =	ssub.s32 $0x80, s27  }
0x18: {  	v62 =	vld [tilespmem:s23+$0x20];
	s24 =	ssub.s32 s26, s24;
	s28 =	ssub.s32 $0x3E8, s28;
	[tilespmem:s25+$0x810 ss:$0x81] =	vst.msk $0xffff, v5;
	s27 =	simm.s32 @p1 $0x0  }
0x19: {  	v63 =	vld [tilespmem:s23+$0xFFFFFFC0];
	[tilespmem:s25+$0x1020 ss:$0x81] =	vst.msk $0xffff, v58;
	s31 =	smul.u32 s28, s27;
	s28 =	sadd.s32 $0xFFFFFFFA, s24  }
0x1a: {  	s30 =	smul.u32 $0x7D00, s13;
	s23 =	ssub.s32 $0x7, s24;
	[tilespmem:s25+$0x1830 ss:$0x81] =	vst.msk $0xffff, v59;
	p1 =	sgt.s32 s28, $0x0  }
0x1b: {  	[tilespmem:s25+$0x2040 ss:$0x81] =	vst.msk $0xffff, v60;
	s27 =	sadd.s32 s3, s29;
	s23 =	simm.s32 @p1 $0x0  }
0x1c: {  	[tilespmem:s25+$0x2850 ss:$0x81] =	vst.msk $0xffff, v61;
	s24 =	sadd.s32 s30, s27;
	s23 =	smul.u32 s23, s31  }
0x1d: {  	[tilespmem:s25+$0x3060 ss:$0x81] =	vst.msk $0xffff, v62;
	s21 =	sadd.s32 s21, s24;
	s31 =	sshll.u32 s12, $0x5  }
0x1e: {  	[tilespmem:s25+$0x0 ss:$0x81] =	vst.msk $0xffff, v63;
	s21 =	sadd.s32 s31, s21;
	s23 =	sand.u32 $0x3FFFFF80, s23  }
0x1f: {  	[hbm4b:s21+s10] =	stream.strided.scatter [tilespmem:s22], [sflag:$0x2], s23, s11, s10, $0x20;
	[tilespmem:$0x10100] =	vst v63  }
.LBB1_5:
0x20: {  	p1 =	slt.u32 s17, $0x2  }
0x21: {  	s22 =	smov.u32 s20;
	p2 =	sgt.s32 @!p1 s20, $0x6  }
0x22: {  	s21 =	sshra.s32 @!p1 s20, $0x1F;
	p3 =	sgt.s32 @!p1 s19, $0x6;
	p2 =	por !p2, p1  }
0x23: {  	s20 =	sand.u32 @!p1 s21, s20;
	p3 =	por !p3, p1;
	s21 =	smov.u32 s19  }
0x24: {  	s22 =	simm.s32 @p2 $0x6;
	s21 =	simm.s32 @p3 $0x6;
	p2 =	sgt.s32 @!p1 s18, $0x368  }
0x25: {  	s20 =	ssub.s32 @!p1 s22, s20;
	s22 =	sshra.s32 @!p1 s19, $0x1F;
	p2 =	por !p2, p1  }
0x26: {  	s19 =	sand.u32 @!p1 s22, s19;
	s22 =	sadd.s32 @!p1 $0xFFFFFFFA, s20;
	s18 =	simm.s32 @p2 $0x368  }
0x27: {  	s20 =	ssub.s32 @!p1 $0x7, s20;
	p2 =	sgt.s32 @!p1 s22, $0x0;
	s19 =	ssub.s32 @!p1 s21, s19  }
0x28: {  	s18 =	sshll.u32 @!p1 s18, $0x7;
	p2 =	por !p2, p1;
	s21 =	sadd.s32 @!p1 $0xFFFFFFFA, s19  }
0x29: {  	s18 =	ssub.s32 @!p1 $0x1F400, s18;
	s20 =	simm.s32 @!p2 $0x0;
	p2 =	sgt.s32 @!p1 s21, $0x0  }
0x2a: {  	s19 =	ssub.s32 @!p1 $0x7, s19;
	p2 =	por !p2, p1;
	s18 =	smul.u32 @!p1 s20, s18  }
0x2b: {  	s23 =	smov.u32 s16;
	s22 =	sadd.s32 $0x1, s15;
	s19 =	simm.s32 @!p2 $0x0  }
0x2c: {  	p2 =	sgt.s32 s22, $0x6;
	s18 =	smul.u32 @!p1 s19, s18;
	s19 =	sadd.s32 $0x2, s16  }
0x2d: {  	s25 =	sadd.s32 $0x1, s17;
	p0 =	por !p0, !p0;
	s23 =	smov.u32 @p2 s19  }
0x2e: {  	s21 =	simm.s32 @!p1 $0x2;
	s22 =	simm.s32 @p2 $0x0;
	p2 =	sgt.s32 s23, $0x6  }
0x2f: {  	s20 =	smov.u32 s14;
	s23 =	smov.u32 @p2 s4;
	p2 =	sne.s32 s17, s9  }
.Ltmp1:
0x30: {  	s14 =	smov.u32 s16;
	s19 =	smov.u32 s13;
	(pc) =	sbr.rel @!p2 .LBB1_6-.Ltmp1, $4  }
0x31: {  	s13 =	smov.u32 s15;
	s15 =	smov.u32 s22;
	s18 =	sand.u32 @!p1 $0x3FFFFF80, s18  }
0x32: {  	_ =	swait.ge @!p1 [sflag:s21], s18;
	s24 =	ssub.s32 @!p1 $0x0, s18;
	s18 =	smov.u32 s12  }
0x33: {  	s12 =	smov.u32 s7;
	s17 =	smov.u32 s25;
	[sflag:s21] =	ssyncset.done @!p1 $0x0  }
0x34: {  	s16 =	smov.u32 s23;
	[sflag:s21] =	ssyncadd.s32 @!p1 s24;
	s21 =	smov.u32 s1  }
.LBB1_1:
0x35: {  	p1 =	sge.u32 s17, s6  }
0x36: {  	s23 =	smul.u32 @!p1 $0x38000, s16  }
0x37: {  	s31 =	sadd.s32 $0xFFFFFFFF, s17;
	s22 =	sxor.u32 @!p1 $0xFFFFFFFF, s17;
	s24 =	sshll.u32 @!p1 s15, $0xF  }
0x38: {  	s25 =	simm.s32 @!p1 $0x2000;
	s22 =	sshll.u32 @!p1 s22, $0xE;
	s23 =	sadd.s32 @!p1 s23, s8  }
0x39: {  	s22 =	sand.u32 @!p1 $0x4000, s22;
	s23 =	sadd.s32 @!p1 s24, s23;
	s24 =	simm.s32 @!p1 $0x400  }
0x3a: {  	[tilespmem:s22], [sflag:$0x1] =	stream.strided.gather @!p1 [hbm4b:s23+s24], $0x4000, s25, s24, $0x38;
	[tilespmem:$0x10100] =	vst v63  }
0x3b: {  	p1 =	sge.u32 s31, s6  }
.Ltmp2:
0x3c: {  	_ = 	snop;
	(pc) =	sbr.rel @p1 .LBB1_5-.Ltmp2, $1  }
0x3d: {  	_ =	sdelay $0x3  }
0x3e: {  	s22 =	simm.s32 $0x1  }
0x3f: {  	_ =	swait.ge [sflag:s5], $0x4000;
	s22 =	simm.s32 @!p0 $0x0  }
0x40: {  	[sflag:s5] =	ssyncset.done $0x0;
	s23 =	sshll.u32 s22, $0xE  }
0x41: {  	[sflag:s5] =	ssyncadd.s32 $0xFFFFC000;
	s23 =	sor.u32 $0x40, s23  }
0x42: {  	s22 =	smul.u32 $0x10200, s22;
	v0 =	vld [tilespmem:s23+$0x30]  }
0x43: {  	v1 =	vld [tilespmem:s23+$0xFFFFFFD0]  }
0x44: {  	s22 =	sshrl.u32 s22, $0x2;
	v5 =	vld [tilespmem:s23+$0xFFFFFFE0]  }
0x45: {  	v6 =	vld [tilespmem:s23+$0xFFFFFFF0];
	s25 =	sor.u32 $0x8000, s22  }
0x46: {  	s31 =	sand.u32 $0x1, s17;
	v4 =	vld [tilespmem:s23+$0x0];
	s24 =	sadd.s32 $0x0, s25  }
0x47: {  	v3 =	vld [tilespmem:s23+$0x10];
	s22 =	smul.u32 $0x10200, s31;
	[tilespmem:s24+$0x3870 ss:$0x81] =	vst.msk $0xffff, v0  }
0x48: {  	v2 =	vld [tilespmem:s23+$0x20];
	[tilespmem:s24+$0x810 ss:$0x81] =	vst.msk $0xffff, v1  }
0x49: {  	s22 =	sshrl.u32 s22, $0x2;
	v0 =	vld [tilespmem:s23+$0xFFFFFFC0];
	[tilespmem:s24+$0x1020 ss:$0x81] =	vst.msk $0xffff, v5;
	s23 =	sadd.s32 $0x80, s23  }
0x4a: {  	s26 =	simm.s32 $0x4;
	s27 =	simm.s32 $0x8;
	s22 =	sor.u32 $0x8000, s22;
	[tilespmem:s24+$0x1830 ss:$0x81] =	vst.msk $0xffff, v6;
	v1 =	vld [tilespmem:s23+$0x30]  }
.LBB1_3:
0x4b: {  	p1 =	sne.s32 s27, $0x1FC;
	v5 =	vld [tilespmem:s23+$0xFFFFFFD0];
	[tilespmem:s24+$0x2040 ss:$0x81] =	vst.msk $0xffff, v4  }
0x4c: {  	v6 =	vld [tilespmem:s23+$0xFFFFFFE0];
	[tilespmem:s24+$0x2850 ss:$0x81] =	vst.msk $0xffff, v3  }
0x4d: {  	s28 =	sshra.s32 s26, $0x2;
	s26 =	smov.u32 s27;
	v7 =	vld [tilespmem:s23+$0xFFFFFFF0];
	[tilespmem:s24+$0x3060 ss:$0x81] =	vst.msk $0xffff, v2  }
.Ltmp3:
0x4e: {  	v4 =	vld [tilespmem:s23+$0x0];
	[tilespmem:s24+$0x0 ss:$0x81] =	vst.msk $0xffff, v0;
	s24 =	sadd.s32 s28, s25;
	(pc) =	sbr.rel @p1 .LBB1_3-.Ltmp3, $4  }
0x4f: {  	v3 =	vld [tilespmem:s23+$0x10];
	[tilespmem:s24+$0x3870 ss:$0x81] =	vst.msk $0xffff, v1  }
0x50: {  	[tilespmem:s24+$0x810 ss:$0x81] =	vst.msk $0xffff, v5;
	v2 =	vld [tilespmem:s23+$0x20]  }
0x51: {  	v0 =	vld [tilespmem:s23+$0xFFFFFFC0];
	[tilespmem:s24+$0x1020 ss:$0x81] =	vst.msk $0xffff, v6;
	s23 =	sadd.s32 $0x80, s23  }
0x52: {  	s27 =	sadd.s32 $0x4, s27;
	v1 =	vld [tilespmem:s23+$0x30];
	[tilespmem:s24+$0x1830 ss:$0x81] =	vst.msk $0xffff, v7  }
.Ltmp4:
0x53: {  	_ = 	snop;
	(pc) =	sbr.rel .LBB1_4-.Ltmp4, $1  }
0x54: {  	_ =	sdelay $0x3  }
.LBB1_6:
0x55: {  	_ =	sfence.sel $0x180000  }
0x56: {  	s1 =	simm.s32 $0x1;
	[bflag:$0x0] =	sbarrier.arrive $0xFFFF  }
0x57: {  	s31 =	simm.s32 $0x2;
	[sflag:s1] =	ssyncpa.u1 $0x1  }
0x58: {  	[sflag:s31] =	ssyncpa.u1 $0x1  }
0x59: {  	p0 =	sne.s32 s0, $0x0;
	_ =	strace $0x9000004D  }
0x5a: {  	s0 =	sadd.s32 @!p0 $0x100000, s2;
	[bflag:$0x2] =	sbarrier.arrive $0xFFFF  }
0x5b: {  	[sflag:s0] =	ssyncadd.tile.s32 @!p0 $0x1;
	_ =	shalt  }
.Lfunc_end1:
_tile_overlayer_lowered:
.L_overlay_start_2:
0x5c: {  	(tag) =	ssettag $0x2  }
0x5d: {  	s0 =	rddreg [dreg:$0x0];
	s2 =	stileid.u32  }
0x5e: {  	s1 =	rddreg [dreg:$0x1];
	p0 =	sne.s32 s2, $0x0  }
0x5f: {  	s3 =	rddreg [dreg:$0x2];
	[bflag:$0x3] =	sbarrier.arrive $0xFFFF;
	s2 =	simm.s32 @!p0 $0x1C01  }
0x60: {  	[timem:s3], [sflag:s2] =	dma.local @!p0 [hbm:s0], s1  }
0x61: {  	s0 =	simm.s32 @!p0 $0x1  }
0x62: {  	_ =	swait.ge @!p0 [sflag:s0], s1  }
0x63: {  	s1 =	ssub.s32 @!p0 $0x0, s1;
	[sflag:s0] =	ssyncset.done @!p0 $0x0  }
0x64: {  	[sflag:s0] =	ssyncadd.s32 @!p0 s1  }
0x65: {  	[bflag:$0x3] =	sbarrier.arrive $0xFFFF  }
0x66: {  	_ =	shalt  }

</sc_bundles>
